<compile_context>
chip_gen: v7x
topology: tpu7x:2x2x1
jax: 0.10.2.dev20260603
libtpu: 0.0.44.dev20260713+nightly
codegen_flags: <defaults>
</compile_context>

<pallas_src>
import functools

import jax
import jax.numpy as jnp
from jax import lax
from jax.experimental import pallas as pl
from jax.experimental.pallas import tpu as pltpu
from jax.experimental.pallas import tpu_sc as plsc

N = 10000
E = 320000
D = 128

NC = 2
NS = 16
NW = NC * NS
EPW = E // NW
NSETS = 5
SCH = 40
SNCH = EPW // SCH
NSLAB = 1
SLAB = E // NSLAB
SL_EPW = SLAB // NW
GCH = 80
GNCH = SL_EPW // GCH
SITER = SNCH // NSETS
GITER = GNCH // NSETS
RPS = 624
REM = N - RPS * NS

_sc_mesh = plsc.VectorSubcoreMesh(
    core_axis_name="c", subcore_axis_name="s", num_cores=NC, num_subcores=NS)


def _worker_id():
    return lax.axis_index("s") * NC + lax.axis_index("c")


def _drain(n, dummy_hbm, buf_ref, sem):
    for _ in range(n):
        pltpu.make_async_copy(dummy_hbm, buf_ref, sem).wait()


def _make_scatter():
    def body(edges_hbm, dst_hbm, zeros_hbm, out_hbm, idx_v, rows, table,
             *sems):
        cid = lax.axis_index("c")
        sid = lax.axis_index("s")
        wid = _worker_id()
        sem_l, sem_a = sems[:NSETS], sems[NSETS:]

        pltpu.sync_copy(zeros_hbm.at[pl.ds(sid * RPS, RPS)],
                        table.at[pl.ds(sid * RPS, RPS)])

        @pl.when(sid == NS - 1)
        def _():
            pltpu.sync_copy(zeros_hbm.at[pl.ds(RPS * NS, REM)],
                            table.at[pl.ds(RPS * NS, REM)])

        plsc.subcore_barrier()

        base = wid * EPW

        def fire_load(c, p):
            pltpu.async_copy(edges_hbm.at[pl.ds(base + c * SCH, SCH)],
                             rows.at[p], sem_l[p])
            pltpu.async_copy(dst_hbm.at[wid, c], idx_v[p], sem_l[p])

        fire_load(0, 0)

        def grp(g, carry):
            for p in range(NSETS):
                c = g * NSETS + p
                p1 = (p + 1) % NSETS
                _drain(1, edges_hbm.at[pl.ds(0, SCH)], rows.at[p], sem_l[p])
                _drain(1, dst_hbm.at[wid, 0], idx_v[p], sem_l[p])
                pltpu.async_copy(rows.at[p], table.at[idx_v[p]],
                                 sem_a[p], add=True)

                if p == NSETS - 1:
                    @pl.when(g < SITER - 1)
                    def _():
                        _drain(1, edges_hbm.at[pl.ds(0, SCH)], rows.at[p1],
                               sem_a[p1])
                        fire_load(c + 1, p1)
                else:
                    @pl.when(g > 0)
                    def _():
                        _drain(1, edges_hbm.at[pl.ds(0, SCH)], rows.at[p1],
                               sem_a[p1])
                    fire_load(c + 1, p1)
            return carry

        lax.fori_loop(0, SITER, grp, 0)
        for p in range(NSETS):
            _drain(1, edges_hbm.at[pl.ds(0, SCH)], rows.at[p], sem_a[p])

        plsc.subcore_barrier()
        pltpu.sync_copy(table.at[pl.ds(sid * RPS, RPS)],
                        out_hbm.at[pl.ds(cid * N + sid * RPS, RPS)])

        @pl.when(sid == NS - 1)
        def _():
            pltpu.sync_copy(table.at[pl.ds(RPS * NS, REM)],
                            out_hbm.at[pl.ds(cid * N + RPS * NS, REM)])

    return functools.partial(
        pl.kernel,
        out_type=jax.ShapeDtypeStruct((NC * N, D), jnp.float32),
        mesh=_sc_mesh,
        scratch_types=[
            [pltpu.VMEM((SCH,), jnp.int32) for _ in range(NSETS)],
            pltpu.VMEM((NSETS, SCH, D), jnp.float32),
            pltpu.VMEM_SHARED((N, D), jnp.float32),
        ] + [pltpu.SemaphoreType.DMA] * (2 * NSETS),
    )(body)


_scatter_add = _make_scatter()


def _make_gather():
    def body(a_hbm, b_hbm, gidx_hbm, out_s, idx2, rows, *sems):
        wid = _worker_id()
        sem_g, sem_i, sem_w = sems[:NSETS], sems[NSETS:2 * NSETS], \
            sems[2 * NSETS:]
        base = wid * SL_EPW

        def fire_idx(c, p):
            pltpu.async_copy(gidx_hbm.at[wid, c], idx2[p], sem_i[p])

        def finish_chunk(c, p):
            _drain(2, a_hbm.at[pl.ds(0, GCH)], rows.at[p, 0], sem_g[p])

            def radd(r, carry):
                for j in range(D // 16):
                    sl = pl.ds(j * 16, 16)
                    rows[p, 0, r, sl] = rows[p, 0, r, sl] + rows[p, 1, r, sl]
                return carry

            lax.fori_loop(0, GCH, radd, 0)
            off = base + c * GCH
            pltpu.async_copy(rows.at[p, 0], out_s.at[pl.ds(off, GCH)],
                             sem_w[p])

        fire_idx(0, 0)

        def grp(g, carry):
            for p in range(NSETS):
                c = g * NSETS + p
                p1 = (p + 1) % NSETS
                pm = (p - 1) % NSETS

                @pl.when(g > 0)
                def _():
                    _drain(1, a_hbm.at[pl.ds(0, GCH)], rows.at[p, 0],
                           sem_w[p])

                _drain(1, gidx_hbm.at[wid, 0], idx2[p], sem_i[p])
                pltpu.async_copy(a_hbm.at[idx2[p].at[0]], rows.at[p, 0],
                                 sem_g[p])
                pltpu.async_copy(b_hbm.at[idx2[p].at[1]], rows.at[p, 1],
                                 sem_g[p])

                if p == NSETS - 1:
                    @pl.when(g < GITER - 1)
                    def _():
                        fire_idx(c + 1, p1)
                else:
                    fire_idx(c + 1, p1)

                pm2 = (p - 2) % NSETS
                if p <= 1:
                    @pl.when(g > 0)
                    def _():
                        finish_chunk(c - 2, pm2)
                else:
                    finish_chunk(c - 2, pm2)
            return carry

        lax.fori_loop(0, GITER, grp, 0)
        finish_chunk(GNCH - 2, (GNCH - 2) % NSETS)
        finish_chunk(GNCH - 1, (GNCH - 1) % NSETS)
        for p in range(NSETS):
            _drain(1, a_hbm.at[pl.ds(0, GCH)], rows.at[p, 0], sem_w[p])

    return functools.partial(
        pl.kernel,
        out_type=jax.ShapeDtypeStruct((SLAB, D), jnp.float32),
        mesh=_sc_mesh,
        scratch_types=[
            [pltpu.VMEM((2, GCH), jnp.int32) for _ in range(NSETS)],
            pltpu.VMEM((NSETS, 2, GCH, D), jnp.float32),
        ] + [pltpu.SemaphoreType.DMA] * (3 * NSETS),
    )(body)


_dual_gather = _make_gather()


NODE_BLK = 5000
EDGE_BLK = 8000


def _node_body(nodes_ref, m0_ref, m1_ref, nW1a_ref, nW1b_ref, nb1_ref,
               ng1_ref, ngb1_ref, nW2_ref, nb2_ref, eW1s_ref, eW1d_ref,
               out_ref, a_ref, b_ref):
    x = nodes_ref[...]
    m = m0_ref[...] + m1_ref[...]
    h = (jnp.dot(x, nW1a_ref[...], preferred_element_type=jnp.float32)
         + jnp.dot(m, nW1b_ref[...], preferred_element_type=jnp.float32)
         + nb1_ref[...])
    h = jnp.maximum(h, 0.0)
    mu = jnp.mean(h, axis=-1, keepdims=True)
    var = jnp.mean((h - mu) ** 2, axis=-1, keepdims=True)
    h = (h - mu) * lax.rsqrt(var + 1e-5) * ng1_ref[...] + ngb1_ref[...]
    out = jnp.maximum(
        jnp.dot(h, nW2_ref[...], preferred_element_type=jnp.float32)
        + nb2_ref[...], 0.0) + x
    out_ref[...] = out
    a_ref[...] = jnp.dot(out, eW1s_ref[...], preferred_element_type=jnp.float32)
    b_ref[...] = jnp.dot(out, eW1d_ref[...], preferred_element_type=jnp.float32)


def _edge_body(s_ref, e_ref, eb1_ref, eg1_ref, egb1_ref,
               eW1e_ref, eW2_ref, eb2_ref, out_ref):
    e = e_ref[...]
    h = (s_ref[...]
         + jnp.dot(e, eW1e_ref[...], preferred_element_type=jnp.float32)
         + eb1_ref[...])
    h = jnp.maximum(h, 0.0)
    mu = jnp.mean(h, axis=-1, keepdims=True)
    var = jnp.mean((h - mu) ** 2, axis=-1, keepdims=True)
    h = (h - mu) * lax.rsqrt(var + 1e-5) * eg1_ref[...] + egb1_ref[...]
    out_ref[...] = jnp.tanh(
        jnp.dot(h, eW2_ref[...], preferred_element_type=jnp.float32)
        + eb2_ref[...]) + e


def _row_spec(blk):
    return pl.BlockSpec((blk, D), lambda i: (i, 0))


def _full_spec(shape):
    return pl.BlockSpec(shape, lambda i: tuple(0 for _ in shape))


def _node_mlp(nodes, m0, m1, nW1a, nW1b, nb1, ng1, ngb1, nW2, nb2, eW1s, eW1d):
    grid = (N // NODE_BLK,)
    return pl.pallas_call(
        _node_body,
        grid=grid,
        in_specs=[
            _row_spec(NODE_BLK), _row_spec(NODE_BLK), _row_spec(NODE_BLK),
            _full_spec((D, D)), _full_spec((D, D)), _full_spec((1, D)),
            _full_spec((1, D)), _full_spec((1, D)), _full_spec((D, D)),
            _full_spec((1, D)), _full_spec((D, D)), _full_spec((D, D)),
        ],
        out_specs=[_row_spec(NODE_BLK), _row_spec(NODE_BLK),
                   _row_spec(NODE_BLK)],
        out_shape=[jax.ShapeDtypeStruct((N, D), jnp.float32)] * 3,
    )(nodes, m0, m1, nW1a, nW1b, nb1, ng1, ngb1, nW2, nb2, eW1s, eW1d)


def _edge_mlp(s_g, edges, eb1, eg1, egb1, eW1e, eW2, eb2):
    grid = (E // EDGE_BLK,)
    return pl.pallas_call(
        _edge_body,
        grid=grid,
        in_specs=[
            _row_spec(EDGE_BLK), _row_spec(EDGE_BLK),
            _full_spec((1, D)), _full_spec((1, D)), _full_spec((1, D)),
            _full_spec((D, D)), _full_spec((D, D)), _full_spec((1, D)),
        ],
        out_specs=_row_spec(EDGE_BLK),
        out_shape=jax.ShapeDtypeStruct((E, D), jnp.float32),
    )(s_g, edges, eb1, eg1, egb1, eW1e, eW2, eb2)


def kernel(nodes, edges, graph, nW1, nb1, ng1, ngb1, nW2, nb2,
           eW1, eb1, eg1, egb1, eW2, eb2):
    src32 = graph[0].astype(jnp.int32)
    dst32 = graph[1].astype(jnp.int32)
    dst_s = dst32.reshape(NW, SNCH, SCH)
    gidx = jnp.stack([src32.reshape(NW, GNCH, GCH),
                      dst32.reshape(NW, GNCH, GCH)], axis=2)
    zeros = jnp.zeros((N, D), jnp.float32)

    parts = _scatter_add(edges, dst_s, zeros)
    m0, m1 = parts[:N], parts[N:]

    nW1a, nW1b = nW1[:D], nW1[D:]
    eW1s, eW1d, eW1e = eW1[:D], eW1[D:2 * D], eW1[2 * D:]
    r = lambda v: v.reshape(1, D)

    nodes_new, a_tab, b_tab = _node_mlp(
        nodes, m0, m1, nW1a, nW1b, r(nb1), r(ng1), r(ngb1), nW2, r(nb2),
        eW1s, eW1d)

    s_g = _dual_gather(a_tab, b_tab, gidx)
    edges_new = _edge_mlp(s_g, edges, r(eb1), r(eg1), r(egb1),
                          eW1e, eW2, r(eb2))
    return (nodes_new, edges_new)

# --- scband reference (transcript-rebuilt; emitter-appended) ---
"""Pipeline reference for scband-interaction-gnnblock-57251914056453 (READ-ONLY COPY).

The authoritative reference and input builder live on the scoring server;
editing this copy changes nothing except your own understanding.
"""

import jax, jax.numpy as jnp
import numpy as np

N = 10000
E = 320000
LATENT = 128
HIDDEN = 128


def _layer_norm(x, g, b):
    m = x.mean(axis=-1, keepdims=True)
    v = x.var(axis=-1, keepdims=True)
    return (x - m) / jnp.sqrt(v + 1e-5) * g + b


def setup_inputs(seed: int = 0) -> dict:
    key = jax.random.key(seed)
    ks = jax.random.split(key, 16)
    scale = 0.05
    nodes = jax.random.normal(ks[0], (N, LATENT), dtype=jnp.float32)
    edges = jax.random.normal(ks[1], (E, LATENT), dtype=jnp.float32)
    graph = jax.random.randint(ks[2], (2, E), 0, N)
    # node_network: in=2*LATENT -> HIDDEN (ReLU, LN) -> LATENT (ReLU output activation)
    nW1 = jax.random.normal(ks[3], (2 * LATENT, HIDDEN), dtype=jnp.float32) * scale
    nb1 = jnp.zeros((HIDDEN,), dtype=jnp.float32)
    ng1 = jnp.ones((HIDDEN,), dtype=jnp.float32)
    ngb1 = jnp.zeros((HIDDEN,), dtype=jnp.float32)
    nW2 = jax.random.normal(ks[4], (HIDDEN, LATENT), dtype=jnp.float32) * scale
    nb2 = jnp.zeros((LATENT,), dtype=jnp.float32)
    # edge_network: in=3*LATENT -> HIDDEN (ReLU, LN) -> LATENT (Tanh output activation)
    eW1 = jax.random.normal(ks[5], (3 * LATENT, HIDDEN), dtype=jnp.float32) * scale
    eb1 = jnp.zeros((HIDDEN,), dtype=jnp.float32)
    eg1 = jnp.ones((HIDDEN,), dtype=jnp.float32)
    egb1 = jnp.zeros((HIDDEN,), dtype=jnp.float32)
    eW2 = jax.random.normal(ks[6], (HIDDEN, LATENT), dtype=jnp.float32) * scale
    eb2 = jnp.zeros((LATENT,), dtype=jnp.float32)
    return {"nodes": nodes, "edges": edges, "graph": graph,
            "nW1": nW1, "nb1": nb1, "ng1": ng1, "ngb1": ngb1, "nW2": nW2, "nb2": nb2,
            "eW1": eW1, "eb1": eb1, "eg1": eg1, "egb1": egb1, "eW2": eW2, "eb2": eb2}


def reference(nodes, edges, graph, nW1, nb1, ng1, ngb1, nW2, nb2, eW1, eb1, eg1, egb1, eW2, eb2):
    nodes_res = nodes
    edges_res = edges
    # scatter_add(edges, graph[1], dim=0, dim_size=N)
    edge_messages = jax.ops.segment_sum(edges, graph[1], num_segments=nodes.shape[0])
    node_inputs = jnp.concatenate([nodes, edge_messages], axis=-1)
    h = jax.nn.relu(node_inputs @ nW1 + nb1)
    h = _layer_norm(h, ng1, ngb1)
    nodes_new = jax.nn.relu(h @ nW2 + nb2) + nodes_res
    edge_input = jnp.concatenate([nodes_new[graph[0]], nodes_new[graph[1]], edges], axis=-1)
    h2 = jax.nn.relu(edge_input @ eW1 + eb1)
    h2 = _layer_norm(h2, eg1, egb1)
    edges_new = jnp.tanh(h2 @ eW2 + eb2) + edges_res
    return (nodes_new, edges_new)

if __name__ == "__main__":
    import jax
    _d = setup_inputs()
    print(jax.jit(kernel)(*tuple(_d.values())))

</pallas_src>

<mosaic_0001>
#map = affine_map<(d0, d1) -> (0, 0)>
#map1 = affine_map<(d0, d1) -> (0, 0, 0, 0)>
module attributes {stable_mosaic.version = 14 : i64} {
  func.func @body(%arg0: i32, %arg1: i32, %arg2: memref<10000x128xf32, #tpu.memory_space<hbm>>, %arg3: memref<10000x128xf32, #tpu.memory_space<hbm>>, %arg4: memref<32x125x2x80xi32, #tpu.memory_space<hbm>>, %arg5: memref<320000x128xf32, #tpu.memory_space<hbm>>, %arg6: memref<2x80xi32, #tpu.memory_space<vmem>>, %arg7: memref<2x80xi32, #tpu.memory_space<vmem>>, %arg8: memref<2x80xi32, #tpu.memory_space<vmem>>, %arg9: memref<2x80xi32, #tpu.memory_space<vmem>>, %arg10: memref<2x80xi32, #tpu.memory_space<vmem>>, %arg11: memref<5x2x80x128xf32, #tpu.memory_space<vmem>>, %arg12: memref<!tpu.dma_semaphore, #tpu.memory_space<semaphore_mem>>, %arg13: memref<!tpu.dma_semaphore, #tpu.memory_space<semaphore_mem>>, %arg14: memref<!tpu.dma_semaphore, #tpu.memory_space<semaphore_mem>>, %arg15: memref<!tpu.dma_semaphore, #tpu.memory_space<semaphore_mem>>, %arg16: memref<!tpu.dma_semaphore, #tpu.memory_space<semaphore_mem>>, %arg17: memref<!tpu.dma_semaphore, #tpu.memory_space<semaphore_mem>>, %arg18: memref<!tpu.dma_semaphore, #tpu.memory_space<semaphore_mem>>, %arg19: memref<!tpu.dma_semaphore, #tpu.memory_space<semaphore_mem>>, %arg20: memref<!tpu.dma_semaphore, #tpu.memory_space<semaphore_mem>>, %arg21: memref<!tpu.dma_semaphore, #tpu.memory_space<semaphore_mem>>, %arg22: memref<!tpu.dma_semaphore, #tpu.memory_space<semaphore_mem>>, %arg23: memref<!tpu.dma_semaphore, #tpu.memory_space<semaphore_mem>>, %arg24: memref<!tpu.dma_semaphore, #tpu.memory_space<semaphore_mem>>, %arg25: memref<!tpu.dma_semaphore, #tpu.memory_space<semaphore_mem>>, %arg26: memref<!tpu.dma_semaphore, #tpu.memory_space<semaphore_mem>>) attributes {dimension_semantics = [#tpu.dimension_semantics<core_parallel>, #tpu.dimension_semantics<subcore_parallel>], iteration_bounds = array<i64: 2, 16>, scalar_prefetch = 0 : i64, scratch_operands = 21 : i64, tpu.core_type = #tpu.core_type<sc_vector_subcore>, window_params = [{transform_indices = #map}, {transform_indices = #map}, {transform_indices = #map1}, {transform_indices = #map}]} {
    %mul3A = arith.constant 2 : i32
    %mul3A_0 = arith.muli %arg1, %mul3A : i32
    %add3A = arith.addi %mul3A_0, %arg0 : i32
    %mul3A_1 = arith.constant 10000 : i32
    %mul3A_2 = arith.muli %add3A, %mul3A_1 : i32
    %dma_start3A = arith.constant 0 : i32
    %dma_start3A_3 = arith.constant 0 : i32
    %dma_start3A_4 = arith.constant 0 : i32
    %dma_start3A_5 = tpu.memref_slice %arg4[%add3A, %dma_start3A, %dma_start3A_3, %dma_start3A_4] : memref<32x125x2x80xi32, #tpu.memory_space<hbm>> -> memref<1x1x2x80xi32, #tpu.memory_space<hbm>>
    %dma_start3A_6 = tpu.memref_squeeze %dma_start3A_5 : memref<1x1x2x80xi32, #tpu.memory_space<hbm>> -> memref<2x80xi32, #tpu.memory_space<hbm>>
    %dma_start3A_7 = arith.constant 0 : i32
    %dma_start3A_8 = arith.constant 0 : i32
    %dma_start3A_9 = tpu.memref_slice %arg4[%add3A, %dma_start3A, %dma_start3A_7, %dma_start3A_8] : memref<32x125x2x80xi32, #tpu.memory_space<hbm>> -> memref<1x1x2x80xi32, #tpu.memory_space<hbm>>
    %dma_start3A_10 = tpu.memref_squeeze %dma_start3A_9 : memref<1x1x2x80xi32, #tpu.memory_space<hbm>> -> memref<2x80xi32, #tpu.memory_space<hbm>>
    tpu.enqueue_dma source(%dma_start3A_10 : memref<2x80xi32, #tpu.memory_space<hbm>>) target(%arg6 : memref<2x80xi32, #tpu.memory_space<vmem>>) target_semaphore(%arg17 : memref<!tpu.dma_semaphore, #tpu.memory_space<semaphore_mem>>)
    %scan3A = arith.constant 0 : i32
    %scan3A_11 = arith.constant 0 : i32
    %scan3A_12 = arith.constant 25 : i32
    %scan3A_13 = arith.addi %scan3A_11, %scan3A_12 : i32
    %scan3A_14 = arith.constant 1 : i32
    scf.for %scan3A_203 = %scan3A_11 to %scan3A_13 step %scan3A_14  : i32 {
      %mul3A_204 = arith.constant 5 : i32
      %mul3A_205 = arith.muli %scan3A_203, %mul3A_204 : i32
      %add3A_206 = arith.constant 0 : i32
      %add3A_207 = arith.addi %mul3A_205, %add3A_206 : i32
      %gt3A = arith.constant 0 : i32
      %gt3A_208 = arith.cmpi sgt, %scan3A_203, %gt3A : i32
      %convert_element_type3A = arith.extui %gt3A_208 : i1 to i32
      %cond3A = arith.constant 0 : i32
      %cond3A_209 = arith.cmpi ne, %convert_element_type3A, %cond3A : i32
      scf.if %cond3A_209 {
        %dma_wait3A_645 = arith.constant 0 : i32
        %dma_wait3A_646 = arith.constant 0 : i32
        %dma_wait3A_647 = arith.constant 0 : i32
        %dma_wait3A_648 = arith.constant 0 : i32
        %dma_wait3A_649 = tpu.memref_slice %arg11[%dma_wait3A_645, %dma_wait3A_646, %dma_wait3A_647, %dma_wait3A_648] : memref<5x2x80x128xf32, #tpu.memory_space<vmem>> -> memref<1x1x80x128xf32, #tpu.memory_space<vmem>>
        %dma_wait3A_650 = tpu.memref_squeeze %dma_wait3A_649 : memref<1x1x80x128xf32, #tpu.memory_space<vmem>> -> memref<80x128xf32, #tpu.memory_space<vmem>>
        %dma_wait3A_651 = arith.constant 0 : i32
        %dma_wait3A_652 = arith.constant 0 : i32
        %dma_wait3A_653 = tpu.memref_slice %arg2[%dma_wait3A_651, %dma_wait3A_652] : memref<10000x128xf32, #tpu.memory_space<hbm>> -> memref<80x128xf32, #tpu.memory_space<hbm>>
        %dma_wait3A_654 = arith.constant 0 : i32
        %dma_wait3A_655 = arith.constant 0 : i32
        %dma_wait3A_656 = tpu.memref_slice %arg11[%dma_wait3A_645, %dma_wait3A_646, %dma_wait3A_654, %dma_wait3A_655] : memref<5x2x80x128xf32, #tpu.memory_space<vmem>> -> memref<1x1x80x128xf32, #tpu.memory_space<vmem>>
        %dma_wait3A_657 = tpu.memref_squeeze %dma_wait3A_656 : memref<1x1x80x128xf32, #tpu.memory_space<vmem>> -> memref<80x128xf32, #tpu.memory_space<vmem>>
        %dma_wait3A_658 = arith.constant 0 : i32
        %dma_wait3A_659 = arith.constant 0 : i32
        %dma_wait3A_660 = tpu.memref_slice %arg2[%dma_wait3A_658, %dma_wait3A_659] : memref<10000x128xf32, #tpu.memory_space<hbm>> -> memref<80x128xf32, #tpu.memory_space<hbm>>
        tpu.wait_dma2 semaphore(%arg22 : memref<!tpu.dma_semaphore, #tpu.memory_space<semaphore_mem>>) src(%dma_wait3A_660 : memref<80x128xf32, #tpu.memory_space<hbm>>) dst(%dma_wait3A_657 : memref<80x128xf32, #tpu.memory_space<vmem>>)
      } else {
      }
      %dma_wait3A_210 = arith.constant 0 : i32
      %dma_wait3A_211 = arith.constant 0 : i32
      %dma_wait3A_212 = arith.constant 0 : i32
      %dma_wait3A_213 = tpu.memref_slice %arg4[%add3A, %dma_wait3A_210, %dma_wait3A_211, %dma_wait3A_212] : memref<32x125x2x80xi32, #tpu.memory_space<hbm>> -> memref<1x1x2x80xi32, #tpu.memory_space<hbm>>
      %dma_wait3A_214 = tpu.memref_squeeze %dma_wait3A_213 : memref<1x1x2x80xi32, #tpu.memory_space<hbm>> -> memref<2x80xi32, #tpu.memory_space<hbm>>
      %dma_wait3A_215 = arith.constant 0 : i32
      %dma_wait3A_216 = arith.constant 0 : i32
      %dma_wait3A_217 = tpu.memref_slice %arg4[%add3A, %dma_wait3A_210, %dma_wait3A_215, %dma_wait3A_216] : memref<32x125x2x80xi32, #tpu.memory_space<hbm>> -> memref<1x1x2x80xi32, #tpu.memory_space<hbm>>
      %dma_wait3A_218 = tpu.memref_squeeze %dma_wait3A_217 : memref<1x1x2x80xi32, #tpu.memory_space<hbm>> -> memref<2x80xi32, #tpu.memory_space<hbm>>
      tpu.wait_dma2 semaphore(%arg17 : memref<!tpu.dma_semaphore, #tpu.memory_space<semaphore_mem>>) src(%dma_wait3A_218 : memref<2x80xi32, #tpu.memory_space<hbm>>) dst(%arg6 : memref<2x80xi32, #tpu.memory_space<vmem>>)
      %dma_start3A_219 = arith.constant 0 : i32
      %dma_start3A_220 = arith.constant 0 : i32
      %dma_start3A_221 = arith.constant 0 : i32
      %dma_start3A_222 = arith.constant 0 : i32
      %dma_start3A_223 = arith.constant 0 : i32
      %dma_start3A_224 = tpu.memref_slice %arg11[%dma_start3A_220, %dma_start3A_221, %dma_start3A_222, %dma_start3A_223] : memref<5x2x80x128xf32, #tpu.memory_space<vmem>> -> memref<1x1x80x128xf32, #tpu.memory_space<vmem>>
      %dma_start3A_225 = tpu.memref_squeeze %dma_start3A_224 : memref<1x1x80x128xf32, #tpu.memory_space<vmem>> -> memref<80x128xf32, #tpu.memory_space<vmem>>
      %dma_start3A_226 = arith.constant 0 : i32
      %dma_start3A_227 = tpu.memref_slice %arg6[%dma_start3A_219, %dma_start3A_226] : memref<2x80xi32, #tpu.memory_space<vmem>> -> memref<1x80xi32, #tpu.memory_space<vmem>>
      %dma_start3A_228 = tpu.memref_squeeze %dma_start3A_227 : memref<1x80xi32, #tpu.memory_space<vmem>> -> memref<80xi32, #tpu.memory_space<vmem>>
      %dma_start3A_229 = arith.constant 0 : i32
      %dma_start3A_230 = arith.constant 0 : i32
      %dma_start3A_231 = tpu.memref_slice %arg2[%dma_start3A_229, %dma_start3A_230] : memref<10000x128xf32, #tpu.memory_space<hbm>> -> memref<10000x128xf32, #tpu.memory_space<hbm>>
      tpu.enqueue_indirect_dma source(%dma_start3A_231 : memref<10000x128xf32, #tpu.memory_space<hbm>>) target(%dma_start3A_225 : memref<80x128xf32, #tpu.memory_space<vmem>>) offsets(%dma_start3A_228 : memref<80xi32, #tpu.memory_space<vmem>>) semaphore(%arg12 : memref<!tpu.dma_semaphore, #tpu.memory_space<semaphore_mem>>)
      %dma_start3A_232 = arith.constant 1 : i32
      %dma_start3A_233 = arith.constant 0 : i32
      %dma_start3A_234 = arith.constant 1 : i32
      %dma_start3A_235 = arith.constant 0 : i32
      %dma_start3A_236 = arith.constant 0 : i32
      %dma_start3A_237 = tpu.memref_slice %arg11[%dma_start3A_233, %dma_start3A_234, %dma_start3A_235, %dma_start3A_236] : memref<5x2x80x128xf32, #tpu.memory_space<vmem>> -> memref<1x1x80x128xf32, #tpu.memory_space<vmem>>
      %dma_start3A_238 = tpu.memref_squeeze %dma_start3A_237 : memref<1x1x80x128xf32, #tpu.memory_space<vmem>> -> memref<80x128xf32, #tpu.memory_space<vmem>>
      %dma_start3A_239 = arith.constant 0 : i32
      %dma_start3A_240 = tpu.memref_slice %arg6[%dma_start3A_232, %dma_start3A_239] : memref<2x80xi32, #tpu.memory_space<vmem>> -> memref<1x80xi32, #tpu.memory_space<vmem>>
      %dma_start3A_241 = tpu.memref_squeeze %dma_start3A_240 : memref<1x80xi32, #tpu.memory_space<vmem>> -> memref<80xi32, #tpu.memory_space<vmem>>
      %dma_start3A_242 = arith.constant 0 : i32
      %dma_start3A_243 = arith.constant 0 : i32
      %dma_start3A_244 = tpu.memref_slice %arg3[%dma_start3A_242, %dma_start3A_243] : memref<10000x128xf32, #tpu.memory_space<hbm>> -> memref<10000x128xf32, #tpu.memory_space<hbm>>
      tpu.enqueue_indirect_dma source(%dma_start3A_244 : memref<10000x128xf32, #tpu.memory_space<hbm>>) target(%dma_start3A_238 : memref<80x128xf32, #tpu.memory_space<vmem>>) offsets(%dma_start3A_241 : memref<80xi32, #tpu.memory_space<vmem>>) semaphore(%arg12 : memref<!tpu.dma_semaphore, #tpu.memory_space<semaphore_mem>>)
      %add3A_245 = arith.constant 1 : i32
      %add3A_246 = arith.addi %add3A_207, %add3A_245 : i32
      %dma_start3A_247 = arith.constant 0 : i32
      %dma_start3A_248 = arith.constant 0 : i32
      %dma_start3A_249 = tpu.memref_slice %arg4[%add3A, %add3A_246, %dma_start3A_247, %dma_start3A_248] : memref<32x125x2x80xi32, #tpu.memory_space<hbm>> -> memref<1x1x2x80xi32, #tpu.memory_space<hbm>>
      %dma_start3A_250 = tpu.memref_squeeze %dma_start3A_249 : memref<1x1x2x80xi32, #tpu.memory_space<hbm>> -> memref<2x80xi32, #tpu.memory_space<hbm>>
      %dma_start3A_251 = arith.constant 0 : i32
      %dma_start3A_252 = arith.constant 0 : i32
      %dma_start3A_253 = tpu.memref_slice %arg4[%add3A, %add3A_246, %dma_start3A_251, %dma_start3A_252] : memref<32x125x2x80xi32, #tpu.memory_space<hbm>> -> memref<1x1x2x80xi32, #tpu.memory_space<hbm>>
      %dma_start3A_254 = tpu.memref_squeeze %dma_start3A_253 : memref<1x1x2x80xi32, #tpu.memory_space<hbm>> -> memref<2x80xi32, #tpu.memory_space<hbm>>
      tpu.enqueue_dma source(%dma_start3A_254 : memref<2x80xi32, #tpu.memory_space<hbm>>) target(%arg7 : memref<2x80xi32, #tpu.memory_space<vmem>>) target_semaphore(%arg18 : memref<!tpu.dma_semaphore, #tpu.memory_space<semaphore_mem>>)
      %gt3A_255 = arith.constant 0 : i32
      %gt3A_256 = arith.cmpi sgt, %scan3A_203, %gt3A_255 : i32
      %convert_element_type3A_257 = arith.extui %gt3A_256 : i1 to i32
      %cond3A_258 = arith.constant 0 : i32
      %cond3A_259 = arith.cmpi ne, %convert_element_type3A_257, %cond3A_258 : i32
      scf.if %cond3A_259 {
        %sub3A_645 = arith.constant 2 : i32
        %sub3A_646 = arith.subi %add3A_207, %sub3A_645 : i32
        %dma_wait3A_647 = arith.constant 3 : i32
        %dma_wait3A_648 = arith.constant 0 : i32
        %dma_wait3A_649 = arith.constant 0 : i32
        %dma_wait3A_650 = arith.constant 0 : i32
        %dma_wait3A_651 = tpu.memref_slice %arg11[%dma_wait3A_647, %dma_wait3A_648, %dma_wait3A_649, %dma_wait3A_650] : memref<5x2x80x128xf32, #tpu.memory_space<vmem>> -> memref<1x1x80x128xf32, #tpu.memory_space<vmem>>
        %dma_wait3A_652 = tpu.memref_squeeze %dma_wait3A_651 : memref<1x1x80x128xf32, #tpu.memory_space<vmem>> -> memref<80x128xf32, #tpu.memory_space<vmem>>
        %dma_wait3A_653 = arith.constant 0 : i32
        %dma_wait3A_654 = arith.constant 0 : i32
        %dma_wait3A_655 = tpu.memref_slice %arg2[%dma_wait3A_653, %dma_wait3A_654] : memref<10000x128xf32, #tpu.memory_space<hbm>> -> memref<80x128xf32, #tpu.memory_space<hbm>>
        %dma_wait3A_656 = arith.constant 0 : i32
        %dma_wait3A_657 = arith.constant 0 : i32
        %dma_wait3A_658 = tpu.memref_slice %arg11[%dma_wait3A_647, %dma_wait3A_648, %dma_wait3A_656, %dma_wait3A_657] : memref<5x2x80x128xf32, #tpu.memory_space<vmem>> -> memref<1x1x80x128xf32, #tpu.memory_space<vmem>>
        %dma_wait3A_659 = tpu.memref_squeeze %dma_wait3A_658 : memref<1x1x80x128xf32, #tpu.memory_space<vmem>> -> memref<80x128xf32, #tpu.memory_space<vmem>>
        %dma_wait3A_660 = arith.constant 0 : i32
        %dma_wait3A_661 = arith.constant 0 : i32
        %dma_wait3A_662 = tpu.memref_slice %arg2[%dma_wait3A_660, %dma_wait3A_661] : memref<10000x128xf32, #tpu.memory_space<hbm>> -> memref<80x128xf32, #tpu.memory_space<hbm>>
        tpu.wait_dma2 semaphore(%arg15 : memref<!tpu.dma_semaphore, #tpu.memory_space<semaphore_mem>>) src(%dma_wait3A_662 : memref<80x128xf32, #tpu.memory_space<hbm>>) dst(%dma_wait3A_659 : memref<80x128xf32, #tpu.memory_space<vmem>>)
        %dma_wait3A_663 = arith.constant 3 : i32
        %dma_wait3A_664 = arith.constant 0 : i32
        %dma_wait3A_665 = arith.constant 0 : i32
        %dma_wait3A_666 = arith.constant 0 : i32
        %dma_wait3A_667 = tpu.memref_slice %arg11[%dma_wait3A_663, %dma_wait3A_664, %dma_wait3A_665, %dma_wait3A_666] : memref<5x2x80x128xf32, #tpu.memory_space<vmem>> -> memref<1x1x80x128xf32, #tpu.memory_space<vmem>>
        %dma_wait3A_668 = tpu.memref_squeeze %dma_wait3A_667 : memref<1x1x80x128xf32, #tpu.memory_space<vmem>> -> memref<80x128xf32, #tpu.memory_space<vmem>>
        %dma_wait3A_669 = arith.constant 0 : i32
        %dma_wait3A_670 = arith.constant 0 : i32
        %dma_wait3A_671 = tpu.memref_slice %arg2[%dma_wait3A_669, %dma_wait3A_670] : memref<10000x128xf32, #tpu.memory_space<hbm>> -> memref<80x128xf32, #tpu.memory_space<hbm>>
        %dma_wait3A_672 = arith.constant 0 : i32
        %dma_wait3A_673 = arith.constant 0 : i32
        %dma_wait3A_674 = tpu.memref_slice %arg11[%dma_wait3A_663, %dma_wait3A_664, %dma_wait3A_672, %dma_wait3A_673] : memref<5x2x80x128xf32, #tpu.memory_space<vmem>> -> memref<1x1x80x128xf32, #tpu.memory_space<vmem>>
        %dma_wait3A_675 = tpu.memref_squeeze %dma_wait3A_674 : memref<1x1x80x128xf32, #tpu.memory_space<vmem>> -> memref<80x128xf32, #tpu.memory_space<vmem>>
        %dma_wait3A_676 = arith.constant 0 : i32
        %dma_wait3A_677 = arith.constant 0 : i32
        %dma_wait3A_678 = tpu.memref_slice %arg2[%dma_wait3A_676, %dma_wait3A_677] : memref<10000x128xf32, #tpu.memory_space<hbm>> -> memref<80x128xf32, #tpu.memory_space<hbm>>
        tpu.wait_dma2 semaphore(%arg15 : memref<!tpu.dma_semaphore, #tpu.memory_space<semaphore_mem>>) src(%dma_wait3A_678 : memref<80x128xf32, #tpu.memory_space<hbm>>) dst(%dma_wait3A_675 : memref<80x128xf32, #tpu.memory_space<vmem>>)
        %scan3A_679 = arith.constant 0 : i32
        %scan3A_680 = arith.constant 0 : i32
        %scan3A_681 = arith.constant 80 : i32
        %scan3A_682 = arith.addi %scan3A_680, %scan3A_681 : i32
        %scan3A_683 = arith.constant 1 : i32
        scf.for %scan3A_702 = %scan3A_680 to %scan3A_682 step %scan3A_683  : i32 {
          %get3A = arith.constant 3 : i32
          %get3A_703 = arith.constant 0 : i32
          %get3A_704 = arith.index_cast %get3A : i32 to index
          %get3A_705 = arith.index_cast %get3A_703 : i32 to index
          %get3A_706 = arith.index_cast %scan3A_702 : i32 to index
          %get3A_707 = arith.constant 0 : index
          %get3A_708 = tpu.vector_load %arg11[%get3A_704, %get3A_705, %get3A_706, %get3A_707] {strides = array<i32>} : memref<5x2x80x128xf32, #tpu.memory_space<vmem>>, vector<1x1x1x16xf32>,
          %get3A_709 = vector.shape_cast %get3A_708 : vector<1x1x1x16xf32> to vector<16xf32>
          %get3A_710 = arith.constant 3 : i32
          %get3A_711 = arith.constant 1 : i32
          %get3A_712 = arith.index_cast %get3A_710 : i32 to index
          %get3A_713 = arith.index_cast %get3A_711 : i32 to index
          %get3A_714 = arith.index_cast %scan3A_702 : i32 to index
          %get3A_715 = arith.constant 0 : index
          %get3A_716 = tpu.vector_load %arg11[%get3A_712, %get3A_713, %get3A_714, %get3A_715] {strides = array<i32>} : memref<5x2x80x128xf32, #tpu.memory_space<vmem>>, vector<1x1x1x16xf32>,
          %get3A_717 = vector.shape_cast %get3A_716 : vector<1x1x1x16xf32> to vector<16xf32>
          %add3A_718 = arith.addf %get3A_709, %get3A_717 : vector<16xf32>
          %swap3A = arith.constant 3 : i32
          %swap3A_719 = arith.constant 0 : i32
          %swap3A_720 = arith.index_cast %swap3A : i32 to index
          %swap3A_721 = arith.index_cast %swap3A_719 : i32 to index
          %swap3A_722 = arith.index_cast %scan3A_702 : i32 to index
          %swap3A_723 = arith.constant 0 : index
          %swap3A_724 = tpu.vector_load %arg11[%swap3A_720, %swap3A_721, %swap3A_722, %swap3A_723] {strides = array<i32>} : memref<5x2x80x128xf32, #tpu.memory_space<vmem>>, vector<1x1x1x16xf32>,
          %swap3A_725 = vector.shape_cast %swap3A_724 : vector<1x1x1x16xf32> to vector<16xf32>
          %swap3A_726 = vector.shape_cast %add3A_718 : vector<16xf32> to vector<1x1x1x16xf32>
          tpu.vector_store %arg11[%swap3A_720, %swap3A_721, %swap3A_722, %swap3A_723], %swap3A_726 {strides = array<i32>} : memref<5x2x80x128xf32, #tpu.memory_space<vmem>>, vector<1x1x1x16xf32>,
          %get3A_727 = arith.constant 3 : i32
          %get3A_728 = arith.constant 0 : i32
          %get3A_729 = arith.index_cast %get3A_727 : i32 to index
          %get3A_730 = arith.index_cast %get3A_728 : i32 to index
          %get3A_731 = arith.index_cast %scan3A_702 : i32 to index
          %get3A_732 = arith.constant 16 : index
          %get3A_733 = tpu.vector_load %arg11[%get3A_729, %get3A_730, %get3A_731, %get3A_732] {strides = array<i32>} : memref<5x2x80x128xf32, #tpu.memory_space<vmem>>, vector<1x1x1x16xf32>,
          %get3A_734 = vector.shape_cast %get3A_733 : vector<1x1x1x16xf32> to vector<16xf32>
          %get3A_735 = arith.constant 3 : i32
          %get3A_736 = arith.constant 1 : i32
          %get3A_737 = arith.index_cast %get3A_735 : i32 to index
          %get3A_738 = arith.index_cast %get3A_736 : i32 to index
          %get3A_739 = arith.index_cast %scan3A_702 : i32 to index
          %get3A_740 = arith.constant 16 : index
          %get3A_741 = tpu.vector_load %arg11[%get3A_737, %get3A_738, %get3A_739, %get3A_740] {strides = array<i32>} : memref<5x2x80x128xf32, #tpu.memory_space<vmem>>, vector<1x1x1x16xf32>,
          %get3A_742 = vector.shape_cast %get3A_741 : vector<1x1x1x16xf32> to vector<16xf32>
          %add3A_743 = arith.addf %get3A_734, %get3A_742 : vector<16xf32>
          %swap3A_744 = arith.constant 3 : i32
          %swap3A_745 = arith.constant 0 : i32
          %swap3A_746 = arith.index_cast %swap3A_744 : i32 to index
          %swap3A_747 = arith.index_cast %swap3A_745 : i32 to index
          %swap3A_748 = arith.index_cast %scan3A_702 : i32 to index
          %swap3A_749 = arith.constant 16 : index
          %swap3A_750 = tpu.vector_load %arg11[%swap3A_746, %swap3A_747, %swap3A_748, %swap3A_749] {strides = array<i32>} : memref<5x2x80x128xf32, #tpu.memory_space<vmem>>, vector<1x1x1x16xf32>,
          %swap3A_751 = vector.shape_cast %swap3A_750 : vector<1x1x1x16xf32> to vector<16xf32>
          %swap3A_752 = vector.shape_cast %add3A_743 : vector<16xf32> to vector<1x1x1x16xf32>
          tpu.vector_store %arg11[%swap3A_746, %swap3A_747, %swap3A_748, %swap3A_749], %swap3A_752 {strides = array<i32>} : memref<5x2x80x128xf32, #tpu.memory_space<vmem>>, vector<1x1x1x16xf32>,
          %get3A_753 = arith.constant 3 : i32
          %get3A_754 = arith.constant 0 : i32
          %get3A_755 = arith.index_cast %get3A_753 : i32 to index
          %get3A_756 = arith.index_cast %get3A_754 : i32 to index
          %get3A_757 = arith.index_cast %scan3A_702 : i32 to index
          %get3A_758 = arith.constant 32 : index
          %get3A_759 = tpu.vector_load %arg11[%get3A_755, %get3A_756, %get3A_757, %get3A_758] {strides = array<i32>} : memref<5x2x80x128xf32, #tpu.memory_space<vmem>>, vector<1x1x1x16xf32>,
          %get3A_760 = vector.shape_cast %get3A_759 : vector<1x1x1x16xf32> to vector<16xf32>
          %get3A_761 = arith.constant 3 : i32
          %get3A_762 = arith.constant 1 : i32
          %get3A_763 = arith.index_cast %get3A_761 : i32 to index
          %get3A_764 = arith.index_cast %get3A_762 : i32 to index
          %get3A_765 = arith.index_cast %scan3A_702 : i32 to index
          %get3A_766 = arith.constant 32 : index
          %get3A_767 = tpu.vector_load %arg11[%get3A_763, %get3A_764, %get3A_765, %get3A_766] {strides = array<i32>} : memref<5x2x80x128xf32, #tpu.memory_space<vmem>>, vector<1x1x1x16xf32>,
          %get3A_768 = vector.shape_cast %get3A_767 : vector<1x1x1x16xf32> to vector<16xf32>
          %add3A_769 = arith.addf %get3A_760, %get3A_768 : vector<16xf32>
          %swap3A_770 = arith.constant 3 : i32
          %swap3A_771 = arith.constant 0 : i32
          %swap3A_772 = arith.index_cast %swap3A_770 : i32 to index
          %swap3A_773 = arith.index_cast %swap3A_771 : i32 to index
          %swap3A_774 = arith.index_cast %scan3A_702 : i32 to index
          %swap3A_775 = arith.constant 32 : index
          %swap3A_776 = tpu.vector_load %arg11[%swap3A_772, %swap3A_773, %swap3A_774, %swap3A_775] {strides = array<i32>} : memref<5x2x80x128xf32, #tpu.memory_space<vmem>>, vector<1x1x1x16xf32>,
          %swap3A_777 = vector.shape_cast %swap3A_776 : vector<1x1x1x16xf32> to vector<16xf32>
          %swap3A_778 = vector.shape_cast %add3A_769 : vector<16xf32> to vector<1x1x1x16xf32>
          tpu.vector_store %arg11[%swap3A_772, %swap3A_773, %swap3A_774, %swap3A_775], %swap3A_778 {strides = array<i32>} : memref<5x2x80x128xf32, #tpu.memory_space<vmem>>, vector<1x1x1x16xf32>,
          %get3A_779 = arith.constant 3 : i32
          %get3A_780 = arith.constant 0 : i32
          %get3A_781 = arith.index_cast %get3A_779 : i32 to index
          %get3A_782 = arith.index_cast %get3A_780 : i32 to index
          %get3A_783 = arith.index_cast %scan3A_702 : i32 to index
          %get3A_784 = arith.constant 48 : index
          %get3A_785 = tpu.vector_load %arg11[%get3A_781, %get3A_782, %get3A_783, %get3A_784] {strides = array<i32>} : memref<5x2x80x128xf32, #tpu.memory_space<vmem>>, vector<1x1x1x16xf32>,
          %get3A_786 = vector.shape_cast %get3A_785 : vector<1x1x1x16xf32> to vector<16xf32>
          %get3A_787 = arith.constant 3 : i32
          %get3A_788 = arith.constant 1 : i32
          %get3A_789 = arith.index_cast %get3A_787 : i32 to index
          %get3A_790 = arith.index_cast %get3A_788 : i32 to index
          %get3A_791 = arith.index_cast %scan3A_702 : i32 to index
          %get3A_792 = arith.constant 48 : index
          %get3A_793 = tpu.vector_load %arg11[%get3A_789, %get3A_790, %get3A_791, %get3A_792] {strides = array<i32>} : memref<5x2x80x128xf32, #tpu.memory_space<vmem>>, vector<1x1x1x16xf32>,
          %get3A_794 = vector.shape_cast %get3A_793 : vector<1x1x1x16xf32> to vector<16xf32>
          %add3A_795 = arith.addf %get3A_786, %get3A_794 : vector<16xf32>
          %swap3A_796 = arith.constant 3 : i32
          %swap3A_797 = arith.constant 0 : i32
          %swap3A_798 = arith.index_cast %swap3A_796 : i32 to index
          %swap3A_799 = arith.index_cast %swap3A_797 : i32 to index
          %swap3A_800 = arith.index_cast %scan3A_702 : i32 to index
          %swap3A_801 = arith.constant 48 : index
          %swap3A_802 = tpu.vector_load %arg11[%swap3A_798, %swap3A_799, %swap3A_800, %swap3A_801] {strides = array<i32>} : memref<5x2x80x128xf32, #tpu.memory_space<vmem>>, vector<1x1x1x16xf32>,
          %swap3A_803 = vector.shape_cast %swap3A_802 : vector<1x1x1x16xf32> to vector<16xf32>
          %swap3A_804 = vector.shape_cast %add3A_795 : vector<16xf32> to vector<1x1x1x16xf32>
          tpu.vector_store %arg11[%swap3A_798, %swap3A_799, %swap3A_800, %swap3A_801], %swap3A_804 {strides = array<i32>} : memref<5x2x80x128xf32, #tpu.memory_space<vmem>>, vector<1x1x1x16xf32>,
          %get3A_805 = arith.constant 3 : i32
          %get3A_806 = arith.constant 0 : i32
          %get3A_807 = arith.index_cast %get3A_805 : i32 to index
          %get3A_808 = arith.index_cast %get3A_806 : i32 to index
          %get3A_809 = arith.index_cast %scan3A_702 : i32 to index
          %get3A_810 = arith.constant 64 : index
          %get3A_811 = tpu.vector_load %arg11[%get3A_807, %get3A_808, %get3A_809, %get3A_810] {strides = array<i32>} : memref<5x2x80x128xf32, #tpu.memory_space<vmem>>, vector<1x1x1x16xf32>,
          %get3A_812 = vector.shape_cast %get3A_811 : vector<1x1x1x16xf32> to vector<16xf32>
          %get3A_813 = arith.constant 3 : i32
          %get3A_814 = arith.constant 1 : i32
          %get3A_815 = arith.index_cast %get3A_813 : i32 to index
          %get3A_816 = arith.index_cast %get3A_814 : i32 to index
          %get3A_817 = arith.index_cast %scan3A_702 : i32 to index
          %get3A_818 = arith.constant 64 : index
          %get3A_819 = tpu.vector_load %arg11[%get3A_815, %get3A_816, %get3A_817, %get3A_818] {strides = array<i32>} : memref<5x2x80x128xf32, #tpu.memory_space<vmem>>, vector<1x1x1x16xf32>,
          %get3A_820 = vector.shape_cast %get3A_819 : vector<1x1x1x16xf32> to vector<16xf32>
          %add3A_821 = arith.addf %get3A_812, %get3A_820 : vector<16xf32>
          %swap3A_822 = arith.constant 3 : i32
          %swap3A_823 = arith.constant 0 : i32
          %swap3A_824 = arith.index_cast %swap3A_822 : i32 to index
          %swap3A_825 = arith.index_cast %swap3A_823 : i32 to index
          %swap3A_826 = arith.index_cast %scan3A_702 : i32 to index
          %swap3A_827 = arith.constant 64 : index
          %swap3A_828 = tpu.vector_load %arg11[%swap3A_824, %swap3A_825, %swap3A_826, %swap3A_827] {strides = array<i32>} : memref<5x2x80x128xf32, #tpu.memory_space<vmem>>, vector<1x1x1x16xf32>,
          %swap3A_829 = vector.shape_cast %swap3A_828 : vector<1x1x1x16xf32> to vector<16xf32>
          %swap3A_830 = vector.shape_cast %add3A_821 : vector<16xf32> to vector<1x1x1x16xf32>
          tpu.vector_store %arg11[%swap3A_824, %swap3A_825, %swap3A_826, %swap3A_827], %swap3A_830 {strides = array<i32>} : memref<5x2x80x128xf32, #tpu.memory_space<vmem>>, vector<1x1x1x16xf32>,
          %get3A_831 = arith.constant 3 : i32
          %get3A_832 = arith.constant 0 : i32
          %get3A_833 = arith.index_cast %get3A_831 : i32 to index
          %get3A_834 = arith.index_cast %get3A_832 : i32 to index
          %get3A_835 = arith.index_cast %scan3A_702 : i32 to index
          %get3A_836 = arith.constant 80 : index
          %get3A_837 = tpu.vector_load %arg11[%get3A_833, %get3A_834, %get3A_835, %get3A_836] {strides = array<i32>} : memref<5x2x80x128xf32, #tpu.memory_space<vmem>>, vector<1x1x1x16xf32>,
          %get3A_838 = vector.shape_cast %get3A_837 : vector<1x1x1x16xf32> to vector<16xf32>
          %get3A_839 = arith.constant 3 : i32
          %get3A_840 = arith.constant 1 : i32
          %get3A_841 = arith.index_cast %get3A_839 : i32 to index
          %get3A_842 = arith.index_cast %get3A_840 : i32 to index
          %get3A_843 = arith.index_cast %scan3A_702 : i32 to index
          %get3A_844 = arith.constant 80 : index
          %get3A_845 = tpu.vector_load %arg11[%get3A_841, %get3A_842, %get3A_843, %get3A_844] {strides = array<i32>} : memref<5x2x80x128xf32, #tpu.memory_space<vmem>>, vector<1x1x1x16xf32>,
          %get3A_846 = vector.shape_cast %get3A_845 : vector<1x1x1x16xf32> to vector<16xf32>
          %add3A_847 = arith.addf %get3A_838, %get3A_846 : vector<16xf32>
          %swap3A_848 = arith.constant 3 : i32
          %swap3A_849 = arith.constant 0 : i32
          %swap3A_850 = arith.index_cast %swap3A_848 : i32 to index
          %swap3A_851 = arith.index_cast %swap3A_849 : i32 to index
          %swap3A_852 = arith.index_cast %scan3A_702 : i32 to index
          %swap3A_853 = arith.constant 80 : index
          %swap3A_854 = tpu.vector_load %arg11[%swap3A_850, %swap3A_851, %swap3A_852, %swap3A_853] {strides = array<i32>} : memref<5x2x80x128xf32, #tpu.memory_space<vmem>>, vector<1x1x1x16xf32>,
          %swap3A_855 = vector.shape_cast %swap3A_854 : vector<1x1x1x16xf32> to vector<16xf32>
          %swap3A_856 = vector.shape_cast %add3A_847 : vector<16xf32> to vector<1x1x1x16xf32>
          tpu.vector_store %arg11[%swap3A_850, %swap3A_851, %swap3A_852, %swap3A_853], %swap3A_856 {strides = array<i32>} : memref<5x2x80x128xf32, #tpu.memory_space<vmem>>, vector<1x1x1x16xf32>,
          %get3A_857 = arith.constant 3 : i32
          %get3A_858 = arith.constant 0 : i32
          %get3A_859 = arith.index_cast %get3A_857 : i32 to index
          %get3A_860 = arith.index_cast %get3A_858 : i32 to index
          %get3A_861 = arith.index_cast %scan3A_702 : i32 to index
          %get3A_862 = arith.constant 96 : index
          %get3A_863 = tpu.vector_load %arg11[%get3A_859, %get3A_860, %get3A_861, %get3A_862] {strides = array<i32>} : memref<5x2x80x128xf32, #tpu.memory_space<vmem>>, vector<1x1x1x16xf32>,
          %get3A_864 = vector.shape_cast %get3A_863 : vector<1x1x1x16xf32> to vector<16xf32>
          %get3A_865 = arith.constant 3 : i32
          %get3A_866 = arith.constant 1 : i32
          %get3A_867 = arith.index_cast %get3A_865 : i32 to index
          %get3A_868 = arith.index_cast %get3A_866 : i32 to index
          %get3A_869 = arith.index_cast %scan3A_702 : i32 to index
          %get3A_870 = arith.constant 96 : index
          %get3A_871 = tpu.vector_load %arg11[%get3A_867, %get3A_868, %get3A_869, %get3A_870] {strides = array<i32>} : memref<5x2x80x128xf32, #tpu.memory_space<vmem>>, vector<1x1x1x16xf32>,
          %get3A_872 = vector.shape_cast %get3A_871 : vector<1x1x1x16xf32> to vector<16xf32>
          %add3A_873 = arith.addf %get3A_864, %get3A_872 : vector<16xf32>
          %swap3A_874 = arith.constant 3 : i32
          %swap3A_875 = arith.constant 0 : i32
          %swap3A_876 = arith.index_cast %swap3A_874 : i32 to index
          %swap3A_877 = arith.index_cast %swap3A_875 : i32 to index
          %swap3A_878 = arith.index_cast %scan3A_702 : i32 to index
          %swap3A_879 = arith.constant 96 : index
          %swap3A_880 = tpu.vector_load %arg11[%swap3A_876, %swap3A_877, %swap3A_878, %swap3A_879] {strides = array<i32>} : memref<5x2x80x128xf32, #tpu.memory_space<vmem>>, vector<1x1x1x16xf32>,
          %swap3A_881 = vector.shape_cast %swap3A_880 : vector<1x1x1x16xf32> to vector<16xf32>
          %swap3A_882 = vector.shape_cast %add3A_873 : vector<16xf32> to vector<1x1x1x16xf32>
          tpu.vector_store %arg11[%swap3A_876, %swap3A_877, %swap3A_878, %swap3A_879], %swap3A_882 {strides = array<i32>} : memref<5x2x80x128xf32, #tpu.memory_space<vmem>>, vector<1x1x1x16xf32>,
          %get3A_883 = arith.constant 3 : i32
          %get3A_884 = arith.constant 0 : i32
          %get3A_885 = arith.index_cast %get3A_883 : i32 to index
          %get3A_886 = arith.index_cast %get3A_884 : i32 to index
          %get3A_887 = arith.index_cast %scan3A_702 : i32 to index
          %get3A_888 = arith.constant 112 : index
          %get3A_889 = tpu.vector_load %arg11[%get3A_885, %get3A_886, %get3A_887, %get3A_888] {strides = array<i32>} : memref<5x2x80x128xf32, #tpu.memory_space<vmem>>, vector<1x1x1x16xf32>,
          %get3A_890 = vector.shape_cast %get3A_889 : vector<1x1x1x16xf32> to vector<16xf32>
          %get3A_891 = arith.constant 3 : i32
          %get3A_892 = arith.constant 1 : i32
          %get3A_893 = arith.index_cast %get3A_891 : i32 to index
          %get3A_894 = arith.index_cast %get3A_892 : i32 to index
          %get3A_895 = arith.index_cast %scan3A_702 : i32 to index
          %get3A_896 = arith.constant 112 : index
          %get3A_897 = tpu.vector_load %arg11[%get3A_893, %get3A_894, %get3A_895, %get3A_896] {strides = array<i32>} : memref<5x2x80x128xf32, #tpu.memory_space<vmem>>, vector<1x1x1x16xf32>,
          %get3A_898 = vector.shape_cast %get3A_897 : vector<1x1x1x16xf32> to vector<16xf32>
          %add3A_899 = arith.addf %get3A_890, %get3A_898 : vector<16xf32>
          %swap3A_900 = arith.constant 3 : i32
          %swap3A_901 = arith.constant 0 : i32
          %swap3A_902 = arith.index_cast %swap3A_900 : i32 to index
          %swap3A_903 = arith.index_cast %swap3A_901 : i32 to index
          %swap3A_904 = arith.index_cast %scan3A_702 : i32 to index
          %swap3A_905 = arith.constant 112 : index
          %swap3A_906 = tpu.vector_load %arg11[%swap3A_902, %swap3A_903, %swap3A_904, %swap3A_905] {strides = array<i32>} : memref<5x2x80x128xf32, #tpu.memory_space<vmem>>, vector<1x1x1x16xf32>,
          %swap3A_907 = vector.shape_cast %swap3A_906 : vector<1x1x1x16xf32> to vector<16xf32>
          %swap3A_908 = vector.shape_cast %add3A_899 : vector<16xf32> to vector<1x1x1x16xf32>
          tpu.vector_store %arg11[%swap3A_902, %swap3A_903, %swap3A_904, %swap3A_905], %swap3A_908 {strides = array<i32>} : memref<5x2x80x128xf32, #tpu.memory_space<vmem>>, vector<1x1x1x16xf32>,
        }
        %scan3A_684 = arith.constant 80 : i32
        %mul3A_685 = arith.constant 80 : i32
        %mul3A_686 = arith.muli %sub3A_646, %mul3A_685 : i32
        %add3A_687 = arith.addi %mul3A_2, %mul3A_686 : i32
        %dma_start3A_688 = arith.constant 3 : i32
        %dma_start3A_689 = arith.constant 0 : i32
        %dma_start3A_690 = arith.constant 0 : i32
        %dma_start3A_691 = arith.constant 0 : i32
        %dma_start3A_692 = tpu.memref_slice %arg11[%dma_start3A_688, %dma_start3A_689, %dma_start3A_690, %dma_start3A_691] : memref<5x2x80x128xf32, #tpu.memory_space<vmem>> -> memref<1x1x80x128xf32, #tpu.memory_space<vmem>>
        %dma_start3A_693 = tpu.memref_squeeze %dma_start3A_692 : memref<1x1x80x128xf32, #tpu.memory_space<vmem>> -> memref<80x128xf32, #tpu.memory_space<vmem>>
        %dma_start3A_694 = arith.constant 0 : i32
        %dma_start3A_695 = tpu.memref_slice %arg5[%add3A_687, %dma_start3A_694] : memref<320000x128xf32, #tpu.memory_space<hbm>> -> memref<80x128xf32, #tpu.memory_space<hbm>>
        %dma_start3A_696 = arith.constant 0 : i32
        %dma_start3A_697 = tpu.memref_slice %arg5[%add3A_687, %dma_start3A_696] : memref<320000x128xf32, #tpu.memory_space<hbm>> -> memref<80x128xf32, #tpu.memory_space<hbm>>
        %dma_start3A_698 = arith.constant 0 : i32
        %dma_start3A_699 = arith.constant 0 : i32
        %dma_start3A_700 = tpu.memref_slice %arg11[%dma_start3A_688, %dma_start3A_689, %dma_start3A_698, %dma_start3A_699] : memref<5x2x80x128xf32, #tpu.memory_space<vmem>> -> memref<1x1x80x128xf32, #tpu.memory_space<vmem>>
        %dma_start3A_701 = tpu.memref_squeeze %dma_start3A_700 : memref<1x1x80x128xf32, #tpu.memory_space<vmem>> -> memref<80x128xf32, #tpu.memory_space<vmem>>
        tpu.enqueue_dma source(%dma_start3A_701 : memref<80x128xf32, #tpu.memory_space<vmem>>) target(%dma_start3A_697 : memref<80x128xf32, #tpu.memory_space<hbm>>) target_semaphore(%arg25 : memref<!tpu.dma_semaphore, #tpu.memory_space<semaphore_mem>>)
      } else {
      }
      %mul3A_260 = arith.constant 5 : i32
      %mul3A_261 = arith.muli %scan3A_203, %mul3A_260 : i32
      %add3A_262 = arith.constant 1 : i32
      %add3A_263 = arith.addi %mul3A_261, %add3A_262 : i32
      %gt3A_264 = arith.constant 0 : i32
      %gt3A_265 = arith.cmpi sgt, %scan3A_203, %gt3A_264 : i32
      %convert_element_type3A_266 = arith.extui %gt3A_265 : i1 to i32
      %cond3A_267 = arith.constant 0 : i32
      %cond3A_268 = arith.cmpi ne, %convert_element_type3A_266, %cond3A_267 : i32
      scf.if %cond3A_268 {
        %dma_wait3A_645 = arith.constant 1 : i32
        %dma_wait3A_646 = arith.constant 0 : i32
        %dma_wait3A_647 = arith.constant 0 : i32
        %dma_wait3A_648 = arith.constant 0 : i32
        %dma_wait3A_649 = tpu.memref_slice %arg11[%dma_wait3A_645, %dma_wait3A_646, %dma_wait3A_647, %dma_wait3A_648] : memref<5x2x80x128xf32, #tpu.memory_space<vmem>> -> memref<1x1x80x128xf32, #tpu.memory_space<vmem>>
        %dma_wait3A_650 = tpu.memref_squeeze %dma_wait3A_649 : memref<1x1x80x128xf32, #tpu.memory_space<vmem>> -> memref<80x128xf32, #tpu.memory_space<vmem>>
        %dma_wait3A_651 = arith.constant 0 : i32
        %dma_wait3A_652 = arith.constant 0 : i32
        %dma_wait3A_653 = tpu.memref_slice %arg2[%dma_wait3A_651, %dma_wait3A_652] : memref<10000x128xf32, #tpu.memory_space<hbm>> -> memref<80x128xf32, #tpu.memory_space<hbm>>
        %dma_wait3A_654 = arith.constant 0 : i32
        %dma_wait3A_655 = arith.constant 0 : i32
        %dma_wait3A_656 = tpu.memref_slice %arg11[%dma_wait3A_645, %dma_wait3A_646, %dma_wait3A_654, %dma_wait3A_655] : memref<5x2x80x128xf32, #tpu.memory_space<vmem>> -> memref<1x1x80x128xf32, #tpu.memory_space<vmem>>
        %dma_wait3A_657 = tpu.memref_squeeze %dma_wait3A_656 : memref<1x1x80x128xf32, #tpu.memory_space<vmem>> -> memref<80x128xf32, #tpu.memory_space<vmem>>
        %dma_wait3A_658 = arith.constant 0 : i32
        %dma_wait3A_659 = arith.constant 0 : i32
        %dma_wait3A_660 = tpu.memref_slice %arg2[%dma_wait3A_658, %dma_wait3A_659] : memref<10000x128xf32, #tpu.memory_space<hbm>> -> memref<80x128xf32, #tpu.memory_space<hbm>>
        tpu.wait_dma2 semaphore(%arg23 : memref<!tpu.dma_semaphore, #tpu.memory_space<semaphore_mem>>) src(%dma_wait3A_660 : memref<80x128xf32, #tpu.memory_space<hbm>>) dst(%dma_wait3A_657 : memref<80x128xf32, #tpu.memory_space<vmem>>)
      } else {
      }
      %dma_wait3A_269 = arith.constant 0 : i32
      %dma_wait3A_270 = arith.constant 0 : i32
      %dma_wait3A_271 = arith.constant 0 : i32
      %dma_wait3A_272 = tpu.memref_slice %arg4[%add3A, %dma_wait3A_269, %dma_wait3A_270, %dma_wait3A_271] : memref<32x125x2x80xi32, #tpu.memory_space<hbm>> -> memref<1x1x2x80xi32, #tpu.memory_space<hbm>>
      %dma_wait3A_273 = tpu.memref_squeeze %dma_wait3A_272 : memref<1x1x2x80xi32, #tpu.memory_space<hbm>> -> memref<2x80xi32, #tpu.memory_space<hbm>>
      %dma_wait3A_274 = arith.constant 0 : i32
      %dma_wait3A_275 = arith.constant 0 : i32
      %dma_wait3A_276 = tpu.memref_slice %arg4[%add3A, %dma_wait3A_269, %dma_wait3A_274, %dma_wait3A_275] : memref<32x125x2x80xi32, #tpu.memory_space<hbm>> -> memref<1x1x2x80xi32, #tpu.memory_space<hbm>>
      %dma_wait3A_277 = tpu.memref_squeeze %dma_wait3A_276 : memref<1x1x2x80xi32, #tpu.memory_space<hbm>> -> memref<2x80xi32, #tpu.memory_space<hbm>>
      tpu.wait_dma2 semaphore(%arg18 : memref<!tpu.dma_semaphore, #tpu.memory_space<semaphore_mem>>) src(%dma_wait3A_277 : memref<2x80xi32, #tpu.memory_space<hbm>>) dst(%arg7 : memref<2x80xi32, #tpu.memory_space<vmem>>)
      %dma_start3A_278 = arith.constant 0 : i32
      %dma_start3A_279 = arith.constant 1 : i32
      %dma_start3A_280 = arith.constant 0 : i32
      %dma_start3A_281 = arith.constant 0 : i32
      %dma_start3A_282 = arith.constant 0 : i32
      %dma_start3A_283 = tpu.memref_slice %arg11[%dma_start3A_279, %dma_start3A_280, %dma_start3A_281, %dma_start3A_282] : memref<5x2x80x128xf32, #tpu.memory_space<vmem>> -> memref<1x1x80x128xf32, #tpu.memory_space<vmem>>
      %dma_start3A_284 = tpu.memref_squeeze %dma_start3A_283 : memref<1x1x80x128xf32, #tpu.memory_space<vmem>> -> memref<80x128xf32, #tpu.memory_space<vmem>>
      %dma_start3A_285 = arith.constant 0 : i32
      %dma_start3A_286 = tpu.memref_slice %arg7[%dma_start3A_278, %dma_start3A_285] : memref<2x80xi32, #tpu.memory_space<vmem>> -> memref<1x80xi32, #tpu.memory_space<vmem>>
      %dma_start3A_287 = tpu.memref_squeeze %dma_start3A_286 : memref<1x80xi32, #tpu.memory_space<vmem>> -> memref<80xi32, #tpu.memory_space<vmem>>
      %dma_start3A_288 = arith.constant 0 : i32
      %dma_start3A_289 = arith.constant 0 : i32
      %dma_start3A_290 = tpu.memref_slice %arg2[%dma_start3A_288, %dma_start3A_289] : memref<10000x128xf32, #tpu.memory_space<hbm>> -> memref<10000x128xf32, #tpu.memory_space<hbm>>
      tpu.enqueue_indirect_dma source(%dma_start3A_290 : memref<10000x128xf32, #tpu.memory_space<hbm>>) target(%dma_start3A_284 : memref<80x128xf32, #tpu.memory_space<vmem>>) offsets(%dma_start3A_287 : memref<80xi32, #tpu.memory_space<vmem>>) semaphore(%arg13 : memref<!tpu.dma_semaphore, #tpu.memory_space<semaphore_mem>>)
      %dma_start3A_291 = arith.constant 1 : i32
      %dma_start3A_292 = arith.constant 1 : i32
      %dma_start3A_293 = arith.constant 1 : i32
      %dma_start3A_294 = arith.constant 0 : i32
      %dma_start3A_295 = arith.constant 0 : i32
      %dma_start3A_296 = tpu.memref_slice %arg11[%dma_start3A_292, %dma_start3A_293, %dma_start3A_294, %dma_start3A_295] : memref<5x2x80x128xf32, #tpu.memory_space<vmem>> -> memref<1x1x80x128xf32, #tpu.memory_space<vmem>>
      %dma_start3A_297 = tpu.memref_squeeze %dma_start3A_296 : memref<1x1x80x128xf32, #tpu.memory_space<vmem>> -> memref<80x128xf32, #tpu.memory_space<vmem>>
      %dma_start3A_298 = arith.constant 0 : i32
      %dma_start3A_299 = tpu.memref_slice %arg7[%dma_start3A_291, %dma_start3A_298] : memref<2x80xi32, #tpu.memory_space<vmem>> -> memref<1x80xi32, #tpu.memory_space<vmem>>
      %dma_start3A_300 = tpu.memref_squeeze %dma_start3A_299 : memref<1x80xi32, #tpu.memory_space<vmem>> -> memref<80xi32, #tpu.memory_space<vmem>>
      %dma_start3A_301 = arith.constant 0 : i32
      %dma_start3A_302 = arith.constant 0 : i32
      %dma_start3A_303 = tpu.memref_slice %arg3[%dma_start3A_301, %dma_start3A_302] : memref<10000x128xf32, #tpu.memory_space<hbm>> -> memref<10000x128xf32, #tpu.memory_space<hbm>>
      tpu.enqueue_indirect_dma source(%dma_start3A_303 : memref<10000x128xf32, #tpu.memory_space<hbm>>) target(%dma_start3A_297 : memref<80x128xf32, #tpu.memory_space<vmem>>) offsets(%dma_start3A_300 : memref<80xi32, #tpu.memory_space<vmem>>) semaphore(%arg13 : memref<!tpu.dma_semaphore, #tpu.memory_space<semaphore_mem>>)
      %add3A_304 = arith.constant 1 : i32
      %add3A_305 = arith.addi %add3A_263, %add3A_304 : i32
      %dma_start3A_306 = arith.constant 0 : i32
      %dma_start3A_307 = arith.constant 0 : i32
      %dma_start3A_308 = tpu.memref_slice %arg4[%add3A, %add3A_305, %dma_start3A_306, %dma_start3A_307] : memref<32x125x2x80xi32, #tpu.memory_space<hbm>> -> memref<1x1x2x80xi32, #tpu.memory_space<hbm>>
      %dma_start3A_309 = tpu.memref_squeeze %dma_start3A_308 : memref<1x1x2x80xi32, #tpu.memory_space<hbm>> -> memref<2x80xi32, #tpu.memory_space<hbm>>
      %dma_start3A_310 = arith.constant 0 : i32
      %dma_start3A_311 = arith.constant 0 : i32
      %dma_start3A_312 = tpu.memref_slice %arg4[%add3A, %add3A_305, %dma_start3A_310, %dma_start3A_311] : memref<32x125x2x80xi32, #tpu.memory_space<hbm>> -> memref<1x1x2x80xi32, #tpu.memory_space<hbm>>
      %dma_start3A_313 = tpu.memref_squeeze %dma_start3A_312 : memref<1x1x2x80xi32, #tpu.memory_space<hbm>> -> memref<2x80xi32, #tpu.memory_space<hbm>>
      tpu.enqueue_dma source(%dma_start3A_313 : memref<2x80xi32, #tpu.memory_space<hbm>>) target(%arg8 : memref<2x80xi32, #tpu.memory_space<vmem>>) target_semaphore(%arg19 : memref<!tpu.dma_semaphore, #tpu.memory_space<semaphore_mem>>)
      %gt3A_314 = arith.constant 0 : i32
      %gt3A_315 = arith.cmpi sgt, %scan3A_203, %gt3A_314 : i32
      %convert_element_type3A_316 = arith.extui %gt3A_315 : i1 to i32
      %cond3A_317 = arith.constant 0 : i32
      %cond3A_318 = arith.cmpi ne, %convert_element_type3A_316, %cond3A_317 : i32
      scf.if %cond3A_318 {
        %sub3A_645 = arith.constant 2 : i32
        %sub3A_646 = arith.subi %add3A_263, %sub3A_645 : i32
        %dma_wait3A_647 = arith.constant 4 : i32
        %dma_wait3A_648 = arith.constant 0 : i32
        %dma_wait3A_649 = arith.constant 0 : i32
        %dma_wait3A_650 = arith.constant 0 : i32
        %dma_wait3A_651 = tpu.memref_slice %arg11[%dma_wait3A_647, %dma_wait3A_648, %dma_wait3A_649, %dma_wait3A_650] : memref<5x2x80x128xf32, #tpu.memory_space<vmem>> -> memref<1x1x80x128xf32, #tpu.memory_space<vmem>>
        %dma_wait3A_652 = tpu.memref_squeeze %dma_wait3A_651 : memref<1x1x80x128xf32, #tpu.memory_space<vmem>> -> memref<80x128xf32, #tpu.memory_space<vmem>>
        %dma_wait3A_653 = arith.constant 0 : i32
        %dma_wait3A_654 = arith.constant 0 : i32
        %dma_wait3A_655 = tpu.memref_slice %arg2[%dma_wait3A_653, %dma_wait3A_654] : memref<10000x128xf32, #tpu.memory_space<hbm>> -> memref<80x128xf32, #tpu.memory_space<hbm>>
        %dma_wait3A_656 = arith.constant 0 : i32
        %dma_wait3A_657 = arith.constant 0 : i32
        %dma_wait3A_658 = tpu.memref_slice %arg11[%dma_wait3A_647, %dma_wait3A_648, %dma_wait3A_656, %dma_wait3A_657] : memref<5x2x80x128xf32, #tpu.memory_space<vmem>> -> memref<1x1x80x128xf32, #tpu.memory_space<vmem>>
        %dma_wait3A_659 = tpu.memref_squeeze %dma_wait3A_658 : memref<1x1x80x128xf32, #tpu.memory_space<vmem>> -> memref<80x128xf32, #tpu.memory_space<vmem>>
        %dma_wait3A_660 = arith.constant 0 : i32
        %dma_wait3A_661 = arith.constant 0 : i32
        %dma_wait3A_662 = tpu.memref_slice %arg2[%dma_wait3A_660, %dma_wait3A_661] : memref<10000x128xf32, #tpu.memory_space<hbm>> -> memref<80x128xf32, #tpu.memory_space<hbm>>
        tpu.wait_dma2 semaphore(%arg16 : memref<!tpu.dma_semaphore, #tpu.memory_space<semaphore_mem>>) src(%dma_wait3A_662 : memref<80x128xf32, #tpu.memory_space<hbm>>) dst(%dma_wait3A_659 : memref<80x128xf32, #tpu.memory_space<vmem>>)
        %dma_wait3A_663 = arith.constant 4 : i32
        %dma_wait3A_664 = arith.constant 0 : i32
        %dma_wait3A_665 = arith.constant 0 : i32
        %dma_wait3A_666 = arith.constant 0 : i32
        %dma_wait3A_667 = tpu.memref_slice %arg11[%dma_wait3A_663, %dma_wait3A_664, %dma_wait3A_665, %dma_wait3A_666] : memref<5x2x80x128xf32, #tpu.memory_space<vmem>> -> memref<1x1x80x128xf32, #tpu.memory_space<vmem>>
        %dma_wait3A_668 = tpu.memref_squeeze %dma_wait3A_667 : memref<1x1x80x128xf32, #tpu.memory_space<vmem>> -> memref<80x128xf32, #tpu.memory_space<vmem>>
        %dma_wait3A_669 = arith.constant 0 : i32
        %dma_wait3A_670 = arith.constant 0 : i32
        %dma_wait3A_671 = tpu.memref_slice %arg2[%dma_wait3A_669, %dma_wait3A_670] : memref<10000x128xf32, #tpu.memory_space<hbm>> -> memref<80x128xf32, #tpu.memory_space<hbm>>
        %dma_wait3A_672 = arith.constant 0 : i32
        %dma_wait3A_673 = arith.constant 0 : i32
        %dma_wait3A_674 = tpu.memref_slice %arg11[%dma_wait3A_663, %dma_wait3A_664, %dma_wait3A_672, %dma_wait3A_673] : memref<5x2x80x128xf32, #tpu.memory_space<vmem>> -> memref<1x1x80x128xf32, #tpu.memory_space<vmem>>
        %dma_wait3A_675 = tpu.memref_squeeze %dma_wait3A_674 : memref<1x1x80x128xf32, #tpu.memory_space<vmem>> -> memref<80x128xf32, #tpu.memory_space<vmem>>
        %dma_wait3A_676 = arith.constant 0 : i32
        %dma_wait3A_677 = arith.constant 0 : i32
        %dma_wait3A_678 = tpu.memref_slice %arg2[%dma_wait3A_676, %dma_wait3A_677] : memref<10000x128xf32, #tpu.memory_space<hbm>> -> memref<80x128xf32, #tpu.memory_space<hbm>>
        tpu.wait_dma2 semaphore(%arg16 : memref<!tpu.dma_semaphore, #tpu.memory_space<semaphore_mem>>) src(%dma_wait3A_678 : memref<80x128xf32, #tpu.memory_space<hbm>>) dst(%dma_wait3A_675 : memref<80x128xf32, #tpu.memory_space<vmem>>)
        %scan3A_679 = arith.constant 0 : i32
        %scan3A_680 = arith.constant 0 : i32
        %scan3A_681 = arith.constant 80 : i32
        %scan3A_682 = arith.addi %scan3A_680, %scan3A_681 : i32
        %scan3A_683 = arith.constant 1 : i32
        scf.for %scan3A_702 = %scan3A_680 to %scan3A_682 step %scan3A_683  : i32 {
          %get3A = arith.constant 4 : i32
          %get3A_703 = arith.constant 0 : i32
          %get3A_704 = arith.index_cast %get3A : i32 to index
          %get3A_705 = arith.index_cast %get3A_703 : i32 to index
          %get3A_706 = arith.index_cast %scan3A_702 : i32 to index
          %get3A_707 = arith.constant 0 : index
          %get3A_708 = tpu.vector_load %arg11[%get3A_704, %get3A_705, %get3A_706, %get3A_707] {strides = array<i32>} : memref<5x2x80x128xf32, #tpu.memory_space<vmem>>, vector<1x1x1x16xf32>,
          %get3A_709 = vector.shape_cast %get3A_708 : vector<1x1x1x16xf32> to vector<16xf32>
          %get3A_710 = arith.constant 4 : i32
          %get3A_711 = arith.constant 1 : i32
          %get3A_712 = arith.index_cast %get3A_710 : i32 to index
          %get3A_713 = arith.index_cast %get3A_711 : i32 to index
          %get3A_714 = arith.index_cast %scan3A_702 : i32 to index
          %get3A_715 = arith.constant 0 : index
          %get3A_716 = tpu.vector_load %arg11[%get3A_712, %get3A_713, %get3A_714, %get3A_715] {strides = array<i32>} : memref<5x2x80x128xf32, #tpu.memory_space<vmem>>, vector<1x1x1x16xf32>,
          %get3A_717 = vector.shape_cast %get3A_716 : vector<1x1x1x16xf32> to vector<16xf32>
          %add3A_718 = arith.addf %get3A_709, %get3A_717 : vector<16xf32>
          %swap3A = arith.constant 4 : i32
          %swap3A_719 = arith.constant 0 : i32
          %swap3A_720 = arith.index_cast %swap3A : i32 to index
          %swap3A_721 = arith.index_cast %swap3A_719 : i32 to index
          %swap3A_722 = arith.index_cast %scan3A_702 : i32 to index
          %swap3A_723 = arith.constant 0 : index
          %swap3A_724 = tpu.vector_load %arg11[%swap3A_720, %swap3A_721, %swap3A_722, %swap3A_723] {strides = array<i32>} : memref<5x2x80x128xf32, #tpu.memory_space<vmem>>, vector<1x1x1x16xf32>,
          %swap3A_725 = vector.shape_cast %swap3A_724 : vector<1x1x1x16xf32> to vector<16xf32>
          %swap3A_726 = vector.shape_cast %add3A_718 : vector<16xf32> to vector<1x1x1x16xf32>
          tpu.vector_store %arg11[%swap3A_720, %swap3A_721, %swap3A_722, %swap3A_723], %swap3A_726 {strides = array<i32>} : memref<5x2x80x128xf32, #tpu.memory_space<vmem>>, vector<1x1x1x16xf32>,
          %get3A_727 = arith.constant 4 : i32
          %get3A_728 = arith.constant 0 : i32
          %get3A_729 = arith.index_cast %get3A_727 : i32 to index
          %get3A_730 = arith.index_cast %get3A_728 : i32 to index
          %get3A_731 = arith.index_cast %scan3A_702 : i32 to index
          %get3A_732 = arith.constant 16 : index
          %get3A_733 = tpu.vector_load %arg11[%get3A_729, %get3A_730, %get3A_731, %get3A_732] {strides = array<i32>} : memref<5x2x80x128xf32, #tpu.memory_space<vmem>>, vector<1x1x1x16xf32>,
          %get3A_734 = vector.shape_cast %get3A_733 : vector<1x1x1x16xf32> to vector<16xf32>
          %get3A_735 = arith.constant 4 : i32
          %get3A_736 = arith.constant 1 : i32
          %get3A_737 = arith.index_cast %get3A_735 : i32 to index
          %get3A_738 = arith.index_cast %get3A_736 : i32 to index
          %get3A_739 = arith.index_cast %scan3A_702 : i32 to index
          %get3A_740 = arith.constant 16 : index
          %get3A_741 = tpu.vector_load %arg11[%get3A_737, %get3A_738, %get3A_739, %get3A_740] {strides = array<i32>} : memref<5x2x80x128xf32, #tpu.memory_space<vmem>>, vector<1x1x1x16xf32>,
          %get3A_742 = vector.shape_cast %get3A_741 : vector<1x1x1x16xf32> to vector<16xf32>
          %add3A_743 = arith.addf %get3A_734, %get3A_742 : vector<16xf32>
          %swap3A_744 = arith.constant 4 : i32
          %swap3A_745 = arith.constant 0 : i32
          %swap3A_746 = arith.index_cast %swap3A_744 : i32 to index
          %swap3A_747 = arith.index_cast %swap3A_745 : i32 to index
          %swap3A_748 = arith.index_cast %scan3A_702 : i32 to index
          %swap3A_749 = arith.constant 16 : index
          %swap3A_750 = tpu.vector_load %arg11[%swap3A_746, %swap3A_747, %swap3A_748, %swap3A_749] {strides = array<i32>} : memref<5x2x80x128xf32, #tpu.memory_space<vmem>>, vector<1x1x1x16xf32>,
          %swap3A_751 = vector.shape_cast %swap3A_750 : vector<1x1x1x16xf32> to vector<16xf32>
          %swap3A_752 = vector.shape_cast %add3A_743 : vector<16xf32> to vector<1x1x1x16xf32>
          tpu.vector_store %arg11[%swap3A_746, %swap3A_747, %swap3A_748, %swap3A_749], %swap3A_752 {strides = array<i32>} : memref<5x2x80x128xf32, #tpu.memory_space<vmem>>, vector<1x1x1x16xf32>,
          %get3A_753 = arith.constant 4 : i32
          %get3A_754 = arith.constant 0 : i32
          %get3A_755 = arith.index_cast %get3A_753 : i32 to index
          %get3A_756 = arith.index_cast %get3A_754 : i32 to index
          %get3A_757 = arith.index_cast %scan3A_702 : i32 to index
          %get3A_758 = arith.constant 32 : index
          %get3A_759 = tpu.vector_load %arg11[%get3A_755, %get3A_756, %get3A_757, %get3A_758] {strides = array<i32>} : memref<5x2x80x128xf32, #tpu.memory_space<vmem>>, vector<1x1x1x16xf32>,
          %get3A_760 = vector.shape_cast %get3A_759 : vector<1x1x1x16xf32> to vector<16xf32>
          %get3A_761 = arith.constant 4 : i32
          %get3A_762 = arith.constant 1 : i32
          %get3A_763 = arith.index_cast %get3A_761 : i32 to index
          %get3A_764 = arith.index_cast %get3A_762 : i32 to index
          %get3A_765 = arith.index_cast %scan3A_702 : i32 to index
          %get3A_766 = arith.constant 32 : index
          %get3A_767 = tpu.vector_load %arg11[%get3A_763, %get3A_764, %get3A_765, %get3A_766] {strides = array<i32>} : memref<5x2x80x128xf32, #tpu.memory_space<vmem>>, vector<1x1x1x16xf32>,
          %get3A_768 = vector.shape_cast %get3A_767 : vector<1x1x1x16xf32> to vector<16xf32>
          %add3A_769 = arith.addf %get3A_760, %get3A_768 : vector<16xf32>
          %swap3A_770 = arith.constant 4 : i32
          %swap3A_771 = arith.constant 0 : i32
          %swap3A_772 = arith.index_cast %swap3A_770 : i32 to index
          %swap3A_773 = arith.index_cast %swap3A_771 : i32 to index
          %swap3A_774 = arith.index_cast %scan3A_702 : i32 to index
          %swap3A_775 = arith.constant 32 : index
          %swap3A_776 = tpu.vector_load %arg11[%swap3A_772, %swap3A_773, %swap3A_774, %swap3A_775] {strides = array<i32>} : memref<5x2x80x128xf32, #tpu.memory_space<vmem>>, vector<1x1x1x16xf32>,
          %swap3A_777 = vector.shape_cast %swap3A_776 : vector<1x1x1x16xf32> to vector<16xf32>
          %swap3A_778 = vector.shape_cast %add3A_769 : vector<16xf32> to vector<1x1x1x16xf32>
          tpu.vector_store %arg11[%swap3A_772, %swap3A_773, %swap3A_774, %swap3A_775], %swap3A_778 {strides = array<i32>} : memref<5x2x80x128xf32, #tpu.memory_space<vmem>>, vector<1x1x1x16xf32>,
          %get3A_779 = arith.constant 4 : i32
          %get3A_780 = arith.constant 0 : i32
          %get3A_781 = arith.index_cast %get3A_779 : i32 to index
          %get3A_782 = arith.index_cast %get3A_780 : i32 to index
          %get3A_783 = arith.index_cast %scan3A_702 : i32 to index
          %get3A_784 = arith.constant 48 : index
          %get3A_785 = tpu.vector_load %arg11[%get3A_781, %get3A_782, %get3A_783, %get3A_784] {strides = array<i32>} : memref<5x2x80x128xf32, #tpu.memory_space<vmem>>, vector<1x1x1x16xf32>,
          %get3A_786 = vector.shape_cast %get3A_785 : vector<1x1x1x16xf32> to vector<16xf32>
          %get3A_787 = arith.constant 4 : i32
          %get3A_788 = arith.constant 1 : i32
          %get3A_789 = arith.index_cast %get3A_787 : i32 to index
          %get3A_790 = arith.index_cast %get3A_788 : i32 to index
          %get3A_791 = arith.index_cast %scan3A_702 : i32 to index
          %get3A_792 = arith.constant 48 : index
          %get3A_793 = tpu.vector_load %arg11[%get3A_789, %get3A_790, %get3A_791, %get3A_792] {strides = array<i32>} : memref<5x2x80x128xf32, #tpu.memory_space<vmem>>, vector<1x1x1x16xf32>,
          %get3A_794 = vector.shape_cast %get3A_793 : vector<1x1x1x16xf32> to vector<16xf32>
          %add3A_795 = arith.addf %get3A_786, %get3A_794 : vector<16xf32>
          %swap3A_796 = arith.constant 4 : i32
          %swap3A_797 = arith.constant 0 : i32
          %swap3A_798 = arith.index_cast %swap3A_796 : i32 to index
          %swap3A_799 = arith.index_cast %swap3A_797 : i32 to index
          %swap3A_800 = arith.index_cast %scan3A_702 : i32 to index
          %swap3A_801 = arith.constant 48 : index
          %swap3A_802 = tpu.vector_load %arg11[%swap3A_798, %swap3A_799, %swap3A_800, %swap3A_801] {strides = array<i32>} : memref<5x2x80x128xf32, #tpu.memory_space<vmem>>, vector<1x1x1x16xf32>,
          %swap3A_803 = vector.shape_cast %swap3A_802 : vector<1x1x1x16xf32> to vector<16xf32>
          %swap3A_804 = vector.shape_cast %add3A_795 : vector<16xf32> to vector<1x1x1x16xf32>
          tpu.vector_store %arg11[%swap3A_798, %swap3A_799, %swap3A_800, %swap3A_801], %swap3A_804 {strides = array<i32>} : memref<5x2x80x128xf32, #tpu.memory_space<vmem>>, vector<1x1x1x16xf32>,
          %get3A_805 = arith.constant 4 : i32
          %get3A_806 = arith.constant 0 : i32
          %get3A_807 = arith.index_cast %get3A_805 : i32 to index
          %get3A_808 = arith.index_cast %get3A_806 : i32 to index
          %get3A_809 = arith.index_cast %scan3A_702 : i32 to index
          %get3A_810 = arith.constant 64 : index
          %get3A_811 = tpu.vector_load %arg11[%get3A_807, %get3A_808, %get3A_809, %get3A_810] {strides = array<i32>} : memref<5x2x80x128xf32, #tpu.memory_space<vmem>>, vector<1x1x1x16xf32>,
          %get3A_812 = vector.shape_cast %get3A_811 : vector<1x1x1x16xf32> to vector<16xf32>
          %get3A_813 = arith.constant 4 : i32
          %get3A_814 = arith.constant 1 : i32
          %get3A_815 = arith.index_cast %get3A_813 : i32 to index
          %get3A_816 = arith.index_cast %get3A_814 : i32 to index
          %get3A_817 = arith.index_cast %scan3A_702 : i32 to index
          %get3A_818 = arith.constant 64 : index
          %get3A_819 = tpu.vector_load %arg11[%get3A_815, %get3A_816, %get3A_817, %get3A_818] {strides = array<i32>} : memref<5x2x80x128xf32, #tpu.memory_space<vmem>>, vector<1x1x1x16xf32>,
          %get3A_820 = vector.shape_cast %get3A_819 : vector<1x1x1x16xf32> to vector<16xf32>
          %add3A_821 = arith.addf %get3A_812, %get3A_820 : vector<16xf32>
          %swap3A_822 = arith.constant 4 : i32
          %swap3A_823 = arith.constant 0 : i32
          %swap3A_824 = arith.index_cast %swap3A_822 : i32 to index
          %swap3A_825 = arith.index_cast %swap3A_823 : i32 to index
          %swap3A_826 = arith.index_cast %scan3A_702 : i32 to index
          %swap3A_827 = arith.constant 64 : index
          %swap3A_828 = tpu.vector_load %arg11[%swap3A_824, %swap3A_825, %swap3A_826, %swap3A_827] {strides = array<i32>} : memref<5x2x80x128xf32, #tpu.memory_space<vmem>>, vector<1x1x1x16xf32>,
          %swap3A_829 = vector.shape_cast %swap3A_828 : vector<1x1x1x16xf32> to vector<16xf32>
          %swap3A_830 = vector.shape_cast %add3A_821 : vector<16xf32> to vector<1x1x1x16xf32>
          tpu.vector_store %arg11[%swap3A_824, %swap3A_825, %swap3A_826, %swap3A_827], %swap3A_830 {strides = array<i32>} : memref<5x2x80x128xf32, #tpu.memory_space<vmem>>, vector<1x1x1x16xf32>,
          %get3A_831 = arith.constant 4 : i32
          %get3A_832 = arith.constant 0 : i32
          %get3A_833 = arith.index_cast %get3A_831 : i32 to index
          %get3A_834 = arith.index_cast %get3A_832 : i32 to index
          %get3A_835 = arith.index_cast %scan3A_702 : i32 to index
          %get3A_836 = arith.constant 80 : index
          %get3A_837 = tpu.vector_load %arg11[%get3A_833, %get3A_834, %get3A_835, %get3A_836] {strides = array<i32>} : memref<5x2x80x128xf32, #tpu.memory_space<vmem>>, vector<1x1x1x16xf32>,
          %get3A_838 = vector.shape_cast %get3A_837 : vector<1x1x1x16xf32> to vector<16xf32>
          %get3A_839 = arith.constant 4 : i32
          %get3A_840 = arith.constant 1 : i32
          %get3A_841 = arith.index_cast %get3A_839 : i32 to index
          %get3A_842 = arith.index_cast %get3A_840 : i32 to index
          %get3A_843 = arith.index_cast %scan3A_702 : i32 to index
          %get3A_844 = arith.constant 80 : index
          %get3A_845 = tpu.vector_load %arg11[%get3A_841, %get3A_842, %get3A_843, %get3A_844] {strides = array<i32>} : memref<5x2x80x128xf32, #tpu.memory_space<vmem>>, vector<1x1x1x16xf32>,
          %get3A_846 = vector.shape_cast %get3A_845 : vector<1x1x1x16xf32> to vector<16xf32>
          %add3A_847 = arith.addf %get3A_838, %get3A_846 : vector<16xf32>
          %swap3A_848 = arith.constant 4 : i32
          %swap3A_849 = arith.constant 0 : i32
          %swap3A_850 = arith.index_cast %swap3A_848 : i32 to index
          %swap3A_851 = arith.index_cast %swap3A_849 : i32 to index
          %swap3A_852 = arith.index_cast %scan3A_702 : i32 to index
          %swap3A_853 = arith.constant 80 : index
          %swap3A_854 = tpu.vector_load %arg11[%swap3A_850, %swap3A_851, %swap3A_852, %swap3A_853] {strides = array<i32>} : memref<5x2x80x128xf32, #tpu.memory_space<vmem>>, vector<1x1x1x16xf32>,
          %swap3A_855 = vector.shape_cast %swap3A_854 : vector<1x1x1x16xf32> to vector<16xf32>
          %swap3A_856 = vector.shape_cast %add3A_847 : vector<16xf32> to vector<1x1x1x16xf32>
          tpu.vector_store %arg11[%swap3A_850, %swap3A_851, %swap3A_852, %swap3A_853], %swap3A_856 {strides = array<i32>} : memref<5x2x80x128xf32, #tpu.memory_space<vmem>>, vector<1x1x1x16xf32>,
          %get3A_857 = arith.constant 4 : i32
          %get3A_858 = arith.constant 0 : i32
          %get3A_859 = arith.index_cast %get3A_857 : i32 to index
          %get3A_860 = arith.index_cast %get3A_858 : i32 to index
          %get3A_861 = arith.index_cast %scan3A_702 : i32 to index
          %get3A_862 = arith.constant 96 : index
          %get3A_863 = tpu.vector_load %arg11[%get3A_859, %get3A_860, %get3A_861, %get3A_862] {strides = array<i32>} : memref<5x2x80x128xf32, #tpu.memory_space<vmem>>, vector<1x1x1x16xf32>,
          %get3A_864 = vector.shape_cast %get3A_863 : vector<1x1x1x16xf32> to vector<16xf32>
          %get3A_865 = arith.constant 4 : i32
          %get3A_866 = arith.constant 1 : i32
          %get3A_867 = arith.index_cast %get3A_865 : i32 to index
          %get3A_868 = arith.index_cast %get3A_866 : i32 to index
          %get3A_869 = arith.index_cast %scan3A_702 : i32 to index
          %get3A_870 = arith.constant 96 : index
          %get3A_871 = tpu.vector_load %arg11[%get3A_867, %get3A_868, %get3A_869, %get3A_870] {strides = array<i32>} : memref<5x2x80x128xf32, #tpu.memory_space<vmem>>, vector<1x1x1x16xf32>,
          %get3A_872 = vector.shape_cast %get3A_871 : vector<1x1x1x16xf32> to vector<16xf32>
          %add3A_873 = arith.addf %get3A_864, %get3A_872 : vector<16xf32>
          %swap3A_874 = arith.constant 4 : i32
          %swap3A_875 = arith.constant 0 : i32
          %swap3A_876 = arith.index_cast %swap3A_874 : i32 to index
          %swap3A_877 = arith.index_cast %swap3A_875 : i32 to index
          %swap3A_878 = arith.index_cast %scan3A_702 : i32 to index
          %swap3A_879 = arith.constant 96 : index
          %swap3A_880 = tpu.vector_load %arg11[%swap3A_876, %swap3A_877, %swap3A_878, %swap3A_879] {strides = array<i32>} : memref<5x2x80x128xf32, #tpu.memory_space<vmem>>, vector<1x1x1x16xf32>,
          %swap3A_881 = vector.shape_cast %swap3A_880 : vector<1x1x1x16xf32> to vector<16xf32>
          %swap3A_882 = vector.shape_cast %add3A_873 : vector<16xf32> to vector<1x1x1x16xf32>
          tpu.vector_store %arg11[%swap3A_876, %swap3A_877, %swap3A_878, %swap3A_879], %swap3A_882 {strides = array<i32>} : memref<5x2x80x128xf32, #tpu.memory_space<vmem>>, vector<1x1x1x16xf32>,
          %get3A_883 = arith.constant 4 : i32
          %get3A_884 = arith.constant 0 : i32
          %get3A_885 = arith.index_cast %get3A_883 : i32 to index
          %get3A_886 = arith.index_cast %get3A_884 : i32 to index
          %get3A_887 = arith.index_cast %scan3A_702 : i32 to index
          %get3A_888 = arith.constant 112 : index
          %get3A_889 = tpu.vector_load %arg11[%get3A_885, %get3A_886, %get3A_887, %get3A_888] {strides = array<i32>} : memref<5x2x80x128xf32, #tpu.memory_space<vmem>>, vector<1x1x1x16xf32>,
          %get3A_890 = vector.shape_cast %get3A_889 : vector<1x1x1x16xf32> to vector<16xf32>
          %get3A_891 = arith.constant 4 : i32
          %get3A_892 = arith.constant 1 : i32
          %get3A_893 = arith.index_cast %get3A_891 : i32 to index
          %get3A_894 = arith.index_cast %get3A_892 : i32 to index
          %get3A_895 = arith.index_cast %scan3A_702 : i32 to index
          %get3A_896 = arith.constant 112 : index
          %get3A_897 = tpu.vector_load %arg11[%get3A_893, %get3A_894, %get3A_895, %get3A_896] {strides = array<i32>} : memref<5x2x80x128xf32, #tpu.memory_space<vmem>>, vector<1x1x1x16xf32>,
          %get3A_898 = vector.shape_cast %get3A_897 : vector<1x1x1x16xf32> to vector<16xf32>
          %add3A_899 = arith.addf %get3A_890, %get3A_898 : vector<16xf32>
          %swap3A_900 = arith.constant 4 : i32
          %swap3A_901 = arith.constant 0 : i32
          %swap3A_902 = arith.index_cast %swap3A_900 : i32 to index
          %swap3A_903 = arith.index_cast %swap3A_901 : i32 to index
          %swap3A_904 = arith.index_cast %scan3A_702 : i32 to index
          %swap3A_905 = arith.constant 112 : index
          %swap3A_906 = tpu.vector_load %arg11[%swap3A_902, %swap3A_903, %swap3A_904, %swap3A_905] {strides = array<i32>} : memref<5x2x80x128xf32, #tpu.memory_space<vmem>>, vector<1x1x1x16xf32>,
          %swap3A_907 = vector.shape_cast %swap3A_906 : vector<1x1x1x16xf32> to vector<16xf32>
          %swap3A_908 = vector.shape_cast %add3A_899 : vector<16xf32> to vector<1x1x1x16xf32>
          tpu.vector_store %arg11[%swap3A_902, %swap3A_903, %swap3A_904, %swap3A_905], %swap3A_908 {strides = array<i32>} : memref<5x2x80x128xf32, #tpu.memory_space<vmem>>, vector<1x1x1x16xf32>,
        }
        %scan3A_684 = arith.constant 80 : i32
        %mul3A_685 = arith.constant 80 : i32
        %mul3A_686 = arith.muli %sub3A_646, %mul3A_685 : i32
        %add3A_687 = arith.addi %mul3A_2, %mul3A_686 : i32
        %dma_start3A_688 = arith.constant 4 : i32
        %dma_start3A_689 = arith.constant 0 : i32
        %dma_start3A_690 = arith.constant 0 : i32
        %dma_start3A_691 = arith.constant 0 : i32
        %dma_start3A_692 = tpu.memref_slice %arg11[%dma_start3A_688, %dma_start3A_689, %dma_start3A_690, %dma_start3A_691] : memref<5x2x80x128xf32, #tpu.memory_space<vmem>> -> memref<1x1x80x128xf32, #tpu.memory_space<vmem>>
        %dma_start3A_693 = tpu.memref_squeeze %dma_start3A_692 : memref<1x1x80x128xf32, #tpu.memory_space<vmem>> -> memref<80x128xf32, #tpu.memory_space<vmem>>
        %dma_start3A_694 = arith.constant 0 : i32
        %dma_start3A_695 = tpu.memref_slice %arg5[%add3A_687, %dma_start3A_694] : memref<320000x128xf32, #tpu.memory_space<hbm>> -> memref<80x128xf32, #tpu.memory_space<hbm>>
        %dma_start3A_696 = arith.constant 0 : i32
        %dma_start3A_697 = tpu.memref_slice %arg5[%add3A_687, %dma_start3A_696] : memref<320000x128xf32, #tpu.memory_space<hbm>> -> memref<80x128xf32, #tpu.memory_space<hbm>>
        %dma_start3A_698 = arith.constant 0 : i32
        %dma_start3A_699 = arith.constant 0 : i32
        %dma_start3A_700 = tpu.memref_slice %arg11[%dma_start3A_688, %dma_start3A_689, %dma_start3A_698, %dma_start3A_699] : memref<5x2x80x128xf32, #tpu.memory_space<vmem>> -> memref<1x1x80x128xf32, #tpu.memory_space<vmem>>
        %dma_start3A_701 = tpu.memref_squeeze %dma_start3A_700 : memref<1x1x80x128xf32, #tpu.memory_space<vmem>> -> memref<80x128xf32, #tpu.memory_space<vmem>>
        tpu.enqueue_dma source(%dma_start3A_701 : memref<80x128xf32, #tpu.memory_space<vmem>>) target(%dma_start3A_697 : memref<80x128xf32, #tpu.memory_space<hbm>>) target_semaphore(%arg26 : memref<!tpu.dma_semaphore, #tpu.memory_space<semaphore_mem>>)
      } else {
      }
      %mul3A_319 = arith.constant 5 : i32
      %mul3A_320 = arith.muli %scan3A_203, %mul3A_319 : i32
      %add3A_321 = arith.constant 2 : i32
      %add3A_322 = arith.addi %mul3A_320, %add3A_321 : i32
      %gt3A_323 = arith.constant 0 : i32
      %gt3A_324 = arith.cmpi sgt, %scan3A_203, %gt3A_323 : i32
      %convert_element_type3A_325 = arith.extui %gt3A_324 : i1 to i32
      %cond3A_326 = arith.constant 0 : i32
      %cond3A_327 = arith.cmpi ne, %convert_element_type3A_325, %cond3A_326 : i32
      scf.if %cond3A_327 {
        %dma_wait3A_645 = arith.constant 2 : i32
        %dma_wait3A_646 = arith.constant 0 : i32
        %dma_wait3A_647 = arith.constant 0 : i32
        %dma_wait3A_648 = arith.constant 0 : i32
        %dma_wait3A_649 = tpu.memref_slice %arg11[%dma_wait3A_645, %dma_wait3A_646, %dma_wait3A_647, %dma_wait3A_648] : memref<5x2x80x128xf32, #tpu.memory_space<vmem>> -> memref<1x1x80x128xf32, #tpu.memory_space<vmem>>
        %dma_wait3A_650 = tpu.memref_squeeze %dma_wait3A_649 : memref<1x1x80x128xf32, #tpu.memory_space<vmem>> -> memref<80x128xf32, #tpu.memory_space<vmem>>
        %dma_wait3A_651 = arith.constant 0 : i32
        %dma_wait3A_652 = arith.constant 0 : i32
        %dma_wait3A_653 = tpu.memref_slice %arg2[%dma_wait3A_651, %dma_wait3A_652] : memref<10000x128xf32, #tpu.memory_space<hbm>> -> memref<80x128xf32, #tpu.memory_space<hbm>>
        %dma_wait3A_654 = arith.constant 0 : i32
        %dma_wait3A_655 = arith.constant 0 : i32
        %dma_wait3A_656 = tpu.memref_slice %arg11[%dma_wait3A_645, %dma_wait3A_646, %dma_wait3A_654, %dma_wait3A_655] : memref<5x2x80x128xf32, #tpu.memory_space<vmem>> -> memref<1x1x80x128xf32, #tpu.memory_space<vmem>>
        %dma_wait3A_657 = tpu.memref_squeeze %dma_wait3A_656 : memref<1x1x80x128xf32, #tpu.memory_space<vmem>> -> memref<80x128xf32, #tpu.memory_space<vmem>>
        %dma_wait3A_658 = arith.constant 0 : i32
        %dma_wait3A_659 = arith.constant 0 : i32
        %dma_wait3A_660 = tpu.memref_slice %arg2[%dma_wait3A_658, %dma_wait3A_659] : memref<10000x128xf32, #tpu.memory_space<hbm>> -> memref<80x128xf32, #tpu.memory_space<hbm>>
        tpu.wait_dma2 semaphore(%arg24 : memref<!tpu.dma_semaphore, #tpu.memory_space<semaphore_mem>>) src(%dma_wait3A_660 : memref<80x128xf32, #tpu.memory_space<hbm>>) dst(%dma_wait3A_657 : memref<80x128xf32, #tpu.memory_space<vmem>>)
      } else {
      }
      %dma_wait3A_328 = arith.constant 0 : i32
      %dma_wait3A_329 = arith.constant 0 : i32
      %dma_wait3A_330 = arith.constant 0 : i32
      %dma_wait3A_331 = tpu.memref_slice %arg4[%add3A, %dma_wait3A_328, %dma_wait3A_329, %dma_wait3A_330] : memref<32x125x2x80xi32, #tpu.memory_space<hbm>> -> memref<1x1x2x80xi32, #tpu.memory_space<hbm>>
      %dma_wait3A_332 = tpu.memref_squeeze %dma_wait3A_331 : memref<1x1x2x80xi32, #tpu.memory_space<hbm>> -> memref<2x80xi32, #tpu.memory_space<hbm>>
      %dma_wait3A_333 = arith.constant 0 : i32
      %dma_wait3A_334 = arith.constant 0 : i32
      %dma_wait3A_335 = tpu.memref_slice %arg4[%add3A, %dma_wait3A_328, %dma_wait3A_333, %dma_wait3A_334] : memref<32x125x2x80xi32, #tpu.memory_space<hbm>> -> memref<1x1x2x80xi32, #tpu.memory_space<hbm>>
      %dma_wait3A_336 = tpu.memref_squeeze %dma_wait3A_335 : memref<1x1x2x80xi32, #tpu.memory_space<hbm>> -> memref<2x80xi32, #tpu.memory_space<hbm>>
      tpu.wait_dma2 semaphore(%arg19 : memref<!tpu.dma_semaphore, #tpu.memory_space<semaphore_mem>>) src(%dma_wait3A_336 : memref<2x80xi32, #tpu.memory_space<hbm>>) dst(%arg8 : memref<2x80xi32, #tpu.memory_space<vmem>>)
      %dma_start3A_337 = arith.constant 0 : i32
      %dma_start3A_338 = arith.constant 2 : i32
      %dma_start3A_339 = arith.constant 0 : i32
      %dma_start3A_340 = arith.constant 0 : i32
      %dma_start3A_341 = arith.constant 0 : i32
      %dma_start3A_342 = tpu.memref_slice %arg11[%dma_start3A_338, %dma_start3A_339, %dma_start3A_340, %dma_start3A_341] : memref<5x2x80x128xf32, #tpu.memory_space<vmem>> -> memref<1x1x80x128xf32, #tpu.memory_space<vmem>>
      %dma_start3A_343 = tpu.memref_squeeze %dma_start3A_342 : memref<1x1x80x128xf32, #tpu.memory_space<vmem>> -> memref<80x128xf32, #tpu.memory_space<vmem>>
      %dma_start3A_344 = arith.constant 0 : i32
      %dma_start3A_345 = tpu.memref_slice %arg8[%dma_start3A_337, %dma_start3A_344] : memref<2x80xi32, #tpu.memory_space<vmem>> -> memref<1x80xi32, #tpu.memory_space<vmem>>
      %dma_start3A_346 = tpu.memref_squeeze %dma_start3A_345 : memref<1x80xi32, #tpu.memory_space<vmem>> -> memref<80xi32, #tpu.memory_space<vmem>>
      %dma_start3A_347 = arith.constant 0 : i32
      %dma_start3A_348 = arith.constant 0 : i32
      %dma_start3A_349 = tpu.memref_slice %arg2[%dma_start3A_347, %dma_start3A_348] : memref<10000x128xf32, #tpu.memory_space<hbm>> -> memref<10000x128xf32, #tpu.memory_space<hbm>>
      tpu.enqueue_indirect_dma source(%dma_start3A_349 : memref<10000x128xf32, #tpu.memory_space<hbm>>) target(%dma_start3A_343 : memref<80x128xf32, #tpu.memory_space<vmem>>) offsets(%dma_start3A_346 : memref<80xi32, #tpu.memory_space<vmem>>) semaphore(%arg14 : memref<!tpu.dma_semaphore, #tpu.memory_space<semaphore_mem>>)
      %dma_start3A_350 = arith.constant 1 : i32
      %dma_start3A_351 = arith.constant 2 : i32
      %dma_start3A_352 = arith.constant 1 : i32
      %dma_start3A_353 = arith.constant 0 : i32
      %dma_start3A_354 = arith.constant 0 : i32
      %dma_start3A_355 = tpu.memref_slice %arg11[%dma_start3A_351, %dma_start3A_352, %dma_start3A_353, %dma_start3A_354] : memref<5x2x80x128xf32, #tpu.memory_space<vmem>> -> memref<1x1x80x128xf32, #tpu.memory_space<vmem>>
      %dma_start3A_356 = tpu.memref_squeeze %dma_start3A_355 : memref<1x1x80x128xf32, #tpu.memory_space<vmem>> -> memref<80x128xf32, #tpu.memory_space<vmem>>
      %dma_start3A_357 = arith.constant 0 : i32
      %dma_start3A_358 = tpu.memref_slice %arg8[%dma_start3A_350, %dma_start3A_357] : memref<2x80xi32, #tpu.memory_space<vmem>> -> memref<1x80xi32, #tpu.memory_space<vmem>>
      %dma_start3A_359 = tpu.memref_squeeze %dma_start3A_358 : memref<1x80xi32, #tpu.memory_space<vmem>> -> memref<80xi32, #tpu.memory_space<vmem>>
      %dma_start3A_360 = arith.constant 0 : i32
      %dma_start3A_361 = arith.constant 0 : i32
      %dma_start3A_362 = tpu.memref_slice %arg3[%dma_start3A_360, %dma_start3A_361] : memref<10000x128xf32, #tpu.memory_space<hbm>> -> memref<10000x128xf32, #tpu.memory_space<hbm>>
      tpu.enqueue_indirect_dma source(%dma_start3A_362 : memref<10000x128xf32, #tpu.memory_space<hbm>>) target(%dma_start3A_356 : memref<80x128xf32, #tpu.memory_space<vmem>>) offsets(%dma_start3A_359 : memref<80xi32, #tpu.memory_space<vmem>>) semaphore(%arg14 : memref<!tpu.dma_semaphore, #tpu.memory_space<semaphore_mem>>)
      %add3A_363 = arith.constant 1 : i32
      %add3A_364 = arith.addi %add3A_322, %add3A_363 : i32
      %dma_start3A_365 = arith.constant 0 : i32
      %dma_start3A_366 = arith.constant 0 : i32
      %dma_start3A_367 = tpu.memref_slice %arg4[%add3A, %add3A_364, %dma_start3A_365, %dma_start3A_366] : memref<32x125x2x80xi32, #tpu.memory_space<hbm>> -> memref<1x1x2x80xi32, #tpu.memory_space<hbm>>
      %dma_start3A_368 = tpu.memref_squeeze %dma_start3A_367 : memref<1x1x2x80xi32, #tpu.memory_space<hbm>> -> memref<2x80xi32, #tpu.memory_space<hbm>>
      %dma_start3A_369 = arith.constant 0 : i32
      %dma_start3A_370 = arith.constant 0 : i32
      %dma_start3A_371 = tpu.memref_slice %arg4[%add3A, %add3A_364, %dma_start3A_369, %dma_start3A_370] : memref<32x125x2x80xi32, #tpu.memory_space<hbm>> -> memref<1x1x2x80xi32, #tpu.memory_space<hbm>>
      %dma_start3A_372 = tpu.memref_squeeze %dma_start3A_371 : memref<1x1x2x80xi32, #tpu.memory_space<hbm>> -> memref<2x80xi32, #tpu.memory_space<hbm>>
      tpu.enqueue_dma source(%dma_start3A_372 : memref<2x80xi32, #tpu.memory_space<hbm>>) target(%arg9 : memref<2x80xi32, #tpu.memory_space<vmem>>) target_semaphore(%arg20 : memref<!tpu.dma_semaphore, #tpu.memory_space<semaphore_mem>>)
      %sub3A = arith.constant 2 : i32
      %sub3A_373 = arith.subi %add3A_322, %sub3A : i32
      %dma_wait3A_374 = arith.constant 0 : i32
      %dma_wait3A_375 = arith.constant 0 : i32
      %dma_wait3A_376 = arith.constant 0 : i32
      %dma_wait3A_377 = arith.constant 0 : i32
      %dma_wait3A_378 = tpu.memref_slice %arg11[%dma_wait3A_374, %dma_wait3A_375, %dma_wait3A_376, %dma_wait3A_377] : memref<5x2x80x128xf32, #tpu.memory_space<vmem>> -> memref<1x1x80x128xf32, #tpu.memory_space<vmem>>
      %dma_wait3A_379 = tpu.memref_squeeze %dma_wait3A_378 : memref<1x1x80x128xf32, #tpu.memory_space<vmem>> -> memref<80x128xf32, #tpu.memory_space<vmem>>
      %dma_wait3A_380 = arith.constant 0 : i32
      %dma_wait3A_381 = arith.constant 0 : i32
      %dma_wait3A_382 = tpu.memref_slice %arg2[%dma_wait3A_380, %dma_wait3A_381] : memref<10000x128xf32, #tpu.memory_space<hbm>> -> memref<80x128xf32, #tpu.memory_space<hbm>>
      %dma_wait3A_383 = arith.constant 0 : i32
      %dma_wait3A_384 = arith.constant 0 : i32
      %dma_wait3A_385 = tpu.memref_slice %arg11[%dma_wait3A_374, %dma_wait3A_375, %dma_wait3A_383, %dma_wait3A_384] : memref<5x2x80x128xf32, #tpu.memory_space<vmem>> -> memref<1x1x80x128xf32, #tpu.memory_space<vmem>>
      %dma_wait3A_386 = tpu.memref_squeeze %dma_wait3A_385 : memref<1x1x80x128xf32, #tpu.memory_space<vmem>> -> memref<80x128xf32, #tpu.memory_space<vmem>>
      %dma_wait3A_387 = arith.constant 0 : i32
      %dma_wait3A_388 = arith.constant 0 : i32
      %dma_wait3A_389 = tpu.memref_slice %arg2[%dma_wait3A_387, %dma_wait3A_388] : memref<10000x128xf32, #tpu.memory_space<hbm>> -> memref<80x128xf32, #tpu.memory_space<hbm>>
      tpu.wait_dma2 semaphore(%arg12 : memref<!tpu.dma_semaphore, #tpu.memory_space<semaphore_mem>>) src(%dma_wait3A_389 : memref<80x128xf32, #tpu.memory_space<hbm>>) dst(%dma_wait3A_386 : memref<80x128xf32, #tpu.memory_space<vmem>>)
      %dma_wait3A_390 = arith.constant 0 : i32
      %dma_wait3A_391 = arith.constant 0 : i32
      %dma_wait3A_392 = arith.constant 0 : i32
      %dma_wait3A_393 = arith.constant 0 : i32
      %dma_wait3A_394 = tpu.memref_slice %arg11[%dma_wait3A_390, %dma_wait3A_391, %dma_wait3A_392, %dma_wait3A_393] : memref<5x2x80x128xf32, #tpu.memory_space<vmem>> -> memref<1x1x80x128xf32, #tpu.memory_space<vmem>>
      %dma_wait3A_395 = tpu.memref_squeeze %dma_wait3A_394 : memref<1x1x80x128xf32, #tpu.memory_space<vmem>> -> memref<80x128xf32, #tpu.memory_space<vmem>>
      %dma_wait3A_396 = arith.constant 0 : i32
      %dma_wait3A_397 = arith.constant 0 : i32
      %dma_wait3A_398 = tpu.memref_slice %arg2[%dma_wait3A_396, %dma_wait3A_397] : memref<10000x128xf32, #tpu.memory_space<hbm>> -> memref<80x128xf32, #tpu.memory_space<hbm>>
      %dma_wait3A_399 = arith.constant 0 : i32
      %dma_wait3A_400 = arith.constant 0 : i32
      %dma_wait3A_401 = tpu.memref_slice %arg11[%dma_wait3A_390, %dma_wait3A_391, %dma_wait3A_399, %dma_wait3A_400] : memref<5x2x80x128xf32, #tpu.memory_space<vmem>> -> memref<1x1x80x128xf32, #tpu.memory_space<vmem>>
      %dma_wait3A_402 = tpu.memref_squeeze %dma_wait3A_401 : memref<1x1x80x128xf32, #tpu.memory_space<vmem>> -> memref<80x128xf32, #tpu.memory_space<vmem>>
      %dma_wait3A_403 = arith.constant 0 : i32
      %dma_wait3A_404 = arith.constant 0 : i32
      %dma_wait3A_405 = tpu.memref_slice %arg2[%dma_wait3A_403, %dma_wait3A_404] : memref<10000x128xf32, #tpu.memory_space<hbm>> -> memref<80x128xf32, #tpu.memory_space<hbm>>
      tpu.wait_dma2 semaphore(%arg12 : memref<!tpu.dma_semaphore, #tpu.memory_space<semaphore_mem>>) src(%dma_wait3A_405 : memref<80x128xf32, #tpu.memory_space<hbm>>) dst(%dma_wait3A_402 : memref<80x128xf32, #tpu.memory_space<vmem>>)
      %scan3A_406 = arith.constant 0 : i32
      %scan3A_407 = arith.constant 0 : i32
      %scan3A_408 = arith.constant 80 : i32
      %scan3A_409 = arith.addi %scan3A_407, %scan3A_408 : i32
      %scan3A_410 = arith.constant 1 : i32
      scf.for %scan3A_645 = %scan3A_407 to %scan3A_409 step %scan3A_410  : i32 {
        %get3A = arith.constant 0 : i32
        %get3A_646 = arith.constant 0 : i32
        %get3A_647 = arith.index_cast %get3A : i32 to index
        %get3A_648 = arith.index_cast %get3A_646 : i32 to index
        %get3A_649 = arith.index_cast %scan3A_645 : i32 to index
        %get3A_650 = arith.constant 0 : index
        %get3A_651 = tpu.vector_load %arg11[%get3A_647, %get3A_648, %get3A_649, %get3A_650] {strides = array<i32>} : memref<5x2x80x128xf32, #tpu.memory_space<vmem>>, vector<1x1x1x16xf32>,
        %get3A_652 = vector.shape_cast %get3A_651 : vector<1x1x1x16xf32> to vector<16xf32>
        %get3A_653 = arith.constant 0 : i32
        %get3A_654 = arith.constant 1 : i32
        %get3A_655 = arith.index_cast %get3A_653 : i32 to index
        %get3A_656 = arith.index_cast %get3A_654 : i32 to index
        %get3A_657 = arith.index_cast %scan3A_645 : i32 to index
        %get3A_658 = arith.constant 0 : index
        %get3A_659 = tpu.vector_load %arg11[%get3A_655, %get3A_656, %get3A_657, %get3A_658] {strides = array<i32>} : memref<5x2x80x128xf32, #tpu.memory_space<vmem>>, vector<1x1x1x16xf32>,
        %get3A_660 = vector.shape_cast %get3A_659 : vector<1x1x1x16xf32> to vector<16xf32>
        %add3A_661 = arith.addf %get3A_652, %get3A_660 : vector<16xf32>
        %swap3A = arith.constant 0 : i32
        %swap3A_662 = arith.constant 0 : i32
        %swap3A_663 = arith.index_cast %swap3A : i32 to index
        %swap3A_664 = arith.index_cast %swap3A_662 : i32 to index
        %swap3A_665 = arith.index_cast %scan3A_645 : i32 to index
        %swap3A_666 = arith.constant 0 : index
        %swap3A_667 = tpu.vector_load %arg11[%swap3A_663, %swap3A_664, %swap3A_665, %swap3A_666] {strides = array<i32>} : memref<5x2x80x128xf32, #tpu.memory_space<vmem>>, vector<1x1x1x16xf32>,
        %swap3A_668 = vector.shape_cast %swap3A_667 : vector<1x1x1x16xf32> to vector<16xf32>
        %swap3A_669 = vector.shape_cast %add3A_661 : vector<16xf32> to vector<1x1x1x16xf32>
        tpu.vector_store %arg11[%swap3A_663, %swap3A_664, %swap3A_665, %swap3A_666], %swap3A_669 {strides = array<i32>} : memref<5x2x80x128xf32, #tpu.memory_space<vmem>>, vector<1x1x1x16xf32>,
        %get3A_670 = arith.constant 0 : i32
        %get3A_671 = arith.constant 0 : i32
        %get3A_672 = arith.index_cast %get3A_670 : i32 to index
        %get3A_673 = arith.index_cast %get3A_671 : i32 to index
        %get3A_674 = arith.index_cast %scan3A_645 : i32 to index
        %get3A_675 = arith.constant 16 : index
        %get3A_676 = tpu.vector_load %arg11[%get3A_672, %get3A_673, %get3A_674, %get3A_675] {strides = array<i32>} : memref<5x2x80x128xf32, #tpu.memory_space<vmem>>, vector<1x1x1x16xf32>,
        %get3A_677 = vector.shape_cast %get3A_676 : vector<1x1x1x16xf32> to vector<16xf32>
        %get3A_678 = arith.constant 0 : i32
        %get3A_679 = arith.constant 1 : i32
        %get3A_680 = arith.index_cast %get3A_678 : i32 to index
        %get3A_681 = arith.index_cast %get3A_679 : i32 to index
        %get3A_682 = arith.index_cast %scan3A_645 : i32 to index
        %get3A_683 = arith.constant 16 : index
        %get3A_684 = tpu.vector_load %arg11[%get3A_680, %get3A_681, %get3A_682, %get3A_683] {strides = array<i32>} : memref<5x2x80x128xf32, #tpu.memory_space<vmem>>, vector<1x1x1x16xf32>,
        %get3A_685 = vector.shape_cast %get3A_684 : vector<1x1x1x16xf32> to vector<16xf32>
        %add3A_686 = arith.addf %get3A_677, %get3A_685 : vector<16xf32>
        %swap3A_687 = arith.constant 0 : i32
        %swap3A_688 = arith.constant 0 : i32
        %swap3A_689 = arith.index_cast %swap3A_687 : i32 to index
        %swap3A_690 = arith.index_cast %swap3A_688 : i32 to index
        %swap3A_691 = arith.index_cast %scan3A_645 : i32 to index
        %swap3A_692 = arith.constant 16 : index
        %swap3A_693 = tpu.vector_load %arg11[%swap3A_689, %swap3A_690, %swap3A_691, %swap3A_692] {strides = array<i32>} : memref<5x2x80x128xf32, #tpu.memory_space<vmem>>, vector<1x1x1x16xf32>,
        %swap3A_694 = vector.shape_cast %swap3A_693 : vector<1x1x1x16xf32> to vector<16xf32>
        %swap3A_695 = vector.shape_cast %add3A_686 : vector<16xf32> to vector<1x1x1x16xf32>
        tpu.vector_store %arg11[%swap3A_689, %swap3A_690, %swap3A_691, %swap3A_692], %swap3A_695 {strides = array<i32>} : memref<5x2x80x128xf32, #tpu.memory_space<vmem>>, vector<1x1x1x16xf32>,
        %get3A_696 = arith.constant 0 : i32
        %get3A_697 = arith.constant 0 : i32
        %get3A_698 = arith.index_cast %get3A_696 : i32 to index
        %get3A_699 = arith.index_cast %get3A_697 : i32 to index
        %get3A_700 = arith.index_cast %scan3A_645 : i32 to index
        %get3A_701 = arith.constant 32 : index
        %get3A_702 = tpu.vector_load %arg11[%get3A_698, %get3A_699, %get3A_700, %get3A_701] {strides = array<i32>} : memref<5x2x80x128xf32, #tpu.memory_space<vmem>>, vector<1x1x1x16xf32>,
        %get3A_703 = vector.shape_cast %get3A_702 : vector<1x1x1x16xf32> to vector<16xf32>
        %get3A_704 = arith.constant 0 : i32
        %get3A_705 = arith.constant 1 : i32
        %get3A_706 = arith.index_cast %get3A_704 : i32 to index
        %get3A_707 = arith.index_cast %get3A_705 : i32 to index
        %get3A_708 = arith.index_cast %scan3A_645 : i32 to index
        %get3A_709 = arith.constant 32 : index
        %get3A_710 = tpu.vector_load %arg11[%get3A_706, %get3A_707, %get3A_708, %get3A_709] {strides = array<i32>} : memref<5x2x80x128xf32, #tpu.memory_space<vmem>>, vector<1x1x1x16xf32>,
        %get3A_711 = vector.shape_cast %get3A_710 : vector<1x1x1x16xf32> to vector<16xf32>
        %add3A_712 = arith.addf %get3A_703, %get3A_711 : vector<16xf32>
        %swap3A_713 = arith.constant 0 : i32
        %swap3A_714 = arith.constant 0 : i32
        %swap3A_715 = arith.index_cast %swap3A_713 : i32 to index
        %swap3A_716 = arith.index_cast %swap3A_714 : i32 to index
        %swap3A_717 = arith.index_cast %scan3A_645 : i32 to index
        %swap3A_718 = arith.constant 32 : index
        %swap3A_719 = tpu.vector_load %arg11[%swap3A_715, %swap3A_716, %swap3A_717, %swap3A_718] {strides = array<i32>} : memref<5x2x80x128xf32, #tpu.memory_space<vmem>>, vector<1x1x1x16xf32>,
        %swap3A_720 = vector.shape_cast %swap3A_719 : vector<1x1x1x16xf32> to vector<16xf32>
        %swap3A_721 = vector.shape_cast %add3A_712 : vector<16xf32> to vector<1x1x1x16xf32>
        tpu.vector_store %arg11[%swap3A_715, %swap3A_716, %swap3A_717, %swap3A_718], %swap3A_721 {strides = array<i32>} : memref<5x2x80x128xf32, #tpu.memory_space<vmem>>, vector<1x1x1x16xf32>,
        %get3A_722 = arith.constant 0 : i32
        %get3A_723 = arith.constant 0 : i32
        %get3A_724 = arith.index_cast %get3A_722 : i32 to index
        %get3A_725 = arith.index_cast %get3A_723 : i32 to index
        %get3A_726 = arith.index_cast %scan3A_645 : i32 to index
        %get3A_727 = arith.constant 48 : index
        %get3A_728 = tpu.vector_load %arg11[%get3A_724, %get3A_725, %get3A_726, %get3A_727] {strides = array<i32>} : memref<5x2x80x128xf32, #tpu.memory_space<vmem>>, vector<1x1x1x16xf32>,
        %get3A_729 = vector.shape_cast %get3A_728 : vector<1x1x1x16xf32> to vector<16xf32>
        %get3A_730 = arith.constant 0 : i32
        %get3A_731 = arith.constant 1 : i32
        %get3A_732 = arith.index_cast %get3A_730 : i32 to index
        %get3A_733 = arith.index_cast %get3A_731 : i32 to index
        %get3A_734 = arith.index_cast %scan3A_645 : i32 to index
        %get3A_735 = arith.constant 48 : index
        %get3A_736 = tpu.vector_load %arg11[%get3A_732, %get3A_733, %get3A_734, %get3A_735] {strides = array<i32>} : memref<5x2x80x128xf32, #tpu.memory_space<vmem>>, vector<1x1x1x16xf32>,
        %get3A_737 = vector.shape_cast %get3A_736 : vector<1x1x1x16xf32> to vector<16xf32>
        %add3A_738 = arith.addf %get3A_729, %get3A_737 : vector<16xf32>
        %swap3A_739 = arith.constant 0 : i32
        %swap3A_740 = arith.constant 0 : i32
        %swap3A_741 = arith.index_cast %swap3A_739 : i32 to index
        %swap3A_742 = arith.index_cast %swap3A_740 : i32 to index
        %swap3A_743 = arith.index_cast %scan3A_645 : i32 to index
        %swap3A_744 = arith.constant 48 : index
        %swap3A_745 = tpu.vector_load %arg11[%swap3A_741, %swap3A_742, %swap3A_743, %swap3A_744] {strides = array<i32>} : memref<5x2x80x128xf32, #tpu.memory_space<vmem>>, vector<1x1x1x16xf32>,
        %swap3A_746 = vector.shape_cast %swap3A_745 : vector<1x1x1x16xf32> to vector<16xf32>
        %swap3A_747 = vector.shape_cast %add3A_738 : vector<16xf32> to vector<1x1x1x16xf32>
        tpu.vector_store %arg11[%swap3A_741, %swap3A_742, %swap3A_743, %swap3A_744], %swap3A_747 {strides = array<i32>} : memref<5x2x80x128xf32, #tpu.memory_space<vmem>>, vector<1x1x1x16xf32>,
        %get3A_748 = arith.constant 0 : i32
        %get3A_749 = arith.constant 0 : i32
        %get3A_750 = arith.index_cast %get3A_748 : i32 to index
        %get3A_751 = arith.index_cast %get3A_749 : i32 to index
        %get3A_752 = arith.index_cast %scan3A_645 : i32 to index
        %get3A_753 = arith.constant 64 : index
        %get3A_754 = tpu.vector_load %arg11[%get3A_750, %get3A_751, %get3A_752, %get3A_753] {strides = array<i32>} : memref<5x2x80x128xf32, #tpu.memory_space<vmem>>, vector<1x1x1x16xf32>,
        %get3A_755 = vector.shape_cast %get3A_754 : vector<1x1x1x16xf32> to vector<16xf32>
        %get3A_756 = arith.constant 0 : i32
        %get3A_757 = arith.constant 1 : i32
        %get3A_758 = arith.index_cast %get3A_756 : i32 to index
        %get3A_759 = arith.index_cast %get3A_757 : i32 to index
        %get3A_760 = arith.index_cast %scan3A_645 : i32 to index
        %get3A_761 = arith.constant 64 : index
        %get3A_762 = tpu.vector_load %arg11[%get3A_758, %get3A_759, %get3A_760, %get3A_761] {strides = array<i32>} : memref<5x2x80x128xf32, #tpu.memory_space<vmem>>, vector<1x1x1x16xf32>,
        %get3A_763 = vector.shape_cast %get3A_762 : vector<1x1x1x16xf32> to vector<16xf32>
        %add3A_764 = arith.addf %get3A_755, %get3A_763 : vector<16xf32>
        %swap3A_765 = arith.constant 0 : i32
        %swap3A_766 = arith.constant 0 : i32
        %swap3A_767 = arith.index_cast %swap3A_765 : i32 to index
        %swap3A_768 = arith.index_cast %swap3A_766 : i32 to index
        %swap3A_769 = arith.index_cast %scan3A_645 : i32 to index
        %swap3A_770 = arith.constant 64 : index
        %swap3A_771 = tpu.vector_load %arg11[%swap3A_767, %swap3A_768, %swap3A_769, %swap3A_770] {strides = array<i32>} : memref<5x2x80x128xf32, #tpu.memory_space<vmem>>, vector<1x1x1x16xf32>,
        %swap3A_772 = vector.shape_cast %swap3A_771 : vector<1x1x1x16xf32> to vector<16xf32>
        %swap3A_773 = vector.shape_cast %add3A_764 : vector<16xf32> to vector<1x1x1x16xf32>
        tpu.vector_store %arg11[%swap3A_767, %swap3A_768, %swap3A_769, %swap3A_770], %swap3A_773 {strides = array<i32>} : memref<5x2x80x128xf32, #tpu.memory_space<vmem>>, vector<1x1x1x16xf32>,
        %get3A_774 = arith.constant 0 : i32
        %get3A_775 = arith.constant 0 : i32
        %get3A_776 = arith.index_cast %get3A_774 : i32 to index
        %get3A_777 = arith.index_cast %get3A_775 : i32 to index
        %get3A_778 = arith.index_cast %scan3A_645 : i32 to index
        %get3A_779 = arith.constant 80 : index
        %get3A_780 = tpu.vector_load %arg11[%get3A_776, %get3A_777, %get3A_778, %get3A_779] {strides = array<i32>} : memref<5x2x80x128xf32, #tpu.memory_space<vmem>>, vector<1x1x1x16xf32>,
        %get3A_781 = vector.shape_cast %get3A_780 : vector<1x1x1x16xf32> to vector<16xf32>
        %get3A_782 = arith.constant 0 : i32
        %get3A_783 = arith.constant 1 : i32
        %get3A_784 = arith.index_cast %get3A_782 : i32 to index
        %get3A_785 = arith.index_cast %get3A_783 : i32 to index
        %get3A_786 = arith.index_cast %scan3A_645 : i32 to index
        %get3A_787 = arith.constant 80 : index
        %get3A_788 = tpu.vector_load %arg11[%get3A_784, %get3A_785, %get3A_786, %get3A_787] {strides = array<i32>} : memref<5x2x80x128xf32, #tpu.memory_space<vmem>>, vector<1x1x1x16xf32>,
        %get3A_789 = vector.shape_cast %get3A_788 : vector<1x1x1x16xf32> to vector<16xf32>
        %add3A_790 = arith.addf %get3A_781, %get3A_789 : vector<16xf32>
        %swap3A_791 = arith.constant 0 : i32
        %swap3A_792 = arith.constant 0 : i32
        %swap3A_793 = arith.index_cast %swap3A_791 : i32 to index
        %swap3A_794 = arith.index_cast %swap3A_792 : i32 to index
        %swap3A_795 = arith.index_cast %scan3A_645 : i32 to index
        %swap3A_796 = arith.constant 80 : index
        %swap3A_797 = tpu.vector_load %arg11[%swap3A_793, %swap3A_794, %swap3A_795, %swap3A_796] {strides = array<i32>} : memref<5x2x80x128xf32, #tpu.memory_space<vmem>>, vector<1x1x1x16xf32>,
        %swap3A_798 = vector.shape_cast %swap3A_797 : vector<1x1x1x16xf32> to vector<16xf32>
        %swap3A_799 = vector.shape_cast %add3A_790 : vector<16xf32> to vector<1x1x1x16xf32>
        tpu.vector_store %arg11[%swap3A_793, %swap3A_794, %swap3A_795, %swap3A_796], %swap3A_799 {strides = array<i32>} : memref<5x2x80x128xf32, #tpu.memory_space<vmem>>, vector<1x1x1x16xf32>,
        %get3A_800 = arith.constant 0 : i32
        %get3A_801 = arith.constant 0 : i32
        %get3A_802 = arith.index_cast %get3A_800 : i32 to index
        %get3A_803 = arith.index_cast %get3A_801 : i32 to index
        %get3A_804 = arith.index_cast %scan3A_645 : i32 to index
        %get3A_805 = arith.constant 96 : index
        %get3A_806 = tpu.vector_load %arg11[%get3A_802, %get3A_803, %get3A_804, %get3A_805] {strides = array<i32>} : memref<5x2x80x128xf32, #tpu.memory_space<vmem>>, vector<1x1x1x16xf32>,
        %get3A_807 = vector.shape_cast %get3A_806 : vector<1x1x1x16xf32> to vector<16xf32>
        %get3A_808 = arith.constant 0 : i32
        %get3A_809 = arith.constant 1 : i32
        %get3A_810 = arith.index_cast %get3A_808 : i32 to index
        %get3A_811 = arith.index_cast %get3A_809 : i32 to index
        %get3A_812 = arith.index_cast %scan3A_645 : i32 to index
        %get3A_813 = arith.constant 96 : index
        %get3A_814 = tpu.vector_load %arg11[%get3A_810, %get3A_811, %get3A_812, %get3A_813] {strides = array<i32>} : memref<5x2x80x128xf32, #tpu.memory_space<vmem>>, vector<1x1x1x16xf32>,
        %get3A_815 = vector.shape_cast %get3A_814 : vector<1x1x1x16xf32> to vector<16xf32>
        %add3A_816 = arith.addf %get3A_807, %get3A_815 : vector<16xf32>
        %swap3A_817 = arith.constant 0 : i32
        %swap3A_818 = arith.constant 0 : i32
        %swap3A_819 = arith.index_cast %swap3A_817 : i32 to index
        %swap3A_820 = arith.index_cast %swap3A_818 : i32 to index
        %swap3A_821 = arith.index_cast %scan3A_645 : i32 to index
        %swap3A_822 = arith.constant 96 : index
        %swap3A_823 = tpu.vector_load %arg11[%swap3A_819, %swap3A_820, %swap3A_821, %swap3A_822] {strides = array<i32>} : memref<5x2x80x128xf32, #tpu.memory_space<vmem>>, vector<1x1x1x16xf32>,
        %swap3A_824 = vector.shape_cast %swap3A_823 : vector<1x1x1x16xf32> to vector<16xf32>
        %swap3A_825 = vector.shape_cast %add3A_816 : vector<16xf32> to vector<1x1x1x16xf32>
        tpu.vector_store %arg11[%swap3A_819, %swap3A_820, %swap3A_821, %swap3A_822], %swap3A_825 {strides = array<i32>} : memref<5x2x80x128xf32, #tpu.memory_space<vmem>>, vector<1x1x1x16xf32>,
        %get3A_826 = arith.constant 0 : i32
        %get3A_827 = arith.constant 0 : i32
        %get3A_828 = arith.index_cast %get3A_826 : i32 to index
        %get3A_829 = arith.index_cast %get3A_827 : i32 to index
        %get3A_830 = arith.index_cast %scan3A_645 : i32 to index
        %get3A_831 = arith.constant 112 : index
        %get3A_832 = tpu.vector_load %arg11[%get3A_828, %get3A_829, %get3A_830, %get3A_831] {strides = array<i32>} : memref<5x2x80x128xf32, #tpu.memory_space<vmem>>, vector<1x1x1x16xf32>,
        %get3A_833 = vector.shape_cast %get3A_832 : vector<1x1x1x16xf32> to vector<16xf32>
        %get3A_834 = arith.constant 0 : i32
        %get3A_835 = arith.constant 1 : i32
        %get3A_836 = arith.index_cast %get3A_834 : i32 to index
        %get3A_837 = arith.index_cast %get3A_835 : i32 to index
        %get3A_838 = arith.index_cast %scan3A_645 : i32 to index
        %get3A_839 = arith.constant 112 : index
        %get3A_840 = tpu.vector_load %arg11[%get3A_836, %get3A_837, %get3A_838, %get3A_839] {strides = array<i32>} : memref<5x2x80x128xf32, #tpu.memory_space<vmem>>, vector<1x1x1x16xf32>,
        %get3A_841 = vector.shape_cast %get3A_840 : vector<1x1x1x16xf32> to vector<16xf32>
        %add3A_842 = arith.addf %get3A_833, %get3A_841 : vector<16xf32>
        %swap3A_843 = arith.constant 0 : i32
        %swap3A_844 = arith.constant 0 : i32
        %swap3A_845 = arith.index_cast %swap3A_843 : i32 to index
        %swap3A_846 = arith.index_cast %swap3A_844 : i32 to index
        %swap3A_847 = arith.index_cast %scan3A_645 : i32 to index
        %swap3A_848 = arith.constant 112 : index
        %swap3A_849 = tpu.vector_load %arg11[%swap3A_845, %swap3A_846, %swap3A_847, %swap3A_848] {strides = array<i32>} : memref<5x2x80x128xf32, #tpu.memory_space<vmem>>, vector<1x1x1x16xf32>,
        %swap3A_850 = vector.shape_cast %swap3A_849 : vector<1x1x1x16xf32> to vector<16xf32>
        %swap3A_851 = vector.shape_cast %add3A_842 : vector<16xf32> to vector<1x1x1x16xf32>
        tpu.vector_store %arg11[%swap3A_845, %swap3A_846, %swap3A_847, %swap3A_848], %swap3A_851 {strides = array<i32>} : memref<5x2x80x128xf32, #tpu.memory_space<vmem>>, vector<1x1x1x16xf32>,
      }
      %scan3A_411 = arith.constant 80 : i32
      %mul3A_412 = arith.constant 80 : i32
      %mul3A_413 = arith.muli %sub3A_373, %mul3A_412 : i32
      %add3A_414 = arith.addi %mul3A_2, %mul3A_413 : i32
      %dma_start3A_415 = arith.constant 0 : i32
      %dma_start3A_416 = arith.constant 0 : i32
      %dma_start3A_417 = arith.constant 0 : i32
      %dma_start3A_418 = arith.constant 0 : i32
      %dma_start3A_419 = tpu.memref_slice %arg11[%dma_start3A_415, %dma_start3A_416, %dma_start3A_417, %dma_start3A_418] : memref<5x2x80x128xf32, #tpu.memory_space<vmem>> -> memref<1x1x80x128xf32, #tpu.memory_space<vmem>>
      %dma_start3A_420 = tpu.memref_squeeze %dma_start3A_419 : memref<1x1x80x128xf32, #tpu.memory_space<vmem>> -> memref<80x128xf32, #tpu.memory_space<vmem>>
      %dma_start3A_421 = arith.constant 0 : i32
      %dma_start3A_422 = tpu.memref_slice %arg5[%add3A_414, %dma_start3A_421] : memref<320000x128xf32, #tpu.memory_space<hbm>> -> memref<80x128xf32, #tpu.memory_space<hbm>>
      %dma_start3A_423 = arith.constant 0 : i32
      %dma_start3A_424 = tpu.memref_slice %arg5[%add3A_414, %dma_start3A_423] : memref<320000x128xf32, #tpu.memory_space<hbm>> -> memref<80x128xf32, #tpu.memory_space<hbm>>
      %dma_start3A_425 = arith.constant 0 : i32
      %dma_start3A_426 = arith.constant 0 : i32
      %dma_start3A_427 = tpu.memref_slice %arg11[%dma_start3A_415, %dma_start3A_416, %dma_start3A_425, %dma_start3A_426] : memref<5x2x80x128xf32, #tpu.memory_space<vmem>> -> memref<1x1x80x128xf32, #tpu.memory_space<vmem>>
      %dma_start3A_428 = tpu.memref_squeeze %dma_start3A_427 : memref<1x1x80x128xf32, #tpu.memory_space<vmem>> -> memref<80x128xf32, #tpu.memory_space<vmem>>
      tpu.enqueue_dma source(%dma_start3A_428 : memref<80x128xf32, #tpu.memory_space<vmem>>) target(%dma_start3A_424 : memref<80x128xf32, #tpu.memory_space<hbm>>) target_semaphore(%arg22 : memref<!tpu.dma_semaphore, #tpu.memory_space<semaphore_mem>>)
      %mul3A_429 = arith.constant 5 : i32
      %mul3A_430 = arith.muli %scan3A_203, %mul3A_429 : i32
      %add3A_431 = arith.constant 3 : i32
      %add3A_432 = arith.addi %mul3A_430, %add3A_431 : i32
      %gt3A_433 = arith.constant 0 : i32
      %gt3A_434 = arith.cmpi sgt, %scan3A_203, %gt3A_433 : i32
      %convert_element_type3A_435 = arith.extui %gt3A_434 : i1 to i32
      %cond3A_436 = arith.constant 0 : i32
      %cond3A_437 = arith.cmpi ne, %convert_element_type3A_435, %cond3A_436 : i32
      scf.if %cond3A_437 {
        %dma_wait3A_645 = arith.constant 3 : i32
        %dma_wait3A_646 = arith.constant 0 : i32
        %dma_wait3A_647 = arith.constant 0 : i32
        %dma_wait3A_648 = arith.constant 0 : i32
        %dma_wait3A_649 = tpu.memref_slice %arg11[%dma_wait3A_645, %dma_wait3A_646, %dma_wait3A_647, %dma_wait3A_648] : memref<5x2x80x128xf32, #tpu.memory_space<vmem>> -> memref<1x1x80x128xf32, #tpu.memory_space<vmem>>
        %dma_wait3A_650 = tpu.memref_squeeze %dma_wait3A_649 : memref<1x1x80x128xf32, #tpu.memory_space<vmem>> -> memref<80x128xf32, #tpu.memory_space<vmem>>
        %dma_wait3A_651 = arith.constant 0 : i32
        %dma_wait3A_652 = arith.constant 0 : i32
        %dma_wait3A_653 = tpu.memref_slice %arg2[%dma_wait3A_651, %dma_wait3A_652] : memref<10000x128xf32, #tpu.memory_space<hbm>> -> memref<80x128xf32, #tpu.memory_space<hbm>>
        %dma_wait3A_654 = arith.constant 0 : i32
        %dma_wait3A_655 = arith.constant 0 : i32
        %dma_wait3A_656 = tpu.memref_slice %arg11[%dma_wait3A_645, %dma_wait3A_646, %dma_wait3A_654, %dma_wait3A_655] : memref<5x2x80x128xf32, #tpu.memory_space<vmem>> -> memref<1x1x80x128xf32, #tpu.memory_space<vmem>>
        %dma_wait3A_657 = tpu.memref_squeeze %dma_wait3A_656 : memref<1x1x80x128xf32, #tpu.memory_space<vmem>> -> memref<80x128xf32, #tpu.memory_space<vmem>>
        %dma_wait3A_658 = arith.constant 0 : i32
        %dma_wait3A_659 = arith.constant 0 : i32
        %dma_wait3A_660 = tpu.memref_slice %arg2[%dma_wait3A_658, %dma_wait3A_659] : memref<10000x128xf32, #tpu.memory_space<hbm>> -> memref<80x128xf32, #tpu.memory_space<hbm>>
        tpu.wait_dma2 semaphore(%arg25 : memref<!tpu.dma_semaphore, #tpu.memory_space<semaphore_mem>>) src(%dma_wait3A_660 : memref<80x128xf32, #tpu.memory_space<hbm>>) dst(%dma_wait3A_657 : memref<80x128xf32, #tpu.memory_space<vmem>>)
      } else {
      }
      %dma_wait3A_438 = arith.constant 0 : i32
      %dma_wait3A_439 = arith.constant 0 : i32
      %dma_wait3A_440 = arith.constant 0 : i32
      %dma_wait3A_441 = tpu.memref_slice %arg4[%add3A, %dma_wait3A_438, %dma_wait3A_439, %dma_wait3A_440] : memref<32x125x2x80xi32, #tpu.memory_space<hbm>> -> memref<1x1x2x80xi32, #tpu.memory_space<hbm>>
      %dma_wait3A_442 = tpu.memref_squeeze %dma_wait3A_441 : memref<1x1x2x80xi32, #tpu.memory_space<hbm>> -> memref<2x80xi32, #tpu.memory_space<hbm>>
      %dma_wait3A_443 = arith.constant 0 : i32
      %dma_wait3A_444 = arith.constant 0 : i32
      %dma_wait3A_445 = tpu.memref_slice %arg4[%add3A, %dma_wait3A_438, %dma_wait3A_443, %dma_wait3A_444] : memref<32x125x2x80xi32, #tpu.memory_space<hbm>> -> memref<1x1x2x80xi32, #tpu.memory_space<hbm>>
      %dma_wait3A_446 = tpu.memref_squeeze %dma_wait3A_445 : memref<1x1x2x80xi32, #tpu.memory_space<hbm>> -> memref<2x80xi32, #tpu.memory_space<hbm>>
      tpu.wait_dma2 semaphore(%arg20 : memref<!tpu.dma_semaphore, #tpu.memory_space<semaphore_mem>>) src(%dma_wait3A_446 : memref<2x80xi32, #tpu.memory_space<hbm>>) dst(%arg9 : memref<2x80xi32, #tpu.memory_space<vmem>>)
      %dma_start3A_447 = arith.constant 0 : i32
      %dma_start3A_448 = arith.constant 3 : i32
      %dma_start3A_449 = arith.constant 0 : i32
      %dma_start3A_450 = arith.constant 0 : i32
      %dma_start3A_451 = arith.constant 0 : i32
      %dma_start3A_452 = tpu.memref_slice %arg11[%dma_start3A_448, %dma_start3A_449, %dma_start3A_450, %dma_start3A_451] : memref<5x2x80x128xf32, #tpu.memory_space<vmem>> -> memref<1x1x80x128xf32, #tpu.memory_space<vmem>>
      %dma_start3A_453 = tpu.memref_squeeze %dma_start3A_452 : memref<1x1x80x128xf32, #tpu.memory_space<vmem>> -> memref<80x128xf32, #tpu.memory_space<vmem>>
      %dma_start3A_454 = arith.constant 0 : i32
      %dma_start3A_455 = tpu.memref_slice %arg9[%dma_start3A_447, %dma_start3A_454] : memref<2x80xi32, #tpu.memory_space<vmem>> -> memref<1x80xi32, #tpu.memory_space<vmem>>
      %dma_start3A_456 = tpu.memref_squeeze %dma_start3A_455 : memref<1x80xi32, #tpu.memory_space<vmem>> -> memref<80xi32, #tpu.memory_space<vmem>>
      %dma_start3A_457 = arith.constant 0 : i32
      %dma_start3A_458 = arith.constant 0 : i32
      %dma_start3A_459 = tpu.memref_slice %arg2[%dma_start3A_457, %dma_start3A_458] : memref<10000x128xf32, #tpu.memory_space<hbm>> -> memref<10000x128xf32, #tpu.memory_space<hbm>>
      tpu.enqueue_indirect_dma source(%dma_start3A_459 : memref<10000x128xf32, #tpu.memory_space<hbm>>) target(%dma_start3A_453 : memref<80x128xf32, #tpu.memory_space<vmem>>) offsets(%dma_start3A_456 : memref<80xi32, #tpu.memory_space<vmem>>) semaphore(%arg15 : memref<!tpu.dma_semaphore, #tpu.memory_space<semaphore_mem>>)
      %dma_start3A_460 = arith.constant 1 : i32
      %dma_start3A_461 = arith.constant 3 : i32
      %dma_start3A_462 = arith.constant 1 : i32
      %dma_start3A_463 = arith.constant 0 : i32
      %dma_start3A_464 = arith.constant 0 : i32
      %dma_start3A_465 = tpu.memref_slice %arg11[%dma_start3A_461, %dma_start3A_462, %dma_start3A_463, %dma_start3A_464] : memref<5x2x80x128xf32, #tpu.memory_space<vmem>> -> memref<1x1x80x128xf32, #tpu.memory_space<vmem>>
      %dma_start3A_466 = tpu.memref_squeeze %dma_start3A_465 : memref<1x1x80x128xf32, #tpu.memory_space<vmem>> -> memref<80x128xf32, #tpu.memory_space<vmem>>
      %dma_start3A_467 = arith.constant 0 : i32
      %dma_start3A_468 = tpu.memref_slice %arg9[%dma_start3A_460, %dma_start3A_467] : memref<2x80xi32, #tpu.memory_space<vmem>> -> memref<1x80xi32, #tpu.memory_space<vmem>>
      %dma_start3A_469 = tpu.memref_squeeze %dma_start3A_468 : memref<1x80xi32, #tpu.memory_space<vmem>> -> memref<80xi32, #tpu.memory_space<vmem>>
      %dma_start3A_470 = arith.constant 0 : i32
      %dma_start3A_471 = arith.constant 0 : i32
      %dma_start3A_472 = tpu.memref_slice %arg3[%dma_start3A_470, %dma_start3A_471] : memref<10000x128xf32, #tpu.memory_space<hbm>> -> memref<10000x128xf32, #tpu.memory_space<hbm>>
      tpu.enqueue_indirect_dma source(%dma_start3A_472 : memref<10000x128xf32, #tpu.memory_space<hbm>>) target(%dma_start3A_466 : memref<80x128xf32, #tpu.memory_space<vmem>>) offsets(%dma_start3A_469 : memref<80xi32, #tpu.memory_space<vmem>>) semaphore(%arg15 : memref<!tpu.dma_semaphore, #tpu.memory_space<semaphore_mem>>)
      %add3A_473 = arith.constant 1 : i32
      %add3A_474 = arith.addi %add3A_432, %add3A_473 : i32
      %dma_start3A_475 = arith.constant 0 : i32
      %dma_start3A_476 = arith.constant 0 : i32
      %dma_start3A_477 = tpu.memref_slice %arg4[%add3A, %add3A_474, %dma_start3A_475, %dma_start3A_476] : memref<32x125x2x80xi32, #tpu.memory_space<hbm>> -> memref<1x1x2x80xi32, #tpu.memory_space<hbm>>
      %dma_start3A_478 = tpu.memref_squeeze %dma_start3A_477 : memref<1x1x2x80xi32, #tpu.memory_space<hbm>> -> memref<2x80xi32, #tpu.memory_space<hbm>>
      %dma_start3A_479 = arith.constant 0 : i32
      %dma_start3A_480 = arith.constant 0 : i32
      %dma_start3A_481 = tpu.memref_slice %arg4[%add3A, %add3A_474, %dma_start3A_479, %dma_start3A_480] : memref<32x125x2x80xi32, #tpu.memory_space<hbm>> -> memref<1x1x2x80xi32, #tpu.memory_space<hbm>>
      %dma_start3A_482 = tpu.memref_squeeze %dma_start3A_481 : memref<1x1x2x80xi32, #tpu.memory_space<hbm>> -> memref<2x80xi32, #tpu.memory_space<hbm>>
      tpu.enqueue_dma source(%dma_start3A_482 : memref<2x80xi32, #tpu.memory_space<hbm>>) target(%arg10 : memref<2x80xi32, #tpu.memory_space<vmem>>) target_semaphore(%arg21 : memref<!tpu.dma_semaphore, #tpu.memory_space<semaphore_mem>>)
      %sub3A_483 = arith.constant 2 : i32
      %sub3A_484 = arith.subi %add3A_432, %sub3A_483 : i32
      %dma_wait3A_485 = arith.constant 1 : i32
      %dma_wait3A_486 = arith.constant 0 : i32
      %dma_wait3A_487 = arith.constant 0 : i32
      %dma_wait3A_488 = arith.constant 0 : i32
      %dma_wait3A_489 = tpu.memref_slice %arg11[%dma_wait3A_485, %dma_wait3A_486, %dma_wait3A_487, %dma_wait3A_488] : memref<5x2x80x128xf32, #tpu.memory_space<vmem>> -> memref<1x1x80x128xf32, #tpu.memory_space<vmem>>
      %dma_wait3A_490 = tpu.memref_squeeze %dma_wait3A_489 : memref<1x1x80x128xf32, #tpu.memory_space<vmem>> -> memref<80x128xf32, #tpu.memory_space<vmem>>
      %dma_wait3A_491 = arith.constant 0 : i32
      %dma_wait3A_492 = arith.constant 0 : i32
      %dma_wait3A_493 = tpu.memref_slice %arg2[%dma_wait3A_491, %dma_wait3A_492] : memref<10000x128xf32, #tpu.memory_space<hbm>> -> memref<80x128xf32, #tpu.memory_space<hbm>>
      %dma_wait3A_494 = arith.constant 0 : i32
      %dma_wait3A_495 = arith.constant 0 : i32
      %dma_wait3A_496 = tpu.memref_slice %arg11[%dma_wait3A_485, %dma_wait3A_486, %dma_wait3A_494, %dma_wait3A_495] : memref<5x2x80x128xf32, #tpu.memory_space<vmem>> -> memref<1x1x80x128xf32, #tpu.memory_space<vmem>>
      %dma_wait3A_497 = tpu.memref_squeeze %dma_wait3A_496 : memref<1x1x80x128xf32, #tpu.memory_space<vmem>> -> memref<80x128xf32, #tpu.memory_space<vmem>>
      %dma_wait3A_498 = arith.constant 0 : i32
      %dma_wait3A_499 = arith.constant 0 : i32
      %dma_wait3A_500 = tpu.memref_slice %arg2[%dma_wait3A_498, %dma_wait3A_499] : memref<10000x128xf32, #tpu.memory_space<hbm>> -> memref<80x128xf32, #tpu.memory_space<hbm>>
      tpu.wait_dma2 semaphore(%arg13 : memref<!tpu.dma_semaphore, #tpu.memory_space<semaphore_mem>>) src(%dma_wait3A_500 : memref<80x128xf32, #tpu.memory_space<hbm>>) dst(%dma_wait3A_497 : memref<80x128xf32, #tpu.memory_space<vmem>>)
      %dma_wait3A_501 = arith.constant 1 : i32
      %dma_wait3A_502 = arith.constant 0 : i32
      %dma_wait3A_503 = arith.constant 0 : i32
      %dma_wait3A_504 = arith.constant 0 : i32
      %dma_wait3A_505 = tpu.memref_slice %arg11[%dma_wait3A_501, %dma_wait3A_502, %dma_wait3A_503, %dma_wait3A_504] : memref<5x2x80x128xf32, #tpu.memory_space<vmem>> -> memref<1x1x80x128xf32, #tpu.memory_space<vmem>>
      %dma_wait3A_506 = tpu.memref_squeeze %dma_wait3A_505 : memref<1x1x80x128xf32, #tpu.memory_space<vmem>> -> memref<80x128xf32, #tpu.memory_space<vmem>>
      %dma_wait3A_507 = arith.constant 0 : i32
      %dma_wait3A_508 = arith.constant 0 : i32
      %dma_wait3A_509 = tpu.memref_slice %arg2[%dma_wait3A_507, %dma_wait3A_508] : memref<10000x128xf32, #tpu.memory_space<hbm>> -> memref<80x128xf32, #tpu.memory_space<hbm>>
      %dma_wait3A_510 = arith.constant 0 : i32
      %dma_wait3A_511 = arith.constant 0 : i32
      %dma_wait3A_512 = tpu.memref_slice %arg11[%dma_wait3A_501, %dma_wait3A_502, %dma_wait3A_510, %dma_wait3A_511] : memref<5x2x80x128xf32, #tpu.memory_space<vmem>> -> memref<1x1x80x128xf32, #tpu.memory_space<vmem>>
      %dma_wait3A_513 = tpu.memref_squeeze %dma_wait3A_512 : memref<1x1x80x128xf32, #tpu.memory_space<vmem>> -> memref<80x128xf32, #tpu.memory_space<vmem>>
      %dma_wait3A_514 = arith.constant 0 : i32
      %dma_wait3A_515 = arith.constant 0 : i32
      %dma_wait3A_516 = tpu.memref_slice %arg2[%dma_wait3A_514, %dma_wait3A_515] : memref<10000x128xf32, #tpu.memory_space<hbm>> -> memref<80x128xf32, #tpu.memory_space<hbm>>
      tpu.wait_dma2 semaphore(%arg13 : memref<!tpu.dma_semaphore, #tpu.memory_space<semaphore_mem>>) src(%dma_wait3A_516 : memref<80x128xf32, #tpu.memory_space<hbm>>) dst(%dma_wait3A_513 : memref<80x128xf32, #tpu.memory_space<vmem>>)
      %scan3A_517 = arith.constant 0 : i32
      %scan3A_518 = arith.constant 0 : i32
      %scan3A_519 = arith.constant 80 : i32
      %scan3A_520 = arith.addi %scan3A_518, %scan3A_519 : i32
      %scan3A_521 = arith.constant 1 : i32
      scf.for %scan3A_645 = %scan3A_518 to %scan3A_520 step %scan3A_521  : i32 {
        %get3A = arith.constant 1 : i32
        %get3A_646 = arith.constant 0 : i32
        %get3A_647 = arith.index_cast %get3A : i32 to index
        %get3A_648 = arith.index_cast %get3A_646 : i32 to index
        %get3A_649 = arith.index_cast %scan3A_645 : i32 to index
        %get3A_650 = arith.constant 0 : index
        %get3A_651 = tpu.vector_load %arg11[%get3A_647, %get3A_648, %get3A_649, %get3A_650] {strides = array<i32>} : memref<5x2x80x128xf32, #tpu.memory_space<vmem>>, vector<1x1x1x16xf32>,
        %get3A_652 = vector.shape_cast %get3A_651 : vector<1x1x1x16xf32> to vector<16xf32>
        %get3A_653 = arith.constant 1 : i32
        %get3A_654 = arith.constant 1 : i32
        %get3A_655 = arith.index_cast %get3A_653 : i32 to index
        %get3A_656 = arith.index_cast %get3A_654 : i32 to index
        %get3A_657 = arith.index_cast %scan3A_645 : i32 to index
        %get3A_658 = arith.constant 0 : index
        %get3A_659 = tpu.vector_load %arg11[%get3A_655, %get3A_656, %get3A_657, %get3A_658] {strides = array<i32>} : memref<5x2x80x128xf32, #tpu.memory_space<vmem>>, vector<1x1x1x16xf32>,
        %get3A_660 = vector.shape_cast %get3A_659 : vector<1x1x1x16xf32> to vector<16xf32>
        %add3A_661 = arith.addf %get3A_652, %get3A_660 : vector<16xf32>
        %swap3A = arith.constant 1 : i32
        %swap3A_662 = arith.constant 0 : i32
        %swap3A_663 = arith.index_cast %swap3A : i32 to index
        %swap3A_664 = arith.index_cast %swap3A_662 : i32 to index
        %swap3A_665 = arith.index_cast %scan3A_645 : i32 to index
        %swap3A_666 = arith.constant 0 : index
        %swap3A_667 = tpu.vector_load %arg11[%swap3A_663, %swap3A_664, %swap3A_665, %swap3A_666] {strides = array<i32>} : memref<5x2x80x128xf32, #tpu.memory_space<vmem>>, vector<1x1x1x16xf32>,
        %swap3A_668 = vector.shape_cast %swap3A_667 : vector<1x1x1x16xf32> to vector<16xf32>
        %swap3A_669 = vector.shape_cast %add3A_661 : vector<16xf32> to vector<1x1x1x16xf32>
        tpu.vector_store %arg11[%swap3A_663, %swap3A_664, %swap3A_665, %swap3A_666], %swap3A_669 {strides = array<i32>} : memref<5x2x80x128xf32, #tpu.memory_space<vmem>>, vector<1x1x1x16xf32>,
        %get3A_670 = arith.constant 1 : i32
        %get3A_671 = arith.constant 0 : i32
        %get3A_672 = arith.index_cast %get3A_670 : i32 to index
        %get3A_673 = arith.index_cast %get3A_671 : i32 to index
        %get3A_674 = arith.index_cast %scan3A_645 : i32 to index
        %get3A_675 = arith.constant 16 : index
        %get3A_676 = tpu.vector_load %arg11[%get3A_672, %get3A_673, %get3A_674, %get3A_675] {strides = array<i32>} : memref<5x2x80x128xf32, #tpu.memory_space<vmem>>, vector<1x1x1x16xf32>,
        %get3A_677 = vector.shape_cast %get3A_676 : vector<1x1x1x16xf32> to vector<16xf32>
        %get3A_678 = arith.constant 1 : i32
        %get3A_679 = arith.constant 1 : i32
        %get3A_680 = arith.index_cast %get3A_678 : i32 to index
        %get3A_681 = arith.index_cast %get3A_679 : i32 to index
        %get3A_682 = arith.index_cast %scan3A_645 : i32 to index
        %get3A_683 = arith.constant 16 : index
        %get3A_684 = tpu.vector_load %arg11[%get3A_680, %get3A_681, %get3A_682, %get3A_683] {strides = array<i32>} : memref<5x2x80x128xf32, #tpu.memory_space<vmem>>, vector<1x1x1x16xf32>,
        %get3A_685 = vector.shape_cast %get3A_684 : vector<1x1x1x16xf32> to vector<16xf32>
        %add3A_686 = arith.addf %get3A_677, %get3A_685 : vector<16xf32>
        %swap3A_687 = arith.constant 1 : i32
        %swap3A_688 = arith.constant 0 : i32
        %swap3A_689 = arith.index_cast %swap3A_687 : i32 to index
        %swap3A_690 = arith.index_cast %swap3A_688 : i32 to index
        %swap3A_691 = arith.index_cast %scan3A_645 : i32 to index
        %swap3A_692 = arith.constant 16 : index
        %swap3A_693 = tpu.vector_load %arg11[%swap3A_689, %swap3A_690, %swap3A_691, %swap3A_692] {strides = array<i32>} : memref<5x2x80x128xf32, #tpu.memory_space<vmem>>, vector<1x1x1x16xf32>,
        %swap3A_694 = vector.shape_cast %swap3A_693 : vector<1x1x1x16xf32> to vector<16xf32>
        %swap3A_695 = vector.shape_cast %add3A_686 : vector<16xf32> to vector<1x1x1x16xf32>
        tpu.vector_store %arg11[%swap3A_689, %swap3A_690, %swap3A_691, %swap3A_692], %swap3A_695 {strides = array<i32>} : memref<5x2x80x128xf32, #tpu.memory_space<vmem>>, vector<1x1x1x16xf32>,
        %get3A_696 = arith.constant 1 : i32
        %get3A_697 = arith.constant 0 : i32
        %get3A_698 = arith.index_cast %get3A_696 : i32 to index
        %get3A_699 = arith.index_cast %get3A_697 : i32 to index
        %get3A_700 = arith.index_cast %scan3A_645 : i32 to index
        %get3A_701 = arith.constant 32 : index
        %get3A_702 = tpu.vector_load %arg11[%get3A_698, %get3A_699, %get3A_700, %get3A_701] {strides = array<i32>} : memref<5x2x80x128xf32, #tpu.memory_space<vmem>>, vector<1x1x1x16xf32>,
        %get3A_703 = vector.shape_cast %get3A_702 : vector<1x1x1x16xf32> to vector<16xf32>
        %get3A_704 = arith.constant 1 : i32
        %get3A_705 = arith.constant 1 : i32
        %get3A_706 = arith.index_cast %get3A_704 : i32 to index
        %get3A_707 = arith.index_cast %get3A_705 : i32 to index
        %get3A_708 = arith.index_cast %scan3A_645 : i32 to index
        %get3A_709 = arith.constant 32 : index
        %get3A_710 = tpu.vector_load %arg11[%get3A_706, %get3A_707, %get3A_708, %get3A_709] {strides = array<i32>} : memref<5x2x80x128xf32, #tpu.memory_space<vmem>>, vector<1x1x1x16xf32>,
        %get3A_711 = vector.shape_cast %get3A_710 : vector<1x1x1x16xf32> to vector<16xf32>
        %add3A_712 = arith.addf %get3A_703, %get3A_711 : vector<16xf32>
        %swap3A_713 = arith.constant 1 : i32
        %swap3A_714 = arith.constant 0 : i32
        %swap3A_715 = arith.index_cast %swap3A_713 : i32 to index
        %swap3A_716 = arith.index_cast %swap3A_714 : i32 to index
        %swap3A_717 = arith.index_cast %scan3A_645 : i32 to index
        %swap3A_718 = arith.constant 32 : index
        %swap3A_719 = tpu.vector_load %arg11[%swap3A_715, %swap3A_716, %swap3A_717, %swap3A_718] {strides = array<i32>} : memref<5x2x80x128xf32, #tpu.memory_space<vmem>>, vector<1x1x1x16xf32>,
        %swap3A_720 = vector.shape_cast %swap3A_719 : vector<1x1x1x16xf32> to vector<16xf32>
        %swap3A_721 = vector.shape_cast %add3A_712 : vector<16xf32> to vector<1x1x1x16xf32>
        tpu.vector_store %arg11[%swap3A_715, %swap3A_716, %swap3A_717, %swap3A_718], %swap3A_721 {strides = array<i32>} : memref<5x2x80x128xf32, #tpu.memory_space<vmem>>, vector<1x1x1x16xf32>,
        %get3A_722 = arith.constant 1 : i32
        %get3A_723 = arith.constant 0 : i32
        %get3A_724 = arith.index_cast %get3A_722 : i32 to index
        %get3A_725 = arith.index_cast %get3A_723 : i32 to index
        %get3A_726 = arith.index_cast %scan3A_645 : i32 to index
        %get3A_727 = arith.constant 48 : index
        %get3A_728 = tpu.vector_load %arg11[%get3A_724, %get3A_725, %get3A_726, %get3A_727] {strides = array<i32>} : memref<5x2x80x128xf32, #tpu.memory_space<vmem>>, vector<1x1x1x16xf32>,
        %get3A_729 = vector.shape_cast %get3A_728 : vector<1x1x1x16xf32> to vector<16xf32>
        %get3A_730 = arith.constant 1 : i32
        %get3A_731 = arith.constant 1 : i32
        %get3A_732 = arith.index_cast %get3A_730 : i32 to index
        %get3A_733 = arith.index_cast %get3A_731 : i32 to index
        %get3A_734 = arith.index_cast %scan3A_645 : i32 to index
        %get3A_735 = arith.constant 48 : index
        %get3A_736 = tpu.vector_load %arg11[%get3A_732, %get3A_733, %get3A_734, %get3A_735] {strides = array<i32>} : memref<5x2x80x128xf32, #tpu.memory_space<vmem>>, vector<1x1x1x16xf32>,
        %get3A_737 = vector.shape_cast %get3A_736 : vector<1x1x1x16xf32> to vector<16xf32>
        %add3A_738 = arith.addf %get3A_729, %get3A_737 : vector<16xf32>
        %swap3A_739 = arith.constant 1 : i32
        %swap3A_740 = arith.constant 0 : i32
        %swap3A_741 = arith.index_cast %swap3A_739 : i32 to index
        %swap3A_742 = arith.index_cast %swap3A_740 : i32 to index
        %swap3A_743 = arith.index_cast %scan3A_645 : i32 to index
        %swap3A_744 = arith.constant 48 : index
        %swap3A_745 = tpu.vector_load %arg11[%swap3A_741, %swap3A_742, %swap3A_743, %swap3A_744] {strides = array<i32>} : memref<5x2x80x128xf32, #tpu.memory_space<vmem>>, vector<1x1x1x16xf32>,
        %swap3A_746 = vector.shape_cast %swap3A_745 : vector<1x1x1x16xf32> to vector<16xf32>
        %swap3A_747 = vector.shape_cast %add3A_738 : vector<16xf32> to vector<1x1x1x16xf32>
        tpu.vector_store %arg11[%swap3A_741, %swap3A_742, %swap3A_743, %swap3A_744], %swap3A_747 {strides = array<i32>} : memref<5x2x80x128xf32, #tpu.memory_space<vmem>>, vector<1x1x1x16xf32>,
        %get3A_748 = arith.constant 1 : i32
        %get3A_749 = arith.constant 0 : i32
        %get3A_750 = arith.index_cast %get3A_748 : i32 to index
        %get3A_751 = arith.index_cast %get3A_749 : i32 to index
        %get3A_752 = arith.index_cast %scan3A_645 : i32 to index
        %get3A_753 = arith.constant 64 : index
        %get3A_754 = tpu.vector_load %arg11[%get3A_750, %get3A_751, %get3A_752, %get3A_753] {strides = array<i32>} : memref<5x2x80x128xf32, #tpu.memory_space<vmem>>, vector<1x1x1x16xf32>,
        %get3A_755 = vector.shape_cast %get3A_754 : vector<1x1x1x16xf32> to vector<16xf32>
        %get3A_756 = arith.constant 1 : i32
        %get3A_757 = arith.constant 1 : i32
        %get3A_758 = arith.index_cast %get3A_756 : i32 to index
        %get3A_759 = arith.index_cast %get3A_757 : i32 to index
        %get3A_760 = arith.index_cast %scan3A_645 : i32 to index
        %get3A_761 = arith.constant 64 : index
        %get3A_762 = tpu.vector_load %arg11[%get3A_758, %get3A_759, %get3A_760, %get3A_761] {strides = array<i32>} : memref<5x2x80x128xf32, #tpu.memory_space<vmem>>, vector<1x1x1x16xf32>,
        %get3A_763 = vector.shape_cast %get3A_762 : vector<1x1x1x16xf32> to vector<16xf32>
        %add3A_764 = arith.addf %get3A_755, %get3A_763 : vector<16xf32>
        %swap3A_765 = arith.constant 1 : i32
        %swap3A_766 = arith.constant 0 : i32
        %swap3A_767 = arith.index_cast %swap3A_765 : i32 to index
        %swap3A_768 = arith.index_cast %swap3A_766 : i32 to index
        %swap3A_769 = arith.index_cast %scan3A_645 : i32 to index
        %swap3A_770 = arith.constant 64 : index
        %swap3A_771 = tpu.vector_load %arg11[%swap3A_767, %swap3A_768, %swap3A_769, %swap3A_770] {strides = array<i32>} : memref<5x2x80x128xf32, #tpu.memory_space<vmem>>, vector<1x1x1x16xf32>,
        %swap3A_772 = vector.shape_cast %swap3A_771 : vector<1x1x1x16xf32> to vector<16xf32>
        %swap3A_773 = vector.shape_cast %add3A_764 : vector<16xf32> to vector<1x1x1x16xf32>
        tpu.vector_store %arg11[%swap3A_767, %swap3A_768, %swap3A_769, %swap3A_770], %swap3A_773 {strides = array<i32>} : memref<5x2x80x128xf32, #tpu.memory_space<vmem>>, vector<1x1x1x16xf32>,
        %get3A_774 = arith.constant 1 : i32
        %get3A_775 = arith.constant 0 : i32
        %get3A_776 = arith.index_cast %get3A_774 : i32 to index
        %get3A_777 = arith.index_cast %get3A_775 : i32 to index
        %get3A_778 = arith.index_cast %scan3A_645 : i32 to index
        %get3A_779 = arith.constant 80 : index
        %get3A_780 = tpu.vector_load %arg11[%get3A_776, %get3A_777, %get3A_778, %get3A_779] {strides = array<i32>} : memref<5x2x80x128xf32, #tpu.memory_space<vmem>>, vector<1x1x1x16xf32>,
        %get3A_781 = vector.shape_cast %get3A_780 : vector<1x1x1x16xf32> to vector<16xf32>
        %get3A_782 = arith.constant 1 : i32
        %get3A_783 = arith.constant 1 : i32
        %get3A_784 = arith.index_cast %get3A_782 : i32 to index
        %get3A_785 = arith.index_cast %get3A_783 : i32 to index
        %get3A_786 = arith.index_cast %scan3A_645 : i32 to index
        %get3A_787 = arith.constant 80 : index
        %get3A_788 = tpu.vector_load %arg11[%get3A_784, %get3A_785, %get3A_786, %get3A_787] {strides = array<i32>} : memref<5x2x80x128xf32, #tpu.memory_space<vmem>>, vector<1x1x1x16xf32>,
        %get3A_789 = vector.shape_cast %get3A_788 : vector<1x1x1x16xf32> to vector<16xf32>
        %add3A_790 = arith.addf %get3A_781, %get3A_789 : vector<16xf32>
        %swap3A_791 = arith.constant 1 : i32
        %swap3A_792 = arith.constant 0 : i32
        %swap3A_793 = arith.index_cast %swap3A_791 : i32 to index
        %swap3A_794 = arith.index_cast %swap3A_792 : i32 to index
        %swap3A_795 = arith.index_cast %scan3A_645 : i32 to index
        %swap3A_796 = arith.constant 80 : index
        %swap3A_797 = tpu.vector_load %arg11[%swap3A_793, %swap3A_794, %swap3A_795, %swap3A_796] {strides = array<i32>} : memref<5x2x80x128xf32, #tpu.memory_space<vmem>>, vector<1x1x1x16xf32>,
        %swap3A_798 = vector.shape_cast %swap3A_797 : vector<1x1x1x16xf32> to vector<16xf32>
        %swap3A_799 = vector.shape_cast %add3A_790 : vector<16xf32> to vector<1x1x1x16xf32>
        tpu.vector_store %arg11[%swap3A_793, %swap3A_794, %swap3A_795, %swap3A_796], %swap3A_799 {strides = array<i32>} : memref<5x2x80x128xf32, #tpu.memory_space<vmem>>, vector<1x1x1x16xf32>,
        %get3A_800 = arith.constant 1 : i32
        %get3A_801 = arith.constant 0 : i32
        %get3A_802 = arith.index_cast %get3A_800 : i32 to index
        %get3A_803 = arith.index_cast %get3A_801 : i32 to index
        %get3A_804 = arith.index_cast %scan3A_645 : i32 to index
        %get3A_805 = arith.constant 96 : index
        %get3A_806 = tpu.vector_load %arg11[%get3A_802, %get3A_803, %get3A_804, %get3A_805] {strides = array<i32>} : memref<5x2x80x128xf32, #tpu.memory_space<vmem>>, vector<1x1x1x16xf32>,
        %get3A_807 = vector.shape_cast %get3A_806 : vector<1x1x1x16xf32> to vector<16xf32>
        %get3A_808 = arith.constant 1 : i32
        %get3A_809 = arith.constant 1 : i32
        %get3A_810 = arith.index_cast %get3A_808 : i32 to index
        %get3A_811 = arith.index_cast %get3A_809 : i32 to index
        %get3A_812 = arith.index_cast %scan3A_645 : i32 to index
        %get3A_813 = arith.constant 96 : index
        %get3A_814 = tpu.vector_load %arg11[%get3A_810, %get3A_811, %get3A_812, %get3A_813] {strides = array<i32>} : memref<5x2x80x128xf32, #tpu.memory_space<vmem>>, vector<1x1x1x16xf32>,
        %get3A_815 = vector.shape_cast %get3A_814 : vector<1x1x1x16xf32> to vector<16xf32>
        %add3A_816 = arith.addf %get3A_807, %get3A_815 : vector<16xf32>
        %swap3A_817 = arith.constant 1 : i32
        %swap3A_818 = arith.constant 0 : i32
        %swap3A_819 = arith.index_cast %swap3A_817 : i32 to index
        %swap3A_820 = arith.index_cast %swap3A_818 : i32 to index
        %swap3A_821 = arith.index_cast %scan3A_645 : i32 to index
        %swap3A_822 = arith.constant 96 : index
        %swap3A_823 = tpu.vector_load %arg11[%swap3A_819, %swap3A_820, %swap3A_821, %swap3A_822] {strides = array<i32>} : memref<5x2x80x128xf32, #tpu.memory_space<vmem>>, vector<1x1x1x16xf32>,
        %swap3A_824 = vector.shape_cast %swap3A_823 : vector<1x1x1x16xf32> to vector<16xf32>
        %swap3A_825 = vector.shape_cast %add3A_816 : vector<16xf32> to vector<1x1x1x16xf32>
        tpu.vector_store %arg11[%swap3A_819, %swap3A_820, %swap3A_821, %swap3A_822], %swap3A_825 {strides = array<i32>} : memref<5x2x80x128xf32, #tpu.memory_space<vmem>>, vector<1x1x1x16xf32>,
        %get3A_826 = arith.constant 1 : i32
        %get3A_827 = arith.constant 0 : i32
        %get3A_828 = arith.index_cast %get3A_826 : i32 to index
        %get3A_829 = arith.index_cast %get3A_827 : i32 to index
        %get3A_830 = arith.index_cast %scan3A_645 : i32 to index
        %get3A_831 = arith.constant 112 : index
        %get3A_832 = tpu.vector_load %arg11[%get3A_828, %get3A_829, %get3A_830, %get3A_831] {strides = array<i32>} : memref<5x2x80x128xf32, #tpu.memory_space<vmem>>, vector<1x1x1x16xf32>,
        %get3A_833 = vector.shape_cast %get3A_832 : vector<1x1x1x16xf32> to vector<16xf32>
        %get3A_834 = arith.constant 1 : i32
        %get3A_835 = arith.constant 1 : i32
        %get3A_836 = arith.index_cast %get3A_834 : i32 to index
        %get3A_837 = arith.index_cast %get3A_835 : i32 to index
        %get3A_838 = arith.index_cast %scan3A_645 : i32 to index
        %get3A_839 = arith.constant 112 : index
        %get3A_840 = tpu.vector_load %arg11[%get3A_836, %get3A_837, %get3A_838, %get3A_839] {strides = array<i32>} : memref<5x2x80x128xf32, #tpu.memory_space<vmem>>, vector<1x1x1x16xf32>,
        %get3A_841 = vector.shape_cast %get3A_840 : vector<1x1x1x16xf32> to vector<16xf32>
        %add3A_842 = arith.addf %get3A_833, %get3A_841 : vector<16xf32>
        %swap3A_843 = arith.constant 1 : i32
        %swap3A_844 = arith.constant 0 : i32
        %swap3A_845 = arith.index_cast %swap3A_843 : i32 to index
        %swap3A_846 = arith.index_cast %swap3A_844 : i32 to index
        %swap3A_847 = arith.index_cast %scan3A_645 : i32 to index
        %swap3A_848 = arith.constant 112 : index
        %swap3A_849 = tpu.vector_load %arg11[%swap3A_845, %swap3A_846, %swap3A_847, %swap3A_848] {strides = array<i32>} : memref<5x2x80x128xf32, #tpu.memory_space<vmem>>, vector<1x1x1x16xf32>,
        %swap3A_850 = vector.shape_cast %swap3A_849 : vector<1x1x1x16xf32> to vector<16xf32>
        %swap3A_851 = vector.shape_cast %add3A_842 : vector<16xf32> to vector<1x1x1x16xf32>
        tpu.vector_store %arg11[%swap3A_845, %swap3A_846, %swap3A_847, %swap3A_848], %swap3A_851 {strides = array<i32>} : memref<5x2x80x128xf32, #tpu.memory_space<vmem>>, vector<1x1x1x16xf32>,
      }
      %scan3A_522 = arith.constant 80 : i32
      %mul3A_523 = arith.constant 80 : i32
      %mul3A_524 = arith.muli %sub3A_484, %mul3A_523 : i32
      %add3A_525 = arith.addi %mul3A_2, %mul3A_524 : i32
      %dma_start3A_526 = arith.constant 1 : i32
      %dma_start3A_527 = arith.constant 0 : i32
      %dma_start3A_528 = arith.constant 0 : i32
      %dma_start3A_529 = arith.constant 0 : i32
      %dma_start3A_530 = tpu.memref_slice %arg11[%dma_start3A_526, %dma_start3A_527, %dma_start3A_528, %dma_start3A_529] : memref<5x2x80x128xf32, #tpu.memory_space<vmem>> -> memref<1x1x80x128xf32, #tpu.memory_space<vmem>>
      %dma_start3A_531 = tpu.memref_squeeze %dma_start3A_530 : memref<1x1x80x128xf32, #tpu.memory_space<vmem>> -> memref<80x128xf32, #tpu.memory_space<vmem>>
      %dma_start3A_532 = arith.constant 0 : i32
      %dma_start3A_533 = tpu.memref_slice %arg5[%add3A_525, %dma_start3A_532] : memref<320000x128xf32, #tpu.memory_space<hbm>> -> memref<80x128xf32, #tpu.memory_space<hbm>>
      %dma_start3A_534 = arith.constant 0 : i32
      %dma_start3A_535 = tpu.memref_slice %arg5[%add3A_525, %dma_start3A_534] : memref<320000x128xf32, #tpu.memory_space<hbm>> -> memref<80x128xf32, #tpu.memory_space<hbm>>
      %dma_start3A_536 = arith.constant 0 : i32
      %dma_start3A_537 = arith.constant 0 : i32
      %dma_start3A_538 = tpu.memref_slice %arg11[%dma_start3A_526, %dma_start3A_527, %dma_start3A_536, %dma_start3A_537] : memref<5x2x80x128xf32, #tpu.memory_space<vmem>> -> memref<1x1x80x128xf32, #tpu.memory_space<vmem>>
      %dma_start3A_539 = tpu.memref_squeeze %dma_start3A_538 : memref<1x1x80x128xf32, #tpu.memory_space<vmem>> -> memref<80x128xf32, #tpu.memory_space<vmem>>
      tpu.enqueue_dma source(%dma_start3A_539 : memref<80x128xf32, #tpu.memory_space<vmem>>) target(%dma_start3A_535 : memref<80x128xf32, #tpu.memory_space<hbm>>) target_semaphore(%arg23 : memref<!tpu.dma_semaphore, #tpu.memory_space<semaphore_mem>>)
      %mul3A_540 = arith.constant 5 : i32
      %mul3A_541 = arith.muli %scan3A_203, %mul3A_540 : i32
      %add3A_542 = arith.constant 4 : i32
      %add3A_543 = arith.addi %mul3A_541, %add3A_542 : i32
      %gt3A_544 = arith.constant 0 : i32
      %gt3A_545 = arith.cmpi sgt, %scan3A_203, %gt3A_544 : i32
      %convert_element_type3A_546 = arith.extui %gt3A_545 : i1 to i32
      %cond3A_547 = arith.constant 0 : i32
      %cond3A_548 = arith.cmpi ne, %convert_element_type3A_546, %cond3A_547 : i32
      scf.if %cond3A_548 {
        %dma_wait3A_645 = arith.constant 4 : i32
        %dma_wait3A_646 = arith.constant 0 : i32
        %dma_wait3A_647 = arith.constant 0 : i32
        %dma_wait3A_648 = arith.constant 0 : i32
        %dma_wait3A_649 = tpu.memref_slice %arg11[%dma_wait3A_645, %dma_wait3A_646, %dma_wait3A_647, %dma_wait3A_648] : memref<5x2x80x128xf32, #tpu.memory_space<vmem>> -> memref<1x1x80x128xf32, #tpu.memory_space<vmem>>
        %dma_wait3A_650 = tpu.memref_squeeze %dma_wait3A_649 : memref<1x1x80x128xf32, #tpu.memory_space<vmem>> -> memref<80x128xf32, #tpu.memory_space<vmem>>
        %dma_wait3A_651 = arith.constant 0 : i32
        %dma_wait3A_652 = arith.constant 0 : i32
        %dma_wait3A_653 = tpu.memref_slice %arg2[%dma_wait3A_651, %dma_wait3A_652] : memref<10000x128xf32, #tpu.memory_space<hbm>> -> memref<80x128xf32, #tpu.memory_space<hbm>>
        %dma_wait3A_654 = arith.constant 0 : i32
        %dma_wait3A_655 = arith.constant 0 : i32
        %dma_wait3A_656 = tpu.memref_slice %arg11[%dma_wait3A_645, %dma_wait3A_646, %dma_wait3A_654, %dma_wait3A_655] : memref<5x2x80x128xf32, #tpu.memory_space<vmem>> -> memref<1x1x80x128xf32, #tpu.memory_space<vmem>>
        %dma_wait3A_657 = tpu.memref_squeeze %dma_wait3A_656 : memref<1x1x80x128xf32, #tpu.memory_space<vmem>> -> memref<80x128xf32, #tpu.memory_space<vmem>>
        %dma_wait3A_658 = arith.constant 0 : i32
        %dma_wait3A_659 = arith.constant 0 : i32
        %dma_wait3A_660 = tpu.memref_slice %arg2[%dma_wait3A_658, %dma_wait3A_659] : memref<10000x128xf32, #tpu.memory_space<hbm>> -> memref<80x128xf32, #tpu.memory_space<hbm>>
        tpu.wait_dma2 semaphore(%arg26 : memref<!tpu.dma_semaphore, #tpu.memory_space<semaphore_mem>>) src(%dma_wait3A_660 : memref<80x128xf32, #tpu.memory_space<hbm>>) dst(%dma_wait3A_657 : memref<80x128xf32, #tpu.memory_space<vmem>>)
      } else {
      }
      %dma_wait3A_549 = arith.constant 0 : i32
      %dma_wait3A_550 = arith.constant 0 : i32
      %dma_wait3A_551 = arith.constant 0 : i32
      %dma_wait3A_552 = tpu.memref_slice %arg4[%add3A, %dma_wait3A_549, %dma_wait3A_550, %dma_wait3A_551] : memref<32x125x2x80xi32, #tpu.memory_space<hbm>> -> memref<1x1x2x80xi32, #tpu.memory_space<hbm>>
      %dma_wait3A_553 = tpu.memref_squeeze %dma_wait3A_552 : memref<1x1x2x80xi32, #tpu.memory_space<hbm>> -> memref<2x80xi32, #tpu.memory_space<hbm>>
      %dma_wait3A_554 = arith.constant 0 : i32
      %dma_wait3A_555 = arith.constant 0 : i32
      %dma_wait3A_556 = tpu.memref_slice %arg4[%add3A, %dma_wait3A_549, %dma_wait3A_554, %dma_wait3A_555] : memref<32x125x2x80xi32, #tpu.memory_space<hbm>> -> memref<1x1x2x80xi32, #tpu.memory_space<hbm>>
      %dma_wait3A_557 = tpu.memref_squeeze %dma_wait3A_556 : memref<1x1x2x80xi32, #tpu.memory_space<hbm>> -> memref<2x80xi32, #tpu.memory_space<hbm>>
      tpu.wait_dma2 semaphore(%arg21 : memref<!tpu.dma_semaphore, #tpu.memory_space<semaphore_mem>>) src(%dma_wait3A_557 : memref<2x80xi32, #tpu.memory_space<hbm>>) dst(%arg10 : memref<2x80xi32, #tpu.memory_space<vmem>>)
      %dma_start3A_558 = arith.constant 0 : i32
      %dma_start3A_559 = arith.constant 4 : i32
      %dma_start3A_560 = arith.constant 0 : i32
      %dma_start3A_561 = arith.constant 0 : i32
      %dma_start3A_562 = arith.constant 0 : i32
      %dma_start3A_563 = tpu.memref_slice %arg11[%dma_start3A_559, %dma_start3A_560, %dma_start3A_561, %dma_start3A_562] : memref<5x2x80x128xf32, #tpu.memory_space<vmem>> -> memref<1x1x80x128xf32, #tpu.memory_space<vmem>>
      %dma_start3A_564 = tpu.memref_squeeze %dma_start3A_563 : memref<1x1x80x128xf32, #tpu.memory_space<vmem>> -> memref<80x128xf32, #tpu.memory_space<vmem>>
      %dma_start3A_565 = arith.constant 0 : i32
      %dma_start3A_566 = tpu.memref_slice %arg10[%dma_start3A_558, %dma_start3A_565] : memref<2x80xi32, #tpu.memory_space<vmem>> -> memref<1x80xi32, #tpu.memory_space<vmem>>
      %dma_start3A_567 = tpu.memref_squeeze %dma_start3A_566 : memref<1x80xi32, #tpu.memory_space<vmem>> -> memref<80xi32, #tpu.memory_space<vmem>>
      %dma_start3A_568 = arith.constant 0 : i32
      %dma_start3A_569 = arith.constant 0 : i32
      %dma_start3A_570 = tpu.memref_slice %arg2[%dma_start3A_568, %dma_start3A_569] : memref<10000x128xf32, #tpu.memory_space<hbm>> -> memref<10000x128xf32, #tpu.memory_space<hbm>>
      tpu.enqueue_indirect_dma source(%dma_start3A_570 : memref<10000x128xf32, #tpu.memory_space<hbm>>) target(%dma_start3A_564 : memref<80x128xf32, #tpu.memory_space<vmem>>) offsets(%dma_start3A_567 : memref<80xi32, #tpu.memory_space<vmem>>) semaphore(%arg16 : memref<!tpu.dma_semaphore, #tpu.memory_space<semaphore_mem>>)
      %dma_start3A_571 = arith.constant 1 : i32
      %dma_start3A_572 = arith.constant 4 : i32
      %dma_start3A_573 = arith.constant 1 : i32
      %dma_start3A_574 = arith.constant 0 : i32
      %dma_start3A_575 = arith.constant 0 : i32
      %dma_start3A_576 = tpu.memref_slice %arg11[%dma_start3A_572, %dma_start3A_573, %dma_start3A_574, %dma_start3A_575] : memref<5x2x80x128xf32, #tpu.memory_space<vmem>> -> memref<1x1x80x128xf32, #tpu.memory_space<vmem>>
      %dma_start3A_577 = tpu.memref_squeeze %dma_start3A_576 : memref<1x1x80x128xf32, #tpu.memory_space<vmem>> -> memref<80x128xf32, #tpu.memory_space<vmem>>
      %dma_start3A_578 = arith.constant 0 : i32
      %dma_start3A_579 = tpu.memref_slice %arg10[%dma_start3A_571, %dma_start3A_578] : memref<2x80xi32, #tpu.memory_space<vmem>> -> memref<1x80xi32, #tpu.memory_space<vmem>>
      %dma_start3A_580 = tpu.memref_squeeze %dma_start3A_579 : memref<1x80xi32, #tpu.memory_space<vmem>> -> memref<80xi32, #tpu.memory_space<vmem>>
      %dma_start3A_581 = arith.constant 0 : i32
      %dma_start3A_582 = arith.constant 0 : i32
      %dma_start3A_583 = tpu.memref_slice %arg3[%dma_start3A_581, %dma_start3A_582] : memref<10000x128xf32, #tpu.memory_space<hbm>> -> memref<10000x128xf32, #tpu.memory_space<hbm>>
      tpu.enqueue_indirect_dma source(%dma_start3A_583 : memref<10000x128xf32, #tpu.memory_space<hbm>>) target(%dma_start3A_577 : memref<80x128xf32, #tpu.memory_space<vmem>>) offsets(%dma_start3A_580 : memref<80xi32, #tpu.memory_space<vmem>>) semaphore(%arg16 : memref<!tpu.dma_semaphore, #tpu.memory_space<semaphore_mem>>)
      %lt3A = arith.constant 24 : i32
      %lt3A_584 = arith.cmpi slt, %scan3A_203, %lt3A : i32
      %convert_element_type3A_585 = arith.extui %lt3A_584 : i1 to i32
      %cond3A_586 = arith.constant 0 : i32
      %cond3A_587 = arith.cmpi ne, %convert_element_type3A_585, %cond3A_586 : i32
      scf.if %cond3A_587 {
        %add3A_645 = arith.constant 1 : i32
        %add3A_646 = arith.addi %add3A_543, %add3A_645 : i32
        %dma_start3A_647 = arith.constant 0 : i32
        %dma_start3A_648 = arith.constant 0 : i32
        %dma_start3A_649 = tpu.memref_slice %arg4[%add3A, %add3A_646, %dma_start3A_647, %dma_start3A_648] : memref<32x125x2x80xi32, #tpu.memory_space<hbm>> -> memref<1x1x2x80xi32, #tpu.memory_space<hbm>>
        %dma_start3A_650 = tpu.memref_squeeze %dma_start3A_649 : memref<1x1x2x80xi32, #tpu.memory_space<hbm>> -> memref<2x80xi32, #tpu.memory_space<hbm>>
        %dma_start3A_651 = arith.constant 0 : i32
        %dma_start3A_652 = arith.constant 0 : i32
        %dma_start3A_653 = tpu.memref_slice %arg4[%add3A, %add3A_646, %dma_start3A_651, %dma_start3A_652] : memref<32x125x2x80xi32, #tpu.memory_space<hbm>> -> memref<1x1x2x80xi32, #tpu.memory_space<hbm>>
        %dma_start3A_654 = tpu.memref_squeeze %dma_start3A_653 : memref<1x1x2x80xi32, #tpu.memory_space<hbm>> -> memref<2x80xi32, #tpu.memory_space<hbm>>
        tpu.enqueue_dma source(%dma_start3A_654 : memref<2x80xi32, #tpu.memory_space<hbm>>) target(%arg6 : memref<2x80xi32, #tpu.memory_space<vmem>>) target_semaphore(%arg17 : memref<!tpu.dma_semaphore, #tpu.memory_space<semaphore_mem>>)
      } else {
      }
      %sub3A_588 = arith.constant 2 : i32
      %sub3A_589 = arith.subi %add3A_543, %sub3A_588 : i32
      %dma_wait3A_590 = arith.constant 2 : i32
      %dma_wait3A_591 = arith.constant 0 : i32
      %dma_wait3A_592 = arith.constant 0 : i32
      %dma_wait3A_593 = arith.constant 0 : i32
      %dma_wait3A_594 = tpu.memref_slice %arg11[%dma_wait3A_590, %dma_wait3A_591, %dma_wait3A_592, %dma_wait3A_593] : memref<5x2x80x128xf32, #tpu.memory_space<vmem>> -> memref<1x1x80x128xf32, #tpu.memory_space<vmem>>
      %dma_wait3A_595 = tpu.memref_squeeze %dma_wait3A_594 : memref<1x1x80x128xf32, #tpu.memory_space<vmem>> -> memref<80x128xf32, #tpu.memory_space<vmem>>
      %dma_wait3A_596 = arith.constant 0 : i32
      %dma_wait3A_597 = arith.constant 0 : i32
      %dma_wait3A_598 = tpu.memref_slice %arg2[%dma_wait3A_596, %dma_wait3A_597] : memref<10000x128xf32, #tpu.memory_space<hbm>> -> memref<80x128xf32, #tpu.memory_space<hbm>>
      %dma_wait3A_599 = arith.constant 0 : i32
      %dma_wait3A_600 = arith.constant 0 : i32
      %dma_wait3A_601 = tpu.memref_slice %arg11[%dma_wait3A_590, %dma_wait3A_591, %dma_wait3A_599, %dma_wait3A_600] : memref<5x2x80x128xf32, #tpu.memory_space<vmem>> -> memref<1x1x80x128xf32, #tpu.memory_space<vmem>>
      %dma_wait3A_602 = tpu.memref_squeeze %dma_wait3A_601 : memref<1x1x80x128xf32, #tpu.memory_space<vmem>> -> memref<80x128xf32, #tpu.memory_space<vmem>>
      %dma_wait3A_603 = arith.constant 0 : i32
      %dma_wait3A_604 = arith.constant 0 : i32
      %dma_wait3A_605 = tpu.memref_slice %arg2[%dma_wait3A_603, %dma_wait3A_604] : memref<10000x128xf32, #tpu.memory_space<hbm>> -> memref<80x128xf32, #tpu.memory_space<hbm>>
      tpu.wait_dma2 semaphore(%arg14 : memref<!tpu.dma_semaphore, #tpu.memory_space<semaphore_mem>>) src(%dma_wait3A_605 : memref<80x128xf32, #tpu.memory_space<hbm>>) dst(%dma_wait3A_602 : memref<80x128xf32, #tpu.memory_space<vmem>>)
      %dma_wait3A_606 = arith.constant 2 : i32
      %dma_wait3A_607 = arith.constant 0 : i32
      %dma_wait3A_608 = arith.constant 0 : i32
      %dma_wait3A_609 = arith.constant 0 : i32
      %dma_wait3A_610 = tpu.memref_slice %arg11[%dma_wait3A_606, %dma_wait3A_607, %dma_wait3A_608, %dma_wait3A_609] : memref<5x2x80x128xf32, #tpu.memory_space<vmem>> -> memref<1x1x80x128xf32, #tpu.memory_space<vmem>>
      %dma_wait3A_611 = tpu.memref_squeeze %dma_wait3A_610 : memref<1x1x80x128xf32, #tpu.memory_space<vmem>> -> memref<80x128xf32, #tpu.memory_space<vmem>>
      %dma_wait3A_612 = arith.constant 0 : i32
      %dma_wait3A_613 = arith.constant 0 : i32
      %dma_wait3A_614 = tpu.memref_slice %arg2[%dma_wait3A_612, %dma_wait3A_613] : memref<10000x128xf32, #tpu.memory_space<hbm>> -> memref<80x128xf32, #tpu.memory_space<hbm>>
      %dma_wait3A_615 = arith.constant 0 : i32
      %dma_wait3A_616 = arith.constant 0 : i32
      %dma_wait3A_617 = tpu.memref_slice %arg11[%dma_wait3A_606, %dma_wait3A_607, %dma_wait3A_615, %dma_wait3A_616] : memref<5x2x80x128xf32, #tpu.memory_space<vmem>> -> memref<1x1x80x128xf32, #tpu.memory_space<vmem>>
      %dma_wait3A_618 = tpu.memref_squeeze %dma_wait3A_617 : memref<1x1x80x128xf32, #tpu.memory_space<vmem>> -> memref<80x128xf32, #tpu.memory_space<vmem>>
      %dma_wait3A_619 = arith.constant 0 : i32
      %dma_wait3A_620 = arith.constant 0 : i32
      %dma_wait3A_621 = tpu.memref_slice %arg2[%dma_wait3A_619, %dma_wait3A_620] : memref<10000x128xf32, #tpu.memory_space<hbm>> -> memref<80x128xf32, #tpu.memory_space<hbm>>
      tpu.wait_dma2 semaphore(%arg14 : memref<!tpu.dma_semaphore, #tpu.memory_space<semaphore_mem>>) src(%dma_wait3A_621 : memref<80x128xf32, #tpu.memory_space<hbm>>) dst(%dma_wait3A_618 : memref<80x128xf32, #tpu.memory_space<vmem>>)
      %scan3A_622 = arith.constant 0 : i32
      %scan3A_623 = arith.constant 0 : i32
      %scan3A_624 = arith.constant 80 : i32
      %scan3A_625 = arith.addi %scan3A_623, %scan3A_624 : i32
      %scan3A_626 = arith.constant 1 : i32
      scf.for %scan3A_645 = %scan3A_623 to %scan3A_625 step %scan3A_626  : i32 {
        %get3A = arith.constant 2 : i32
        %get3A_646 = arith.constant 0 : i32
        %get3A_647 = arith.index_cast %get3A : i32 to index
        %get3A_648 = arith.index_cast %get3A_646 : i32 to index
        %get3A_649 = arith.index_cast %scan3A_645 : i32 to index
        %get3A_650 = arith.constant 0 : index
        %get3A_651 = tpu.vector_load %arg11[%get3A_647, %get3A_648, %get3A_649, %get3A_650] {strides = array<i32>} : memref<5x2x80x128xf32, #tpu.memory_space<vmem>>, vector<1x1x1x16xf32>,
        %get3A_652 = vector.shape_cast %get3A_651 : vector<1x1x1x16xf32> to vector<16xf32>
        %get3A_653 = arith.constant 2 : i32
        %get3A_654 = arith.constant 1 : i32
        %get3A_655 = arith.index_cast %get3A_653 : i32 to index
        %get3A_656 = arith.index_cast %get3A_654 : i32 to index
        %get3A_657 = arith.index_cast %scan3A_645 : i32 to index
        %get3A_658 = arith.constant 0 : index
        %get3A_659 = tpu.vector_load %arg11[%get3A_655, %get3A_656, %get3A_657, %get3A_658] {strides = array<i32>} : memref<5x2x80x128xf32, #tpu.memory_space<vmem>>, vector<1x1x1x16xf32>,
        %get3A_660 = vector.shape_cast %get3A_659 : vector<1x1x1x16xf32> to vector<16xf32>
        %add3A_661 = arith.addf %get3A_652, %get3A_660 : vector<16xf32>
        %swap3A = arith.constant 2 : i32
        %swap3A_662 = arith.constant 0 : i32
        %swap3A_663 = arith.index_cast %swap3A : i32 to index
        %swap3A_664 = arith.index_cast %swap3A_662 : i32 to index
        %swap3A_665 = arith.index_cast %scan3A_645 : i32 to index
        %swap3A_666 = arith.constant 0 : index
        %swap3A_667 = tpu.vector_load %arg11[%swap3A_663, %swap3A_664, %swap3A_665, %swap3A_666] {strides = array<i32>} : memref<5x2x80x128xf32, #tpu.memory_space<vmem>>, vector<1x1x1x16xf32>,
        %swap3A_668 = vector.shape_cast %swap3A_667 : vector<1x1x1x16xf32> to vector<16xf32>
        %swap3A_669 = vector.shape_cast %add3A_661 : vector<16xf32> to vector<1x1x1x16xf32>
        tpu.vector_store %arg11[%swap3A_663, %swap3A_664, %swap3A_665, %swap3A_666], %swap3A_669 {strides = array<i32>} : memref<5x2x80x128xf32, #tpu.memory_space<vmem>>, vector<1x1x1x16xf32>,
        %get3A_670 = arith.constant 2 : i32
        %get3A_671 = arith.constant 0 : i32
        %get3A_672 = arith.index_cast %get3A_670 : i32 to index
        %get3A_673 = arith.index_cast %get3A_671 : i32 to index
        %get3A_674 = arith.index_cast %scan3A_645 : i32 to index
        %get3A_675 = arith.constant 16 : index
        %get3A_676 = tpu.vector_load %arg11[%get3A_672, %get3A_673, %get3A_674, %get3A_675] {strides = array<i32>} : memref<5x2x80x128xf32, #tpu.memory_space<vmem>>, vector<1x1x1x16xf32>,
        %get3A_677 = vector.shape_cast %get3A_676 : vector<1x1x1x16xf32> to vector<16xf32>
        %get3A_678 = arith.constant 2 : i32
        %get3A_679 = arith.constant 1 : i32
        %get3A_680 = arith.index_cast %get3A_678 : i32 to index
        %get3A_681 = arith.index_cast %get3A_679 : i32 to index
        %get3A_682 = arith.index_cast %scan3A_645 : i32 to index
        %get3A_683 = arith.constant 16 : index
        %get3A_684 = tpu.vector_load %arg11[%get3A_680, %get3A_681, %get3A_682, %get3A_683] {strides = array<i32>} : memref<5x2x80x128xf32, #tpu.memory_space<vmem>>, vector<1x1x1x16xf32>,
        %get3A_685 = vector.shape_cast %get3A_684 : vector<1x1x1x16xf32> to vector<16xf32>
        %add3A_686 = arith.addf %get3A_677, %get3A_685 : vector<16xf32>
        %swap3A_687 = arith.constant 2 : i32
        %swap3A_688 = arith.constant 0 : i32
        %swap3A_689 = arith.index_cast %swap3A_687 : i32 to index
        %swap3A_690 = arith.index_cast %swap3A_688 : i32 to index
        %swap3A_691 = arith.index_cast %scan3A_645 : i32 to index
        %swap3A_692 = arith.constant 16 : index
        %swap3A_693 = tpu.vector_load %arg11[%swap3A_689, %swap3A_690, %swap3A_691, %swap3A_692] {strides = array<i32>} : memref<5x2x80x128xf32, #tpu.memory_space<vmem>>, vector<1x1x1x16xf32>,
        %swap3A_694 = vector.shape_cast %swap3A_693 : vector<1x1x1x16xf32> to vector<16xf32>
        %swap3A_695 = vector.shape_cast %add3A_686 : vector<16xf32> to vector<1x1x1x16xf32>
        tpu.vector_store %arg11[%swap3A_689, %swap3A_690, %swap3A_691, %swap3A_692], %swap3A_695 {strides = array<i32>} : memref<5x2x80x128xf32, #tpu.memory_space<vmem>>, vector<1x1x1x16xf32>,
        %get3A_696 = arith.constant 2 : i32
        %get3A_697 = arith.constant 0 : i32
        %get3A_698 = arith.index_cast %get3A_696 : i32 to index
        %get3A_699 = arith.index_cast %get3A_697 : i32 to index
        %get3A_700 = arith.index_cast %scan3A_645 : i32 to index
        %get3A_701 = arith.constant 32 : index
        %get3A_702 = tpu.vector_load %arg11[%get3A_698, %get3A_699, %get3A_700, %get3A_701] {strides = array<i32>} : memref<5x2x80x128xf32, #tpu.memory_space<vmem>>, vector<1x1x1x16xf32>,
        %get3A_703 = vector.shape_cast %get3A_702 : vector<1x1x1x16xf32> to vector<16xf32>
        %get3A_704 = arith.constant 2 : i32
        %get3A_705 = arith.constant 1 : i32
        %get3A_706 = arith.index_cast %get3A_704 : i32 to index
        %get3A_707 = arith.index_cast %get3A_705 : i32 to index
        %get3A_708 = arith.index_cast %scan3A_645 : i32 to index
        %get3A_709 = arith.constant 32 : index
        %get3A_710 = tpu.vector_load %arg11[%get3A_706, %get3A_707, %get3A_708, %get3A_709] {strides = array<i32>} : memref<5x2x80x128xf32, #tpu.memory_space<vmem>>, vector<1x1x1x16xf32>,
        %get3A_711 = vector.shape_cast %get3A_710 : vector<1x1x1x16xf32> to vector<16xf32>
        %add3A_712 = arith.addf %get3A_703, %get3A_711 : vector<16xf32>
        %swap3A_713 = arith.constant 2 : i32
        %swap3A_714 = arith.constant 0 : i32
        %swap3A_715 = arith.index_cast %swap3A_713 : i32 to index
        %swap3A_716 = arith.index_cast %swap3A_714 : i32 to index
        %swap3A_717 = arith.index_cast %scan3A_645 : i32 to index
        %swap3A_718 = arith.constant 32 : index
        %swap3A_719 = tpu.vector_load %arg11[%swap3A_715, %swap3A_716, %swap3A_717, %swap3A_718] {strides = array<i32>} : memref<5x2x80x128xf32, #tpu.memory_space<vmem>>, vector<1x1x1x16xf32>,
        %swap3A_720 = vector.shape_cast %swap3A_719 : vector<1x1x1x16xf32> to vector<16xf32>
        %swap3A_721 = vector.shape_cast %add3A_712 : vector<16xf32> to vector<1x1x1x16xf32>
        tpu.vector_store %arg11[%swap3A_715, %swap3A_716, %swap3A_717, %swap3A_718], %swap3A_721 {strides = array<i32>} : memref<5x2x80x128xf32, #tpu.memory_space<vmem>>, vector<1x1x1x16xf32>,
        %get3A_722 = arith.constant 2 : i32
        %get3A_723 = arith.constant 0 : i32
        %get3A_724 = arith.index_cast %get3A_722 : i32 to index
        %get3A_725 = arith.index_cast %get3A_723 : i32 to index
        %get3A_726 = arith.index_cast %scan3A_645 : i32 to index
        %get3A_727 = arith.constant 48 : index
        %get3A_728 = tpu.vector_load %arg11[%get3A_724, %get3A_725, %get3A_726, %get3A_727] {strides = array<i32>} : memref<5x2x80x128xf32, #tpu.memory_space<vmem>>, vector<1x1x1x16xf32>,
        %get3A_729 = vector.shape_cast %get3A_728 : vector<1x1x1x16xf32> to vector<16xf32>
        %get3A_730 = arith.constant 2 : i32
        %get3A_731 = arith.constant 1 : i32
        %get3A_732 = arith.index_cast %get3A_730 : i32 to index
        %get3A_733 = arith.index_cast %get3A_731 : i32 to index
        %get3A_734 = arith.index_cast %scan3A_645 : i32 to index
        %get3A_735 = arith.constant 48 : index
        %get3A_736 = tpu.vector_load %arg11[%get3A_732, %get3A_733, %get3A_734, %get3A_735] {strides = array<i32>} : memref<5x2x80x128xf32, #tpu.memory_space<vmem>>, vector<1x1x1x16xf32>,
        %get3A_737 = vector.shape_cast %get3A_736 : vector<1x1x1x16xf32> to vector<16xf32>
        %add3A_738 = arith.addf %get3A_729, %get3A_737 : vector<16xf32>
        %swap3A_739 = arith.constant 2 : i32
        %swap3A_740 = arith.constant 0 : i32
        %swap3A_741 = arith.index_cast %swap3A_739 : i32 to index
        %swap3A_742 = arith.index_cast %swap3A_740 : i32 to index
        %swap3A_743 = arith.index_cast %scan3A_645 : i32 to index
        %swap3A_744 = arith.constant 48 : index
        %swap3A_745 = tpu.vector_load %arg11[%swap3A_741, %swap3A_742, %swap3A_743, %swap3A_744] {strides = array<i32>} : memref<5x2x80x128xf32, #tpu.memory_space<vmem>>, vector<1x1x1x16xf32>,
        %swap3A_746 = vector.shape_cast %swap3A_745 : vector<1x1x1x16xf32> to vector<16xf32>
        %swap3A_747 = vector.shape_cast %add3A_738 : vector<16xf32> to vector<1x1x1x16xf32>
        tpu.vector_store %arg11[%swap3A_741, %swap3A_742, %swap3A_743, %swap3A_744], %swap3A_747 {strides = array<i32>} : memref<5x2x80x128xf32, #tpu.memory_space<vmem>>, vector<1x1x1x16xf32>,
        %get3A_748 = arith.constant 2 : i32
        %get3A_749 = arith.constant 0 : i32
        %get3A_750 = arith.index_cast %get3A_748 : i32 to index
        %get3A_751 = arith.index_cast %get3A_749 : i32 to index
        %get3A_752 = arith.index_cast %scan3A_645 : i32 to index
        %get3A_753 = arith.constant 64 : index
        %get3A_754 = tpu.vector_load %arg11[%get3A_750, %get3A_751, %get3A_752, %get3A_753] {strides = array<i32>} : memref<5x2x80x128xf32, #tpu.memory_space<vmem>>, vector<1x1x1x16xf32>,
        %get3A_755 = vector.shape_cast %get3A_754 : vector<1x1x1x16xf32> to vector<16xf32>
        %get3A_756 = arith.constant 2 : i32
        %get3A_757 = arith.constant 1 : i32
        %get3A_758 = arith.index_cast %get3A_756 : i32 to index
        %get3A_759 = arith.index_cast %get3A_757 : i32 to index
        %get3A_760 = arith.index_cast %scan3A_645 : i32 to index
        %get3A_761 = arith.constant 64 : index
        %get3A_762 = tpu.vector_load %arg11[%get3A_758, %get3A_759, %get3A_760, %get3A_761] {strides = array<i32>} : memref<5x2x80x128xf32, #tpu.memory_space<vmem>>, vector<1x1x1x16xf32>,
        %get3A_763 = vector.shape_cast %get3A_762 : vector<1x1x1x16xf32> to vector<16xf32>
        %add3A_764 = arith.addf %get3A_755, %get3A_763 : vector<16xf32>
        %swap3A_765 = arith.constant 2 : i32
        %swap3A_766 = arith.constant 0 : i32
        %swap3A_767 = arith.index_cast %swap3A_765 : i32 to index
        %swap3A_768 = arith.index_cast %swap3A_766 : i32 to index
        %swap3A_769 = arith.index_cast %scan3A_645 : i32 to index
        %swap3A_770 = arith.constant 64 : index
        %swap3A_771 = tpu.vector_load %arg11[%swap3A_767, %swap3A_768, %swap3A_769, %swap3A_770] {strides = array<i32>} : memref<5x2x80x128xf32, #tpu.memory_space<vmem>>, vector<1x1x1x16xf32>,
        %swap3A_772 = vector.shape_cast %swap3A_771 : vector<1x1x1x16xf32> to vector<16xf32>
        %swap3A_773 = vector.shape_cast %add3A_764 : vector<16xf32> to vector<1x1x1x16xf32>
        tpu.vector_store %arg11[%swap3A_767, %swap3A_768, %swap3A_769, %swap3A_770], %swap3A_773 {strides = array<i32>} : memref<5x2x80x128xf32, #tpu.memory_space<vmem>>, vector<1x1x1x16xf32>,
        %get3A_774 = arith.constant 2 : i32
        %get3A_775 = arith.constant 0 : i32
        %get3A_776 = arith.index_cast %get3A_774 : i32 to index
        %get3A_777 = arith.index_cast %get3A_775 : i32 to index
        %get3A_778 = arith.index_cast %scan3A_645 : i32 to index
        %get3A_779 = arith.constant 80 : index
        %get3A_780 = tpu.vector_load %arg11[%get3A_776, %get3A_777, %get3A_778, %get3A_779] {strides = array<i32>} : memref<5x2x80x128xf32, #tpu.memory_space<vmem>>, vector<1x1x1x16xf32>,
        %get3A_781 = vector.shape_cast %get3A_780 : vector<1x1x1x16xf32> to vector<16xf32>
        %get3A_782 = arith.constant 2 : i32
        %get3A_783 = arith.constant 1 : i32
        %get3A_784 = arith.index_cast %get3A_782 : i32 to index
        %get3A_785 = arith.index_cast %get3A_783 : i32 to index
        %get3A_786 = arith.index_cast %scan3A_645 : i32 to index
        %get3A_787 = arith.constant 80 : index
        %get3A_788 = tpu.vector_load %arg11[%get3A_784, %get3A_785, %get3A_786, %get3A_787] {strides = array<i32>} : memref<5x2x80x128xf32, #tpu.memory_space<vmem>>, vector<1x1x1x16xf32>,
        %get3A_789 = vector.shape_cast %get3A_788 : vector<1x1x1x16xf32> to vector<16xf32>
        %add3A_790 = arith.addf %get3A_781, %get3A_789 : vector<16xf32>
        %swap3A_791 = arith.constant 2 : i32
        %swap3A_792 = arith.constant 0 : i32
        %swap3A_793 = arith.index_cast %swap3A_791 : i32 to index
        %swap3A_794 = arith.index_cast %swap3A_792 : i32 to index
        %swap3A_795 = arith.index_cast %scan3A_645 : i32 to index
        %swap3A_796 = arith.constant 80 : index
        %swap3A_797 = tpu.vector_load %arg11[%swap3A_793, %swap3A_794, %swap3A_795, %swap3A_796] {strides = array<i32>} : memref<5x2x80x128xf32, #tpu.memory_space<vmem>>, vector<1x1x1x16xf32>,
        %swap3A_798 = vector.shape_cast %swap3A_797 : vector<1x1x1x16xf32> to vector<16xf32>
        %swap3A_799 = vector.shape_cast %add3A_790 : vector<16xf32> to vector<1x1x1x16xf32>
        tpu.vector_store %arg11[%swap3A_793, %swap3A_794, %swap3A_795, %swap3A_796], %swap3A_799 {strides = array<i32>} : memref<5x2x80x128xf32, #tpu.memory_space<vmem>>, vector<1x1x1x16xf32>,
        %get3A_800 = arith.constant 2 : i32
        %get3A_801 = arith.constant 0 : i32
        %get3A_802 = arith.index_cast %get3A_800 : i32 to index
        %get3A_803 = arith.index_cast %get3A_801 : i32 to index
        %get3A_804 = arith.index_cast %scan3A_645 : i32 to index
        %get3A_805 = arith.constant 96 : index
        %get3A_806 = tpu.vector_load %arg11[%get3A_802, %get3A_803, %get3A_804, %get3A_805] {strides = array<i32>} : memref<5x2x80x128xf32, #tpu.memory_space<vmem>>, vector<1x1x1x16xf32>,
        %get3A_807 = vector.shape_cast %get3A_806 : vector<1x1x1x16xf32> to vector<16xf32>
        %get3A_808 = arith.constant 2 : i32
        %get3A_809 = arith.constant 1 : i32
        %get3A_810 = arith.index_cast %get3A_808 : i32 to index
        %get3A_811 = arith.index_cast %get3A_809 : i32 to index
        %get3A_812 = arith.index_cast %scan3A_645 : i32 to index
        %get3A_813 = arith.constant 96 : index
        %get3A_814 = tpu.vector_load %arg11[%get3A_810, %get3A_811, %get3A_812, %get3A_813] {strides = array<i32>} : memref<5x2x80x128xf32, #tpu.memory_space<vmem>>, vector<1x1x1x16xf32>,
        %get3A_815 = vector.shape_cast %get3A_814 : vector<1x1x1x16xf32> to vector<16xf32>
        %add3A_816 = arith.addf %get3A_807, %get3A_815 : vector<16xf32>
        %swap3A_817 = arith.constant 2 : i32
        %swap3A_818 = arith.constant 0 : i32
        %swap3A_819 = arith.index_cast %swap3A_817 : i32 to index
        %swap3A_820 = arith.index_cast %swap3A_818 : i32 to index
        %swap3A_821 = arith.index_cast %scan3A_645 : i32 to index
        %swap3A_822 = arith.constant 96 : index
        %swap3A_823 = tpu.vector_load %arg11[%swap3A_819, %swap3A_820, %swap3A_821, %swap3A_822] {strides = array<i32>} : memref<5x2x80x128xf32, #tpu.memory_space<vmem>>, vector<1x1x1x16xf32>,
        %swap3A_824 = vector.shape_cast %swap3A_823 : vector<1x1x1x16xf32> to vector<16xf32>
        %swap3A_825 = vector.shape_cast %add3A_816 : vector<16xf32> to vector<1x1x1x16xf32>
        tpu.vector_store %arg11[%swap3A_819, %swap3A_820, %swap3A_821, %swap3A_822], %swap3A_825 {strides = array<i32>} : memref<5x2x80x128xf32, #tpu.memory_space<vmem>>, vector<1x1x1x16xf32>,
        %get3A_826 = arith.constant 2 : i32
        %get3A_827 = arith.constant 0 : i32
        %get3A_828 = arith.index_cast %get3A_826 : i32 to index
        %get3A_829 = arith.index_cast %get3A_827 : i32 to index
        %get3A_830 = arith.index_cast %scan3A_645 : i32 to index
        %get3A_831 = arith.constant 112 : index
        %get3A_832 = tpu.vector_load %arg11[%get3A_828, %get3A_829, %get3A_830, %get3A_831] {strides = array<i32>} : memref<5x2x80x128xf32, #tpu.memory_space<vmem>>, vector<1x1x1x16xf32>,
        %get3A_833 = vector.shape_cast %get3A_832 : vector<1x1x1x16xf32> to vector<16xf32>
        %get3A_834 = arith.constant 2 : i32
        %get3A_835 = arith.constant 1 : i32
        %get3A_836 = arith.index_cast %get3A_834 : i32 to index
        %get3A_837 = arith.index_cast %get3A_835 : i32 to index
        %get3A_838 = arith.index_cast %scan3A_645 : i32 to index
        %get3A_839 = arith.constant 112 : index
        %get3A_840 = tpu.vector_load %arg11[%get3A_836, %get3A_837, %get3A_838, %get3A_839] {strides = array<i32>} : memref<5x2x80x128xf32, #tpu.memory_space<vmem>>, vector<1x1x1x16xf32>,
        %get3A_841 = vector.shape_cast %get3A_840 : vector<1x1x1x16xf32> to vector<16xf32>
        %add3A_842 = arith.addf %get3A_833, %get3A_841 : vector<16xf32>
        %swap3A_843 = arith.constant 2 : i32
        %swap3A_844 = arith.constant 0 : i32
        %swap3A_845 = arith.index_cast %swap3A_843 : i32 to index
        %swap3A_846 = arith.index_cast %swap3A_844 : i32 to index
        %swap3A_847 = arith.index_cast %scan3A_645 : i32 to index
        %swap3A_848 = arith.constant 112 : index
        %swap3A_849 = tpu.vector_load %arg11[%swap3A_845, %swap3A_846, %swap3A_847, %swap3A_848] {strides = array<i32>} : memref<5x2x80x128xf32, #tpu.memory_space<vmem>>, vector<1x1x1x16xf32>,
        %swap3A_850 = vector.shape_cast %swap3A_849 : vector<1x1x1x16xf32> to vector<16xf32>
        %swap3A_851 = vector.shape_cast %add3A_842 : vector<16xf32> to vector<1x1x1x16xf32>
        tpu.vector_store %arg11[%swap3A_845, %swap3A_846, %swap3A_847, %swap3A_848], %swap3A_851 {strides = array<i32>} : memref<5x2x80x128xf32, #tpu.memory_space<vmem>>, vector<1x1x1x16xf32>,
      }
      %scan3A_627 = arith.constant 80 : i32
      %mul3A_628 = arith.constant 80 : i32
      %mul3A_629 = arith.muli %sub3A_589, %mul3A_628 : i32
      %add3A_630 = arith.addi %mul3A_2, %mul3A_629 : i32
      %dma_start3A_631 = arith.constant 2 : i32
      %dma_start3A_632 = arith.constant 0 : i32
      %dma_start3A_633 = arith.constant 0 : i32
      %dma_start3A_634 = arith.constant 0 : i32
      %dma_start3A_635 = tpu.memref_slice %arg11[%dma_start3A_631, %dma_start3A_632, %dma_start3A_633, %dma_start3A_634] : memref<5x2x80x128xf32, #tpu.memory_space<vmem>> -> memref<1x1x80x128xf32, #tpu.memory_space<vmem>>
      %dma_start3A_636 = tpu.memref_squeeze %dma_start3A_635 : memref<1x1x80x128xf32, #tpu.memory_space<vmem>> -> memref<80x128xf32, #tpu.memory_space<vmem>>
      %dma_start3A_637 = arith.constant 0 : i32
      %dma_start3A_638 = tpu.memref_slice %arg5[%add3A_630, %dma_start3A_637] : memref<320000x128xf32, #tpu.memory_space<hbm>> -> memref<80x128xf32, #tpu.memory_space<hbm>>
      %dma_start3A_639 = arith.constant 0 : i32
      %dma_start3A_640 = tpu.memref_slice %arg5[%add3A_630, %dma_start3A_639] : memref<320000x128xf32, #tpu.memory_space<hbm>> -> memref<80x128xf32, #tpu.memory_space<hbm>>
      %dma_start3A_641 = arith.constant 0 : i32
      %dma_start3A_642 = arith.constant 0 : i32
      %dma_start3A_643 = tpu.memref_slice %arg11[%dma_start3A_631, %dma_start3A_632, %dma_start3A_641, %dma_start3A_642] : memref<5x2x80x128xf32, #tpu.memory_space<vmem>> -> memref<1x1x80x128xf32, #tpu.memory_space<vmem>>
      %dma_start3A_644 = tpu.memref_squeeze %dma_start3A_643 : memref<1x1x80x128xf32, #tpu.memory_space<vmem>> -> memref<80x128xf32, #tpu.memory_space<vmem>>
      tpu.enqueue_dma source(%dma_start3A_644 : memref<80x128xf32, #tpu.memory_space<vmem>>) target(%dma_start3A_640 : memref<80x128xf32, #tpu.memory_space<hbm>>) target_semaphore(%arg24 : memref<!tpu.dma_semaphore, #tpu.memory_space<semaphore_mem>>)
    }
    %scan3A_15 = arith.constant 25 : i32
    %dma_wait3A = arith.constant 3 : i32
    %dma_wait3A_16 = arith.constant 0 : i32
    %dma_wait3A_17 = arith.constant 0 : i32
    %dma_wait3A_18 = arith.constant 0 : i32
    %dma_wait3A_19 = tpu.memref_slice %arg11[%dma_wait3A, %dma_wait3A_16, %dma_wait3A_17, %dma_wait3A_18] : memref<5x2x80x128xf32, #tpu.memory_space<vmem>> -> memref<1x1x80x128xf32, #tpu.memory_space<vmem>>
    %dma_wait3A_20 = tpu.memref_squeeze %dma_wait3A_19 : memref<1x1x80x128xf32, #tpu.memory_space<vmem>> -> memref<80x128xf32, #tpu.memory_space<vmem>>
    %dma_wait3A_21 = arith.constant 0 : i32
    %dma_wait3A_22 = arith.constant 0 : i32
    %dma_wait3A_23 = tpu.memref_slice %arg2[%dma_wait3A_21, %dma_wait3A_22] : memref<10000x128xf32, #tpu.memory_space<hbm>> -> memref<80x128xf32, #tpu.memory_space<hbm>>
    %dma_wait3A_24 = arith.constant 0 : i32
    %dma_wait3A_25 = arith.constant 0 : i32
    %dma_wait3A_26 = tpu.memref_slice %arg11[%dma_wait3A, %dma_wait3A_16, %dma_wait3A_24, %dma_wait3A_25] : memref<5x2x80x128xf32, #tpu.memory_space<vmem>> -> memref<1x1x80x128xf32, #tpu.memory_space<vmem>>
    %dma_wait3A_27 = tpu.memref_squeeze %dma_wait3A_26 : memref<1x1x80x128xf32, #tpu.memory_space<vmem>> -> memref<80x128xf32, #tpu.memory_space<vmem>>
    %dma_wait3A_28 = arith.constant 0 : i32
    %dma_wait3A_29 = arith.constant 0 : i32
    %dma_wait3A_30 = tpu.memref_slice %arg2[%dma_wait3A_28, %dma_wait3A_29] : memref<10000x128xf32, #tpu.memory_space<hbm>> -> memref<80x128xf32, #tpu.memory_space<hbm>>
    tpu.wait_dma2 semaphore(%arg15 : memref<!tpu.dma_semaphore, #tpu.memory_space<semaphore_mem>>) src(%dma_wait3A_30 : memref<80x128xf32, #tpu.memory_space<hbm>>) dst(%dma_wait3A_27 : memref<80x128xf32, #tpu.memory_space<vmem>>)
    %dma_wait3A_31 = arith.constant 3 : i32
    %dma_wait3A_32 = arith.constant 0 : i32
    %dma_wait3A_33 = arith.constant 0 : i32
    %dma_wait3A_34 = arith.constant 0 : i32
    %dma_wait3A_35 = tpu.memref_slice %arg11[%dma_wait3A_31, %dma_wait3A_32, %dma_wait3A_33, %dma_wait3A_34] : memref<5x2x80x128xf32, #tpu.memory_space<vmem>> -> memref<1x1x80x128xf32, #tpu.memory_space<vmem>>
    %dma_wait3A_36 = tpu.memref_squeeze %dma_wait3A_35 : memref<1x1x80x128xf32, #tpu.memory_space<vmem>> -> memref<80x128xf32, #tpu.memory_space<vmem>>
    %dma_wait3A_37 = arith.constant 0 : i32
    %dma_wait3A_38 = arith.constant 0 : i32
    %dma_wait3A_39 = tpu.memref_slice %arg2[%dma_wait3A_37, %dma_wait3A_38] : memref<10000x128xf32, #tpu.memory_space<hbm>> -> memref<80x128xf32, #tpu.memory_space<hbm>>
    %dma_wait3A_40 = arith.constant 0 : i32
    %dma_wait3A_41 = arith.constant 0 : i32
    %dma_wait3A_42 = tpu.memref_slice %arg11[%dma_wait3A_31, %dma_wait3A_32, %dma_wait3A_40, %dma_wait3A_41] : memref<5x2x80x128xf32, #tpu.memory_space<vmem>> -> memref<1x1x80x128xf32, #tpu.memory_space<vmem>>
    %dma_wait3A_43 = tpu.memref_squeeze %dma_wait3A_42 : memref<1x1x80x128xf32, #tpu.memory_space<vmem>> -> memref<80x128xf32, #tpu.memory_space<vmem>>
    %dma_wait3A_44 = arith.constant 0 : i32
    %dma_wait3A_45 = arith.constant 0 : i32
    %dma_wait3A_46 = tpu.memref_slice %arg2[%dma_wait3A_44, %dma_wait3A_45] : memref<10000x128xf32, #tpu.memory_space<hbm>> -> memref<80x128xf32, #tpu.memory_space<hbm>>
    tpu.wait_dma2 semaphore(%arg15 : memref<!tpu.dma_semaphore, #tpu.memory_space<semaphore_mem>>) src(%dma_wait3A_46 : memref<80x128xf32, #tpu.memory_space<hbm>>) dst(%dma_wait3A_43 : memref<80x128xf32, #tpu.memory_space<vmem>>)
    %scan3A_47 = arith.constant 0 : i32
    %scan3A_48 = arith.constant 0 : i32
    %scan3A_49 = arith.constant 80 : i32
    %scan3A_50 = arith.addi %scan3A_48, %scan3A_49 : i32
    %scan3A_51 = arith.constant 1 : i32
    scf.for %scan3A_203 = %scan3A_48 to %scan3A_50 step %scan3A_51  : i32 {
      %get3A = arith.constant 3 : i32
      %get3A_204 = arith.constant 0 : i32
      %get3A_205 = arith.index_cast %get3A : i32 to index
      %get3A_206 = arith.index_cast %get3A_204 : i32 to index
      %get3A_207 = arith.index_cast %scan3A_203 : i32 to index
      %get3A_208 = arith.constant 0 : index
      %get3A_209 = tpu.vector_load %arg11[%get3A_205, %get3A_206, %get3A_207, %get3A_208] {strides = array<i32>} : memref<5x2x80x128xf32, #tpu.memory_space<vmem>>, vector<1x1x1x16xf32>,
      %get3A_210 = vector.shape_cast %get3A_209 : vector<1x1x1x16xf32> to vector<16xf32>
      %get3A_211 = arith.constant 3 : i32
      %get3A_212 = arith.constant 1 : i32
      %get3A_213 = arith.index_cast %get3A_211 : i32 to index
      %get3A_214 = arith.index_cast %get3A_212 : i32 to index
      %get3A_215 = arith.index_cast %scan3A_203 : i32 to index
      %get3A_216 = arith.constant 0 : index
      %get3A_217 = tpu.vector_load %arg11[%get3A_213, %get3A_214, %get3A_215, %get3A_216] {strides = array<i32>} : memref<5x2x80x128xf32, #tpu.memory_space<vmem>>, vector<1x1x1x16xf32>,
      %get3A_218 = vector.shape_cast %get3A_217 : vector<1x1x1x16xf32> to vector<16xf32>
      %add3A_219 = arith.addf %get3A_210, %get3A_218 : vector<16xf32>
      %swap3A = arith.constant 3 : i32
      %swap3A_220 = arith.constant 0 : i32
      %swap3A_221 = arith.index_cast %swap3A : i32 to index
      %swap3A_222 = arith.index_cast %swap3A_220 : i32 to index
      %swap3A_223 = arith.index_cast %scan3A_203 : i32 to index
      %swap3A_224 = arith.constant 0 : index
      %swap3A_225 = tpu.vector_load %arg11[%swap3A_221, %swap3A_222, %swap3A_223, %swap3A_224] {strides = array<i32>} : memref<5x2x80x128xf32, #tpu.memory_space<vmem>>, vector<1x1x1x16xf32>,
      %swap3A_226 = vector.shape_cast %swap3A_225 : vector<1x1x1x16xf32> to vector<16xf32>
      %swap3A_227 = vector.shape_cast %add3A_219 : vector<16xf32> to vector<1x1x1x16xf32>
      tpu.vector_store %arg11[%swap3A_221, %swap3A_222, %swap3A_223, %swap3A_224], %swap3A_227 {strides = array<i32>} : memref<5x2x80x128xf32, #tpu.memory_space<vmem>>, vector<1x1x1x16xf32>,
      %get3A_228 = arith.constant 3 : i32
      %get3A_229 = arith.constant 0 : i32
      %get3A_230 = arith.index_cast %get3A_228 : i32 to index
      %get3A_231 = arith.index_cast %get3A_229 : i32 to index
      %get3A_232 = arith.index_cast %scan3A_203 : i32 to index
      %get3A_233 = arith.constant 16 : index
      %get3A_234 = tpu.vector_load %arg11[%get3A_230, %get3A_231, %get3A_232, %get3A_233] {strides = array<i32>} : memref<5x2x80x128xf32, #tpu.memory_space<vmem>>, vector<1x1x1x16xf32>,
      %get3A_235 = vector.shape_cast %get3A_234 : vector<1x1x1x16xf32> to vector<16xf32>
      %get3A_236 = arith.constant 3 : i32
      %get3A_237 = arith.constant 1 : i32
      %get3A_238 = arith.index_cast %get3A_236 : i32 to index
      %get3A_239 = arith.index_cast %get3A_237 : i32 to index
      %get3A_240 = arith.index_cast %scan3A_203 : i32 to index
      %get3A_241 = arith.constant 16 : index
      %get3A_242 = tpu.vector_load %arg11[%get3A_238, %get3A_239, %get3A_240, %get3A_241] {strides = array<i32>} : memref<5x2x80x128xf32, #tpu.memory_space<vmem>>, vector<1x1x1x16xf32>,
      %get3A_243 = vector.shape_cast %get3A_242 : vector<1x1x1x16xf32> to vector<16xf32>
      %add3A_244 = arith.addf %get3A_235, %get3A_243 : vector<16xf32>
      %swap3A_245 = arith.constant 3 : i32
      %swap3A_246 = arith.constant 0 : i32
      %swap3A_247 = arith.index_cast %swap3A_245 : i32 to index
      %swap3A_248 = arith.index_cast %swap3A_246 : i32 to index
      %swap3A_249 = arith.index_cast %scan3A_203 : i32 to index
      %swap3A_250 = arith.constant 16 : index
      %swap3A_251 = tpu.vector_load %arg11[%swap3A_247, %swap3A_248, %swap3A_249, %swap3A_250] {strides = array<i32>} : memref<5x2x80x128xf32, #tpu.memory_space<vmem>>, vector<1x1x1x16xf32>,
      %swap3A_252 = vector.shape_cast %swap3A_251 : vector<1x1x1x16xf32> to vector<16xf32>
      %swap3A_253 = vector.shape_cast %add3A_244 : vector<16xf32> to vector<1x1x1x16xf32>
      tpu.vector_store %arg11[%swap3A_247, %swap3A_248, %swap3A_249, %swap3A_250], %swap3A_253 {strides = array<i32>} : memref<5x2x80x128xf32, #tpu.memory_space<vmem>>, vector<1x1x1x16xf32>,
      %get3A_254 = arith.constant 3 : i32
      %get3A_255 = arith.constant 0 : i32
      %get3A_256 = arith.index_cast %get3A_254 : i32 to index
      %get3A_257 = arith.index_cast %get3A_255 : i32 to index
      %get3A_258 = arith.index_cast %scan3A_203 : i32 to index
      %get3A_259 = arith.constant 32 : index
      %get3A_260 = tpu.vector_load %arg11[%get3A_256, %get3A_257, %get3A_258, %get3A_259] {strides = array<i32>} : memref<5x2x80x128xf32, #tpu.memory_space<vmem>>, vector<1x1x1x16xf32>,
      %get3A_261 = vector.shape_cast %get3A_260 : vector<1x1x1x16xf32> to vector<16xf32>
      %get3A_262 = arith.constant 3 : i32
      %get3A_263 = arith.constant 1 : i32
      %get3A_264 = arith.index_cast %get3A_262 : i32 to index
      %get3A_265 = arith.index_cast %get3A_263 : i32 to index
      %get3A_266 = arith.index_cast %scan3A_203 : i32 to index
      %get3A_267 = arith.constant 32 : index
      %get3A_268 = tpu.vector_load %arg11[%get3A_264, %get3A_265, %get3A_266, %get3A_267] {strides = array<i32>} : memref<5x2x80x128xf32, #tpu.memory_space<vmem>>, vector<1x1x1x16xf32>,
      %get3A_269 = vector.shape_cast %get3A_268 : vector<1x1x1x16xf32> to vector<16xf32>
      %add3A_270 = arith.addf %get3A_261, %get3A_269 : vector<16xf32>
      %swap3A_271 = arith.constant 3 : i32
      %swap3A_272 = arith.constant 0 : i32
      %swap3A_273 = arith.index_cast %swap3A_271 : i32 to index
      %swap3A_274 = arith.index_cast %swap3A_272 : i32 to index
      %swap3A_275 = arith.index_cast %scan3A_203 : i32 to index
      %swap3A_276 = arith.constant 32 : index
      %swap3A_277 = tpu.vector_load %arg11[%swap3A_273, %swap3A_274, %swap3A_275, %swap3A_276] {strides = array<i32>} : memref<5x2x80x128xf32, #tpu.memory_space<vmem>>, vector<1x1x1x16xf32>,
      %swap3A_278 = vector.shape_cast %swap3A_277 : vector<1x1x1x16xf32> to vector<16xf32>
      %swap3A_279 = vector.shape_cast %add3A_270 : vector<16xf32> to vector<1x1x1x16xf32>
      tpu.vector_store %arg11[%swap3A_273, %swap3A_274, %swap3A_275, %swap3A_276], %swap3A_279 {strides = array<i32>} : memref<5x2x80x128xf32, #tpu.memory_space<vmem>>, vector<1x1x1x16xf32>,
      %get3A_280 = arith.constant 3 : i32
      %get3A_281 = arith.constant 0 : i32
      %get3A_282 = arith.index_cast %get3A_280 : i32 to index
      %get3A_283 = arith.index_cast %get3A_281 : i32 to index
      %get3A_284 = arith.index_cast %scan3A_203 : i32 to index
      %get3A_285 = arith.constant 48 : index
      %get3A_286 = tpu.vector_load %arg11[%get3A_282, %get3A_283, %get3A_284, %get3A_285] {strides = array<i32>} : memref<5x2x80x128xf32, #tpu.memory_space<vmem>>, vector<1x1x1x16xf32>,
      %get3A_287 = vector.shape_cast %get3A_286 : vector<1x1x1x16xf32> to vector<16xf32>
      %get3A_288 = arith.constant 3 : i32
      %get3A_289 = arith.constant 1 : i32
      %get3A_290 = arith.index_cast %get3A_288 : i32 to index
      %get3A_291 = arith.index_cast %get3A_289 : i32 to index
      %get3A_292 = arith.index_cast %scan3A_203 : i32 to index
      %get3A_293 = arith.constant 48 : index
      %get3A_294 = tpu.vector_load %arg11[%get3A_290, %get3A_291, %get3A_292, %get3A_293] {strides = array<i32>} : memref<5x2x80x128xf32, #tpu.memory_space<vmem>>, vector<1x1x1x16xf32>,
      %get3A_295 = vector.shape_cast %get3A_294 : vector<1x1x1x16xf32> to vector<16xf32>
      %add3A_296 = arith.addf %get3A_287, %get3A_295 : vector<16xf32>
      %swap3A_297 = arith.constant 3 : i32
      %swap3A_298 = arith.constant 0 : i32
      %swap3A_299 = arith.index_cast %swap3A_297 : i32 to index
      %swap3A_300 = arith.index_cast %swap3A_298 : i32 to index
      %swap3A_301 = arith.index_cast %scan3A_203 : i32 to index
      %swap3A_302 = arith.constant 48 : index
      %swap3A_303 = tpu.vector_load %arg11[%swap3A_299, %swap3A_300, %swap3A_301, %swap3A_302] {strides = array<i32>} : memref<5x2x80x128xf32, #tpu.memory_space<vmem>>, vector<1x1x1x16xf32>,
      %swap3A_304 = vector.shape_cast %swap3A_303 : vector<1x1x1x16xf32> to vector<16xf32>
      %swap3A_305 = vector.shape_cast %add3A_296 : vector<16xf32> to vector<1x1x1x16xf32>
      tpu.vector_store %arg11[%swap3A_299, %swap3A_300, %swap3A_301, %swap3A_302], %swap3A_305 {strides = array<i32>} : memref<5x2x80x128xf32, #tpu.memory_space<vmem>>, vector<1x1x1x16xf32>,
      %get3A_306 = arith.constant 3 : i32
      %get3A_307 = arith.constant 0 : i32
      %get3A_308 = arith.index_cast %get3A_306 : i32 to index
      %get3A_309 = arith.index_cast %get3A_307 : i32 to index
      %get3A_310 = arith.index_cast %scan3A_203 : i32 to index
      %get3A_311 = arith.constant 64 : index
      %get3A_312 = tpu.vector_load %arg11[%get3A_308, %get3A_309, %get3A_310, %get3A_311] {strides = array<i32>} : memref<5x2x80x128xf32, #tpu.memory_space<vmem>>, vector<1x1x1x16xf32>,
      %get3A_313 = vector.shape_cast %get3A_312 : vector<1x1x1x16xf32> to vector<16xf32>
      %get3A_314 = arith.constant 3 : i32
      %get3A_315 = arith.constant 1 : i32
      %get3A_316 = arith.index_cast %get3A_314 : i32 to index
      %get3A_317 = arith.index_cast %get3A_315 : i32 to index
      %get3A_318 = arith.index_cast %scan3A_203 : i32 to index
      %get3A_319 = arith.constant 64 : index
      %get3A_320 = tpu.vector_load %arg11[%get3A_316, %get3A_317, %get3A_318, %get3A_319] {strides = array<i32>} : memref<5x2x80x128xf32, #tpu.memory_space<vmem>>, vector<1x1x1x16xf32>,
      %get3A_321 = vector.shape_cast %get3A_320 : vector<1x1x1x16xf32> to vector<16xf32>
      %add3A_322 = arith.addf %get3A_313, %get3A_321 : vector<16xf32>
      %swap3A_323 = arith.constant 3 : i32
      %swap3A_324 = arith.constant 0 : i32
      %swap3A_325 = arith.index_cast %swap3A_323 : i32 to index
      %swap3A_326 = arith.index_cast %swap3A_324 : i32 to index
      %swap3A_327 = arith.index_cast %scan3A_203 : i32 to index
      %swap3A_328 = arith.constant 64 : index
      %swap3A_329 = tpu.vector_load %arg11[%swap3A_325, %swap3A_326, %swap3A_327, %swap3A_328] {strides = array<i32>} : memref<5x2x80x128xf32, #tpu.memory_space<vmem>>, vector<1x1x1x16xf32>,
      %swap3A_330 = vector.shape_cast %swap3A_329 : vector<1x1x1x16xf32> to vector<16xf32>
      %swap3A_331 = vector.shape_cast %add3A_322 : vector<16xf32> to vector<1x1x1x16xf32>
      tpu.vector_store %arg11[%swap3A_325, %swap3A_326, %swap3A_327, %swap3A_328], %swap3A_331 {strides = array<i32>} : memref<5x2x80x128xf32, #tpu.memory_space<vmem>>, vector<1x1x1x16xf32>,
      %get3A_332 = arith.constant 3 : i32
      %get3A_333 = arith.constant 0 : i32
      %get3A_334 = arith.index_cast %get3A_332 : i32 to index
      %get3A_335 = arith.index_cast %get3A_333 : i32 to index
      %get3A_336 = arith.index_cast %scan3A_203 : i32 to index
      %get3A_337 = arith.constant 80 : index
      %get3A_338 = tpu.vector_load %arg11[%get3A_334, %get3A_335, %get3A_336, %get3A_337] {strides = array<i32>} : memref<5x2x80x128xf32, #tpu.memory_space<vmem>>, vector<1x1x1x16xf32>,
      %get3A_339 = vector.shape_cast %get3A_338 : vector<1x1x1x16xf32> to vector<16xf32>
      %get3A_340 = arith.constant 3 : i32
      %get3A_341 = arith.constant 1 : i32
      %get3A_342 = arith.index_cast %get3A_340 : i32 to index
      %get3A_343 = arith.index_cast %get3A_341 : i32 to index
      %get3A_344 = arith.index_cast %scan3A_203 : i32 to index
      %get3A_345 = arith.constant 80 : index
      %get3A_346 = tpu.vector_load %arg11[%get3A_342, %get3A_343, %get3A_344, %get3A_345] {strides = array<i32>} : memref<5x2x80x128xf32, #tpu.memory_space<vmem>>, vector<1x1x1x16xf32>,
      %get3A_347 = vector.shape_cast %get3A_346 : vector<1x1x1x16xf32> to vector<16xf32>
      %add3A_348 = arith.addf %get3A_339, %get3A_347 : vector<16xf32>
      %swap3A_349 = arith.constant 3 : i32
      %swap3A_350 = arith.constant 0 : i32
      %swap3A_351 = arith.index_cast %swap3A_349 : i32 to index
      %swap3A_352 = arith.index_cast %swap3A_350 : i32 to index
      %swap3A_353 = arith.index_cast %scan3A_203 : i32 to index
      %swap3A_354 = arith.constant 80 : index
      %swap3A_355 = tpu.vector_load %arg11[%swap3A_351, %swap3A_352, %swap3A_353, %swap3A_354] {strides = array<i32>} : memref<5x2x80x128xf32, #tpu.memory_space<vmem>>, vector<1x1x1x16xf32>,
      %swap3A_356 = vector.shape_cast %swap3A_355 : vector<1x1x1x16xf32> to vector<16xf32>
      %swap3A_357 = vector.shape_cast %add3A_348 : vector<16xf32> to vector<1x1x1x16xf32>
      tpu.vector_store %arg11[%swap3A_351, %swap3A_352, %swap3A_353, %swap3A_354], %swap3A_357 {strides = array<i32>} : memref<5x2x80x128xf32, #tpu.memory_space<vmem>>, vector<1x1x1x16xf32>,
      %get3A_358 = arith.constant 3 : i32
      %get3A_359 = arith.constant 0 : i32
      %get3A_360 = arith.index_cast %get3A_358 : i32 to index
      %get3A_361 = arith.index_cast %get3A_359 : i32 to index
      %get3A_362 = arith.index_cast %scan3A_203 : i32 to index
      %get3A_363 = arith.constant 96 : index
      %get3A_364 = tpu.vector_load %arg11[%get3A_360, %get3A_361, %get3A_362, %get3A_363] {strides = array<i32>} : memref<5x2x80x128xf32, #tpu.memory_space<vmem>>, vector<1x1x1x16xf32>,
      %get3A_365 = vector.shape_cast %get3A_364 : vector<1x1x1x16xf32> to vector<16xf32>
      %get3A_366 = arith.constant 3 : i32
      %get3A_367 = arith.constant 1 : i32
      %get3A_368 = arith.index_cast %get3A_366 : i32 to index
      %get3A_369 = arith.index_cast %get3A_367 : i32 to index
      %get3A_370 = arith.index_cast %scan3A_203 : i32 to index
      %get3A_371 = arith.constant 96 : index
      %get3A_372 = tpu.vector_load %arg11[%get3A_368, %get3A_369, %get3A_370, %get3A_371] {strides = array<i32>} : memref<5x2x80x128xf32, #tpu.memory_space<vmem>>, vector<1x1x1x16xf32>,
      %get3A_373 = vector.shape_cast %get3A_372 : vector<1x1x1x16xf32> to vector<16xf32>
      %add3A_374 = arith.addf %get3A_365, %get3A_373 : vector<16xf32>
      %swap3A_375 = arith.constant 3 : i32
      %swap3A_376 = arith.constant 0 : i32
      %swap3A_377 = arith.index_cast %swap3A_375 : i32 to index
      %swap3A_378 = arith.index_cast %swap3A_376 : i32 to index
      %swap3A_379 = arith.index_cast %scan3A_203 : i32 to index
      %swap3A_380 = arith.constant 96 : index
      %swap3A_381 = tpu.vector_load %arg11[%swap3A_377, %swap3A_378, %swap3A_379, %swap3A_380] {strides = array<i32>} : memref<5x2x80x128xf32, #tpu.memory_space<vmem>>, vector<1x1x1x16xf32>,
      %swap3A_382 = vector.shape_cast %swap3A_381 : vector<1x1x1x16xf32> to vector<16xf32>
      %swap3A_383 = vector.shape_cast %add3A_374 : vector<16xf32> to vector<1x1x1x16xf32>
      tpu.vector_store %arg11[%swap3A_377, %swap3A_378, %swap3A_379, %swap3A_380], %swap3A_383 {strides = array<i32>} : memref<5x2x80x128xf32, #tpu.memory_space<vmem>>, vector<1x1x1x16xf32>,
      %get3A_384 = arith.constant 3 : i32
      %get3A_385 = arith.constant 0 : i32
      %get3A_386 = arith.index_cast %get3A_384 : i32 to index
      %get3A_387 = arith.index_cast %get3A_385 : i32 to index
      %get3A_388 = arith.index_cast %scan3A_203 : i32 to index
      %get3A_389 = arith.constant 112 : index
      %get3A_390 = tpu.vector_load %arg11[%get3A_386, %get3A_387, %get3A_388, %get3A_389] {strides = array<i32>} : memref<5x2x80x128xf32, #tpu.memory_space<vmem>>, vector<1x1x1x16xf32>,
      %get3A_391 = vector.shape_cast %get3A_390 : vector<1x1x1x16xf32> to vector<16xf32>
      %get3A_392 = arith.constant 3 : i32
      %get3A_393 = arith.constant 1 : i32
      %get3A_394 = arith.index_cast %get3A_392 : i32 to index
      %get3A_395 = arith.index_cast %get3A_393 : i32 to index
      %get3A_396 = arith.index_cast %scan3A_203 : i32 to index
      %get3A_397 = arith.constant 112 : index
      %get3A_398 = tpu.vector_load %arg11[%get3A_394, %get3A_395, %get3A_396, %get3A_397] {strides = array<i32>} : memref<5x2x80x128xf32, #tpu.memory_space<vmem>>, vector<1x1x1x16xf32>,
      %get3A_399 = vector.shape_cast %get3A_398 : vector<1x1x1x16xf32> to vector<16xf32>
      %add3A_400 = arith.addf %get3A_391, %get3A_399 : vector<16xf32>
      %swap3A_401 = arith.constant 3 : i32
      %swap3A_402 = arith.constant 0 : i32
      %swap3A_403 = arith.index_cast %swap3A_401 : i32 to index
      %swap3A_404 = arith.index_cast %swap3A_402 : i32 to index
      %swap3A_405 = arith.index_cast %scan3A_203 : i32 to index
      %swap3A_406 = arith.constant 112 : index
      %swap3A_407 = tpu.vector_load %arg11[%swap3A_403, %swap3A_404, %swap3A_405, %swap3A_406] {strides = array<i32>} : memref<5x2x80x128xf32, #tpu.memory_space<vmem>>, vector<1x1x1x16xf32>,
      %swap3A_408 = vector.shape_cast %swap3A_407 : vector<1x1x1x16xf32> to vector<16xf32>
      %swap3A_409 = vector.shape_cast %add3A_400 : vector<16xf32> to vector<1x1x1x16xf32>
      tpu.vector_store %arg11[%swap3A_403, %swap3A_404, %swap3A_405, %swap3A_406], %swap3A_409 {strides = array<i32>} : memref<5x2x80x128xf32, #tpu.memory_space<vmem>>, vector<1x1x1x16xf32>,
    }
    %scan3A_52 = arith.constant 80 : i32
    %add3A_53 = arith.constant 9840 : i32
    %add3A_54 = arith.addi %mul3A_2, %add3A_53 : i32
    %dma_start3A_55 = arith.constant 3 : i32
    %dma_start3A_56 = arith.constant 0 : i32
    %dma_start3A_57 = arith.constant 0 : i32
    %dma_start3A_58 = arith.constant 0 : i32
    %dma_start3A_59 = tpu.memref_slice %arg11[%dma_start3A_55, %dma_start3A_56, %dma_start3A_57, %dma_start3A_58] : memref<5x2x80x128xf32, #tpu.memory_space<vmem>> -> memref<1x1x80x128xf32, #tpu.memory_space<vmem>>
    %dma_start3A_60 = tpu.memref_squeeze %dma_start3A_59 : memref<1x1x80x128xf32, #tpu.memory_space<vmem>> -> memref<80x128xf32, #tpu.memory_space<vmem>>
    %dma_start3A_61 = arith.constant 0 : i32
    %dma_start3A_62 = tpu.memref_slice %arg5[%add3A_54, %dma_start3A_61] : memref<320000x128xf32, #tpu.memory_space<hbm>> -> memref<80x128xf32, #tpu.memory_space<hbm>>
    %dma_start3A_63 = arith.constant 0 : i32
    %dma_start3A_64 = tpu.memref_slice %arg5[%add3A_54, %dma_start3A_63] : memref<320000x128xf32, #tpu.memory_space<hbm>> -> memref<80x128xf32, #tpu.memory_space<hbm>>
    %dma_start3A_65 = arith.constant 0 : i32
    %dma_start3A_66 = arith.constant 0 : i32
    %dma_start3A_67 = tpu.memref_slice %arg11[%dma_start3A_55, %dma_start3A_56, %dma_start3A_65, %dma_start3A_66] : memref<5x2x80x128xf32, #tpu.memory_space<vmem>> -> memref<1x1x80x128xf32, #tpu.memory_space<vmem>>
    %dma_start3A_68 = tpu.memref_squeeze %dma_start3A_67 : memref<1x1x80x128xf32, #tpu.memory_space<vmem>> -> memref<80x128xf32, #tpu.memory_space<vmem>>
    tpu.enqueue_dma source(%dma_start3A_68 : memref<80x128xf32, #tpu.memory_space<vmem>>) target(%dma_start3A_64 : memref<80x128xf32, #tpu.memory_space<hbm>>) target_semaphore(%arg25 : memref<!tpu.dma_semaphore, #tpu.memory_space<semaphore_mem>>)
    %dma_wait3A_69 = arith.constant 4 : i32
    %dma_wait3A_70 = arith.constant 0 : i32
    %dma_wait3A_71 = arith.constant 0 : i32
    %dma_wait3A_72 = arith.constant 0 : i32
    %dma_wait3A_73 = tpu.memref_slice %arg11[%dma_wait3A_69, %dma_wait3A_70, %dma_wait3A_71, %dma_wait3A_72] : memref<5x2x80x128xf32, #tpu.memory_space<vmem>> -> memref<1x1x80x128xf32, #tpu.memory_space<vmem>>
    %dma_wait3A_74 = tpu.memref_squeeze %dma_wait3A_73 : memref<1x1x80x128xf32, #tpu.memory_space<vmem>> -> memref<80x128xf32, #tpu.memory_space<vmem>>
    %dma_wait3A_75 = arith.constant 0 : i32
    %dma_wait3A_76 = arith.constant 0 : i32
    %dma_wait3A_77 = tpu.memref_slice %arg2[%dma_wait3A_75, %dma_wait3A_76] : memref<10000x128xf32, #tpu.memory_space<hbm>> -> memref<80x128xf32, #tpu.memory_space<hbm>>
    %dma_wait3A_78 = arith.constant 0 : i32
    %dma_wait3A_79 = arith.constant 0 : i32
    %dma_wait3A_80 = tpu.memref_slice %arg11[%dma_wait3A_69, %dma_wait3A_70, %dma_wait3A_78, %dma_wait3A_79] : memref<5x2x80x128xf32, #tpu.memory_space<vmem>> -> memref<1x1x80x128xf32, #tpu.memory_space<vmem>>
    %dma_wait3A_81 = tpu.memref_squeeze %dma_wait3A_80 : memref<1x1x80x128xf32, #tpu.memory_space<vmem>> -> memref<80x128xf32, #tpu.memory_space<vmem>>
    %dma_wait3A_82 = arith.constant 0 : i32
    %dma_wait3A_83 = arith.constant 0 : i32
    %dma_wait3A_84 = tpu.memref_slice %arg2[%dma_wait3A_82, %dma_wait3A_83] : memref<10000x128xf32, #tpu.memory_space<hbm>> -> memref<80x128xf32, #tpu.memory_space<hbm>>
    tpu.wait_dma2 semaphore(%arg16 : memref<!tpu.dma_semaphore, #tpu.memory_space<semaphore_mem>>) src(%dma_wait3A_84 : memref<80x128xf32, #tpu.memory_space<hbm>>) dst(%dma_wait3A_81 : memref<80x128xf32, #tpu.memory_space<vmem>>)
    %dma_wait3A_85 = arith.constant 4 : i32
    %dma_wait3A_86 = arith.constant 0 : i32
    %dma_wait3A_87 = arith.constant 0 : i32
    %dma_wait3A_88 = arith.constant 0 : i32
    %dma_wait3A_89 = tpu.memref_slice %arg11[%dma_wait3A_85, %dma_wait3A_86, %dma_wait3A_87, %dma_wait3A_88] : memref<5x2x80x128xf32, #tpu.memory_space<vmem>> -> memref<1x1x80x128xf32, #tpu.memory_space<vmem>>
    %dma_wait3A_90 = tpu.memref_squeeze %dma_wait3A_89 : memref<1x1x80x128xf32, #tpu.memory_space<vmem>> -> memref<80x128xf32, #tpu.memory_space<vmem>>
    %dma_wait3A_91 = arith.constant 0 : i32
    %dma_wait3A_92 = arith.constant 0 : i32
    %dma_wait3A_93 = tpu.memref_slice %arg2[%dma_wait3A_91, %dma_wait3A_92] : memref<10000x128xf32, #tpu.memory_space<hbm>> -> memref<80x128xf32, #tpu.memory_space<hbm>>
    %dma_wait3A_94 = arith.constant 0 : i32
    %dma_wait3A_95 = arith.constant 0 : i32
    %dma_wait3A_96 = tpu.memref_slice %arg11[%dma_wait3A_85, %dma_wait3A_86, %dma_wait3A_94, %dma_wait3A_95] : memref<5x2x80x128xf32, #tpu.memory_space<vmem>> -> memref<1x1x80x128xf32, #tpu.memory_space<vmem>>
    %dma_wait3A_97 = tpu.memref_squeeze %dma_wait3A_96 : memref<1x1x80x128xf32, #tpu.memory_space<vmem>> -> memref<80x128xf32, #tpu.memory_space<vmem>>
    %dma_wait3A_98 = arith.constant 0 : i32
    %dma_wait3A_99 = arith.constant 0 : i32
    %dma_wait3A_100 = tpu.memref_slice %arg2[%dma_wait3A_98, %dma_wait3A_99] : memref<10000x128xf32, #tpu.memory_space<hbm>> -> memref<80x128xf32, #tpu.memory_space<hbm>>
    tpu.wait_dma2 semaphore(%arg16 : memref<!tpu.dma_semaphore, #tpu.memory_space<semaphore_mem>>) src(%dma_wait3A_100 : memref<80x128xf32, #tpu.memory_space<hbm>>) dst(%dma_wait3A_97 : memref<80x128xf32, #tpu.memory_space<vmem>>)
    %scan3A_101 = arith.constant 0 : i32
    %scan3A_102 = arith.constant 0 : i32
    %scan3A_103 = arith.constant 80 : i32
    %scan3A_104 = arith.addi %scan3A_102, %scan3A_103 : i32
    %scan3A_105 = arith.constant 1 : i32
    scf.for %scan3A_203 = %scan3A_102 to %scan3A_104 step %scan3A_105  : i32 {
      %get3A = arith.constant 4 : i32
      %get3A_204 = arith.constant 0 : i32
      %get3A_205 = arith.index_cast %get3A : i32 to index
      %get3A_206 = arith.index_cast %get3A_204 : i32 to index
      %get3A_207 = arith.index_cast %scan3A_203 : i32 to index
      %get3A_208 = arith.constant 0 : index
      %get3A_209 = tpu.vector_load %arg11[%get3A_205, %get3A_206, %get3A_207, %get3A_208] {strides = array<i32>} : memref<5x2x80x128xf32, #tpu.memory_space<vmem>>, vector<1x1x1x16xf32>,
      %get3A_210 = vector.shape_cast %get3A_209 : vector<1x1x1x16xf32> to vector<16xf32>
      %get3A_211 = arith.constant 4 : i32
      %get3A_212 = arith.constant 1 : i32
      %get3A_213 = arith.index_cast %get3A_211 : i32 to index
      %get3A_214 = arith.index_cast %get3A_212 : i32 to index
      %get3A_215 = arith.index_cast %scan3A_203 : i32 to index
      %get3A_216 = arith.constant 0 : index
      %get3A_217 = tpu.vector_load %arg11[%get3A_213, %get3A_214, %get3A_215, %get3A_216] {strides = array<i32>} : memref<5x2x80x128xf32, #tpu.memory_space<vmem>>, vector<1x1x1x16xf32>,
      %get3A_218 = vector.shape_cast %get3A_217 : vector<1x1x1x16xf32> to vector<16xf32>
      %add3A_219 = arith.addf %get3A_210, %get3A_218 : vector<16xf32>
      %swap3A = arith.constant 4 : i32
      %swap3A_220 = arith.constant 0 : i32
      %swap3A_221 = arith.index_cast %swap3A : i32 to index
      %swap3A_222 = arith.index_cast %swap3A_220 : i32 to index
      %swap3A_223 = arith.index_cast %scan3A_203 : i32 to index
      %swap3A_224 = arith.constant 0 : index
      %swap3A_225 = tpu.vector_load %arg11[%swap3A_221, %swap3A_222, %swap3A_223, %swap3A_224] {strides = array<i32>} : memref<5x2x80x128xf32, #tpu.memory_space<vmem>>, vector<1x1x1x16xf32>,
      %swap3A_226 = vector.shape_cast %swap3A_225 : vector<1x1x1x16xf32> to vector<16xf32>
      %swap3A_227 = vector.shape_cast %add3A_219 : vector<16xf32> to vector<1x1x1x16xf32>
      tpu.vector_store %arg11[%swap3A_221, %swap3A_222, %swap3A_223, %swap3A_224], %swap3A_227 {strides = array<i32>} : memref<5x2x80x128xf32, #tpu.memory_space<vmem>>, vector<1x1x1x16xf32>,
      %get3A_228 = arith.constant 4 : i32
      %get3A_229 = arith.constant 0 : i32
      %get3A_230 = arith.index_cast %get3A_228 : i32 to index
      %get3A_231 = arith.index_cast %get3A_229 : i32 to index
      %get3A_232 = arith.index_cast %scan3A_203 : i32 to index
      %get3A_233 = arith.constant 16 : index
      %get3A_234 = tpu.vector_load %arg11[%get3A_230, %get3A_231, %get3A_232, %get3A_233] {strides = array<i32>} : memref<5x2x80x128xf32, #tpu.memory_space<vmem>>, vector<1x1x1x16xf32>,
      %get3A_235 = vector.shape_cast %get3A_234 : vector<1x1x1x16xf32> to vector<16xf32>
      %get3A_236 = arith.constant 4 : i32
      %get3A_237 = arith.constant 1 : i32
      %get3A_238 = arith.index_cast %get3A_236 : i32 to index
      %get3A_239 = arith.index_cast %get3A_237 : i32 to index
      %get3A_240 = arith.index_cast %scan3A_203 : i32 to index
      %get3A_241 = arith.constant 16 : index
      %get3A_242 = tpu.vector_load %arg11[%get3A_238, %get3A_239, %get3A_240, %get3A_241] {strides = array<i32>} : memref<5x2x80x128xf32, #tpu.memory_space<vmem>>, vector<1x1x1x16xf32>,
      %get3A_243 = vector.shape_cast %get3A_242 : vector<1x1x1x16xf32> to vector<16xf32>
      %add3A_244 = arith.addf %get3A_235, %get3A_243 : vector<16xf32>
      %swap3A_245 = arith.constant 4 : i32
      %swap3A_246 = arith.constant 0 : i32
      %swap3A_247 = arith.index_cast %swap3A_245 : i32 to index
      %swap3A_248 = arith.index_cast %swap3A_246 : i32 to index
      %swap3A_249 = arith.index_cast %scan3A_203 : i32 to index
      %swap3A_250 = arith.constant 16 : index
      %swap3A_251 = tpu.vector_load %arg11[%swap3A_247, %swap3A_248, %swap3A_249, %swap3A_250] {strides = array<i32>} : memref<5x2x80x128xf32, #tpu.memory_space<vmem>>, vector<1x1x1x16xf32>,
      %swap3A_252 = vector.shape_cast %swap3A_251 : vector<1x1x1x16xf32> to vector<16xf32>
      %swap3A_253 = vector.shape_cast %add3A_244 : vector<16xf32> to vector<1x1x1x16xf32>
      tpu.vector_store %arg11[%swap3A_247, %swap3A_248, %swap3A_249, %swap3A_250], %swap3A_253 {strides = array<i32>} : memref<5x2x80x128xf32, #tpu.memory_space<vmem>>, vector<1x1x1x16xf32>,
      %get3A_254 = arith.constant 4 : i32
      %get3A_255 = arith.constant 0 : i32
      %get3A_256 = arith.index_cast %get3A_254 : i32 to index
      %get3A_257 = arith.index_cast %get3A_255 : i32 to index
      %get3A_258 = arith.index_cast %scan3A_203 : i32 to index
      %get3A_259 = arith.constant 32 : index
      %get3A_260 = tpu.vector_load %arg11[%get3A_256, %get3A_257, %get3A_258, %get3A_259] {strides = array<i32>} : memref<5x2x80x128xf32, #tpu.memory_space<vmem>>, vector<1x1x1x16xf32>,
      %get3A_261 = vector.shape_cast %get3A_260 : vector<1x1x1x16xf32> to vector<16xf32>
      %get3A_262 = arith.constant 4 : i32
      %get3A_263 = arith.constant 1 : i32
      %get3A_264 = arith.index_cast %get3A_262 : i32 to index
      %get3A_265 = arith.index_cast %get3A_263 : i32 to index
      %get3A_266 = arith.index_cast %scan3A_203 : i32 to index
      %get3A_267 = arith.constant 32 : index
      %get3A_268 = tpu.vector_load %arg11[%get3A_264, %get3A_265, %get3A_266, %get3A_267] {strides = array<i32>} : memref<5x2x80x128xf32, #tpu.memory_space<vmem>>, vector<1x1x1x16xf32>,
      %get3A_269 = vector.shape_cast %get3A_268 : vector<1x1x1x16xf32> to vector<16xf32>
      %add3A_270 = arith.addf %get3A_261, %get3A_269 : vector<16xf32>
      %swap3A_271 = arith.constant 4 : i32
      %swap3A_272 = arith.constant 0 : i32
      %swap3A_273 = arith.index_cast %swap3A_271 : i32 to index
      %swap3A_274 = arith.index_cast %swap3A_272 : i32 to index
      %swap3A_275 = arith.index_cast %scan3A_203 : i32 to index
      %swap3A_276 = arith.constant 32 : index
      %swap3A_277 = tpu.vector_load %arg11[%swap3A_273, %swap3A_274, %swap3A_275, %swap3A_276] {strides = array<i32>} : memref<5x2x80x128xf32, #tpu.memory_space<vmem>>, vector<1x1x1x16xf32>,
      %swap3A_278 = vector.shape_cast %swap3A_277 : vector<1x1x1x16xf32> to vector<16xf32>
      %swap3A_279 = vector.shape_cast %add3A_270 : vector<16xf32> to vector<1x1x1x16xf32>
      tpu.vector_store %arg11[%swap3A_273, %swap3A_274, %swap3A_275, %swap3A_276], %swap3A_279 {strides = array<i32>} : memref<5x2x80x128xf32, #tpu.memory_space<vmem>>, vector<1x1x1x16xf32>,
      %get3A_280 = arith.constant 4 : i32
      %get3A_281 = arith.constant 0 : i32
      %get3A_282 = arith.index_cast %get3A_280 : i32 to index
      %get3A_283 = arith.index_cast %get3A_281 : i32 to index
      %get3A_284 = arith.index_cast %scan3A_203 : i32 to index
      %get3A_285 = arith.constant 48 : index
      %get3A_286 = tpu.vector_load %arg11[%get3A_282, %get3A_283, %get3A_284, %get3A_285] {strides = array<i32>} : memref<5x2x80x128xf32, #tpu.memory_space<vmem>>, vector<1x1x1x16xf32>,
      %get3A_287 = vector.shape_cast %get3A_286 : vector<1x1x1x16xf32> to vector<16xf32>
      %get3A_288 = arith.constant 4 : i32
      %get3A_289 = arith.constant 1 : i32
      %get3A_290 = arith.index_cast %get3A_288 : i32 to index
      %get3A_291 = arith.index_cast %get3A_289 : i32 to index
      %get3A_292 = arith.index_cast %scan3A_203 : i32 to index
      %get3A_293 = arith.constant 48 : index
      %get3A_294 = tpu.vector_load %arg11[%get3A_290, %get3A_291, %get3A_292, %get3A_293] {strides = array<i32>} : memref<5x2x80x128xf32, #tpu.memory_space<vmem>>, vector<1x1x1x16xf32>,
      %get3A_295 = vector.shape_cast %get3A_294 : vector<1x1x1x16xf32> to vector<16xf32>
      %add3A_296 = arith.addf %get3A_287, %get3A_295 : vector<16xf32>
      %swap3A_297 = arith.constant 4 : i32
      %swap3A_298 = arith.constant 0 : i32
      %swap3A_299 = arith.index_cast %swap3A_297 : i32 to index
      %swap3A_300 = arith.index_cast %swap3A_298 : i32 to index
      %swap3A_301 = arith.index_cast %scan3A_203 : i32 to index
      %swap3A_302 = arith.constant 48 : index
      %swap3A_303 = tpu.vector_load %arg11[%swap3A_299, %swap3A_300, %swap3A_301, %swap3A_302] {strides = array<i32>} : memref<5x2x80x128xf32, #tpu.memory_space<vmem>>, vector<1x1x1x16xf32>,
      %swap3A_304 = vector.shape_cast %swap3A_303 : vector<1x1x1x16xf32> to vector<16xf32>
      %swap3A_305 = vector.shape_cast %add3A_296 : vector<16xf32> to vector<1x1x1x16xf32>
      tpu.vector_store %arg11[%swap3A_299, %swap3A_300, %swap3A_301, %swap3A_302], %swap3A_305 {strides = array<i32>} : memref<5x2x80x128xf32, #tpu.memory_space<vmem>>, vector<1x1x1x16xf32>,
      %get3A_306 = arith.constant 4 : i32
      %get3A_307 = arith.constant 0 : i32
      %get3A_308 = arith.index_cast %get3A_306 : i32 to index
      %get3A_309 = arith.index_cast %get3A_307 : i32 to index
      %get3A_310 = arith.index_cast %scan3A_203 : i32 to index
      %get3A_311 = arith.constant 64 : index
      %get3A_312 = tpu.vector_load %arg11[%get3A_308, %get3A_309, %get3A_310, %get3A_311] {strides = array<i32>} : memref<5x2x80x128xf32, #tpu.memory_space<vmem>>, vector<1x1x1x16xf32>,
      %get3A_313 = vector.shape_cast %get3A_312 : vector<1x1x1x16xf32> to vector<16xf32>
      %get3A_314 = arith.constant 4 : i32
      %get3A_315 = arith.constant 1 : i32
      %get3A_316 = arith.index_cast %get3A_314 : i32 to index
      %get3A_317 = arith.index_cast %get3A_315 : i32 to index
      %get3A_318 = arith.index_cast %scan3A_203 : i32 to index
      %get3A_319 = arith.constant 64 : index
      %get3A_320 = tpu.vector_load %arg11[%get3A_316, %get3A_317, %get3A_318, %get3A_319] {strides = array<i32>} : memref<5x2x80x128xf32, #tpu.memory_space<vmem>>, vector<1x1x1x16xf32>,
      %get3A_321 = vector.shape_cast %get3A_320 : vector<1x1x1x16xf32> to vector<16xf32>
      %add3A_322 = arith.addf %get3A_313, %get3A_321 : vector<16xf32>
      %swap3A_323 = arith.constant 4 : i32
      %swap3A_324 = arith.constant 0 : i32
      %swap3A_325 = arith.index_cast %swap3A_323 : i32 to index
      %swap3A_326 = arith.index_cast %swap3A_324 : i32 to index
      %swap3A_327 = arith.index_cast %scan3A_203 : i32 to index
      %swap3A_328 = arith.constant 64 : index
      %swap3A_329 = tpu.vector_load %arg11[%swap3A_325, %swap3A_326, %swap3A_327, %swap3A_328] {strides = array<i32>} : memref<5x2x80x128xf32, #tpu.memory_space<vmem>>, vector<1x1x1x16xf32>,
      %swap3A_330 = vector.shape_cast %swap3A_329 : vector<1x1x1x16xf32> to vector<16xf32>
      %swap3A_331 = vector.shape_cast %add3A_322 : vector<16xf32> to vector<1x1x1x16xf32>
      tpu.vector_store %arg11[%swap3A_325, %swap3A_326, %swap3A_327, %swap3A_328], %swap3A_331 {strides = array<i32>} : memref<5x2x80x128xf32, #tpu.memory_space<vmem>>, vector<1x1x1x16xf32>,
      %get3A_332 = arith.constant 4 : i32
      %get3A_333 = arith.constant 0 : i32
      %get3A_334 = arith.index_cast %get3A_332 : i32 to index
      %get3A_335 = arith.index_cast %get3A_333 : i32 to index
      %get3A_336 = arith.index_cast %scan3A_203 : i32 to index
      %get3A_337 = arith.constant 80 : index
      %get3A_338 = tpu.vector_load %arg11[%get3A_334, %get3A_335, %get3A_336, %get3A_337] {strides = array<i32>} : memref<5x2x80x128xf32, #tpu.memory_space<vmem>>, vector<1x1x1x16xf32>,
      %get3A_339 = vector.shape_cast %get3A_338 : vector<1x1x1x16xf32> to vector<16xf32>
      %get3A_340 = arith.constant 4 : i32
      %get3A_341 = arith.constant 1 : i32
      %get3A_342 = arith.index_cast %get3A_340 : i32 to index
      %get3A_343 = arith.index_cast %get3A_341 : i32 to index
      %get3A_344 = arith.index_cast %scan3A_203 : i32 to index
      %get3A_345 = arith.constant 80 : index
      %get3A_346 = tpu.vector_load %arg11[%get3A_342, %get3A_343, %get3A_344, %get3A_345] {strides = array<i32>} : memref<5x2x80x128xf32, #tpu.memory_space<vmem>>, vector<1x1x1x16xf32>,
      %get3A_347 = vector.shape_cast %get3A_346 : vector<1x1x1x16xf32> to vector<16xf32>
      %add3A_348 = arith.addf %get3A_339, %get3A_347 : vector<16xf32>
      %swap3A_349 = arith.constant 4 : i32
      %swap3A_350 = arith.constant 0 : i32
      %swap3A_351 = arith.index_cast %swap3A_349 : i32 to index
      %swap3A_352 = arith.index_cast %swap3A_350 : i32 to index
      %swap3A_353 = arith.index_cast %scan3A_203 : i32 to index
      %swap3A_354 = arith.constant 80 : index
      %swap3A_355 = tpu.vector_load %arg11[%swap3A_351, %swap3A_352, %swap3A_353, %swap3A_354] {strides = array<i32>} : memref<5x2x80x128xf32, #tpu.memory_space<vmem>>, vector<1x1x1x16xf32>,
      %swap3A_356 = vector.shape_cast %swap3A_355 : vector<1x1x1x16xf32> to vector<16xf32>
      %swap3A_357 = vector.shape_cast %add3A_348 : vector<16xf32> to vector<1x1x1x16xf32>
      tpu.vector_store %arg11[%swap3A_351, %swap3A_352, %swap3A_353, %swap3A_354], %swap3A_357 {strides = array<i32>} : memref<5x2x80x128xf32, #tpu.memory_space<vmem>>, vector<1x1x1x16xf32>,
      %get3A_358 = arith.constant 4 : i32
      %get3A_359 = arith.constant 0 : i32
      %get3A_360 = arith.index_cast %get3A_358 : i32 to index
      %get3A_361 = arith.index_cast %get3A_359 : i32 to index
      %get3A_362 = arith.index_cast %scan3A_203 : i32 to index
      %get3A_363 = arith.constant 96 : index
      %get3A_364 = tpu.vector_load %arg11[%get3A_360, %get3A_361, %get3A_362, %get3A_363] {strides = array<i32>} : memref<5x2x80x128xf32, #tpu.memory_space<vmem>>, vector<1x1x1x16xf32>,
      %get3A_365 = vector.shape_cast %get3A_364 : vector<1x1x1x16xf32> to vector<16xf32>
      %get3A_366 = arith.constant 4 : i32
      %get3A_367 = arith.constant 1 : i32
      %get3A_368 = arith.index_cast %get3A_366 : i32 to index
      %get3A_369 = arith.index_cast %get3A_367 : i32 to index
      %get3A_370 = arith.index_cast %scan3A_203 : i32 to index
      %get3A_371 = arith.constant 96 : index
      %get3A_372 = tpu.vector_load %arg11[%get3A_368, %get3A_369, %get3A_370, %get3A_371] {strides = array<i32>} : memref<5x2x80x128xf32, #tpu.memory_space<vmem>>, vector<1x1x1x16xf32>,
      %get3A_373 = vector.shape_cast %get3A_372 : vector<1x1x1x16xf32> to vector<16xf32>
      %add3A_374 = arith.addf %get3A_365, %get3A_373 : vector<16xf32>
      %swap3A_375 = arith.constant 4 : i32
      %swap3A_376 = arith.constant 0 : i32
      %swap3A_377 = arith.index_cast %swap3A_375 : i32 to index
      %swap3A_378 = arith.index_cast %swap3A_376 : i32 to index
      %swap3A_379 = arith.index_cast %scan3A_203 : i32 to index
      %swap3A_380 = arith.constant 96 : index
      %swap3A_381 = tpu.vector_load %arg11[%swap3A_377, %swap3A_378, %swap3A_379, %swap3A_380] {strides = array<i32>} : memref<5x2x80x128xf32, #tpu.memory_space<vmem>>, vector<1x1x1x16xf32>,
      %swap3A_382 = vector.shape_cast %swap3A_381 : vector<1x1x1x16xf32> to vector<16xf32>
      %swap3A_383 = vector.shape_cast %add3A_374 : vector<16xf32> to vector<1x1x1x16xf32>
      tpu.vector_store %arg11[%swap3A_377, %swap3A_378, %swap3A_379, %swap3A_380], %swap3A_383 {strides = array<i32>} : memref<5x2x80x128xf32, #tpu.memory_space<vmem>>, vector<1x1x1x16xf32>,
      %get3A_384 = arith.constant 4 : i32
      %get3A_385 = arith.constant 0 : i32
      %get3A_386 = arith.index_cast %get3A_384 : i32 to index
      %get3A_387 = arith.index_cast %get3A_385 : i32 to index
      %get3A_388 = arith.index_cast %scan3A_203 : i32 to index
      %get3A_389 = arith.constant 112 : index
      %get3A_390 = tpu.vector_load %arg11[%get3A_386, %get3A_387, %get3A_388, %get3A_389] {strides = array<i32>} : memref<5x2x80x128xf32, #tpu.memory_space<vmem>>, vector<1x1x1x16xf32>,
      %get3A_391 = vector.shape_cast %get3A_390 : vector<1x1x1x16xf32> to vector<16xf32>
      %get3A_392 = arith.constant 4 : i32
      %get3A_393 = arith.constant 1 : i32
      %get3A_394 = arith.index_cast %get3A_392 : i32 to index
      %get3A_395 = arith.index_cast %get3A_393 : i32 to index
      %get3A_396 = arith.index_cast %scan3A_203 : i32 to index
      %get3A_397 = arith.constant 112 : index
      %get3A_398 = tpu.vector_load %arg11[%get3A_394, %get3A_395, %get3A_396, %get3A_397] {strides = array<i32>} : memref<5x2x80x128xf32, #tpu.memory_space<vmem>>, vector<1x1x1x16xf32>,
      %get3A_399 = vector.shape_cast %get3A_398 : vector<1x1x1x16xf32> to vector<16xf32>
      %add3A_400 = arith.addf %get3A_391, %get3A_399 : vector<16xf32>
      %swap3A_401 = arith.constant 4 : i32
      %swap3A_402 = arith.constant 0 : i32
      %swap3A_403 = arith.index_cast %swap3A_401 : i32 to index
      %swap3A_404 = arith.index_cast %swap3A_402 : i32 to index
      %swap3A_405 = arith.index_cast %scan3A_203 : i32 to index
      %swap3A_406 = arith.constant 112 : index
      %swap3A_407 = tpu.vector_load %arg11[%swap3A_403, %swap3A_404, %swap3A_405, %swap3A_406] {strides = array<i32>} : memref<5x2x80x128xf32, #tpu.memory_space<vmem>>, vector<1x1x1x16xf32>,
      %swap3A_408 = vector.shape_cast %swap3A_407 : vector<1x1x1x16xf32> to vector<16xf32>
      %swap3A_409 = vector.shape_cast %add3A_400 : vector<16xf32> to vector<1x1x1x16xf32>
      tpu.vector_store %arg11[%swap3A_403, %swap3A_404, %swap3A_405, %swap3A_406], %swap3A_409 {strides = array<i32>} : memref<5x2x80x128xf32, #tpu.memory_space<vmem>>, vector<1x1x1x16xf32>,
    }
    %scan3A_106 = arith.constant 80 : i32
    %add3A_107 = arith.constant 9920 : i32
    %add3A_108 = arith.addi %mul3A_2, %add3A_107 : i32
    %dma_start3A_109 = arith.constant 4 : i32
    %dma_start3A_110 = arith.constant 0 : i32
    %dma_start3A_111 = arith.constant 0 : i32
    %dma_start3A_112 = arith.constant 0 : i32
    %dma_start3A_113 = tpu.memref_slice %arg11[%dma_start3A_109, %dma_start3A_110, %dma_start3A_111, %dma_start3A_112] : memref<5x2x80x128xf32, #tpu.memory_space<vmem>> -> memref<1x1x80x128xf32, #tpu.memory_space<vmem>>
    %dma_start3A_114 = tpu.memref_squeeze %dma_start3A_113 : memref<1x1x80x128xf32, #tpu.memory_space<vmem>> -> memref<80x128xf32, #tpu.memory_space<vmem>>
    %dma_start3A_115 = arith.constant 0 : i32
    %dma_start3A_116 = tpu.memref_slice %arg5[%add3A_108, %dma_start3A_115] : memref<320000x128xf32, #tpu.memory_space<hbm>> -> memref<80x128xf32, #tpu.memory_space<hbm>>
    %dma_start3A_117 = arith.constant 0 : i32
    %dma_start3A_118 = tpu.memref_slice %arg5[%add3A_108, %dma_start3A_117] : memref<320000x128xf32, #tpu.memory_space<hbm>> -> memref<80x128xf32, #tpu.memory_space<hbm>>
    %dma_start3A_119 = arith.constant 0 : i32
    %dma_start3A_120 = arith.constant 0 : i32
    %dma_start3A_121 = tpu.memref_slice %arg11[%dma_start3A_109, %dma_start3A_110, %dma_start3A_119, %dma_start3A_120] : memref<5x2x80x128xf32, #tpu.memory_space<vmem>> -> memref<1x1x80x128xf32, #tpu.memory_space<vmem>>
    %dma_start3A_122 = tpu.memref_squeeze %dma_start3A_121 : memref<1x1x80x128xf32, #tpu.memory_space<vmem>> -> memref<80x128xf32, #tpu.memory_space<vmem>>
    tpu.enqueue_dma source(%dma_start3A_122 : memref<80x128xf32, #tpu.memory_space<vmem>>) target(%dma_start3A_118 : memref<80x128xf32, #tpu.memory_space<hbm>>) target_semaphore(%arg26 : memref<!tpu.dma_semaphore, #tpu.memory_space<semaphore_mem>>)
    %dma_wait3A_123 = arith.constant 0 : i32
    %dma_wait3A_124 = arith.constant 0 : i32
    %dma_wait3A_125 = arith.constant 0 : i32
    %dma_wait3A_126 = arith.constant 0 : i32
    %dma_wait3A_127 = tpu.memref_slice %arg11[%dma_wait3A_123, %dma_wait3A_124, %dma_wait3A_125, %dma_wait3A_126] : memref<5x2x80x128xf32, #tpu.memory_space<vmem>> -> memref<1x1x80x128xf32, #tpu.memory_space<vmem>>
    %dma_wait3A_128 = tpu.memref_squeeze %dma_wait3A_127 : memref<1x1x80x128xf32, #tpu.memory_space<vmem>> -> memref<80x128xf32, #tpu.memory_space<vmem>>
    %dma_wait3A_129 = arith.constant 0 : i32
    %dma_wait3A_130 = arith.constant 0 : i32
    %dma_wait3A_131 = tpu.memref_slice %arg2[%dma_wait3A_129, %dma_wait3A_130] : memref<10000x128xf32, #tpu.memory_space<hbm>> -> memref<80x128xf32, #tpu.memory_space<hbm>>
    %dma_wait3A_132 = arith.constant 0 : i32
    %dma_wait3A_133 = arith.constant 0 : i32
    %dma_wait3A_134 = tpu.memref_slice %arg11[%dma_wait3A_123, %dma_wait3A_124, %dma_wait3A_132, %dma_wait3A_133] : memref<5x2x80x128xf32, #tpu.memory_space<vmem>> -> memref<1x1x80x128xf32, #tpu.memory_space<vmem>>
    %dma_wait3A_135 = tpu.memref_squeeze %dma_wait3A_134 : memref<1x1x80x128xf32, #tpu.memory_space<vmem>> -> memref<80x128xf32, #tpu.memory_space<vmem>>
    %dma_wait3A_136 = arith.constant 0 : i32
    %dma_wait3A_137 = arith.constant 0 : i32
    %dma_wait3A_138 = tpu.memref_slice %arg2[%dma_wait3A_136, %dma_wait3A_137] : memref<10000x128xf32, #tpu.memory_space<hbm>> -> memref<80x128xf32, #tpu.memory_space<hbm>>
    tpu.wait_dma2 semaphore(%arg22 : memref<!tpu.dma_semaphore, #tpu.memory_space<semaphore_mem>>) src(%dma_wait3A_138 : memref<80x128xf32, #tpu.memory_space<hbm>>) dst(%dma_wait3A_135 : memref<80x128xf32, #tpu.memory_space<vmem>>)
    %dma_wait3A_139 = arith.constant 1 : i32
    %dma_wait3A_140 = arith.constant 0 : i32
    %dma_wait3A_141 = arith.constant 0 : i32
    %dma_wait3A_142 = arith.constant 0 : i32
    %dma_wait3A_143 = tpu.memref_slice %arg11[%dma_wait3A_139, %dma_wait3A_140, %dma_wait3A_141, %dma_wait3A_142] : memref<5x2x80x128xf32, #tpu.memory_space<vmem>> -> memref<1x1x80x128xf32, #tpu.memory_space<vmem>>
    %dma_wait3A_144 = tpu.memref_squeeze %dma_wait3A_143 : memref<1x1x80x128xf32, #tpu.memory_space<vmem>> -> memref<80x128xf32, #tpu.memory_space<vmem>>
    %dma_wait3A_145 = arith.constant 0 : i32
    %dma_wait3A_146 = arith.constant 0 : i32
    %dma_wait3A_147 = tpu.memref_slice %arg2[%dma_wait3A_145, %dma_wait3A_146] : memref<10000x128xf32, #tpu.memory_space<hbm>> -> memref<80x128xf32, #tpu.memory_space<hbm>>
    %dma_wait3A_148 = arith.constant 0 : i32
    %dma_wait3A_149 = arith.constant 0 : i32
    %dma_wait3A_150 = tpu.memref_slice %arg11[%dma_wait3A_139, %dma_wait3A_140, %dma_wait3A_148, %dma_wait3A_149] : memref<5x2x80x128xf32, #tpu.memory_space<vmem>> -> memref<1x1x80x128xf32, #tpu.memory_space<vmem>>
    %dma_wait3A_151 = tpu.memref_squeeze %dma_wait3A_150 : memref<1x1x80x128xf32, #tpu.memory_space<vmem>> -> memref<80x128xf32, #tpu.memory_space<vmem>>
    %dma_wait3A_152 = arith.constant 0 : i32
    %dma_wait3A_153 = arith.constant 0 : i32
    %dma_wait3A_154 = tpu.memref_slice %arg2[%dma_wait3A_152, %dma_wait3A_153] : memref<10000x128xf32, #tpu.memory_space<hbm>> -> memref<80x128xf32, #tpu.memory_space<hbm>>
    tpu.wait_dma2 semaphore(%arg23 : memref<!tpu.dma_semaphore, #tpu.memory_space<semaphore_mem>>) src(%dma_wait3A_154 : memref<80x128xf32, #tpu.memory_space<hbm>>) dst(%dma_wait3A_151 : memref<80x128xf32, #tpu.memory_space<vmem>>)
    %dma_wait3A_155 = arith.constant 2 : i32
    %dma_wait3A_156 = arith.constant 0 : i32
    %dma_wait3A_157 = arith.constant 0 : i32
    %dma_wait3A_158 = arith.constant 0 : i32
    %dma_wait3A_159 = tpu.memref_slice %arg11[%dma_wait3A_155, %dma_wait3A_156, %dma_wait3A_157, %dma_wait3A_158] : memref<5x2x80x128xf32, #tpu.memory_space<vmem>> -> memref<1x1x80x128xf32, #tpu.memory_space<vmem>>
    %dma_wait3A_160 = tpu.memref_squeeze %dma_wait3A_159 : memref<1x1x80x128xf32, #tpu.memory_space<vmem>> -> memref<80x128xf32, #tpu.memory_space<vmem>>
    %dma_wait3A_161 = arith.constant 0 : i32
    %dma_wait3A_162 = arith.constant 0 : i32
    %dma_wait3A_163 = tpu.memref_slice %arg2[%dma_wait3A_161, %dma_wait3A_162] : memref<10000x128xf32, #tpu.memory_space<hbm>> -> memref<80x128xf32, #tpu.memory_space<hbm>>
    %dma_wait3A_164 = arith.constant 0 : i32
    %dma_wait3A_165 = arith.constant 0 : i32
    %dma_wait3A_166 = tpu.memref_slice %arg11[%dma_wait3A_155, %dma_wait3A_156, %dma_wait3A_164, %dma_wait3A_165] : memref<5x2x80x128xf32, #tpu.memory_space<vmem>> -> memref<1x1x80x128xf32, #tpu.memory_space<vmem>>
    %dma_wait3A_167 = tpu.memref_squeeze %dma_wait3A_166 : memref<1x1x80x128xf32, #tpu.memory_space<vmem>> -> memref<80x128xf32, #tpu.memory_space<vmem>>
    %dma_wait3A_168 = arith.constant 0 : i32
    %dma_wait3A_169 = arith.constant 0 : i32
    %dma_wait3A_170 = tpu.memref_slice %arg2[%dma_wait3A_168, %dma_wait3A_169] : memref<10000x128xf32, #tpu.memory_space<hbm>> -> memref<80x128xf32, #tpu.memory_space<hbm>>
    tpu.wait_dma2 semaphore(%arg24 : memref<!tpu.dma_semaphore, #tpu.memory_space<semaphore_mem>>) src(%dma_wait3A_170 : memref<80x128xf32, #tpu.memory_space<hbm>>) dst(%dma_wait3A_167 : memref<80x128xf32, #tpu.memory_space<vmem>>)
    %dma_wait3A_171 = arith.constant 3 : i32
    %dma_wait3A_172 = arith.constant 0 : i32
    %dma_wait3A_173 = arith.constant 0 : i32
    %dma_wait3A_174 = arith.constant 0 : i32
    %dma_wait3A_175 = tpu.memref_slice %arg11[%dma_wait3A_171, %dma_wait3A_172, %dma_wait3A_173, %dma_wait3A_174] : memref<5x2x80x128xf32, #tpu.memory_space<vmem>> -> memref<1x1x80x128xf32, #tpu.memory_space<vmem>>
    %dma_wait3A_176 = tpu.memref_squeeze %dma_wait3A_175 : memref<1x1x80x128xf32, #tpu.memory_space<vmem>> -> memref<80x128xf32, #tpu.memory_space<vmem>>
    %dma_wait3A_177 = arith.constant 0 : i32
    %dma_wait3A_178 = arith.constant 0 : i32
    %dma_wait3A_179 = tpu.memref_slice %arg2[%dma_wait3A_177, %dma_wait3A_178] : memref<10000x128xf32, #tpu.memory_space<hbm>> -> memref<80x128xf32, #tpu.memory_space<hbm>>
    %dma_wait3A_180 = arith.constant 0 : i32
    %dma_wait3A_181 = arith.constant 0 : i32
    %dma_wait3A_182 = tpu.memref_slice %arg11[%dma_wait3A_171, %dma_wait3A_172, %dma_wait3A_180, %dma_wait3A_181] : memref<5x2x80x128xf32, #tpu.memory_space<vmem>> -> memref<1x1x80x128xf32, #tpu.memory_space<vmem>>
    %dma_wait3A_183 = tpu.memref_squeeze %dma_wait3A_182 : memref<1x1x80x128xf32, #tpu.memory_space<vmem>> -> memref<80x128xf32, #tpu.memory_space<vmem>>
    %dma_wait3A_184 = arith.constant 0 : i32
    %dma_wait3A_185 = arith.constant 0 : i32
    %dma_wait3A_186 = tpu.memref_slice %arg2[%dma_wait3A_184, %dma_wait3A_185] : memref<10000x128xf32, #tpu.memory_space<hbm>> -> memref<80x128xf32, #tpu.memory_space<hbm>>
    tpu.wait_dma2 semaphore(%arg25 : memref<!tpu.dma_semaphore, #tpu.memory_space<semaphore_mem>>) src(%dma_wait3A_186 : memref<80x128xf32, #tpu.memory_space<hbm>>) dst(%dma_wait3A_183 : memref<80x128xf32, #tpu.memory_space<vmem>>)
    %dma_wait3A_187 = arith.constant 4 : i32
    %dma_wait3A_188 = arith.constant 0 : i32
    %dma_wait3A_189 = arith.constant 0 : i32
    %dma_wait3A_190 = arith.constant 0 : i32
    %dma_wait3A_191 = tpu.memref_slice %arg11[%dma_wait3A_187, %dma_wait3A_188, %dma_wait3A_189, %dma_wait3A_190] : memref<5x2x80x128xf32, #tpu.memory_space<vmem>> -> memref<1x1x80x128xf32, #tpu.memory_space<vmem>>
    %dma_wait3A_192 = tpu.memref_squeeze %dma_wait3A_191 : memref<1x1x80x128xf32, #tpu.memory_space<vmem>> -> memref<80x128xf32, #tpu.memory_space<vmem>>
    %dma_wait3A_193 = arith.constant 0 : i32
    %dma_wait3A_194 = arith.constant 0 : i32
    %dma_wait3A_195 = tpu.memref_slice %arg2[%dma_wait3A_193, %dma_wait3A_194] : memref<10000x128xf32, #tpu.memory_space<hbm>> -> memref<80x128xf32, #tpu.memory_space<hbm>>
    %dma_wait3A_196 = arith.constant 0 : i32
    %dma_wait3A_197 = arith.constant 0 : i32
    %dma_wait3A_198 = tpu.memref_slice %arg11[%dma_wait3A_187, %dma_wait3A_188, %dma_wait3A_196, %dma_wait3A_197] : memref<5x2x80x128xf32, #tpu.memory_space<vmem>> -> memref<1x1x80x128xf32, #tpu.memory_space<vmem>>
    %dma_wait3A_199 = tpu.memref_squeeze %dma_wait3A_198 : memref<1x1x80x128xf32, #tpu.memory_space<vmem>> -> memref<80x128xf32, #tpu.memory_space<vmem>>
    %dma_wait3A_200 = arith.constant 0 : i32
    %dma_wait3A_201 = arith.constant 0 : i32
    %dma_wait3A_202 = tpu.memref_slice %arg2[%dma_wait3A_200, %dma_wait3A_201] : memref<10000x128xf32, #tpu.memory_space<hbm>> -> memref<80x128xf32, #tpu.memory_space<hbm>>
    tpu.wait_dma2 semaphore(%arg26 : memref<!tpu.dma_semaphore, #tpu.memory_space<semaphore_mem>>) src(%dma_wait3A_202 : memref<80x128xf32, #tpu.memory_space<hbm>>) dst(%dma_wait3A_199 : memref<80x128xf32, #tpu.memory_space<vmem>>)
    return
  }
}

#map = affine_map<(d0, d1) -> (0, 0)>
#map1 = affine_map<(d0, d1) -> (0, 0, 0)>
module attributes {stable_mosaic.version = 14 : i64} {
  func.func @body(%arg0: i32, %arg1: i32, %arg2: memref<320000x128xf32, #tpu.memory_space<hbm>>, %arg3: memref<32x250x40xi32, #tpu.memory_space<hbm>>, %arg4: memref<10000x128xf32, #tpu.memory_space<hbm>>, %arg5: memref<20000x128xf32, #tpu.memory_space<hbm>>, %arg6: memref<40xi32, #tpu.memory_space<vmem>>, %arg7: memref<40xi32, #tpu.memory_space<vmem>>, %arg8: memref<40xi32, #tpu.memory_space<vmem>>, %arg9: memref<40xi32, #tpu.memory_space<vmem>>, %arg10: memref<40xi32, #tpu.memory_space<vmem>>, %arg11: memref<5x40x128xf32, #tpu.memory_space<vmem>>, %arg12: memref<10000x128xf32, #tpu.memory_space<vmem_shared>>, %arg13: memref<!tpu.dma_semaphore, #tpu.memory_space<semaphore_mem>>, %arg14: memref<!tpu.dma_semaphore, #tpu.memory_space<semaphore_mem>>, %arg15: memref<!tpu.dma_semaphore, #tpu.memory_space<semaphore_mem>>, %arg16: memref<!tpu.dma_semaphore, #tpu.memory_space<semaphore_mem>>, %arg17: memref<!tpu.dma_semaphore, #tpu.memory_space<semaphore_mem>>, %arg18: memref<!tpu.dma_semaphore, #tpu.memory_space<semaphore_mem>>, %arg19: memref<!tpu.dma_semaphore, #tpu.memory_space<semaphore_mem>>, %arg20: memref<!tpu.dma_semaphore, #tpu.memory_space<semaphore_mem>>, %arg21: memref<!tpu.dma_semaphore, #tpu.memory_space<semaphore_mem>>, %arg22: memref<!tpu.dma_semaphore, #tpu.memory_space<semaphore_mem>>) attributes {dimension_semantics = [#tpu.dimension_semantics<core_parallel>, #tpu.dimension_semantics<subcore_parallel>], iteration_bounds = array<i64: 2, 16>, scalar_prefetch = 0 : i64, scratch_operands = 17 : i64, tpu.core_type = #tpu.core_type<sc_vector_subcore>, window_params = [{transform_indices = #map}, {transform_indices = #map1}, {transform_indices = #map}, {transform_indices = #map}]} {
    %mul3A = arith.constant 2 : i32
    %mul3A_0 = arith.muli %arg1, %mul3A : i32
    %add3A = arith.addi %mul3A_0, %arg0 : i32
    %mul3A_1 = arith.constant 624 : i32
    %mul3A_2 = arith.muli %arg1, %mul3A_1 : i32
    %mul3A_3 = arith.constant 624 : i32
    %mul3A_4 = arith.muli %arg1, %mul3A_3 : i32
    "tpu.region"() ({
      %run_scoped3A = tpu.sem_alloc : memref<!tpu.dma_semaphore, #tpu.memory_space<semaphore_mem>>
      %dma_start3A_122 = arith.constant 0 : i32
      %dma_start3A_123 = tpu.memref_slice %arg12[%mul3A_4, %dma_start3A_122] : memref<10000x128xf32, #tpu.memory_space<vmem_shared>> -> memref<624x128xf32, #tpu.memory_space<vmem_shared>>
      %dma_start3A_124 = arith.constant 0 : i32
      %dma_start3A_125 = tpu.memref_slice %arg4[%mul3A_2, %dma_start3A_124] : memref<10000x128xf32, #tpu.memory_space<hbm>> -> memref<624x128xf32, #tpu.memory_space<hbm>>
      tpu.enqueue_dma source(%dma_start3A_125 : memref<624x128xf32, #tpu.memory_space<hbm>>) target(%dma_start3A_123 : memref<624x128xf32, #tpu.memory_space<vmem_shared>>) target_semaphore(%run_scoped3A : memref<!tpu.dma_semaphore, #tpu.memory_space<semaphore_mem>>)
      %dma_wait3A_126 = arith.constant 0 : i32
      %dma_wait3A_127 = tpu.memref_slice %arg12[%mul3A_4, %dma_wait3A_126] : memref<10000x128xf32, #tpu.memory_space<vmem_shared>> -> memref<624x128xf32, #tpu.memory_space<vmem_shared>>
      %dma_wait3A_128 = arith.constant 0 : i32
      %dma_wait3A_129 = tpu.memref_slice %arg4[%mul3A_2, %dma_wait3A_128] : memref<10000x128xf32, #tpu.memory_space<hbm>> -> memref<624x128xf32, #tpu.memory_space<hbm>>
      tpu.wait_dma2 semaphore(%run_scoped3A : memref<!tpu.dma_semaphore, #tpu.memory_space<semaphore_mem>>) src(%dma_wait3A_129 : memref<624x128xf32, #tpu.memory_space<hbm>>) dst(%dma_wait3A_127 : memref<624x128xf32, #tpu.memory_space<vmem_shared>>)
      tpu.yield
    }) : () -> ()
    %eq3A = arith.constant 15 : i32
    %eq3A_5 = arith.cmpi eq, %arg1, %eq3A : i32
    %convert_element_type3A = arith.extui %eq3A_5 : i1 to i32
    %cond3A = arith.constant 0 : i32
    %cond3A_6 = arith.cmpi ne, %convert_element_type3A, %cond3A : i32
    scf.if %cond3A_6 {
      "tpu.region"() ({
        %run_scoped3A = tpu.sem_alloc : memref<!tpu.dma_semaphore, #tpu.memory_space<semaphore_mem>>
        %dma_start3A_122 = arith.constant 9984 : i32
        %dma_start3A_123 = arith.constant 0 : i32
        %dma_start3A_124 = tpu.memref_slice %arg12[%dma_start3A_122, %dma_start3A_123] : memref<10000x128xf32, #tpu.memory_space<vmem_shared>> -> memref<16x128xf32, #tpu.memory_space<vmem_shared>>
        %dma_start3A_125 = arith.constant 9984 : i32
        %dma_start3A_126 = arith.constant 0 : i32
        %dma_start3A_127 = tpu.memref_slice %arg4[%dma_start3A_125, %dma_start3A_126] : memref<10000x128xf32, #tpu.memory_space<hbm>> -> memref<16x128xf32, #tpu.memory_space<hbm>>
        tpu.enqueue_dma source(%dma_start3A_127 : memref<16x128xf32, #tpu.memory_space<hbm>>) target(%dma_start3A_124 : memref<16x128xf32, #tpu.memory_space<vmem_shared>>) target_semaphore(%run_scoped3A : memref<!tpu.dma_semaphore, #tpu.memory_space<semaphore_mem>>)
        %dma_wait3A_128 = arith.constant 9984 : i32
        %dma_wait3A_129 = arith.constant 0 : i32
        %dma_wait3A_130 = tpu.memref_slice %arg12[%dma_wait3A_128, %dma_wait3A_129] : memref<10000x128xf32, #tpu.memory_space<vmem_shared>> -> memref<16x128xf32, #tpu.memory_space<vmem_shared>>
        %dma_wait3A_131 = arith.constant 9984 : i32
        %dma_wait3A_132 = arith.constant 0 : i32
        %dma_wait3A_133 = tpu.memref_slice %arg4[%dma_wait3A_131, %dma_wait3A_132] : memref<10000x128xf32, #tpu.memory_space<hbm>> -> memref<16x128xf32, #tpu.memory_space<hbm>>
        tpu.wait_dma2 semaphore(%run_scoped3A : memref<!tpu.dma_semaphore, #tpu.memory_space<semaphore_mem>>) src(%dma_wait3A_133 : memref<16x128xf32, #tpu.memory_space<hbm>>) dst(%dma_wait3A_130 : memref<16x128xf32, #tpu.memory_space<vmem_shared>>)
        tpu.yield
      }) : () -> ()
    } else {
    }
    %barrier3A = arith.constant 0 : index
    tpu.barrier barrier_id(%barrier3A)
    %mul3A_7 = arith.constant 10000 : i32
    %mul3A_8 = arith.muli %add3A, %mul3A_7 : i32
    %add3A_9 = arith.constant 0 : i32
    %add3A_10 = arith.addi %mul3A_8, %add3A_9 : i32
    %dma_start3A = arith.constant 0 : i32
    %dma_start3A_11 = arith.constant 0 : i32
    %dma_start3A_12 = arith.constant 0 : i32
    %dma_start3A_13 = tpu.memref_slice %arg11[%dma_start3A, %dma_start3A_11, %dma_start3A_12] : memref<5x40x128xf32, #tpu.memory_space<vmem>> -> memref<1x40x128xf32, #tpu.memory_space<vmem>>
    %dma_start3A_14 = tpu.memref_squeeze %dma_start3A_13 : memref<1x40x128xf32, #tpu.memory_space<vmem>> -> memref<40x128xf32, #tpu.memory_space<vmem>>
    %dma_start3A_15 = arith.constant 0 : i32
    %dma_start3A_16 = tpu.memref_slice %arg2[%add3A_10, %dma_start3A_15] : memref<320000x128xf32, #tpu.memory_space<hbm>> -> memref<40x128xf32, #tpu.memory_space<hbm>>
    %dma_start3A_17 = arith.constant 0 : i32
    %dma_start3A_18 = arith.constant 0 : i32
    %dma_start3A_19 = tpu.memref_slice %arg11[%dma_start3A, %dma_start3A_17, %dma_start3A_18] : memref<5x40x128xf32, #tpu.memory_space<vmem>> -> memref<1x40x128xf32, #tpu.memory_space<vmem>>
    %dma_start3A_20 = tpu.memref_squeeze %dma_start3A_19 : memref<1x40x128xf32, #tpu.memory_space<vmem>> -> memref<40x128xf32, #tpu.memory_space<vmem>>
    %dma_start3A_21 = arith.constant 0 : i32
    %dma_start3A_22 = tpu.memref_slice %arg2[%add3A_10, %dma_start3A_21] : memref<320000x128xf32, #tpu.memory_space<hbm>> -> memref<40x128xf32, #tpu.memory_space<hbm>>
    tpu.enqueue_dma source(%dma_start3A_22 : memref<40x128xf32, #tpu.memory_space<hbm>>) target(%dma_start3A_20 : memref<40x128xf32, #tpu.memory_space<vmem>>) target_semaphore(%arg13 : memref<!tpu.dma_semaphore, #tpu.memory_space<semaphore_mem>>)
    %dma_start3A_23 = arith.constant 0 : i32
    %dma_start3A_24 = arith.constant 0 : i32
    %dma_start3A_25 = tpu.memref_slice %arg3[%add3A, %dma_start3A_23, %dma_start3A_24] : memref<32x250x40xi32, #tpu.memory_space<hbm>> -> memref<1x1x40xi32, #tpu.memory_space<hbm>>
    %dma_start3A_26 = tpu.memref_squeeze %dma_start3A_25 : memref<1x1x40xi32, #tpu.memory_space<hbm>> -> memref<40xi32, #tpu.memory_space<hbm>>
    %dma_start3A_27 = arith.constant 0 : i32
    %dma_start3A_28 = tpu.memref_slice %arg3[%add3A, %dma_start3A_23, %dma_start3A_27] : memref<32x250x40xi32, #tpu.memory_space<hbm>> -> memref<1x1x40xi32, #tpu.memory_space<hbm>>
    %dma_start3A_29 = tpu.memref_squeeze %dma_start3A_28 : memref<1x1x40xi32, #tpu.memory_space<hbm>> -> memref<40xi32, #tpu.memory_space<hbm>>
    tpu.enqueue_dma source(%dma_start3A_29 : memref<40xi32, #tpu.memory_space<hbm>>) target(%arg6 : memref<40xi32, #tpu.memory_space<vmem>>) target_semaphore(%arg13 : memref<!tpu.dma_semaphore, #tpu.memory_space<semaphore_mem>>)
    %scan3A = arith.constant 0 : i32
    %scan3A_30 = arith.constant 0 : i32
    %scan3A_31 = arith.constant 50 : i32
    %scan3A_32 = arith.addi %scan3A_30, %scan3A_31 : i32
    %scan3A_33 = arith.constant 1 : i32
    scf.for %scan3A_122 = %scan3A_30 to %scan3A_32 step %scan3A_33  : i32 {
      %mul3A_123 = arith.constant 5 : i32
      %mul3A_124 = arith.muli %scan3A_122, %mul3A_123 : i32
      %add3A_125 = arith.constant 0 : i32
      %add3A_126 = arith.addi %mul3A_124, %add3A_125 : i32
      %dma_wait3A_127 = arith.constant 0 : i32
      %dma_wait3A_128 = arith.constant 0 : i32
      %dma_wait3A_129 = arith.constant 0 : i32
      %dma_wait3A_130 = tpu.memref_slice %arg11[%dma_wait3A_127, %dma_wait3A_128, %dma_wait3A_129] : memref<5x40x128xf32, #tpu.memory_space<vmem>> -> memref<1x40x128xf32, #tpu.memory_space<vmem>>
      %dma_wait3A_131 = tpu.memref_squeeze %dma_wait3A_130 : memref<1x40x128xf32, #tpu.memory_space<vmem>> -> memref<40x128xf32, #tpu.memory_space<vmem>>
      %dma_wait3A_132 = arith.constant 0 : i32
      %dma_wait3A_133 = arith.constant 0 : i32
      %dma_wait3A_134 = tpu.memref_slice %arg2[%dma_wait3A_132, %dma_wait3A_133] : memref<320000x128xf32, #tpu.memory_space<hbm>> -> memref<40x128xf32, #tpu.memory_space<hbm>>
      %dma_wait3A_135 = arith.constant 0 : i32
      %dma_wait3A_136 = arith.constant 0 : i32
      %dma_wait3A_137 = tpu.memref_slice %arg11[%dma_wait3A_127, %dma_wait3A_135, %dma_wait3A_136] : memref<5x40x128xf32, #tpu.memory_space<vmem>> -> memref<1x40x128xf32, #tpu.memory_space<vmem>>
      %dma_wait3A_138 = tpu.memref_squeeze %dma_wait3A_137 : memref<1x40x128xf32, #tpu.memory_space<vmem>> -> memref<40x128xf32, #tpu.memory_space<vmem>>
      %dma_wait3A_139 = arith.constant 0 : i32
      %dma_wait3A_140 = arith.constant 0 : i32
      %dma_wait3A_141 = tpu.memref_slice %arg2[%dma_wait3A_139, %dma_wait3A_140] : memref<320000x128xf32, #tpu.memory_space<hbm>> -> memref<40x128xf32, #tpu.memory_space<hbm>>
      tpu.wait_dma2 semaphore(%arg13 : memref<!tpu.dma_semaphore, #tpu.memory_space<semaphore_mem>>) src(%dma_wait3A_141 : memref<40x128xf32, #tpu.memory_space<hbm>>) dst(%dma_wait3A_138 : memref<40x128xf32, #tpu.memory_space<vmem>>)
      %dma_wait3A_142 = arith.constant 0 : i32
      %dma_wait3A_143 = arith.constant 0 : i32
      %dma_wait3A_144 = tpu.memref_slice %arg3[%add3A, %dma_wait3A_142, %dma_wait3A_143] : memref<32x250x40xi32, #tpu.memory_space<hbm>> -> memref<1x1x40xi32, #tpu.memory_space<hbm>>
      %dma_wait3A_145 = tpu.memref_squeeze %dma_wait3A_144 : memref<1x1x40xi32, #tpu.memory_space<hbm>> -> memref<40xi32, #tpu.memory_space<hbm>>
      %dma_wait3A_146 = arith.constant 0 : i32
      %dma_wait3A_147 = tpu.memref_slice %arg3[%add3A, %dma_wait3A_142, %dma_wait3A_146] : memref<32x250x40xi32, #tpu.memory_space<hbm>> -> memref<1x1x40xi32, #tpu.memory_space<hbm>>
      %dma_wait3A_148 = tpu.memref_squeeze %dma_wait3A_147 : memref<1x1x40xi32, #tpu.memory_space<hbm>> -> memref<40xi32, #tpu.memory_space<hbm>>
      tpu.wait_dma2 semaphore(%arg13 : memref<!tpu.dma_semaphore, #tpu.memory_space<semaphore_mem>>) src(%dma_wait3A_148 : memref<40xi32, #tpu.memory_space<hbm>>) dst(%arg6 : memref<40xi32, #tpu.memory_space<vmem>>)
      %dma_start3A_149 = arith.constant 0 : i32
      %dma_start3A_150 = arith.constant 0 : i32
      %dma_start3A_151 = arith.constant 0 : i32
      %dma_start3A_152 = tpu.memref_slice %arg11[%dma_start3A_149, %dma_start3A_150, %dma_start3A_151] : memref<5x40x128xf32, #tpu.memory_space<vmem>> -> memref<1x40x128xf32, #tpu.memory_space<vmem>>
      %dma_start3A_153 = tpu.memref_squeeze %dma_start3A_152 : memref<1x40x128xf32, #tpu.memory_space<vmem>> -> memref<40x128xf32, #tpu.memory_space<vmem>>
      %dma_start3A_154 = arith.constant 0 : i32
      %dma_start3A_155 = arith.constant 0 : i32
      %dma_start3A_156 = tpu.memref_slice %arg12[%dma_start3A_154, %dma_start3A_155] : memref<10000x128xf32, #tpu.memory_space<vmem_shared>> -> memref<10000x128xf32, #tpu.memory_space<vmem_shared>>
      tpu.enqueue_indirect_dma source(%dma_start3A_153 : memref<40x128xf32, #tpu.memory_space<vmem>>) target(%dma_start3A_156 : memref<10000x128xf32, #tpu.memory_space<vmem_shared>>) offsets(%arg6 : memref<40xi32, #tpu.memory_space<vmem>>) semaphore(%arg18 : memref<!tpu.dma_semaphore, #tpu.memory_space<semaphore_mem>>) {add = true}
      %gt3A = arith.constant 0 : i32
      %gt3A_157 = arith.cmpi sgt, %scan3A_122, %gt3A : i32
      %convert_element_type3A_158 = arith.extui %gt3A_157 : i1 to i32
      %cond3A_159 = arith.constant 0 : i32
      %cond3A_160 = arith.cmpi ne, %convert_element_type3A_158, %cond3A_159 : i32
      scf.if %cond3A_160 {
        %dma_wait3A_412 = arith.constant 1 : i32
        %dma_wait3A_413 = arith.constant 0 : i32
        %dma_wait3A_414 = arith.constant 0 : i32
        %dma_wait3A_415 = tpu.memref_slice %arg11[%dma_wait3A_412, %dma_wait3A_413, %dma_wait3A_414] : memref<5x40x128xf32, #tpu.memory_space<vmem>> -> memref<1x40x128xf32, #tpu.memory_space<vmem>>
        %dma_wait3A_416 = tpu.memref_squeeze %dma_wait3A_415 : memref<1x40x128xf32, #tpu.memory_space<vmem>> -> memref<40x128xf32, #tpu.memory_space<vmem>>
        %dma_wait3A_417 = arith.constant 0 : i32
        %dma_wait3A_418 = arith.constant 0 : i32
        %dma_wait3A_419 = tpu.memref_slice %arg2[%dma_wait3A_417, %dma_wait3A_418] : memref<320000x128xf32, #tpu.memory_space<hbm>> -> memref<40x128xf32, #tpu.memory_space<hbm>>
        %dma_wait3A_420 = arith.constant 0 : i32
        %dma_wait3A_421 = arith.constant 0 : i32
        %dma_wait3A_422 = tpu.memref_slice %arg11[%dma_wait3A_412, %dma_wait3A_420, %dma_wait3A_421] : memref<5x40x128xf32, #tpu.memory_space<vmem>> -> memref<1x40x128xf32, #tpu.memory_space<vmem>>
        %dma_wait3A_423 = tpu.memref_squeeze %dma_wait3A_422 : memref<1x40x128xf32, #tpu.memory_space<vmem>> -> memref<40x128xf32, #tpu.memory_space<vmem>>
        %dma_wait3A_424 = arith.constant 0 : i32
        %dma_wait3A_425 = arith.constant 0 : i32
        %dma_wait3A_426 = tpu.memref_slice %arg2[%dma_wait3A_424, %dma_wait3A_425] : memref<320000x128xf32, #tpu.memory_space<hbm>> -> memref<40x128xf32, #tpu.memory_space<hbm>>
        tpu.wait_dma2 semaphore(%arg19 : memref<!tpu.dma_semaphore, #tpu.memory_space<semaphore_mem>>) src(%dma_wait3A_426 : memref<40x128xf32, #tpu.memory_space<hbm>>) dst(%dma_wait3A_423 : memref<40x128xf32, #tpu.memory_space<vmem>>)
      } else {
      }
      %add3A_161 = arith.constant 1 : i32
      %add3A_162 = arith.addi %add3A_126, %add3A_161 : i32
      %mul3A_163 = arith.constant 40 : i32
      %mul3A_164 = arith.muli %add3A_162, %mul3A_163 : i32
      %add3A_165 = arith.addi %mul3A_8, %mul3A_164 : i32
      %dma_start3A_166 = arith.constant 1 : i32
      %dma_start3A_167 = arith.constant 0 : i32
      %dma_start3A_168 = arith.constant 0 : i32
      %dma_start3A_169 = tpu.memref_slice %arg11[%dma_start3A_166, %dma_start3A_167, %dma_start3A_168] : memref<5x40x128xf32, #tpu.memory_space<vmem>> -> memref<1x40x128xf32, #tpu.memory_space<vmem>>
      %dma_start3A_170 = tpu.memref_squeeze %dma_start3A_169 : memref<1x40x128xf32, #tpu.memory_space<vmem>> -> memref<40x128xf32, #tpu.memory_space<vmem>>
      %dma_start3A_171 = arith.constant 0 : i32
      %dma_start3A_172 = tpu.memref_slice %arg2[%add3A_165, %dma_start3A_171] : memref<320000x128xf32, #tpu.memory_space<hbm>> -> memref<40x128xf32, #tpu.memory_space<hbm>>
      %dma_start3A_173 = arith.constant 0 : i32
      %dma_start3A_174 = arith.constant 0 : i32
      %dma_start3A_175 = tpu.memref_slice %arg11[%dma_start3A_166, %dma_start3A_173, %dma_start3A_174] : memref<5x40x128xf32, #tpu.memory_space<vmem>> -> memref<1x40x128xf32, #tpu.memory_space<vmem>>
      %dma_start3A_176 = tpu.memref_squeeze %dma_start3A_175 : memref<1x40x128xf32, #tpu.memory_space<vmem>> -> memref<40x128xf32, #tpu.memory_space<vmem>>
      %dma_start3A_177 = arith.constant 0 : i32
      %dma_start3A_178 = tpu.memref_slice %arg2[%add3A_165, %dma_start3A_177] : memref<320000x128xf32, #tpu.memory_space<hbm>> -> memref<40x128xf32, #tpu.memory_space<hbm>>
      tpu.enqueue_dma source(%dma_start3A_178 : memref<40x128xf32, #tpu.memory_space<hbm>>) target(%dma_start3A_176 : memref<40x128xf32, #tpu.memory_space<vmem>>) target_semaphore(%arg14 : memref<!tpu.dma_semaphore, #tpu.memory_space<semaphore_mem>>)
      %dma_start3A_179 = arith.constant 0 : i32
      %dma_start3A_180 = tpu.memref_slice %arg3[%add3A, %add3A_162, %dma_start3A_179] : memref<32x250x40xi32, #tpu.memory_space<hbm>> -> memref<1x1x40xi32, #tpu.memory_space<hbm>>
      %dma_start3A_181 = tpu.memref_squeeze %dma_start3A_180 : memref<1x1x40xi32, #tpu.memory_space<hbm>> -> memref<40xi32, #tpu.memory_space<hbm>>
      %dma_start3A_182 = arith.constant 0 : i32
      %dma_start3A_183 = tpu.memref_slice %arg3[%add3A, %add3A_162, %dma_start3A_182] : memref<32x250x40xi32, #tpu.memory_space<hbm>> -> memref<1x1x40xi32, #tpu.memory_space<hbm>>
      %dma_start3A_184 = tpu.memref_squeeze %dma_start3A_183 : memref<1x1x40xi32, #tpu.memory_space<hbm>> -> memref<40xi32, #tpu.memory_space<hbm>>
      tpu.enqueue_dma source(%dma_start3A_184 : memref<40xi32, #tpu.memory_space<hbm>>) target(%arg7 : memref<40xi32, #tpu.memory_space<vmem>>) target_semaphore(%arg14 : memref<!tpu.dma_semaphore, #tpu.memory_space<semaphore_mem>>)
      %mul3A_185 = arith.constant 5 : i32
      %mul3A_186 = arith.muli %scan3A_122, %mul3A_185 : i32
      %add3A_187 = arith.constant 1 : i32
      %add3A_188 = arith.addi %mul3A_186, %add3A_187 : i32
      %dma_wait3A_189 = arith.constant 1 : i32
      %dma_wait3A_190 = arith.constant 0 : i32
      %dma_wait3A_191 = arith.constant 0 : i32
      %dma_wait3A_192 = tpu.memref_slice %arg11[%dma_wait3A_189, %dma_wait3A_190, %dma_wait3A_191] : memref<5x40x128xf32, #tpu.memory_space<vmem>> -> memref<1x40x128xf32, #tpu.memory_space<vmem>>
      %dma_wait3A_193 = tpu.memref_squeeze %dma_wait3A_192 : memref<1x40x128xf32, #tpu.memory_space<vmem>> -> memref<40x128xf32, #tpu.memory_space<vmem>>
      %dma_wait3A_194 = arith.constant 0 : i32
      %dma_wait3A_195 = arith.constant 0 : i32
      %dma_wait3A_196 = tpu.memref_slice %arg2[%dma_wait3A_194, %dma_wait3A_195] : memref<320000x128xf32, #tpu.memory_space<hbm>> -> memref<40x128xf32, #tpu.memory_space<hbm>>
      %dma_wait3A_197 = arith.constant 0 : i32
      %dma_wait3A_198 = arith.constant 0 : i32
      %dma_wait3A_199 = tpu.memref_slice %arg11[%dma_wait3A_189, %dma_wait3A_197, %dma_wait3A_198] : memref<5x40x128xf32, #tpu.memory_space<vmem>> -> memref<1x40x128xf32, #tpu.memory_space<vmem>>
      %dma_wait3A_200 = tpu.memref_squeeze %dma_wait3A_199 : memref<1x40x128xf32, #tpu.memory_space<vmem>> -> memref<40x128xf32, #tpu.memory_space<vmem>>
      %dma_wait3A_201 = arith.constant 0 : i32
      %dma_wait3A_202 = arith.constant 0 : i32
      %dma_wait3A_203 = tpu.memref_slice %arg2[%dma_wait3A_201, %dma_wait3A_202] : memref<320000x128xf32, #tpu.memory_space<hbm>> -> memref<40x128xf32, #tpu.memory_space<hbm>>
      tpu.wait_dma2 semaphore(%arg14 : memref<!tpu.dma_semaphore, #tpu.memory_space<semaphore_mem>>) src(%dma_wait3A_203 : memref<40x128xf32, #tpu.memory_space<hbm>>) dst(%dma_wait3A_200 : memref<40x128xf32, #tpu.memory_space<vmem>>)
      %dma_wait3A_204 = arith.constant 0 : i32
      %dma_wait3A_205 = arith.constant 0 : i32
      %dma_wait3A_206 = tpu.memref_slice %arg3[%add3A, %dma_wait3A_204, %dma_wait3A_205] : memref<32x250x40xi32, #tpu.memory_space<hbm>> -> memref<1x1x40xi32, #tpu.memory_space<hbm>>
      %dma_wait3A_207 = tpu.memref_squeeze %dma_wait3A_206 : memref<1x1x40xi32, #tpu.memory_space<hbm>> -> memref<40xi32, #tpu.memory_space<hbm>>
      %dma_wait3A_208 = arith.constant 0 : i32
      %dma_wait3A_209 = tpu.memref_slice %arg3[%add3A, %dma_wait3A_204, %dma_wait3A_208] : memref<32x250x40xi32, #tpu.memory_space<hbm>> -> memref<1x1x40xi32, #tpu.memory_space<hbm>>
      %dma_wait3A_210 = tpu.memref_squeeze %dma_wait3A_209 : memref<1x1x40xi32, #tpu.memory_space<hbm>> -> memref<40xi32, #tpu.memory_space<hbm>>
      tpu.wait_dma2 semaphore(%arg14 : memref<!tpu.dma_semaphore, #tpu.memory_space<semaphore_mem>>) src(%dma_wait3A_210 : memref<40xi32, #tpu.memory_space<hbm>>) dst(%arg7 : memref<40xi32, #tpu.memory_space<vmem>>)
      %dma_start3A_211 = arith.constant 1 : i32
      %dma_start3A_212 = arith.constant 0 : i32
      %dma_start3A_213 = arith.constant 0 : i32
      %dma_start3A_214 = tpu.memref_slice %arg11[%dma_start3A_211, %dma_start3A_212, %dma_start3A_213] : memref<5x40x128xf32, #tpu.memory_space<vmem>> -> memref<1x40x128xf32, #tpu.memory_space<vmem>>
      %dma_start3A_215 = tpu.memref_squeeze %dma_start3A_214 : memref<1x40x128xf32, #tpu.memory_space<vmem>> -> memref<40x128xf32, #tpu.memory_space<vmem>>
      %dma_start3A_216 = arith.constant 0 : i32
      %dma_start3A_217 = arith.constant 0 : i32
      %dma_start3A_218 = tpu.memref_slice %arg12[%dma_start3A_216, %dma_start3A_217] : memref<10000x128xf32, #tpu.memory_space<vmem_shared>> -> memref<10000x128xf32, #tpu.memory_space<vmem_shared>>
      tpu.enqueue_indirect_dma source(%dma_start3A_215 : memref<40x128xf32, #tpu.memory_space<vmem>>) target(%dma_start3A_218 : memref<10000x128xf32, #tpu.memory_space<vmem_shared>>) offsets(%arg7 : memref<40xi32, #tpu.memory_space<vmem>>) semaphore(%arg19 : memref<!tpu.dma_semaphore, #tpu.memory_space<semaphore_mem>>) {add = true}
      %gt3A_219 = arith.constant 0 : i32
      %gt3A_220 = arith.cmpi sgt, %scan3A_122, %gt3A_219 : i32
      %convert_element_type3A_221 = arith.extui %gt3A_220 : i1 to i32
      %cond3A_222 = arith.constant 0 : i32
      %cond3A_223 = arith.cmpi ne, %convert_element_type3A_221, %cond3A_222 : i32
      scf.if %cond3A_223 {
        %dma_wait3A_412 = arith.constant 2 : i32
        %dma_wait3A_413 = arith.constant 0 : i32
        %dma_wait3A_414 = arith.constant 0 : i32
        %dma_wait3A_415 = tpu.memref_slice %arg11[%dma_wait3A_412, %dma_wait3A_413, %dma_wait3A_414] : memref<5x40x128xf32, #tpu.memory_space<vmem>> -> memref<1x40x128xf32, #tpu.memory_space<vmem>>
        %dma_wait3A_416 = tpu.memref_squeeze %dma_wait3A_415 : memref<1x40x128xf32, #tpu.memory_space<vmem>> -> memref<40x128xf32, #tpu.memory_space<vmem>>
        %dma_wait3A_417 = arith.constant 0 : i32
        %dma_wait3A_418 = arith.constant 0 : i32
        %dma_wait3A_419 = tpu.memref_slice %arg2[%dma_wait3A_417, %dma_wait3A_418] : memref<320000x128xf32, #tpu.memory_space<hbm>> -> memref<40x128xf32, #tpu.memory_space<hbm>>
        %dma_wait3A_420 = arith.constant 0 : i32
        %dma_wait3A_421 = arith.constant 0 : i32
        %dma_wait3A_422 = tpu.memref_slice %arg11[%dma_wait3A_412, %dma_wait3A_420, %dma_wait3A_421] : memref<5x40x128xf32, #tpu.memory_space<vmem>> -> memref<1x40x128xf32, #tpu.memory_space<vmem>>
        %dma_wait3A_423 = tpu.memref_squeeze %dma_wait3A_422 : memref<1x40x128xf32, #tpu.memory_space<vmem>> -> memref<40x128xf32, #tpu.memory_space<vmem>>
        %dma_wait3A_424 = arith.constant 0 : i32
        %dma_wait3A_425 = arith.constant 0 : i32
        %dma_wait3A_426 = tpu.memref_slice %arg2[%dma_wait3A_424, %dma_wait3A_425] : memref<320000x128xf32, #tpu.memory_space<hbm>> -> memref<40x128xf32, #tpu.memory_space<hbm>>
        tpu.wait_dma2 semaphore(%arg20 : memref<!tpu.dma_semaphore, #tpu.memory_space<semaphore_mem>>) src(%dma_wait3A_426 : memref<40x128xf32, #tpu.memory_space<hbm>>) dst(%dma_wait3A_423 : memref<40x128xf32, #tpu.memory_space<vmem>>)
      } else {
      }
      %add3A_224 = arith.constant 1 : i32
      %add3A_225 = arith.addi %add3A_188, %add3A_224 : i32
      %mul3A_226 = arith.constant 40 : i32
      %mul3A_227 = arith.muli %add3A_225, %mul3A_226 : i32
      %add3A_228 = arith.addi %mul3A_8, %mul3A_227 : i32
      %dma_start3A_229 = arith.constant 2 : i32
      %dma_start3A_230 = arith.constant 0 : i32
      %dma_start3A_231 = arith.constant 0 : i32
      %dma_start3A_232 = tpu.memref_slice %arg11[%dma_start3A_229, %dma_start3A_230, %dma_start3A_231] : memref<5x40x128xf32, #tpu.memory_space<vmem>> -> memref<1x40x128xf32, #tpu.memory_space<vmem>>
      %dma_start3A_233 = tpu.memref_squeeze %dma_start3A_232 : memref<1x40x128xf32, #tpu.memory_space<vmem>> -> memref<40x128xf32, #tpu.memory_space<vmem>>
      %dma_start3A_234 = arith.constant 0 : i32
      %dma_start3A_235 = tpu.memref_slice %arg2[%add3A_228, %dma_start3A_234] : memref<320000x128xf32, #tpu.memory_space<hbm>> -> memref<40x128xf32, #tpu.memory_space<hbm>>
      %dma_start3A_236 = arith.constant 0 : i32
      %dma_start3A_237 = arith.constant 0 : i32
      %dma_start3A_238 = tpu.memref_slice %arg11[%dma_start3A_229, %dma_start3A_236, %dma_start3A_237] : memref<5x40x128xf32, #tpu.memory_space<vmem>> -> memref<1x40x128xf32, #tpu.memory_space<vmem>>
      %dma_start3A_239 = tpu.memref_squeeze %dma_start3A_238 : memref<1x40x128xf32, #tpu.memory_space<vmem>> -> memref<40x128xf32, #tpu.memory_space<vmem>>
      %dma_start3A_240 = arith.constant 0 : i32
      %dma_start3A_241 = tpu.memref_slice %arg2[%add3A_228, %dma_start3A_240] : memref<320000x128xf32, #tpu.memory_space<hbm>> -> memref<40x128xf32, #tpu.memory_space<hbm>>
      tpu.enqueue_dma source(%dma_start3A_241 : memref<40x128xf32, #tpu.memory_space<hbm>>) target(%dma_start3A_239 : memref<40x128xf32, #tpu.memory_space<vmem>>) target_semaphore(%arg15 : memref<!tpu.dma_semaphore, #tpu.memory_space<semaphore_mem>>)
      %dma_start3A_242 = arith.constant 0 : i32
      %dma_start3A_243 = tpu.memref_slice %arg3[%add3A, %add3A_225, %dma_start3A_242] : memref<32x250x40xi32, #tpu.memory_space<hbm>> -> memref<1x1x40xi32, #tpu.memory_space<hbm>>
      %dma_start3A_244 = tpu.memref_squeeze %dma_start3A_243 : memref<1x1x40xi32, #tpu.memory_space<hbm>> -> memref<40xi32, #tpu.memory_space<hbm>>
      %dma_start3A_245 = arith.constant 0 : i32
      %dma_start3A_246 = tpu.memref_slice %arg3[%add3A, %add3A_225, %dma_start3A_245] : memref<32x250x40xi32, #tpu.memory_space<hbm>> -> memref<1x1x40xi32, #tpu.memory_space<hbm>>
      %dma_start3A_247 = tpu.memref_squeeze %dma_start3A_246 : memref<1x1x40xi32, #tpu.memory_space<hbm>> -> memref<40xi32, #tpu.memory_space<hbm>>
      tpu.enqueue_dma source(%dma_start3A_247 : memref<40xi32, #tpu.memory_space<hbm>>) target(%arg8 : memref<40xi32, #tpu.memory_space<vmem>>) target_semaphore(%arg15 : memref<!tpu.dma_semaphore, #tpu.memory_space<semaphore_mem>>)
      %mul3A_248 = arith.constant 5 : i32
      %mul3A_249 = arith.muli %scan3A_122, %mul3A_248 : i32
      %add3A_250 = arith.constant 2 : i32
      %add3A_251 = arith.addi %mul3A_249, %add3A_250 : i32
      %dma_wait3A_252 = arith.constant 2 : i32
      %dma_wait3A_253 = arith.constant 0 : i32
      %dma_wait3A_254 = arith.constant 0 : i32
      %dma_wait3A_255 = tpu.memref_slice %arg11[%dma_wait3A_252, %dma_wait3A_253, %dma_wait3A_254] : memref<5x40x128xf32, #tpu.memory_space<vmem>> -> memref<1x40x128xf32, #tpu.memory_space<vmem>>
      %dma_wait3A_256 = tpu.memref_squeeze %dma_wait3A_255 : memref<1x40x128xf32, #tpu.memory_space<vmem>> -> memref<40x128xf32, #tpu.memory_space<vmem>>
      %dma_wait3A_257 = arith.constant 0 : i32
      %dma_wait3A_258 = arith.constant 0 : i32
      %dma_wait3A_259 = tpu.memref_slice %arg2[%dma_wait3A_257, %dma_wait3A_258] : memref<320000x128xf32, #tpu.memory_space<hbm>> -> memref<40x128xf32, #tpu.memory_space<hbm>>
      %dma_wait3A_260 = arith.constant 0 : i32
      %dma_wait3A_261 = arith.constant 0 : i32
      %dma_wait3A_262 = tpu.memref_slice %arg11[%dma_wait3A_252, %dma_wait3A_260, %dma_wait3A_261] : memref<5x40x128xf32, #tpu.memory_space<vmem>> -> memref<1x40x128xf32, #tpu.memory_space<vmem>>
      %dma_wait3A_263 = tpu.memref_squeeze %dma_wait3A_262 : memref<1x40x128xf32, #tpu.memory_space<vmem>> -> memref<40x128xf32, #tpu.memory_space<vmem>>
      %dma_wait3A_264 = arith.constant 0 : i32
      %dma_wait3A_265 = arith.constant 0 : i32
      %dma_wait3A_266 = tpu.memref_slice %arg2[%dma_wait3A_264, %dma_wait3A_265] : memref<320000x128xf32, #tpu.memory_space<hbm>> -> memref<40x128xf32, #tpu.memory_space<hbm>>
      tpu.wait_dma2 semaphore(%arg15 : memref<!tpu.dma_semaphore, #tpu.memory_space<semaphore_mem>>) src(%dma_wait3A_266 : memref<40x128xf32, #tpu.memory_space<hbm>>) dst(%dma_wait3A_263 : memref<40x128xf32, #tpu.memory_space<vmem>>)
      %dma_wait3A_267 = arith.constant 0 : i32
      %dma_wait3A_268 = arith.constant 0 : i32
      %dma_wait3A_269 = tpu.memref_slice %arg3[%add3A, %dma_wait3A_267, %dma_wait3A_268] : memref<32x250x40xi32, #tpu.memory_space<hbm>> -> memref<1x1x40xi32, #tpu.memory_space<hbm>>
      %dma_wait3A_270 = tpu.memref_squeeze %dma_wait3A_269 : memref<1x1x40xi32, #tpu.memory_space<hbm>> -> memref<40xi32, #tpu.memory_space<hbm>>
      %dma_wait3A_271 = arith.constant 0 : i32
      %dma_wait3A_272 = tpu.memref_slice %arg3[%add3A, %dma_wait3A_267, %dma_wait3A_271] : memref<32x250x40xi32, #tpu.memory_space<hbm>> -> memref<1x1x40xi32, #tpu.memory_space<hbm>>
      %dma_wait3A_273 = tpu.memref_squeeze %dma_wait3A_272 : memref<1x1x40xi32, #tpu.memory_space<hbm>> -> memref<40xi32, #tpu.memory_space<hbm>>
      tpu.wait_dma2 semaphore(%arg15 : memref<!tpu.dma_semaphore, #tpu.memory_space<semaphore_mem>>) src(%dma_wait3A_273 : memref<40xi32, #tpu.memory_space<hbm>>) dst(%arg8 : memref<40xi32, #tpu.memory_space<vmem>>)
      %dma_start3A_274 = arith.constant 2 : i32
      %dma_start3A_275 = arith.constant 0 : i32
      %dma_start3A_276 = arith.constant 0 : i32
      %dma_start3A_277 = tpu.memref_slice %arg11[%dma_start3A_274, %dma_start3A_275, %dma_start3A_276] : memref<5x40x128xf32, #tpu.memory_space<vmem>> -> memref<1x40x128xf32, #tpu.memory_space<vmem>>
      %dma_start3A_278 = tpu.memref_squeeze %dma_start3A_277 : memref<1x40x128xf32, #tpu.memory_space<vmem>> -> memref<40x128xf32, #tpu.memory_space<vmem>>
      %dma_start3A_279 = arith.constant 0 : i32
      %dma_start3A_280 = arith.constant 0 : i32
      %dma_start3A_281 = tpu.memref_slice %arg12[%dma_start3A_279, %dma_start3A_280] : memref<10000x128xf32, #tpu.memory_space<vmem_shared>> -> memref<10000x128xf32, #tpu.memory_space<vmem_shared>>
      tpu.enqueue_indirect_dma source(%dma_start3A_278 : memref<40x128xf32, #tpu.memory_space<vmem>>) target(%dma_start3A_281 : memref<10000x128xf32, #tpu.memory_space<vmem_shared>>) offsets(%arg8 : memref<40xi32, #tpu.memory_space<vmem>>) semaphore(%arg20 : memref<!tpu.dma_semaphore, #tpu.memory_space<semaphore_mem>>) {add = true}
      %gt3A_282 = arith.constant 0 : i32
      %gt3A_283 = arith.cmpi sgt, %scan3A_122, %gt3A_282 : i32
      %convert_element_type3A_284 = arith.extui %gt3A_283 : i1 to i32
      %cond3A_285 = arith.constant 0 : i32
      %cond3A_286 = arith.cmpi ne, %convert_element_type3A_284, %cond3A_285 : i32
      scf.if %cond3A_286 {
        %dma_wait3A_412 = arith.constant 3 : i32
        %dma_wait3A_413 = arith.constant 0 : i32
        %dma_wait3A_414 = arith.constant 0 : i32
        %dma_wait3A_415 = tpu.memref_slice %arg11[%dma_wait3A_412, %dma_wait3A_413, %dma_wait3A_414] : memref<5x40x128xf32, #tpu.memory_space<vmem>> -> memref<1x40x128xf32, #tpu.memory_space<vmem>>
        %dma_wait3A_416 = tpu.memref_squeeze %dma_wait3A_415 : memref<1x40x128xf32, #tpu.memory_space<vmem>> -> memref<40x128xf32, #tpu.memory_space<vmem>>
        %dma_wait3A_417 = arith.constant 0 : i32
        %dma_wait3A_418 = arith.constant 0 : i32
        %dma_wait3A_419 = tpu.memref_slice %arg2[%dma_wait3A_417, %dma_wait3A_418] : memref<320000x128xf32, #tpu.memory_space<hbm>> -> memref<40x128xf32, #tpu.memory_space<hbm>>
        %dma_wait3A_420 = arith.constant 0 : i32
        %dma_wait3A_421 = arith.constant 0 : i32
        %dma_wait3A_422 = tpu.memref_slice %arg11[%dma_wait3A_412, %dma_wait3A_420, %dma_wait3A_421] : memref<5x40x128xf32, #tpu.memory_space<vmem>> -> memref<1x40x128xf32, #tpu.memory_space<vmem>>
        %dma_wait3A_423 = tpu.memref_squeeze %dma_wait3A_422 : memref<1x40x128xf32, #tpu.memory_space<vmem>> -> memref<40x128xf32, #tpu.memory_space<vmem>>
        %dma_wait3A_424 = arith.constant 0 : i32
        %dma_wait3A_425 = arith.constant 0 : i32
        %dma_wait3A_426 = tpu.memref_slice %arg2[%dma_wait3A_424, %dma_wait3A_425] : memref<320000x128xf32, #tpu.memory_space<hbm>> -> memref<40x128xf32, #tpu.memory_space<hbm>>
        tpu.wait_dma2 semaphore(%arg21 : memref<!tpu.dma_semaphore, #tpu.memory_space<semaphore_mem>>) src(%dma_wait3A_426 : memref<40x128xf32, #tpu.memory_space<hbm>>) dst(%dma_wait3A_423 : memref<40x128xf32, #tpu.memory_space<vmem>>)
      } else {
      }
      %add3A_287 = arith.constant 1 : i32
      %add3A_288 = arith.addi %add3A_251, %add3A_287 : i32
      %mul3A_289 = arith.constant 40 : i32
      %mul3A_290 = arith.muli %add3A_288, %mul3A_289 : i32
      %add3A_291 = arith.addi %mul3A_8, %mul3A_290 : i32
      %dma_start3A_292 = arith.constant 3 : i32
      %dma_start3A_293 = arith.constant 0 : i32
      %dma_start3A_294 = arith.constant 0 : i32
      %dma_start3A_295 = tpu.memref_slice %arg11[%dma_start3A_292, %dma_start3A_293, %dma_start3A_294] : memref<5x40x128xf32, #tpu.memory_space<vmem>> -> memref<1x40x128xf32, #tpu.memory_space<vmem>>
      %dma_start3A_296 = tpu.memref_squeeze %dma_start3A_295 : memref<1x40x128xf32, #tpu.memory_space<vmem>> -> memref<40x128xf32, #tpu.memory_space<vmem>>
      %dma_start3A_297 = arith.constant 0 : i32
      %dma_start3A_298 = tpu.memref_slice %arg2[%add3A_291, %dma_start3A_297] : memref<320000x128xf32, #tpu.memory_space<hbm>> -> memref<40x128xf32, #tpu.memory_space<hbm>>
      %dma_start3A_299 = arith.constant 0 : i32
      %dma_start3A_300 = arith.constant 0 : i32
      %dma_start3A_301 = tpu.memref_slice %arg11[%dma_start3A_292, %dma_start3A_299, %dma_start3A_300] : memref<5x40x128xf32, #tpu.memory_space<vmem>> -> memref<1x40x128xf32, #tpu.memory_space<vmem>>
      %dma_start3A_302 = tpu.memref_squeeze %dma_start3A_301 : memref<1x40x128xf32, #tpu.memory_space<vmem>> -> memref<40x128xf32, #tpu.memory_space<vmem>>
      %dma_start3A_303 = arith.constant 0 : i32
      %dma_start3A_304 = tpu.memref_slice %arg2[%add3A_291, %dma_start3A_303] : memref<320000x128xf32, #tpu.memory_space<hbm>> -> memref<40x128xf32, #tpu.memory_space<hbm>>
      tpu.enqueue_dma source(%dma_start3A_304 : memref<40x128xf32, #tpu.memory_space<hbm>>) target(%dma_start3A_302 : memref<40x128xf32, #tpu.memory_space<vmem>>) target_semaphore(%arg16 : memref<!tpu.dma_semaphore, #tpu.memory_space<semaphore_mem>>)
      %dma_start3A_305 = arith.constant 0 : i32
      %dma_start3A_306 = tpu.memref_slice %arg3[%add3A, %add3A_288, %dma_start3A_305] : memref<32x250x40xi32, #tpu.memory_space<hbm>> -> memref<1x1x40xi32, #tpu.memory_space<hbm>>
      %dma_start3A_307 = tpu.memref_squeeze %dma_start3A_306 : memref<1x1x40xi32, #tpu.memory_space<hbm>> -> memref<40xi32, #tpu.memory_space<hbm>>
      %dma_start3A_308 = arith.constant 0 : i32
      %dma_start3A_309 = tpu.memref_slice %arg3[%add3A, %add3A_288, %dma_start3A_308] : memref<32x250x40xi32, #tpu.memory_space<hbm>> -> memref<1x1x40xi32, #tpu.memory_space<hbm>>
      %dma_start3A_310 = tpu.memref_squeeze %dma_start3A_309 : memref<1x1x40xi32, #tpu.memory_space<hbm>> -> memref<40xi32, #tpu.memory_space<hbm>>
      tpu.enqueue_dma source(%dma_start3A_310 : memref<40xi32, #tpu.memory_space<hbm>>) target(%arg9 : memref<40xi32, #tpu.memory_space<vmem>>) target_semaphore(%arg16 : memref<!tpu.dma_semaphore, #tpu.memory_space<semaphore_mem>>)
      %mul3A_311 = arith.constant 5 : i32
      %mul3A_312 = arith.muli %scan3A_122, %mul3A_311 : i32
      %add3A_313 = arith.constant 3 : i32
      %add3A_314 = arith.addi %mul3A_312, %add3A_313 : i32
      %dma_wait3A_315 = arith.constant 3 : i32
      %dma_wait3A_316 = arith.constant 0 : i32
      %dma_wait3A_317 = arith.constant 0 : i32
      %dma_wait3A_318 = tpu.memref_slice %arg11[%dma_wait3A_315, %dma_wait3A_316, %dma_wait3A_317] : memref<5x40x128xf32, #tpu.memory_space<vmem>> -> memref<1x40x128xf32, #tpu.memory_space<vmem>>
      %dma_wait3A_319 = tpu.memref_squeeze %dma_wait3A_318 : memref<1x40x128xf32, #tpu.memory_space<vmem>> -> memref<40x128xf32, #tpu.memory_space<vmem>>
      %dma_wait3A_320 = arith.constant 0 : i32
      %dma_wait3A_321 = arith.constant 0 : i32
      %dma_wait3A_322 = tpu.memref_slice %arg2[%dma_wait3A_320, %dma_wait3A_321] : memref<320000x128xf32, #tpu.memory_space<hbm>> -> memref<40x128xf32, #tpu.memory_space<hbm>>
      %dma_wait3A_323 = arith.constant 0 : i32
      %dma_wait3A_324 = arith.constant 0 : i32
      %dma_wait3A_325 = tpu.memref_slice %arg11[%dma_wait3A_315, %dma_wait3A_323, %dma_wait3A_324] : memref<5x40x128xf32, #tpu.memory_space<vmem>> -> memref<1x40x128xf32, #tpu.memory_space<vmem>>
      %dma_wait3A_326 = tpu.memref_squeeze %dma_wait3A_325 : memref<1x40x128xf32, #tpu.memory_space<vmem>> -> memref<40x128xf32, #tpu.memory_space<vmem>>
      %dma_wait3A_327 = arith.constant 0 : i32
      %dma_wait3A_328 = arith.constant 0 : i32
      %dma_wait3A_329 = tpu.memref_slice %arg2[%dma_wait3A_327, %dma_wait3A_328] : memref<320000x128xf32, #tpu.memory_space<hbm>> -> memref<40x128xf32, #tpu.memory_space<hbm>>
      tpu.wait_dma2 semaphore(%arg16 : memref<!tpu.dma_semaphore, #tpu.memory_space<semaphore_mem>>) src(%dma_wait3A_329 : memref<40x128xf32, #tpu.memory_space<hbm>>) dst(%dma_wait3A_326 : memref<40x128xf32, #tpu.memory_space<vmem>>)
      %dma_wait3A_330 = arith.constant 0 : i32
      %dma_wait3A_331 = arith.constant 0 : i32
      %dma_wait3A_332 = tpu.memref_slice %arg3[%add3A, %dma_wait3A_330, %dma_wait3A_331] : memref<32x250x40xi32, #tpu.memory_space<hbm>> -> memref<1x1x40xi32, #tpu.memory_space<hbm>>
      %dma_wait3A_333 = tpu.memref_squeeze %dma_wait3A_332 : memref<1x1x40xi32, #tpu.memory_space<hbm>> -> memref<40xi32, #tpu.memory_space<hbm>>
      %dma_wait3A_334 = arith.constant 0 : i32
      %dma_wait3A_335 = tpu.memref_slice %arg3[%add3A, %dma_wait3A_330, %dma_wait3A_334] : memref<32x250x40xi32, #tpu.memory_space<hbm>> -> memref<1x1x40xi32, #tpu.memory_space<hbm>>
      %dma_wait3A_336 = tpu.memref_squeeze %dma_wait3A_335 : memref<1x1x40xi32, #tpu.memory_space<hbm>> -> memref<40xi32, #tpu.memory_space<hbm>>
      tpu.wait_dma2 semaphore(%arg16 : memref<!tpu.dma_semaphore, #tpu.memory_space<semaphore_mem>>) src(%dma_wait3A_336 : memref<40xi32, #tpu.memory_space<hbm>>) dst(%arg9 : memref<40xi32, #tpu.memory_space<vmem>>)
      %dma_start3A_337 = arith.constant 3 : i32
      %dma_start3A_338 = arith.constant 0 : i32
      %dma_start3A_339 = arith.constant 0 : i32
      %dma_start3A_340 = tpu.memref_slice %arg11[%dma_start3A_337, %dma_start3A_338, %dma_start3A_339] : memref<5x40x128xf32, #tpu.memory_space<vmem>> -> memref<1x40x128xf32, #tpu.memory_space<vmem>>
      %dma_start3A_341 = tpu.memref_squeeze %dma_start3A_340 : memref<1x40x128xf32, #tpu.memory_space<vmem>> -> memref<40x128xf32, #tpu.memory_space<vmem>>
      %dma_start3A_342 = arith.constant 0 : i32
      %dma_start3A_343 = arith.constant 0 : i32
      %dma_start3A_344 = tpu.memref_slice %arg12[%dma_start3A_342, %dma_start3A_343] : memref<10000x128xf32, #tpu.memory_space<vmem_shared>> -> memref<10000x128xf32, #tpu.memory_space<vmem_shared>>
      tpu.enqueue_indirect_dma source(%dma_start3A_341 : memref<40x128xf32, #tpu.memory_space<vmem>>) target(%dma_start3A_344 : memref<10000x128xf32, #tpu.memory_space<vmem_shared>>) offsets(%arg9 : memref<40xi32, #tpu.memory_space<vmem>>) semaphore(%arg21 : memref<!tpu.dma_semaphore, #tpu.memory_space<semaphore_mem>>) {add = true}
      %gt3A_345 = arith.constant 0 : i32
      %gt3A_346 = arith.cmpi sgt, %scan3A_122, %gt3A_345 : i32
      %convert_element_type3A_347 = arith.extui %gt3A_346 : i1 to i32
      %cond3A_348 = arith.constant 0 : i32
      %cond3A_349 = arith.cmpi ne, %convert_element_type3A_347, %cond3A_348 : i32
      scf.if %cond3A_349 {
        %dma_wait3A_412 = arith.constant 4 : i32
        %dma_wait3A_413 = arith.constant 0 : i32
        %dma_wait3A_414 = arith.constant 0 : i32
        %dma_wait3A_415 = tpu.memref_slice %arg11[%dma_wait3A_412, %dma_wait3A_413, %dma_wait3A_414] : memref<5x40x128xf32, #tpu.memory_space<vmem>> -> memref<1x40x128xf32, #tpu.memory_space<vmem>>
        %dma_wait3A_416 = tpu.memref_squeeze %dma_wait3A_415 : memref<1x40x128xf32, #tpu.memory_space<vmem>> -> memref<40x128xf32, #tpu.memory_space<vmem>>
        %dma_wait3A_417 = arith.constant 0 : i32
        %dma_wait3A_418 = arith.constant 0 : i32
        %dma_wait3A_419 = tpu.memref_slice %arg2[%dma_wait3A_417, %dma_wait3A_418] : memref<320000x128xf32, #tpu.memory_space<hbm>> -> memref<40x128xf32, #tpu.memory_space<hbm>>
        %dma_wait3A_420 = arith.constant 0 : i32
        %dma_wait3A_421 = arith.constant 0 : i32
        %dma_wait3A_422 = tpu.memref_slice %arg11[%dma_wait3A_412, %dma_wait3A_420, %dma_wait3A_421] : memref<5x40x128xf32, #tpu.memory_space<vmem>> -> memref<1x40x128xf32, #tpu.memory_space<vmem>>
        %dma_wait3A_423 = tpu.memref_squeeze %dma_wait3A_422 : memref<1x40x128xf32, #tpu.memory_space<vmem>> -> memref<40x128xf32, #tpu.memory_space<vmem>>
        %dma_wait3A_424 = arith.constant 0 : i32
        %dma_wait3A_425 = arith.constant 0 : i32
        %dma_wait3A_426 = tpu.memref_slice %arg2[%dma_wait3A_424, %dma_wait3A_425] : memref<320000x128xf32, #tpu.memory_space<hbm>> -> memref<40x128xf32, #tpu.memory_space<hbm>>
        tpu.wait_dma2 semaphore(%arg22 : memref<!tpu.dma_semaphore, #tpu.memory_space<semaphore_mem>>) src(%dma_wait3A_426 : memref<40x128xf32, #tpu.memory_space<hbm>>) dst(%dma_wait3A_423 : memref<40x128xf32, #tpu.memory_space<vmem>>)
      } else {
      }
      %add3A_350 = arith.constant 1 : i32
      %add3A_351 = arith.addi %add3A_314, %add3A_350 : i32
      %mul3A_352 = arith.constant 40 : i32
      %mul3A_353 = arith.muli %add3A_351, %mul3A_352 : i32
      %add3A_354 = arith.addi %mul3A_8, %mul3A_353 : i32
      %dma_start3A_355 = arith.constant 4 : i32
      %dma_start3A_356 = arith.constant 0 : i32
      %dma_start3A_357 = arith.constant 0 : i32
      %dma_start3A_358 = tpu.memref_slice %arg11[%dma_start3A_355, %dma_start3A_356, %dma_start3A_357] : memref<5x40x128xf32, #tpu.memory_space<vmem>> -> memref<1x40x128xf32, #tpu.memory_space<vmem>>
      %dma_start3A_359 = tpu.memref_squeeze %dma_start3A_358 : memref<1x40x128xf32, #tpu.memory_space<vmem>> -> memref<40x128xf32, #tpu.memory_space<vmem>>
      %dma_start3A_360 = arith.constant 0 : i32
      %dma_start3A_361 = tpu.memref_slice %arg2[%add3A_354, %dma_start3A_360] : memref<320000x128xf32, #tpu.memory_space<hbm>> -> memref<40x128xf32, #tpu.memory_space<hbm>>
      %dma_start3A_362 = arith.constant 0 : i32
      %dma_start3A_363 = arith.constant 0 : i32
      %dma_start3A_364 = tpu.memref_slice %arg11[%dma_start3A_355, %dma_start3A_362, %dma_start3A_363] : memref<5x40x128xf32, #tpu.memory_space<vmem>> -> memref<1x40x128xf32, #tpu.memory_space<vmem>>
      %dma_start3A_365 = tpu.memref_squeeze %dma_start3A_364 : memref<1x40x128xf32, #tpu.memory_space<vmem>> -> memref<40x128xf32, #tpu.memory_space<vmem>>
      %dma_start3A_366 = arith.constant 0 : i32
      %dma_start3A_367 = tpu.memref_slice %arg2[%add3A_354, %dma_start3A_366] : memref<320000x128xf32, #tpu.memory_space<hbm>> -> memref<40x128xf32, #tpu.memory_space<hbm>>
      tpu.enqueue_dma source(%dma_start3A_367 : memref<40x128xf32, #tpu.memory_space<hbm>>) target(%dma_start3A_365 : memref<40x128xf32, #tpu.memory_space<vmem>>) target_semaphore(%arg17 : memref<!tpu.dma_semaphore, #tpu.memory_space<semaphore_mem>>)
      %dma_start3A_368 = arith.constant 0 : i32
      %dma_start3A_369 = tpu.memref_slice %arg3[%add3A, %add3A_351, %dma_start3A_368] : memref<32x250x40xi32, #tpu.memory_space<hbm>> -> memref<1x1x40xi32, #tpu.memory_space<hbm>>
      %dma_start3A_370 = tpu.memref_squeeze %dma_start3A_369 : memref<1x1x40xi32, #tpu.memory_space<hbm>> -> memref<40xi32, #tpu.memory_space<hbm>>
      %dma_start3A_371 = arith.constant 0 : i32
      %dma_start3A_372 = tpu.memref_slice %arg3[%add3A, %add3A_351, %dma_start3A_371] : memref<32x250x40xi32, #tpu.memory_space<hbm>> -> memref<1x1x40xi32, #tpu.memory_space<hbm>>
      %dma_start3A_373 = tpu.memref_squeeze %dma_start3A_372 : memref<1x1x40xi32, #tpu.memory_space<hbm>> -> memref<40xi32, #tpu.memory_space<hbm>>
      tpu.enqueue_dma source(%dma_start3A_373 : memref<40xi32, #tpu.memory_space<hbm>>) target(%arg10 : memref<40xi32, #tpu.memory_space<vmem>>) target_semaphore(%arg17 : memref<!tpu.dma_semaphore, #tpu.memory_space<semaphore_mem>>)
      %mul3A_374 = arith.constant 5 : i32
      %mul3A_375 = arith.muli %scan3A_122, %mul3A_374 : i32
      %add3A_376 = arith.constant 4 : i32
      %add3A_377 = arith.addi %mul3A_375, %add3A_376 : i32
      %dma_wait3A_378 = arith.constant 4 : i32
      %dma_wait3A_379 = arith.constant 0 : i32
      %dma_wait3A_380 = arith.constant 0 : i32
      %dma_wait3A_381 = tpu.memref_slice %arg11[%dma_wait3A_378, %dma_wait3A_379, %dma_wait3A_380] : memref<5x40x128xf32, #tpu.memory_space<vmem>> -> memref<1x40x128xf32, #tpu.memory_space<vmem>>
      %dma_wait3A_382 = tpu.memref_squeeze %dma_wait3A_381 : memref<1x40x128xf32, #tpu.memory_space<vmem>> -> memref<40x128xf32, #tpu.memory_space<vmem>>
      %dma_wait3A_383 = arith.constant 0 : i32
      %dma_wait3A_384 = arith.constant 0 : i32
      %dma_wait3A_385 = tpu.memref_slice %arg2[%dma_wait3A_383, %dma_wait3A_384] : memref<320000x128xf32, #tpu.memory_space<hbm>> -> memref<40x128xf32, #tpu.memory_space<hbm>>
      %dma_wait3A_386 = arith.constant 0 : i32
      %dma_wait3A_387 = arith.constant 0 : i32
      %dma_wait3A_388 = tpu.memref_slice %arg11[%dma_wait3A_378, %dma_wait3A_386, %dma_wait3A_387] : memref<5x40x128xf32, #tpu.memory_space<vmem>> -> memref<1x40x128xf32, #tpu.memory_space<vmem>>
      %dma_wait3A_389 = tpu.memref_squeeze %dma_wait3A_388 : memref<1x40x128xf32, #tpu.memory_space<vmem>> -> memref<40x128xf32, #tpu.memory_space<vmem>>
      %dma_wait3A_390 = arith.constant 0 : i32
      %dma_wait3A_391 = arith.constant 0 : i32
      %dma_wait3A_392 = tpu.memref_slice %arg2[%dma_wait3A_390, %dma_wait3A_391] : memref<320000x128xf32, #tpu.memory_space<hbm>> -> memref<40x128xf32, #tpu.memory_space<hbm>>
      tpu.wait_dma2 semaphore(%arg17 : memref<!tpu.dma_semaphore, #tpu.memory_space<semaphore_mem>>) src(%dma_wait3A_392 : memref<40x128xf32, #tpu.memory_space<hbm>>) dst(%dma_wait3A_389 : memref<40x128xf32, #tpu.memory_space<vmem>>)
      %dma_wait3A_393 = arith.constant 0 : i32
      %dma_wait3A_394 = arith.constant 0 : i32
      %dma_wait3A_395 = tpu.memref_slice %arg3[%add3A, %dma_wait3A_393, %dma_wait3A_394] : memref<32x250x40xi32, #tpu.memory_space<hbm>> -> memref<1x1x40xi32, #tpu.memory_space<hbm>>
      %dma_wait3A_396 = tpu.memref_squeeze %dma_wait3A_395 : memref<1x1x40xi32, #tpu.memory_space<hbm>> -> memref<40xi32, #tpu.memory_space<hbm>>
      %dma_wait3A_397 = arith.constant 0 : i32
      %dma_wait3A_398 = tpu.memref_slice %arg3[%add3A, %dma_wait3A_393, %dma_wait3A_397] : memref<32x250x40xi32, #tpu.memory_space<hbm>> -> memref<1x1x40xi32, #tpu.memory_space<hbm>>
      %dma_wait3A_399 = tpu.memref_squeeze %dma_wait3A_398 : memref<1x1x40xi32, #tpu.memory_space<hbm>> -> memref<40xi32, #tpu.memory_space<hbm>>
      tpu.wait_dma2 semaphore(%arg17 : memref<!tpu.dma_semaphore, #tpu.memory_space<semaphore_mem>>) src(%dma_wait3A_399 : memref<40xi32, #tpu.memory_space<hbm>>) dst(%arg10 : memref<40xi32, #tpu.memory_space<vmem>>)
      %dma_start3A_400 = arith.constant 4 : i32
      %dma_start3A_401 = arith.constant 0 : i32
      %dma_start3A_402 = arith.constant 0 : i32
      %dma_start3A_403 = tpu.memref_slice %arg11[%dma_start3A_400, %dma_start3A_401, %dma_start3A_402] : memref<5x40x128xf32, #tpu.memory_space<vmem>> -> memref<1x40x128xf32, #tpu.memory_space<vmem>>
      %dma_start3A_404 = tpu.memref_squeeze %dma_start3A_403 : memref<1x40x128xf32, #tpu.memory_space<vmem>> -> memref<40x128xf32, #tpu.memory_space<vmem>>
      %dma_start3A_405 = arith.constant 0 : i32
      %dma_start3A_406 = arith.constant 0 : i32
      %dma_start3A_407 = tpu.memref_slice %arg12[%dma_start3A_405, %dma_start3A_406] : memref<10000x128xf32, #tpu.memory_space<vmem_shared>> -> memref<10000x128xf32, #tpu.memory_space<vmem_shared>>
      tpu.enqueue_indirect_dma source(%dma_start3A_404 : memref<40x128xf32, #tpu.memory_space<vmem>>) target(%dma_start3A_407 : memref<10000x128xf32, #tpu.memory_space<vmem_shared>>) offsets(%arg10 : memref<40xi32, #tpu.memory_space<vmem>>) semaphore(%arg22 : memref<!tpu.dma_semaphore, #tpu.memory_space<semaphore_mem>>) {add = true}
      %lt3A = arith.constant 49 : i32
      %lt3A_408 = arith.cmpi slt, %scan3A_122, %lt3A : i32
      %convert_element_type3A_409 = arith.extui %lt3A_408 : i1 to i32
      %cond3A_410 = arith.constant 0 : i32
      %cond3A_411 = arith.cmpi ne, %convert_element_type3A_409, %cond3A_410 : i32
      scf.if %cond3A_411 {
        %dma_wait3A_412 = arith.constant 0 : i32
        %dma_wait3A_413 = arith.constant 0 : i32
        %dma_wait3A_414 = arith.constant 0 : i32
        %dma_wait3A_415 = tpu.memref_slice %arg11[%dma_wait3A_412, %dma_wait3A_413, %dma_wait3A_414] : memref<5x40x128xf32, #tpu.memory_space<vmem>> -> memref<1x40x128xf32, #tpu.memory_space<vmem>>
        %dma_wait3A_416 = tpu.memref_squeeze %dma_wait3A_415 : memref<1x40x128xf32, #tpu.memory_space<vmem>> -> memref<40x128xf32, #tpu.memory_space<vmem>>
        %dma_wait3A_417 = arith.constant 0 : i32
        %dma_wait3A_418 = arith.constant 0 : i32
        %dma_wait3A_419 = tpu.memref_slice %arg2[%dma_wait3A_417, %dma_wait3A_418] : memref<320000x128xf32, #tpu.memory_space<hbm>> -> memref<40x128xf32, #tpu.memory_space<hbm>>
        %dma_wait3A_420 = arith.constant 0 : i32
        %dma_wait3A_421 = arith.constant 0 : i32
        %dma_wait3A_422 = tpu.memref_slice %arg11[%dma_wait3A_412, %dma_wait3A_420, %dma_wait3A_421] : memref<5x40x128xf32, #tpu.memory_space<vmem>> -> memref<1x40x128xf32, #tpu.memory_space<vmem>>
        %dma_wait3A_423 = tpu.memref_squeeze %dma_wait3A_422 : memref<1x40x128xf32, #tpu.memory_space<vmem>> -> memref<40x128xf32, #tpu.memory_space<vmem>>
        %dma_wait3A_424 = arith.constant 0 : i32
        %dma_wait3A_425 = arith.constant 0 : i32
        %dma_wait3A_426 = tpu.memref_slice %arg2[%dma_wait3A_424, %dma_wait3A_425] : memref<320000x128xf32, #tpu.memory_space<hbm>> -> memref<40x128xf32, #tpu.memory_space<hbm>>
        tpu.wait_dma2 semaphore(%arg18 : memref<!tpu.dma_semaphore, #tpu.memory_space<semaphore_mem>>) src(%dma_wait3A_426 : memref<40x128xf32, #tpu.memory_space<hbm>>) dst(%dma_wait3A_423 : memref<40x128xf32, #tpu.memory_space<vmem>>)
        %add3A_427 = arith.constant 1 : i32
        %add3A_428 = arith.addi %add3A_377, %add3A_427 : i32
        %mul3A_429 = arith.constant 40 : i32
        %mul3A_430 = arith.muli %add3A_428, %mul3A_429 : i32
        %add3A_431 = arith.addi %mul3A_8, %mul3A_430 : i32
        %dma_start3A_432 = arith.constant 0 : i32
        %dma_start3A_433 = arith.constant 0 : i32
        %dma_start3A_434 = arith.constant 0 : i32
        %dma_start3A_435 = tpu.memref_slice %arg11[%dma_start3A_432, %dma_start3A_433, %dma_start3A_434] : memref<5x40x128xf32, #tpu.memory_space<vmem>> -> memref<1x40x128xf32, #tpu.memory_space<vmem>>
        %dma_start3A_436 = tpu.memref_squeeze %dma_start3A_435 : memref<1x40x128xf32, #tpu.memory_space<vmem>> -> memref<40x128xf32, #tpu.memory_space<vmem>>
        %dma_start3A_437 = arith.constant 0 : i32
        %dma_start3A_438 = tpu.memref_slice %arg2[%add3A_431, %dma_start3A_437] : memref<320000x128xf32, #tpu.memory_space<hbm>> -> memref<40x128xf32, #tpu.memory_space<hbm>>
        %dma_start3A_439 = arith.constant 0 : i32
        %dma_start3A_440 = arith.constant 0 : i32
        %dma_start3A_441 = tpu.memref_slice %arg11[%dma_start3A_432, %dma_start3A_439, %dma_start3A_440] : memref<5x40x128xf32, #tpu.memory_space<vmem>> -> memref<1x40x128xf32, #tpu.memory_space<vmem>>
        %dma_start3A_442 = tpu.memref_squeeze %dma_start3A_441 : memref<1x40x128xf32, #tpu.memory_space<vmem>> -> memref<40x128xf32, #tpu.memory_space<vmem>>
        %dma_start3A_443 = arith.constant 0 : i32
        %dma_start3A_444 = tpu.memref_slice %arg2[%add3A_431, %dma_start3A_443] : memref<320000x128xf32, #tpu.memory_space<hbm>> -> memref<40x128xf32, #tpu.memory_space<hbm>>
        tpu.enqueue_dma source(%dma_start3A_444 : memref<40x128xf32, #tpu.memory_space<hbm>>) target(%dma_start3A_442 : memref<40x128xf32, #tpu.memory_space<vmem>>) target_semaphore(%arg13 : memref<!tpu.dma_semaphore, #tpu.memory_space<semaphore_mem>>)
        %dma_start3A_445 = arith.constant 0 : i32
        %dma_start3A_446 = tpu.memref_slice %arg3[%add3A, %add3A_428, %dma_start3A_445] : memref<32x250x40xi32, #tpu.memory_space<hbm>> -> memref<1x1x40xi32, #tpu.memory_space<hbm>>
        %dma_start3A_447 = tpu.memref_squeeze %dma_start3A_446 : memref<1x1x40xi32, #tpu.memory_space<hbm>> -> memref<40xi32, #tpu.memory_space<hbm>>
        %dma_start3A_448 = arith.constant 0 : i32
        %dma_start3A_449 = tpu.memref_slice %arg3[%add3A, %add3A_428, %dma_start3A_448] : memref<32x250x40xi32, #tpu.memory_space<hbm>> -> memref<1x1x40xi32, #tpu.memory_space<hbm>>
        %dma_start3A_450 = tpu.memref_squeeze %dma_start3A_449 : memref<1x1x40xi32, #tpu.memory_space<hbm>> -> memref<40xi32, #tpu.memory_space<hbm>>
        tpu.enqueue_dma source(%dma_start3A_450 : memref<40xi32, #tpu.memory_space<hbm>>) target(%arg6 : memref<40xi32, #tpu.memory_space<vmem>>) target_semaphore(%arg13 : memref<!tpu.dma_semaphore, #tpu.memory_space<semaphore_mem>>)
      } else {
      }
    }
    %scan3A_34 = arith.constant 50 : i32
    %dma_wait3A = arith.constant 0 : i32
    %dma_wait3A_35 = arith.constant 0 : i32
    %dma_wait3A_36 = arith.constant 0 : i32
    %dma_wait3A_37 = tpu.memref_slice %arg11[%dma_wait3A, %dma_wait3A_35, %dma_wait3A_36] : memref<5x40x128xf32, #tpu.memory_space<vmem>> -> memref<1x40x128xf32, #tpu.memory_space<vmem>>
    %dma_wait3A_38 = tpu.memref_squeeze %dma_wait3A_37 : memref<1x40x128xf32, #tpu.memory_space<vmem>> -> memref<40x128xf32, #tpu.memory_space<vmem>>
    %dma_wait3A_39 = arith.constant 0 : i32
    %dma_wait3A_40 = arith.constant 0 : i32
    %dma_wait3A_41 = tpu.memref_slice %arg2[%dma_wait3A_39, %dma_wait3A_40] : memref<320000x128xf32, #tpu.memory_space<hbm>> -> memref<40x128xf32, #tpu.memory_space<hbm>>
    %dma_wait3A_42 = arith.constant 0 : i32
    %dma_wait3A_43 = arith.constant 0 : i32
    %dma_wait3A_44 = tpu.memref_slice %arg11[%dma_wait3A, %dma_wait3A_42, %dma_wait3A_43] : memref<5x40x128xf32, #tpu.memory_space<vmem>> -> memref<1x40x128xf32, #tpu.memory_space<vmem>>
    %dma_wait3A_45 = tpu.memref_squeeze %dma_wait3A_44 : memref<1x40x128xf32, #tpu.memory_space<vmem>> -> memref<40x128xf32, #tpu.memory_space<vmem>>
    %dma_wait3A_46 = arith.constant 0 : i32
    %dma_wait3A_47 = arith.constant 0 : i32
    %dma_wait3A_48 = tpu.memref_slice %arg2[%dma_wait3A_46, %dma_wait3A_47] : memref<320000x128xf32, #tpu.memory_space<hbm>> -> memref<40x128xf32, #tpu.memory_space<hbm>>
    tpu.wait_dma2 semaphore(%arg18 : memref<!tpu.dma_semaphore, #tpu.memory_space<semaphore_mem>>) src(%dma_wait3A_48 : memref<40x128xf32, #tpu.memory_space<hbm>>) dst(%dma_wait3A_45 : memref<40x128xf32, #tpu.memory_space<vmem>>)
    %dma_wait3A_49 = arith.constant 1 : i32
    %dma_wait3A_50 = arith.constant 0 : i32
    %dma_wait3A_51 = arith.constant 0 : i32
    %dma_wait3A_52 = tpu.memref_slice %arg11[%dma_wait3A_49, %dma_wait3A_50, %dma_wait3A_51] : memref<5x40x128xf32, #tpu.memory_space<vmem>> -> memref<1x40x128xf32, #tpu.memory_space<vmem>>
    %dma_wait3A_53 = tpu.memref_squeeze %dma_wait3A_52 : memref<1x40x128xf32, #tpu.memory_space<vmem>> -> memref<40x128xf32, #tpu.memory_space<vmem>>
    %dma_wait3A_54 = arith.constant 0 : i32
    %dma_wait3A_55 = arith.constant 0 : i32
    %dma_wait3A_56 = tpu.memref_slice %arg2[%dma_wait3A_54, %dma_wait3A_55] : memref<320000x128xf32, #tpu.memory_space<hbm>> -> memref<40x128xf32, #tpu.memory_space<hbm>>
    %dma_wait3A_57 = arith.constant 0 : i32
    %dma_wait3A_58 = arith.constant 0 : i32
    %dma_wait3A_59 = tpu.memref_slice %arg11[%dma_wait3A_49, %dma_wait3A_57, %dma_wait3A_58] : memref<5x40x128xf32, #tpu.memory_space<vmem>> -> memref<1x40x128xf32, #tpu.memory_space<vmem>>
    %dma_wait3A_60 = tpu.memref_squeeze %dma_wait3A_59 : memref<1x40x128xf32, #tpu.memory_space<vmem>> -> memref<40x128xf32, #tpu.memory_space<vmem>>
    %dma_wait3A_61 = arith.constant 0 : i32
    %dma_wait3A_62 = arith.constant 0 : i32
    %dma_wait3A_63 = tpu.memref_slice %arg2[%dma_wait3A_61, %dma_wait3A_62] : memref<320000x128xf32, #tpu.memory_space<hbm>> -> memref<40x128xf32, #tpu.memory_space<hbm>>
    tpu.wait_dma2 semaphore(%arg19 : memref<!tpu.dma_semaphore, #tpu.memory_space<semaphore_mem>>) src(%dma_wait3A_63 : memref<40x128xf32, #tpu.memory_space<hbm>>) dst(%dma_wait3A_60 : memref<40x128xf32, #tpu.memory_space<vmem>>)
    %dma_wait3A_64 = arith.constant 2 : i32
    %dma_wait3A_65 = arith.constant 0 : i32
    %dma_wait3A_66 = arith.constant 0 : i32
    %dma_wait3A_67 = tpu.memref_slice %arg11[%dma_wait3A_64, %dma_wait3A_65, %dma_wait3A_66] : memref<5x40x128xf32, #tpu.memory_space<vmem>> -> memref<1x40x128xf32, #tpu.memory_space<vmem>>
    %dma_wait3A_68 = tpu.memref_squeeze %dma_wait3A_67 : memref<1x40x128xf32, #tpu.memory_space<vmem>> -> memref<40x128xf32, #tpu.memory_space<vmem>>
    %dma_wait3A_69 = arith.constant 0 : i32
    %dma_wait3A_70 = arith.constant 0 : i32
    %dma_wait3A_71 = tpu.memref_slice %arg2[%dma_wait3A_69, %dma_wait3A_70] : memref<320000x128xf32, #tpu.memory_space<hbm>> -> memref<40x128xf32, #tpu.memory_space<hbm>>
    %dma_wait3A_72 = arith.constant 0 : i32
    %dma_wait3A_73 = arith.constant 0 : i32
    %dma_wait3A_74 = tpu.memref_slice %arg11[%dma_wait3A_64, %dma_wait3A_72, %dma_wait3A_73] : memref<5x40x128xf32, #tpu.memory_space<vmem>> -> memref<1x40x128xf32, #tpu.memory_space<vmem>>
    %dma_wait3A_75 = tpu.memref_squeeze %dma_wait3A_74 : memref<1x40x128xf32, #tpu.memory_space<vmem>> -> memref<40x128xf32, #tpu.memory_space<vmem>>
    %dma_wait3A_76 = arith.constant 0 : i32
    %dma_wait3A_77 = arith.constant 0 : i32
    %dma_wait3A_78 = tpu.memref_slice %arg2[%dma_wait3A_76, %dma_wait3A_77] : memref<320000x128xf32, #tpu.memory_space<hbm>> -> memref<40x128xf32, #tpu.memory_space<hbm>>
    tpu.wait_dma2 semaphore(%arg20 : memref<!tpu.dma_semaphore, #tpu.memory_space<semaphore_mem>>) src(%dma_wait3A_78 : memref<40x128xf32, #tpu.memory_space<hbm>>) dst(%dma_wait3A_75 : memref<40x128xf32, #tpu.memory_space<vmem>>)
    %dma_wait3A_79 = arith.constant 3 : i32
    %dma_wait3A_80 = arith.constant 0 : i32
    %dma_wait3A_81 = arith.constant 0 : i32
    %dma_wait3A_82 = tpu.memref_slice %arg11[%dma_wait3A_79, %dma_wait3A_80, %dma_wait3A_81] : memref<5x40x128xf32, #tpu.memory_space<vmem>> -> memref<1x40x128xf32, #tpu.memory_space<vmem>>
    %dma_wait3A_83 = tpu.memref_squeeze %dma_wait3A_82 : memref<1x40x128xf32, #tpu.memory_space<vmem>> -> memref<40x128xf32, #tpu.memory_space<vmem>>
    %dma_wait3A_84 = arith.constant 0 : i32
    %dma_wait3A_85 = arith.constant 0 : i32
    %dma_wait3A_86 = tpu.memref_slice %arg2[%dma_wait3A_84, %dma_wait3A_85] : memref<320000x128xf32, #tpu.memory_space<hbm>> -> memref<40x128xf32, #tpu.memory_space<hbm>>
    %dma_wait3A_87 = arith.constant 0 : i32
    %dma_wait3A_88 = arith.constant 0 : i32
    %dma_wait3A_89 = tpu.memref_slice %arg11[%dma_wait3A_79, %dma_wait3A_87, %dma_wait3A_88] : memref<5x40x128xf32, #tpu.memory_space<vmem>> -> memref<1x40x128xf32, #tpu.memory_space<vmem>>
    %dma_wait3A_90 = tpu.memref_squeeze %dma_wait3A_89 : memref<1x40x128xf32, #tpu.memory_space<vmem>> -> memref<40x128xf32, #tpu.memory_space<vmem>>
    %dma_wait3A_91 = arith.constant 0 : i32
    %dma_wait3A_92 = arith.constant 0 : i32
    %dma_wait3A_93 = tpu.memref_slice %arg2[%dma_wait3A_91, %dma_wait3A_92] : memref<320000x128xf32, #tpu.memory_space<hbm>> -> memref<40x128xf32, #tpu.memory_space<hbm>>
    tpu.wait_dma2 semaphore(%arg21 : memref<!tpu.dma_semaphore, #tpu.memory_space<semaphore_mem>>) src(%dma_wait3A_93 : memref<40x128xf32, #tpu.memory_space<hbm>>) dst(%dma_wait3A_90 : memref<40x128xf32, #tpu.memory_space<vmem>>)
    %dma_wait3A_94 = arith.constant 4 : i32
    %dma_wait3A_95 = arith.constant 0 : i32
    %dma_wait3A_96 = arith.constant 0 : i32
    %dma_wait3A_97 = tpu.memref_slice %arg11[%dma_wait3A_94, %dma_wait3A_95, %dma_wait3A_96] : memref<5x40x128xf32, #tpu.memory_space<vmem>> -> memref<1x40x128xf32, #tpu.memory_space<vmem>>
    %dma_wait3A_98 = tpu.memref_squeeze %dma_wait3A_97 : memref<1x40x128xf32, #tpu.memory_space<vmem>> -> memref<40x128xf32, #tpu.memory_space<vmem>>
    %dma_wait3A_99 = arith.constant 0 : i32
    %dma_wait3A_100 = arith.constant 0 : i32
    %dma_wait3A_101 = tpu.memref_slice %arg2[%dma_wait3A_99, %dma_wait3A_100] : memref<320000x128xf32, #tpu.memory_space<hbm>> -> memref<40x128xf32, #tpu.memory_space<hbm>>
    %dma_wait3A_102 = arith.constant 0 : i32
    %dma_wait3A_103 = arith.constant 0 : i32
    %dma_wait3A_104 = tpu.memref_slice %arg11[%dma_wait3A_94, %dma_wait3A_102, %dma_wait3A_103] : memref<5x40x128xf32, #tpu.memory_space<vmem>> -> memref<1x40x128xf32, #tpu.memory_space<vmem>>
    %dma_wait3A_105 = tpu.memref_squeeze %dma_wait3A_104 : memref<1x40x128xf32, #tpu.memory_space<vmem>> -> memref<40x128xf32, #tpu.memory_space<vmem>>
    %dma_wait3A_106 = arith.constant 0 : i32
    %dma_wait3A_107 = arith.constant 0 : i32
    %dma_wait3A_108 = tpu.memref_slice %arg2[%dma_wait3A_106, %dma_wait3A_107] : memref<320000x128xf32, #tpu.memory_space<hbm>> -> memref<40x128xf32, #tpu.memory_space<hbm>>
    tpu.wait_dma2 semaphore(%arg22 : memref<!tpu.dma_semaphore, #tpu.memory_space<semaphore_mem>>) src(%dma_wait3A_108 : memref<40x128xf32, #tpu.memory_space<hbm>>) dst(%dma_wait3A_105 : memref<40x128xf32, #tpu.memory_space<vmem>>)
    %barrier3A_109 = arith.constant 0 : index
    tpu.barrier barrier_id(%barrier3A_109)
    %mul3A_110 = arith.constant 624 : i32
    %mul3A_111 = arith.muli %arg1, %mul3A_110 : i32
    %mul3A_112 = arith.constant 10000 : i32
    %mul3A_113 = arith.muli %arg0, %mul3A_112 : i32
    %mul3A_114 = arith.constant 624 : i32
    %mul3A_115 = arith.muli %arg1, %mul3A_114 : i32
    %add3A_116 = arith.addi %mul3A_113, %mul3A_115 : i32
    "tpu.region"() ({
      %run_scoped3A = tpu.sem_alloc : memref<!tpu.dma_semaphore, #tpu.memory_space<semaphore_mem>>
      %dma_start3A_122 = arith.constant 0 : i32
      %dma_start3A_123 = tpu.memref_slice %arg5[%add3A_116, %dma_start3A_122] : memref<20000x128xf32, #tpu.memory_space<hbm>> -> memref<624x128xf32, #tpu.memory_space<hbm>>
      %dma_start3A_124 = arith.constant 0 : i32
      %dma_start3A_125 = tpu.memref_slice %arg12[%mul3A_111, %dma_start3A_124] : memref<10000x128xf32, #tpu.memory_space<vmem_shared>> -> memref<624x128xf32, #tpu.memory_space<vmem_shared>>
      tpu.enqueue_dma source(%dma_start3A_125 : memref<624x128xf32, #tpu.memory_space<vmem_shared>>) target(%dma_start3A_123 : memref<624x128xf32, #tpu.memory_space<hbm>>) target_semaphore(%run_scoped3A : memref<!tpu.dma_semaphore, #tpu.memory_space<semaphore_mem>>)
      %dma_wait3A_126 = arith.constant 0 : i32
      %dma_wait3A_127 = tpu.memref_slice %arg5[%add3A_116, %dma_wait3A_126] : memref<20000x128xf32, #tpu.memory_space<hbm>> -> memref<624x128xf32, #tpu.memory_space<hbm>>
      %dma_wait3A_128 = arith.constant 0 : i32
      %dma_wait3A_129 = tpu.memref_slice %arg12[%mul3A_111, %dma_wait3A_128] : memref<10000x128xf32, #tpu.memory_space<vmem_shared>> -> memref<624x128xf32, #tpu.memory_space<vmem_shared>>
      tpu.wait_dma2 semaphore(%run_scoped3A : memref<!tpu.dma_semaphore, #tpu.memory_space<semaphore_mem>>) src(%dma_wait3A_129 : memref<624x128xf32, #tpu.memory_space<vmem_shared>>) dst(%dma_wait3A_127 : memref<624x128xf32, #tpu.memory_space<hbm>>)
      tpu.yield
    }) : () -> ()
    %eq3A_117 = arith.constant 15 : i32
    %eq3A_118 = arith.cmpi eq, %arg1, %eq3A_117 : i32
    %convert_element_type3A_119 = arith.extui %eq3A_118 : i1 to i32
    %cond3A_120 = arith.constant 0 : i32
    %cond3A_121 = arith.cmpi ne, %convert_element_type3A_119, %cond3A_120 : i32
    scf.if %cond3A_121 {
      %mul3A_122 = arith.constant 10000 : i32
      %mul3A_123 = arith.muli %arg0, %mul3A_122 : i32
      %add3A_124 = arith.constant 9984 : i32
      %add3A_125 = arith.addi %mul3A_123, %add3A_124 : i32
      "tpu.region"() ({
        %run_scoped3A = tpu.sem_alloc : memref<!tpu.dma_semaphore, #tpu.memory_space<semaphore_mem>>
        %dma_start3A_126 = arith.constant 0 : i32
        %dma_start3A_127 = tpu.memref_slice %arg5[%add3A_125, %dma_start3A_126] : memref<20000x128xf32, #tpu.memory_space<hbm>> -> memref<16x128xf32, #tpu.memory_space<hbm>>
        %dma_start3A_128 = arith.constant 9984 : i32
        %dma_start3A_129 = arith.constant 0 : i32
        %dma_start3A_130 = tpu.memref_slice %arg12[%dma_start3A_128, %dma_start3A_129] : memref<10000x128xf32, #tpu.memory_space<vmem_shared>> -> memref<16x128xf32, #tpu.memory_space<vmem_shared>>
        tpu.enqueue_dma source(%dma_start3A_130 : memref<16x128xf32, #tpu.memory_space<vmem_shared>>) target(%dma_start3A_127 : memref<16x128xf32, #tpu.memory_space<hbm>>) target_semaphore(%run_scoped3A : memref<!tpu.dma_semaphore, #tpu.memory_space<semaphore_mem>>)
        %dma_wait3A_131 = arith.constant 0 : i32
        %dma_wait3A_132 = tpu.memref_slice %arg5[%add3A_125, %dma_wait3A_131] : memref<20000x128xf32, #tpu.memory_space<hbm>> -> memref<16x128xf32, #tpu.memory_space<hbm>>
        %dma_wait3A_133 = arith.constant 9984 : i32
        %dma_wait3A_134 = arith.constant 0 : i32
        %dma_wait3A_135 = tpu.memref_slice %arg12[%dma_wait3A_133, %dma_wait3A_134] : memref<10000x128xf32, #tpu.memory_space<vmem_shared>> -> memref<16x128xf32, #tpu.memory_space<vmem_shared>>
        tpu.wait_dma2 semaphore(%run_scoped3A : memref<!tpu.dma_semaphore, #tpu.memory_space<semaphore_mem>>) src(%dma_wait3A_135 : memref<16x128xf32, #tpu.memory_space<vmem_shared>>) dst(%dma_wait3A_132 : memref<16x128xf32, #tpu.memory_space<hbm>>)
        tpu.yield
      }) : () -> ()
    } else {
    }
    return
  }
}

module attributes {stable_mosaic.version = 14 : i64} {
  func.func @_node_body(%arg0: i32, %arg1: memref<5000x128xf32, #tpu.memory_space<vmem>>, %arg2: memref<5000x128xf32, #tpu.memory_space<vmem>>, %arg3: memref<5000x128xf32, #tpu.memory_space<vmem>>, %arg4: memref<128x128xf32, #tpu.memory_space<vmem>>, %arg5: memref<128x128xf32, #tpu.memory_space<vmem>>, %arg6: memref<1x128xf32, #tpu.memory_space<vmem>>, %arg7: memref<1x128xf32, #tpu.memory_space<vmem>>, %arg8: memref<1x128xf32, #tpu.memory_space<vmem>>, %arg9: memref<128x128xf32, #tpu.memory_space<vmem>>, %arg10: memref<1x128xf32, #tpu.memory_space<vmem>>, %arg11: memref<128x128xf32, #tpu.memory_space<vmem>>, %arg12: memref<128x128xf32, #tpu.memory_space<vmem>>, %arg13: memref<5000x128xf32, #tpu.memory_space<vmem>>, %arg14: memref<5000x128xf32, #tpu.memory_space<vmem>>, %arg15: memref<5000x128xf32, #tpu.memory_space<vmem>>) attributes {dimension_semantics = [#tpu.dimension_semantics<arbitrary>], iteration_bounds = array<i64: 2>, scalar_prefetch = 0 : i64, scratch_operands = 0 : i64, tpu.core_type = #tpu.core_type<tc>, window_params = [{transform_indices = @transform_0, window_bounds = array<i64: 5000, 128>}, {transform_indices = @transform_1, window_bounds = array<i64: 5000, 128>}, {transform_indices = @transform_2, window_bounds = array<i64: 5000, 128>}, {pipeline_mode = #tpu.pipeline_mode<synchronous>, transform_indices = @transform_3, window_bounds = array<i64: 128, 128>}, {pipeline_mode = #tpu.pipeline_mode<synchronous>, transform_indices = @transform_4, window_bounds = array<i64: 128, 128>}, {pipeline_mode = #tpu.pipeline_mode<synchronous>, transform_indices = @transform_5, window_bounds = array<i64: 1, 128>}, {pipeline_mode = #tpu.pipeline_mode<synchronous>, transform_indices = @transform_6, window_bounds = array<i64: 1, 128>}, {pipeline_mode = #tpu.pipeline_mode<synchronous>, transform_indices = @transform_7, window_bounds = array<i64: 1, 128>}, {pipeline_mode = #tpu.pipeline_mode<synchronous>, transform_indices = @transform_8, window_bounds = array<i64: 128, 128>}, {pipeline_mode = #tpu.pipeline_mode<synchronous>, transform_indices = @transform_9, window_bounds = array<i64: 1, 128>}, {pipeline_mode = #tpu.pipeline_mode<synchronous>, transform_indices = @transform_10, window_bounds = array<i64: 128, 128>}, {pipeline_mode = #tpu.pipeline_mode<synchronous>, transform_indices = @transform_11, window_bounds = array<i64: 128, 128>}, {transform_indices = @transform_12, window_bounds = array<i64: 5000, 128>}, {transform_indices = @transform_13, window_bounds = array<i64: 5000, 128>}, {transform_indices = @transform_14, window_bounds = array<i64: 5000, 128>}]} {
    %get3A = arith.constant 0 : index
    %get3A_0 = arith.constant 0 : index
    %get3A_1 = vector.load %arg1[%get3A, %get3A_0] : memref<5000x128xf32, #tpu.memory_space<vmem>>, vector<5000x128xf32>
    %get3A_2 = arith.constant 0 : index
    %get3A_3 = arith.constant 0 : index
    %get3A_4 = vector.load %arg2[%get3A_2, %get3A_3] : memref<5000x128xf32, #tpu.memory_space<vmem>>, vector<5000x128xf32>
    %get3A_5 = arith.constant 0 : index
    %get3A_6 = arith.constant 0 : index
    %get3A_7 = vector.load %arg3[%get3A_5, %get3A_6] : memref<5000x128xf32, #tpu.memory_space<vmem>>, vector<5000x128xf32>
    %add3A = arith.addf %get3A_4, %get3A_7 : vector<5000x128xf32>
    %get3A_8 = arith.constant 0 : index
    %get3A_9 = arith.constant 0 : index
    %get3A_10 = vector.load %arg4[%get3A_8, %get3A_9] : memref<128x128xf32, #tpu.memory_space<vmem>>, vector<128x128xf32>
    %dot_general3A = arith.constant dense<0.000000e+00> : vector<5000x128xf32>
    %dot_general3A_11 = tpu.matmul %get3A_1, %get3A_10, %dot_general3A {dimension_numbers = #tpu.dot_dimension_numbers<[1], [0], [0], [1], [0, 0, 1, 1], [], []>, transpose_lhs_hint = false} : vector<5000x128xf32>, vector<128x128xf32>, vector<5000x128xf32> -> vector<5000x128xf32>
    %get3A_12 = arith.constant 0 : index
    %get3A_13 = arith.constant 0 : index
    %get3A_14 = vector.load %arg5[%get3A_12, %get3A_13] : memref<128x128xf32, #tpu.memory_space<vmem>>, vector<128x128xf32>
    %dot_general3A_15 = arith.constant dense<0.000000e+00> : vector<5000x128xf32>
    %dot_general3A_16 = tpu.matmul %add3A, %get3A_14, %dot_general3A_15 {dimension_numbers = #tpu.dot_dimension_numbers<[1], [0], [0], [1], [0, 0, 1, 1], [], []>, transpose_lhs_hint = false} : vector<5000x128xf32>, vector<128x128xf32>, vector<5000x128xf32> -> vector<5000x128xf32>
    %add3A_17 = arith.addf %dot_general3A_11, %dot_general3A_16 : vector<5000x128xf32>
    %get3A_18 = arith.constant 0 : index
    %get3A_19 = arith.constant 0 : index
    %get3A_20 = vector.load %arg6[%get3A_18, %get3A_19] : memref<1x128xf32, #tpu.memory_space<vmem>>, vector<1x128xf32>
    %add3A_21 = vector.broadcast %get3A_20 : vector<1x128xf32> to vector<5000x128xf32>
    %add3A_22 = arith.addf %add3A_17, %add3A_21 : vector<5000x128xf32>
    %max3A = arith.constant 0.000000e+00 : f32
    %max3A_23 = vector.broadcast %max3A : f32 to vector<5000x128xf32>
    %max3A_24 = arith.maximumf %add3A_22, %max3A_23 : vector<5000x128xf32>
    %reduce_sum3A = arith.constant dense<0.000000e+00> : vector<5000xf32>
    %reduce_sum3A_25 = vector.multi_reduction <add>, %max3A_24, %reduce_sum3A [1] : vector<5000x128xf32> to vector<5000xf32>
    %broadcast_in_dim3A = vector.shape_cast %reduce_sum3A_25 : vector<5000xf32> to vector<5000x1xf32>
    %div3A = arith.constant 1.280000e+02 : f32
    %div3A_26 = vector.broadcast %div3A : f32 to vector<5000x1xf32>
    %div3A_27 = arith.divf %broadcast_in_dim3A, %div3A_26 : vector<5000x1xf32>
    %sub3A = vector.broadcast %div3A_27 : vector<5000x1xf32> to vector<5000x128xf32>
    %sub3A_28 = arith.subf %max3A_24, %sub3A : vector<5000x128xf32>
    %integer_pow3A = arith.mulf %sub3A_28, %sub3A_28 : vector<5000x128xf32>
    %reduce_sum3A_29 = arith.constant dense<0.000000e+00> : vector<5000xf32>
    %reduce_sum3A_30 = vector.multi_reduction <add>, %integer_pow3A, %reduce_sum3A_29 [1] : vector<5000x128xf32> to vector<5000xf32>
    %broadcast_in_dim3A_31 = vector.shape_cast %reduce_sum3A_30 : vector<5000xf32> to vector<5000x1xf32>
    %div3A_32 = arith.constant 1.280000e+02 : f32
    %div3A_33 = vector.broadcast %div3A_32 : f32 to vector<5000x1xf32>
    %div3A_34 = arith.divf %broadcast_in_dim3A_31, %div3A_33 : vector<5000x1xf32>
    %sub3A_35 = vector.broadcast %div3A_27 : vector<5000x1xf32> to vector<5000x128xf32>
    %sub3A_36 = arith.subf %max3A_24, %sub3A_35 : vector<5000x128xf32>
    %add3A_37 = arith.constant 9.99999974E-6 : f32
    %add3A_38 = vector.broadcast %add3A_37 : f32 to vector<5000x1xf32>
    %add3A_39 = arith.addf %div3A_34, %add3A_38 : vector<5000x1xf32>
    %rsqrt3A = math.rsqrt %add3A_39 : vector<5000x1xf32>
    %mul3A = vector.broadcast %rsqrt3A : vector<5000x1xf32> to vector<5000x128xf32>
    %mul3A_40 = arith.mulf %sub3A_36, %mul3A : vector<5000x128xf32>
    %get3A_41 = arith.constant 0 : index
    %get3A_42 = arith.constant 0 : index
    %get3A_43 = vector.load %arg7[%get3A_41, %get3A_42] : memref<1x128xf32, #tpu.memory_space<vmem>>, vector<1x128xf32>
    %mul3A_44 = vector.broadcast %get3A_43 : vector<1x128xf32> to vector<5000x128xf32>
    %mul3A_45 = arith.mulf %mul3A_40, %mul3A_44 : vector<5000x128xf32>
    %get3A_46 = arith.constant 0 : index
    %get3A_47 = arith.constant 0 : index
    %get3A_48 = vector.load %arg8[%get3A_46, %get3A_47] : memref<1x128xf32, #tpu.memory_space<vmem>>, vector<1x128xf32>
    %add3A_49 = vector.broadcast %get3A_48 : vector<1x128xf32> to vector<5000x128xf32>
    %add3A_50 = arith.addf %mul3A_45, %add3A_49 : vector<5000x128xf32>
    %get3A_51 = arith.constant 0 : index
    %get3A_52 = arith.constant 0 : index
    %get3A_53 = vector.load %arg9[%get3A_51, %get3A_52] : memref<128x128xf32, #tpu.memory_space<vmem>>, vector<128x128xf32>
    %dot_general3A_54 = arith.constant dense<0.000000e+00> : vector<5000x128xf32>
    %dot_general3A_55 = tpu.matmul %add3A_50, %get3A_53, %dot_general3A_54 {dimension_numbers = #tpu.dot_dimension_numbers<[1], [0], [0], [1], [0, 0, 1, 1], [], []>, transpose_lhs_hint = false} : vector<5000x128xf32>, vector<128x128xf32>, vector<5000x128xf32> -> vector<5000x128xf32>
    %get3A_56 = arith.constant 0 : index
    %get3A_57 = arith.constant 0 : index
    %get3A_58 = vector.load %arg10[%get3A_56, %get3A_57] : memref<1x128xf32, #tpu.memory_space<vmem>>, vector<1x128xf32>
    %add3A_59 = vector.broadcast %get3A_58 : vector<1x128xf32> to vector<5000x128xf32>
    %add3A_60 = arith.addf %dot_general3A_55, %add3A_59 : vector<5000x128xf32>
    %max3A_61 = arith.constant 0.000000e+00 : f32
    %max3A_62 = vector.broadcast %max3A_61 : f32 to vector<5000x128xf32>
    %max3A_63 = arith.maximumf %add3A_60, %max3A_62 : vector<5000x128xf32>
    %add3A_64 = arith.addf %max3A_63, %get3A_1 : vector<5000x128xf32>
    %swap3A = arith.constant 0 : index
    %swap3A_65 = arith.constant 0 : index
    %swap3A_66 = vector.load %arg13[%swap3A, %swap3A_65] : memref<5000x128xf32, #tpu.memory_space<vmem>>, vector<5000x128xf32>
    tpu.vector_store %arg13[%swap3A, %swap3A_65], %add3A_64 {strides = array<i32>} : memref<5000x128xf32, #tpu.memory_space<vmem>>, vector<5000x128xf32>,
    %get3A_67 = arith.constant 0 : index
    %get3A_68 = arith.constant 0 : index
    %get3A_69 = vector.load %arg11[%get3A_67, %get3A_68] : memref<128x128xf32, #tpu.memory_space<vmem>>, vector<128x128xf32>
    %dot_general3A_70 = arith.constant dense<0.000000e+00> : vector<5000x128xf32>
    %dot_general3A_71 = tpu.matmul %add3A_64, %get3A_69, %dot_general3A_70 {dimension_numbers = #tpu.dot_dimension_numbers<[1], [0], [0], [1], [0, 0, 1, 1], [], []>, transpose_lhs_hint = false} : vector<5000x128xf32>, vector<128x128xf32>, vector<5000x128xf32> -> vector<5000x128xf32>
    %swap3A_72 = arith.constant 0 : index
    %swap3A_73 = arith.constant 0 : index
    %swap3A_74 = vector.load %arg14[%swap3A_72, %swap3A_73] : memref<5000x128xf32, #tpu.memory_space<vmem>>, vector<5000x128xf32>
    tpu.vector_store %arg14[%swap3A_72, %swap3A_73], %dot_general3A_71 {strides = array<i32>} : memref<5000x128xf32, #tpu.memory_space<vmem>>, vector<5000x128xf32>,
    %get3A_75 = arith.constant 0 : index
    %get3A_76 = arith.constant 0 : index
    %get3A_77 = vector.load %arg12[%get3A_75, %get3A_76] : memref<128x128xf32, #tpu.memory_space<vmem>>, vector<128x128xf32>
    %dot_general3A_78 = arith.constant dense<0.000000e+00> : vector<5000x128xf32>
    %dot_general3A_79 = tpu.matmul %add3A_64, %get3A_77, %dot_general3A_78 {dimension_numbers = #tpu.dot_dimension_numbers<[1], [0], [0], [1], [0, 0, 1, 1], [], []>, transpose_lhs_hint = false} : vector<5000x128xf32>, vector<128x128xf32>, vector<5000x128xf32> -> vector<5000x128xf32>
    %swap3A_80 = arith.constant 0 : index
    %swap3A_81 = arith.constant 0 : index
    %swap3A_82 = vector.load %arg15[%swap3A_80, %swap3A_81] : memref<5000x128xf32, #tpu.memory_space<vmem>>, vector<5000x128xf32>
    tpu.vector_store %arg15[%swap3A_80, %swap3A_81], %dot_general3A_79 {strides = array<i32>} : memref<5000x128xf32, #tpu.memory_space<vmem>>, vector<5000x128xf32>,
    return
  }
  func.func @transform_0(%arg0: i32) -> (i32, i32) {
    %c0_i32 = arith.constant 0 : i32
    %c0_i32_0 = arith.constant 0 : i32
    return %arg0, %c0_i32 : i32, i32
  }
  func.func @transform_1(%arg0: i32) -> (i32, i32) {
    %c0_i32 = arith.constant 0 : i32
    %c0_i32_0 = arith.constant 0 : i32
    return %arg0, %c0_i32 : i32, i32
  }
  func.func @transform_2(%arg0: i32) -> (i32, i32) {
    %c0_i32 = arith.constant 0 : i32
    %c0_i32_0 = arith.constant 0 : i32
    return %arg0, %c0_i32 : i32, i32
  }
  func.func @transform_3(%arg0: i32) -> (i32, i32) {
    %c0_i32 = arith.constant 0 : i32
    %c0_i32_0 = arith.constant 0 : i32
    %c0_i32_1 = arith.constant 0 : i32
    return %c0_i32, %c0_i32_0 : i32, i32
  }
  func.func @transform_4(%arg0: i32) -> (i32, i32) {
    %c0_i32 = arith.constant 0 : i32
    %c0_i32_0 = arith.constant 0 : i32
    %c0_i32_1 = arith.constant 0 : i32
    return %c0_i32, %c0_i32_0 : i32, i32
  }
  func.func @transform_5(%arg0: i32) -> (i32, i32) {
    %c0_i32 = arith.constant 0 : i32
    %c0_i32_0 = arith.constant 0 : i32
    %c0_i32_1 = arith.constant 0 : i32
    return %c0_i32, %c0_i32_0 : i32, i32
  }
  func.func @transform_6(%arg0: i32) -> (i32, i32) {
    %c0_i32 = arith.constant 0 : i32
    %c0_i32_0 = arith.constant 0 : i32
    %c0_i32_1 = arith.constant 0 : i32
    return %c0_i32, %c0_i32_0 : i32, i32
  }
  func.func @transform_7(%arg0: i32) -> (i32, i32) {
    %c0_i32 = arith.constant 0 : i32
    %c0_i32_0 = arith.constant 0 : i32
    %c0_i32_1 = arith.constant 0 : i32
    return %c0_i32, %c0_i32_0 : i32, i32
  }
  func.func @transform_8(%arg0: i32) -> (i32, i32) {
    %c0_i32 = arith.constant 0 : i32
    %c0_i32_0 = arith.constant 0 : i32
    %c0_i32_1 = arith.constant 0 : i32
    return %c0_i32, %c0_i32_0 : i32, i32
  }
  func.func @transform_9(%arg0: i32) -> (i32, i32) {
    %c0_i32 = arith.constant 0 : i32
    %c0_i32_0 = arith.constant 0 : i32
    %c0_i32_1 = arith.constant 0 : i32
    return %c0_i32, %c0_i32_0 : i32, i32
  }
  func.func @transform_10(%arg0: i32) -> (i32, i32) {
    %c0_i32 = arith.constant 0 : i32
    %c0_i32_0 = arith.constant 0 : i32
    %c0_i32_1 = arith.constant 0 : i32
    return %c0_i32, %c0_i32_0 : i32, i32
  }
  func.func @transform_11(%arg0: i32) -> (i32, i32) {
    %c0_i32 = arith.constant 0 : i32
    %c0_i32_0 = arith.constant 0 : i32
    %c0_i32_1 = arith.constant 0 : i32
    return %c0_i32, %c0_i32_0 : i32, i32
  }
  func.func @transform_12(%arg0: i32) -> (i32, i32) {
    %c0_i32 = arith.constant 0 : i32
    %c0_i32_0 = arith.constant 0 : i32
    return %arg0, %c0_i32 : i32, i32
  }
  func.func @transform_13(%arg0: i32) -> (i32, i32) {
    %c0_i32 = arith.constant 0 : i32
    %c0_i32_0 = arith.constant 0 : i32
    return %arg0, %c0_i32 : i32, i32
  }
  func.func @transform_14(%arg0: i32) -> (i32, i32) {
    %c0_i32 = arith.constant 0 : i32
    %c0_i32_0 = arith.constant 0 : i32
    return %arg0, %c0_i32 : i32, i32
  }
}

module attributes {stable_mosaic.version = 14 : i64} {
  func.func @_edge_body(%arg0: i32, %arg1: memref<8000x128xf32, #tpu.memory_space<vmem>>, %arg2: memref<8000x128xf32, #tpu.memory_space<vmem>>, %arg3: memref<1x128xf32, #tpu.memory_space<vmem>>, %arg4: memref<1x128xf32, #tpu.memory_space<vmem>>, %arg5: memref<1x128xf32, #tpu.memory_space<vmem>>, %arg6: memref<128x128xf32, #tpu.memory_space<vmem>>, %arg7: memref<128x128xf32, #tpu.memory_space<vmem>>, %arg8: memref<1x128xf32, #tpu.memory_space<vmem>>, %arg9: memref<8000x128xf32, #tpu.memory_space<vmem>>) attributes {dimension_semantics = [#tpu.dimension_semantics<arbitrary>], iteration_bounds = array<i64: 40>, scalar_prefetch = 0 : i64, scratch_operands = 0 : i64, tpu.core_type = #tpu.core_type<tc>, window_params = [{transform_indices = @transform_0, window_bounds = array<i64: 8000, 128>}, {transform_indices = @transform_1, window_bounds = array<i64: 8000, 128>}, {pipeline_mode = #tpu.pipeline_mode<synchronous>, transform_indices = @transform_2, window_bounds = array<i64: 1, 128>}, {pipeline_mode = #tpu.pipeline_mode<synchronous>, transform_indices = @transform_3, window_bounds = array<i64: 1, 128>}, {pipeline_mode = #tpu.pipeline_mode<synchronous>, transform_indices = @transform_4, window_bounds = array<i64: 1, 128>}, {pipeline_mode = #tpu.pipeline_mode<synchronous>, transform_indices = @transform_5, window_bounds = array<i64: 128, 128>}, {pipeline_mode = #tpu.pipeline_mode<synchronous>, transform_indices = @transform_6, window_bounds = array<i64: 128, 128>}, {pipeline_mode = #tpu.pipeline_mode<synchronous>, transform_indices = @transform_7, window_bounds = array<i64: 1, 128>}, {transform_indices = @transform_8, window_bounds = array<i64: 8000, 128>}]} {
    %get3A = arith.constant 0 : index
    %get3A_0 = arith.constant 0 : index
    %get3A_1 = vector.load %arg2[%get3A, %get3A_0] : memref<8000x128xf32, #tpu.memory_space<vmem>>, vector<8000x128xf32>
    %get3A_2 = arith.constant 0 : index
    %get3A_3 = arith.constant 0 : index
    %get3A_4 = vector.load %arg1[%get3A_2, %get3A_3] : memref<8000x128xf32, #tpu.memory_space<vmem>>, vector<8000x128xf32>
    %get3A_5 = arith.constant 0 : index
    %get3A_6 = arith.constant 0 : index
    %get3A_7 = vector.load %arg6[%get3A_5, %get3A_6] : memref<128x128xf32, #tpu.memory_space<vmem>>, vector<128x128xf32>
    %dot_general3A = arith.constant dense<0.000000e+00> : vector<8000x128xf32>
    %dot_general3A_8 = tpu.matmul %get3A_1, %get3A_7, %dot_general3A {dimension_numbers = #tpu.dot_dimension_numbers<[1], [0], [0], [1], [0, 0, 1, 1], [], []>, transpose_lhs_hint = false} : vector<8000x128xf32>, vector<128x128xf32>, vector<8000x128xf32> -> vector<8000x128xf32>
    %add3A = arith.addf %get3A_4, %dot_general3A_8 : vector<8000x128xf32>
    %get3A_9 = arith.constant 0 : index
    %get3A_10 = arith.constant 0 : index
    %get3A_11 = vector.load %arg3[%get3A_9, %get3A_10] : memref<1x128xf32, #tpu.memory_space<vmem>>, vector<1x128xf32>
    %add3A_12 = vector.broadcast %get3A_11 : vector<1x128xf32> to vector<8000x128xf32>
    %add3A_13 = arith.addf %add3A, %add3A_12 : vector<8000x128xf32>
    %max3A = arith.constant 0.000000e+00 : f32
    %max3A_14 = vector.broadcast %max3A : f32 to vector<8000x128xf32>
    %max3A_15 = arith.maximumf %add3A_13, %max3A_14 : vector<8000x128xf32>
    %reduce_sum3A = arith.constant dense<0.000000e+00> : vector<8000xf32>
    %reduce_sum3A_16 = vector.multi_reduction <add>, %max3A_15, %reduce_sum3A [1] : vector<8000x128xf32> to vector<8000xf32>
    %broadcast_in_dim3A = vector.shape_cast %reduce_sum3A_16 : vector<8000xf32> to vector<8000x1xf32>
    %div3A = arith.constant 1.280000e+02 : f32
    %div3A_17 = vector.broadcast %div3A : f32 to vector<8000x1xf32>
    %div3A_18 = arith.divf %broadcast_in_dim3A, %div3A_17 : vector<8000x1xf32>
    %sub3A = vector.broadcast %div3A_18 : vector<8000x1xf32> to vector<8000x128xf32>
    %sub3A_19 = arith.subf %max3A_15, %sub3A : vector<8000x128xf32>
    %integer_pow3A = arith.mulf %sub3A_19, %sub3A_19 : vector<8000x128xf32>
    %reduce_sum3A_20 = arith.constant dense<0.000000e+00> : vector<8000xf32>
    %reduce_sum3A_21 = vector.multi_reduction <add>, %integer_pow3A, %reduce_sum3A_20 [1] : vector<8000x128xf32> to vector<8000xf32>
    %broadcast_in_dim3A_22 = vector.shape_cast %reduce_sum3A_21 : vector<8000xf32> to vector<8000x1xf32>
    %div3A_23 = arith.constant 1.280000e+02 : f32
    %div3A_24 = vector.broadcast %div3A_23 : f32 to vector<8000x1xf32>
    %div3A_25 = arith.divf %broadcast_in_dim3A_22, %div3A_24 : vector<8000x1xf32>
    %sub3A_26 = vector.broadcast %div3A_18 : vector<8000x1xf32> to vector<8000x128xf32>
    %sub3A_27 = arith.subf %max3A_15, %sub3A_26 : vector<8000x128xf32>
    %add3A_28 = arith.constant 9.99999974E-6 : f32
    %add3A_29 = vector.broadcast %add3A_28 : f32 to vector<8000x1xf32>
    %add3A_30 = arith.addf %div3A_25, %add3A_29 : vector<8000x1xf32>
    %rsqrt3A = math.rsqrt %add3A_30 : vector<8000x1xf32>
    %mul3A = vector.broadcast %rsqrt3A : vector<8000x1xf32> to vector<8000x128xf32>
    %mul3A_31 = arith.mulf %sub3A_27, %mul3A : vector<8000x128xf32>
    %get3A_32 = arith.constant 0 : index
    %get3A_33 = arith.constant 0 : index
    %get3A_34 = vector.load %arg4[%get3A_32, %get3A_33] : memref<1x128xf32, #tpu.memory_space<vmem>>, vector<1x128xf32>
    %mul3A_35 = vector.broadcast %get3A_34 : vector<1x128xf32> to vector<8000x128xf32>
    %mul3A_36 = arith.mulf %mul3A_31, %mul3A_35 : vector<8000x128xf32>
    %get3A_37 = arith.constant 0 : index
    %get3A_38 = arith.constant 0 : index
    %get3A_39 = vector.load %arg5[%get3A_37, %get3A_38] : memref<1x128xf32, #tpu.memory_space<vmem>>, vector<1x128xf32>
    %add3A_40 = vector.broadcast %get3A_39 : vector<1x128xf32> to vector<8000x128xf32>
    %add3A_41 = arith.addf %mul3A_36, %add3A_40 : vector<8000x128xf32>
    %get3A_42 = arith.constant 0 : index
    %get3A_43 = arith.constant 0 : index
    %get3A_44 = vector.load %arg7[%get3A_42, %get3A_43] : memref<128x128xf32, #tpu.memory_space<vmem>>, vector<128x128xf32>
    %dot_general3A_45 = arith.constant dense<0.000000e+00> : vector<8000x128xf32>
    %dot_general3A_46 = tpu.matmul %add3A_41, %get3A_44, %dot_general3A_45 {dimension_numbers = #tpu.dot_dimension_numbers<[1], [0], [0], [1], [0, 0, 1, 1], [], []>, transpose_lhs_hint = false} : vector<8000x128xf32>, vector<128x128xf32>, vector<8000x128xf32> -> vector<8000x128xf32>
    %get3A_47 = arith.constant 0 : index
    %get3A_48 = arith.constant 0 : index
    %get3A_49 = vector.load %arg8[%get3A_47, %get3A_48] : memref<1x128xf32, #tpu.memory_space<vmem>>, vector<1x128xf32>
    %add3A_50 = vector.broadcast %get3A_49 : vector<1x128xf32> to vector<8000x128xf32>
    %add3A_51 = arith.addf %dot_general3A_46, %add3A_50 : vector<8000x128xf32>
    %tanh3A = math.tanh %add3A_51 : vector<8000x128xf32>
    %add3A_52 = arith.addf %tanh3A, %get3A_1 : vector<8000x128xf32>
    %swap3A = arith.constant 0 : index
    %swap3A_53 = arith.constant 0 : index
    %swap3A_54 = vector.load %arg9[%swap3A, %swap3A_53] : memref<8000x128xf32, #tpu.memory_space<vmem>>, vector<8000x128xf32>
    tpu.vector_store %arg9[%swap3A, %swap3A_53], %add3A_52 {strides = array<i32>} : memref<8000x128xf32, #tpu.memory_space<vmem>>, vector<8000x128xf32>,
    return
  }
  func.func @transform_0(%arg0: i32) -> (i32, i32) {
    %c0_i32 = arith.constant 0 : i32
    %c0_i32_0 = arith.constant 0 : i32
    return %arg0, %c0_i32 : i32, i32
  }
  func.func @transform_1(%arg0: i32) -> (i32, i32) {
    %c0_i32 = arith.constant 0 : i32
    %c0_i32_0 = arith.constant 0 : i32
    return %arg0, %c0_i32 : i32, i32
  }
  func.func @transform_2(%arg0: i32) -> (i32, i32) {
    %c0_i32 = arith.constant 0 : i32
    %c0_i32_0 = arith.constant 0 : i32
    %c0_i32_1 = arith.constant 0 : i32
    return %c0_i32, %c0_i32_0 : i32, i32
  }
  func.func @transform_3(%arg0: i32) -> (i32, i32) {
    %c0_i32 = arith.constant 0 : i32
    %c0_i32_0 = arith.constant 0 : i32
    %c0_i32_1 = arith.constant 0 : i32
    return %c0_i32, %c0_i32_0 : i32, i32
  }
  func.func @transform_4(%arg0: i32) -> (i32, i32) {
    %c0_i32 = arith.constant 0 : i32
    %c0_i32_0 = arith.constant 0 : i32
    %c0_i32_1 = arith.constant 0 : i32
    return %c0_i32, %c0_i32_0 : i32, i32
  }
  func.func @transform_5(%arg0: i32) -> (i32, i32) {
    %c0_i32 = arith.constant 0 : i32
    %c0_i32_0 = arith.constant 0 : i32
    %c0_i32_1 = arith.constant 0 : i32
    return %c0_i32, %c0_i32_0 : i32, i32
  }
  func.func @transform_6(%arg0: i32) -> (i32, i32) {
    %c0_i32 = arith.constant 0 : i32
    %c0_i32_0 = arith.constant 0 : i32
    %c0_i32_1 = arith.constant 0 : i32
    return %c0_i32, %c0_i32_0 : i32, i32
  }
  func.func @transform_7(%arg0: i32) -> (i32, i32) {
    %c0_i32 = arith.constant 0 : i32
    %c0_i32_0 = arith.constant 0 : i32
    %c0_i32_1 = arith.constant 0 : i32
    return %c0_i32, %c0_i32_0 : i32, i32
  }
  func.func @transform_8(%arg0: i32) -> (i32, i32) {
    %c0_i32 = arith.constant 0 : i32
    %c0_i32_0 = arith.constant 0 : i32
    return %arg0, %c0_i32 : i32, i32
  }
}

</mosaic_0001>

<sc_bundles>
// kernel: kernel.6.cloned.1.call-start
scs
__scs_entry_jumppad:
0x0: {  	(pc) =	sbr.rel $0x88, $3  }
0x1: {  	(tag) =	ssettag $0x0;
	lr =	simm.s32 $0x1  }
0x2: {  	[smem:$0x3F92] =	sst lr;
	_ =	strace $0xD0000000  }
0x3: {  	_ = 	snop  }
0x4: {  	_ = 	snop  }
0x5: {  	_ = 	snop  }
0x6: {  	_ = 	snop  }
0x7: {  	_ = 	snop  }
__scs_overlays_trampoline_lowered:
0x8: {  	[smem:$0x3FA1] =	sst s0  }
0x9: {  	[smem:$0x3FA2] =	sst s1  }
0xa: {  	[smem:$0x3FA3] =	sst s2  }
0xb: {  	[smem:$0x3FA4] =	sst s3  }
0xc: {  	[smem:$0x3FA5] =	sst s4  }
0xd: {  	[smem:$0x3FA6] =	sst s5  }
0xe: {  	[smem:$0x3FA7] =	sst s6  }
0xf: {  	[smem:$0x3FA8] =	sst s7  }
0x10: {  	[smem:$0x3FA9] =	sst s8  }
0x11: {  	[smem:$0x3FAA] =	sst s9;
	s0 =	simm.s32 @!p0 $0x0  }
0x12: {  	s1 =	sld [smem:$0x3F90];
	s0 =	simm.s32 @p0 $0x1  }
0x13: {  	[smem:$0x3FAB] =	sst s0;
	s0 =	simm.s32 @!p1 $0x0  }
0x14: {  	s2 =	sld [smem:$0x3F8F];
	s0 =	simm.s32 @p1 $0x1  }
0x15: {  	[smem:$0x3FAC] =	sst s0;
	s0 =	simm.s32 @!p2 $0x0  }
0x16: {  	s3 =	sld [smem:$0x3FDB];
	s0 =	simm.s32 @p2 $0x1  }
0x17: {  	s4 =	simm.s32 $0x1BF5;
	[smem:$0x3FAE] =	sst s0  }
0x18: {  	s0 =	sld [smem:$0x3F91];
	_ =	swait.ge [sflag:s4], $0x0  }
0x19: {  	s7 =	sld [smem:$0x3F92]  }
0x1a: {  	s8 =	sadd.s32 $0xFFFFE003, lr  }
0x1b: {  	s9 =	sadd.s32 $0xFFFFFEF7, lr;
	s5 =	simm.s32 $0xFFFFFFFF;
	p2 =	slt.u32 s8, $0xFFFFF086  }
0x1c: {  	p1 =	slt.u32 s9, $0xF7A;
	s5 =	simm.s32 @!p2 $0x0  }
0x1d: {  	s5 =	simm.s32 @p1 $0x1;
	p0 =	seq.s32 s7, s2  }
0x1e: {  	s7 =	smul.u32 @!p0 $0xF7A, s2;
	p2 =	seq.s32 @!p0 s5, $0x0  }
0x1f: {  	s9 =	smul.u32 $0xF7A, s1;
	s8 =	simm.s32 @!p0 $0x1BF5;
	p2 =	por !p2, p0  }
0x20: {  	[sflag:s8] =	ssyncset.s32 @!p0 $0xFFFFF086;
	s6 =	sadd.s32 @!p0 s3, s7;
	s7 =	simm.s32 @!p0 $0x108  }
0x21: {  	s3 =	sadd.s32 s3, s9;
	s6 =	sadd.s32 @!p0 $0x88, s6;
	s7 =	simm.s32 @p2 $0x1082  }
0x22: {  	[simem:s7], [sflag:s8] =	dma.local @!p0 [hbm:s6], $0xF7A  }
0x23: {  	s9 =	sor.u32 $0xD0000000, s2;
	s6 =	simm.s32 $0x108;
	_ =	swait.ge @!p0 [sflag:s8], $0x0  }
0x24: {  	s3 =	sadd.s32 $0x88, s3;
	s6 =	simm.s32 @!p1 $0x1082;
	[sflag:s4] =	ssyncset.s32 $0xFFFFF086  }
0x25: {  	[simem:s6], [sflag:s4] =	dma.local [hbm:s3], $0xF7A  }
0x26: {  	[smem:$0x3F92] =	sst s1;
	(tag) =	ssettag s2;
	_ =	strace s9  }
0x27: {  	s1 =	sld [smem:$0x3FA2]  }
0x28: {  	s2 =	sld [smem:$0x3FA3]  }
0x29: {  	s4 =	sld [smem:$0x3FA5]  }
0x2a: {  	p0 =	seq.s32 s5, $0x0;
	s5 =	sld [smem:$0x3FA6]  }
0x2b: {  	s6 =	sld [smem:$0x3FA7]  }
0x2c: {  	s7 =	sld [smem:$0x3FA8]  }
0x2d: {  	s3 =	simm.s32 $0x108;
	s8 =	sld [smem:$0x3FA9]  }
0x2e: {  	s3 =	simm.s32 @!p0 $0x1082;
	s9 =	sld [smem:$0x3FAA]  }
0x2f: {  	lr =	sadd.s32 s0, s3;
	s0 =	sld [smem:$0x3FA1]  }
0x30: {  	s3 =	sld [smem:$0x3FA4]  }
0x31: {  	[smem:$0x3FAD] =	sst s10  }
0x32: {  	s10 =	sld [smem:$0x3FAB];
	_ =	sdelay $0x3  }
0x33: {  	p0 =	seq.s32 s10, $0x1;
	s10 =	sld [smem:$0x3FAD];
	_ =	sdelay $0x3  }
0x34: {  	[smem:$0x3FAD] =	sst s10  }
0x35: {  	s10 =	sld [smem:$0x3FAC];
	_ =	sdelay $0x3  }
0x36: {  	p1 =	seq.s32 s10, $0x1;
	s10 =	sld [smem:$0x3FAD];
	_ =	sdelay $0x3  }
0x37: {  	[smem:$0x3FAD] =	sst s10  }
0x38: {  	s10 =	sld [smem:$0x3FAE]  }
0x39: {  	_ = 	snop;
	(pc) =	sbr.ind lr, $3  }
0x3a: {  	_ = 	snop  }
0x3b: {  	_ = 	snop  }
0x3c: {  	p2 =	seq.s32 s10, $0x1;
	s10 =	sld [smem:$0x3FAD]  }
0x3d: {  	_ =	shalt  }
0x3e: {  	_ =	shalt  }
0x3f: {  	_ =	shalt  }
0x40: {  	_ =	shalt  }
0x41: {  	_ =	shalt  }
0x42: {  	_ =	shalt  }
0x43: {  	_ =	shalt  }
0x44: {  	_ =	shalt  }
0x45: {  	_ =	shalt  }
0x46: {  	_ =	shalt  }
0x47: {  	_ =	shalt  }
0x48: {  	_ =	shalt  }
0x49: {  	_ =	shalt  }
0x4a: {  	_ =	shalt  }
0x4b: {  	_ =	shalt  }
0x4c: {  	_ =	shalt  }
0x4d: {  	_ =	shalt  }
0x4e: {  	_ =	shalt  }
0x4f: {  	_ =	shalt  }
0x50: {  	_ =	shalt  }
0x51: {  	_ =	shalt  }
0x52: {  	_ =	shalt  }
0x53: {  	_ =	shalt  }
0x54: {  	_ =	shalt  }
0x55: {  	_ =	shalt  }
0x56: {  	_ =	shalt  }
0x57: {  	_ =	shalt  }
0x58: {  	_ =	shalt  }
0x59: {  	_ =	shalt  }
0x5a: {  	_ =	shalt  }
0x5b: {  	_ =	shalt  }
0x5c: {  	_ =	shalt  }
0x5d: {  	_ =	shalt  }
0x5e: {  	_ =	shalt  }
0x5f: {  	_ =	shalt  }
0x60: {  	_ =	shalt  }
0x61: {  	_ =	shalt  }
0x62: {  	_ =	shalt  }
0x63: {  	_ =	shalt  }
0x64: {  	_ =	shalt  }
0x65: {  	_ =	shalt  }
0x66: {  	_ =	shalt  }
0x67: {  	_ =	shalt  }
0x68: {  	_ =	shalt  }
0x69: {  	_ =	shalt  }
0x6a: {  	_ =	shalt  }
0x6b: {  	_ =	shalt  }
0x6c: {  	_ =	shalt  }
0x6d: {  	_ =	shalt  }
0x6e: {  	_ =	shalt  }
0x6f: {  	_ =	shalt  }
0x70: {  	_ =	shalt  }
0x71: {  	_ =	shalt  }
0x72: {  	_ =	shalt  }
0x73: {  	_ =	shalt  }
0x74: {  	_ =	shalt  }
0x75: {  	_ =	shalt  }
0x76: {  	_ =	shalt  }
0x77: {  	_ =	shalt  }
0x78: {  	_ =	shalt  }
0x79: {  	_ =	shalt  }
0x7a: {  	_ =	shalt  }
0x7b: {  	_ =	shalt  }
0x7c: {  	_ =	shalt  }
0x7d: {  	_ =	shalt  }
0x7e: {  	_ =	shalt  }
0x7f: {  	_ =	shalt  }
0x80: {  	_ =	shalt  }
0x81: {  	_ =	shalt  }
0x82: {  	_ =	shalt  }
0x83: {  	_ =	shalt  }
0x84: {  	_ =	shalt  }
0x85: {  	_ =	shalt  }
0x86: {  	_ =	shalt  }
0x87: {  	_ =	shalt  }
.Lfunc_end0:
.L_simem_size_0:
called_computation_lowered:
.L_overlay_start_0:
0x88: {  	s2 =	sld [smem:$0x3FD9]  }
0x89: {  	s3 =	sld [smem:$0x3FFE];
	_ =	sdelay $0x1  }
0x8a: {  	s1 =	srdreg.scid  }
0x8b: {  	s0 =	sand.u32 $0x1, s1  }
0x8c: {  	s14 =	sshll.u32 s0, $0xA;
	s2 =	sadd.s32 s3, s2  }
0x8d: {  	s2 =	sadd.s32 s2, s14  }
0x8e: {  	[smem:$0x3FB9] =	sst s2  }
0x8f: {  	_ = 	snop  }
0x90: {  	s2 =	sld [smem:$0x3FD0];
	_ =	sdelay $0x2  }
0x91: {  	s4 =	simm.s32 $0xA;
	s5 =	simm.s32 $0x10;
	s15 =	sld [smem:$0x3FC8]  }
0x92: {  	[smem:s5], [sflag:s4] =	dma.local [hbm:s2], $0x1  }
0x93: {  	_ =	swait.eq [sflag:s4], $0x1  }
0x94: {  	[sflag:s4] =	ssyncset.done $0x0  }
0x95: {  	s16 =	sld [smem:$0x10];
	[sflag:s4] =	ssyncadd.s32 $0xFFFFFFFF  }
0x96: {  	s17 =	sld [smem:$0x11];
	(tm) =	ssettm $0x1  }
0x97: {  	s18 =	sld [smem:$0x3FFB];
	_ =	sdelay $0x3  }
0x98: {  	_ =	strace s18  }
0x99: {  	s5 =	sld [smem:$0x3FFC];
	_ =	sdelay $0x3  }
0x9a: {  	_ =	strace s5  }
0x9b: {  	s5 =	sld [smem:$0x3FFD];
	_ =	sdelay $0x3  }
0x9c: {  	_ =	strace s5  }
0x9d: {  	_ =	strace $0x8FFFFFFF  }
0x9e: {  	s19 =	sld [smem:$0x3FDB];
	_ =	sdelay $0x1  }
0x9f: {  	s6 =	simm.s32 $_scs_section_size  }
0xa0: {  	s7 =	simm.s32 $_size__tile_overlayer_lowered;
	s8 =	simm.s32 $_tile_overlayer_lowered  }
0xa1: {  	s22 =	simm.s32 $0x1BFF;
	s21 =	sshll.u32 s8, $0x1;
	s5 =	sadd.s32 s6, s19  }
0xa2: {  	s9 =	simm.s32 $0x0;
	s20 =	sshll.u32 s7, $0x1;
	s7 =	sadd.s32 s21, s5  }
0xa3: {  	[timem:s9], [sflag:s22] =	dma.local [hbm:s7], s20  }
0xa4: {  	_ =	swait.ge [sflag:s22], s20  }
0xa5: {  	s6 =	ssub.s32 $0x0, s20;
	[sflag:s22] =	ssyncset.done $0x0  }
0xa6: {  	[sflag:s22] =	ssyncadd.s32 s6;
	_ =	sdelay $0x1  }
0xa7: {  	s23 =	simm.s32 $0x1B8B  }
0xa8: {  	_ =	swait.ge [sflag:s23], $0x1  }
0xa9: {  	[sflag:s23] =	ssyncset.done $0x0  }
0xaa: {  	s25 =	simm.s32 $0x1B8E;
	s24 =	sld [smem:$0x3FFE];
	[sflag:s23] =	ssyncadd.s32 $0xFFFFFFFF  }
0xab: {  	s26 =	simm.s32 $execute0_lowered;
	[smem:$0x3FD2] =	sst s25  }
0xac: {  	s7 =	sshll.u32 s26, $0x1;
	_ =	strace $0x80000046;
	[dreg:$0x1] =	wrdreg $0xFFFFFFFF  }
0xad: {  	s28 =	simm.s32 $_size_execute0_lowered;
	s5 =	sadd.s32 s5, s7;
	[dreg:$0x0] =	wrdreg $0x0  }
0xae: {  	s7 =	sshll.u32 s28, $0x1;
	[dreg:$0x2] =	wrdreg s5  }
0xaf: {  	[dreg:$0x3] =	wrdreg s7  }
0xb0: {  	[dreg:$0x4] =	wrdreg $0xC0  }
0xb1: {  	_ =	task [dreg:s9], $0x5FFFF  }
0xb2: {  	[dreg:$0x1] =	wrdreg $0xFFFFFFFF  }
0xb3: {  	[dreg:$0x0] =	wrdreg $0x60  }
0xb4: {  	[dreg:$0x2] =	wrdreg s15  }
0xb5: {  	[dreg:$0x3] =	wrdreg s24  }
0xb6: {  	[dreg:$0x4] =	wrdreg s16  }
0xb7: {  	[dreg:$0x5] =	wrdreg s17  }
0xb8: {  	[dreg:$0x6] =	wrdreg $0x66800  }
0xb9: {  	[dreg:$0x7] =	wrdreg $0x9  }
0xba: {  	_ =	task.clear_ibuf [dreg:s9], $0x8FFFF;
	_ =	strace $0x90000046  }
0xbb: {  	s29 =	simm.s32 $0x9;
	_ =	strace $0x80000048  }
0xbc: {  	_ =	swait.ge [sflag:s29], $0x1  }
0xbd: {  	[sflag:s29] =	ssyncadd.s32 $0xFFFFFFFF  }
0xbe: {  	_ =	strace $0x90000048  }
0xbf: {  	_ =	sfence  }
0xc0: {  	s30 =	sld [smem:$0x0];
	_ =	sdelay $0x2  }
0xc1: {  	s31 =	sshll.u32 s1, $0xD;
	s1 =	sshrl.u32 s1, $0x2  }
0xc2: {  	s3 =	sand.u32 $0x4000, s31;
	s1 =	sadd.s32 s1, s30  }
0xc3: {  	s0 =	sor.u32 s3, s0;
	s1 =	sshll.u32 s1, $0x11  }
0xc4: {  	s0 =	sor.u32 s1, s0  }
0xc5: {  	s0 =	sadd.s32 $0x8F2B, s0  }
0xc6: {  	[sflag:s0] =	ssyncadd.remote.s32 $0x1  }
0xc7: {  	_ =	sfence.sel $0xFFFF  }
0xc8: {  	[dreg:$0x0] =	wrdreg $0xFFFFFFFF;
	(pc) =	sbr.abs _section_cstart, $3  }
0xc9: {  	[dreg:$0x1] =	wrdreg $0xFFFFFFFF  }
0xca: {  	_ =	task.clear_ibuf [dreg:s9], $0x2FFFF;
	_ =	strace $0x9FFFFFFF  }
0xcb: {  	(tm) =	ssettm $0x7FFFFFFF  }
tec
execute0_lowered:
.L_overlay_start_1:
0x0: {  	(tag) =	ssettag $0x1  }
0x1: {  	s0 =	rddreg [dreg:$0x0]  }
0x2: {  	s2 =	rddreg [dreg:$0x1]  }
0x3: {  	s5 =	rddreg [dreg:$0x2]  }
0x4: {  	s7 =	rddreg [dreg:$0x3]  }
0x5: {  	s1 =	rddreg [dreg:$0x4];
	s4 =	srdreg.scid  }
0x6: {  	s3 =	simm.s32 $0x0;
	s15 =	stileid.u32;
	s28 =	simm.s32 $0x3E80  }
0x7: {  	s29 =	simm.s32 $0x180;
	s30 =	simm.s32 $0x4;
	s31 =	simm.s32 $0x5280  }
0x8: {  	s8 =	sand.u32 $0x1, s4;
	[smem:$0x7FF] =	sst s3;
	s10 =	smul.u32 $0x4E000, s15  }
0x9: {  	s4 =	sadd.s32 $0x16E00, s2;
	s17 =	sshll.u32 s15, $0x1;
	s11 =	smul.u32 $0x2700, s15  }
0xa: {  	s20 =	sshll.u32 s15, $0x6;
	s14 =	sadd.s32 $0x138000, s1;
	s25 =	smul.u32 $0x4E200, s15  }
0xb: {  	p0 =	sne.s32 s15, $0xF;
	s6 =	ssub.s32 $0x2, s8;
	s21 =	smul.u32 $0x27100, s8  }
0xc: {  	_ =	strace $0x80000047;
	s18 =	sor.u32 s8, s17;
	s22 =	smul.u32 $0x138800, s8  }
0xd: {  	s17 =	sshrl.u32 @!p0 s14, $0x3;
	s9 =	sshrl.u32 s6, $0x1;
	s19 =	sshrl.u32 s10, $0x2  }
0xe: {  	s12 =	smul.u32 $0x27100, s18;
	s13 =	sadd.s32 s5, s11;
	s5 =	sadd.s32 $0x27000, s5  }
0xf: {  	s24 =	sshll.u32 s18, $0xC;
	s16 =	ssub.s32 s6, s9;
	[dreg:$0x6] =	wrdreg s13  }
0x10: {  	s10 =	sadd.s32 s19, s1;
	s6 =	sor.u32 $0x1C0B, s20;
	[dreg:$0x7] =	wrdreg s5  }
0x11: {  	s9 =	sshll.u32 s18, $0xF;
	s8 =	sadd.s32 s4, s24;
	s5 =	sshrl.u32 s22, $0x3  }
0x12: {  	s26 =	sadd.s32 s11, s21;
	s18 =	simm.s32 $0x1;
	s19 =	simm.s32 $0x28  }
0x13: {  	s20 =	simm.s32 $0x280;
	s22 =	simm.s32 $0x80;
	s24 =	simm.s32 $0x2A80  }
0x14: {  	s11 =	simm.s32 $0xA;
	s23 =	sadd.s32 s0, s12;
	[dreg:$0x9] =	wrdreg s8  }
0x15: {  	s5 =	sadd.s32 s7, s5;
	s0 =	sadd.s32 s25, s0;
	s7 =	sadd.s32 s7, s26  }
0x16: {  	s2 =	smax.u32 s16, $0x1;
	s15 =	sshrl.u32 s10, $0x3;
	s16 =	simm.s32 $0xB  }
0x17: {  	s25 =	simm.s32 $0x100;
	s26 =	simm.s32 $0x3;
	s10 =	simm.s32 $0x9  }
.Ltmp0:
0x18: {  	s12 =	simm.s32 $0x0;
	[dreg:$0x8] =	wrdreg s23;
	(pc) =	sbr.rel .LBB2_1-.Ltmp0, $4  }
0x19: {  	[dreg:$0xa] =	wrdreg s7;
	s5 =	sadd.s32 $0x27000, s5;
	s0 =	sadd.s32 s21, s0  }
0x1a: {  	[dreg:$0xc] =	wrdreg s2;
	s21 =	simm.s32 $0x1680;
	s23 =	simm.s32 $0x2  }
0x1b: {  	s2 =	simm.s32 $0x5;
	[dreg:$0xb] =	wrdreg s5;
	s0 =	sadd.s32 $0xC80, s0  }
0x1c: {  	s5 =	simm.s32 $0x6;
	[dreg:$0xd] =	wrdreg s0;
	s0 =	simm.s32 $0x200  }
.LBB2_4:
0x1d: {  	s7 =	simm.s32 $0x7  }
0x1e: {  	_ =	swait.ge [sflag:s7], $0x1400  }
0x1f: {  	[sflag:s7] =	ssyncset.done $0x0  }
0x20: {  	s13 =	simm.s32 $0x8;
	[sflag:s7] =	ssyncadd.s32 $0xFFFFEC00  }
0x21: {  	_ =	swait.ge [sflag:s13], $0x1400  }
0x22: {  	[sflag:s13] =	ssyncset.done $0x0  }
0x23: {  	[sflag:s13] =	ssyncadd.s32 $0xFFFFEC00  }
0x24: {  	_ =	swait.ge [sflag:s10], $0x1400  }
0x25: {  	[sflag:s10] =	ssyncset.done $0x0  }
0x26: {  	[sflag:s10] =	ssyncadd.s32 $0xFFFFEC00  }
0x27: {  	_ =	swait.ge [sflag:s11], $0x1400  }
0x28: {  	[sflag:s11] =	ssyncset.done $0x0  }
0x29: {  	[sflag:s11] =	ssyncadd.s32 $0xFFFFEC00  }
0x2a: {  	[bflag:$0x0] =	sbarrier.arrive $0xFFFF  }
0x2b: {  	s14 =	rddreg [dreg:$0xa]  }
0x2c: {  	[hbm:s14], [sflag:s6] =	dma.local [spmem:s15], $0x2700  }
0x2d: {  	_ =	swait.ge [sflag:s16], $0x2700  }
0x2e: {  	[sflag:s16] =	ssyncset.done $0x0  }
0x2f: {  	s7 =	rddreg [dreg:$0xb];
	[sflag:s16] =	ssyncadd.s32 $0xFFFFD900  }
0x30: {  	[hbm:s7], [sflag:s6] =	dma.local @!p0 [spmem:s17], $0x100  }
0x31: {  	s7 =	simm.s32 @!p0 $0xB  }
0x32: {  	_ =	swait.ge @!p0 [sflag:s7], $0x100  }
0x33: {  	s12 =	sadd.s32 $0x1, s12;
	s8 =	rddreg [dreg:$0xc]  }
0x34: {  	p1 =	sne.s32 s12, s8  }
.Ltmp1:
0x35: {  	_ = 	snop;
	(pc) =	sbr.rel @!p1 .LBB2_5-.Ltmp1, $3  }
0x36: {  	_ =	sdelay $0x1  }
0x37: {  	[sflag:s7] =	ssyncset.done @!p0 $0x0  }
0x38: {  	[sflag:s7] =	ssyncadd.s32 @!p0 $0xFFFFFF00  }
.LBB2_1:
0x39: {  	s7 =	rddreg [dreg:$0x6]  }
0x3a: {  	[spmem:s15], [sflag:s6] =	dma.local [hbm:s7], $0x2700  }
0x3b: {  	_ =	swait.ge [sflag:s16], $0x2700  }
0x3c: {  	[sflag:s16] =	ssyncset.done $0x0  }
0x3d: {  	s13 =	simm.s32 @!p0 $0xB;
	s7 =	rddreg [dreg:$0x7];
	[sflag:s16] =	ssyncadd.s32 $0xFFFFD900  }
0x3e: {  	[spmem:s17], [sflag:s6] =	dma.local @!p0 [hbm:s7], $0x100  }
0x3f: {  	_ =	swait.ge @!p0 [sflag:s13], $0x100  }
0x40: {  	[sflag:s13] =	ssyncset.done @!p0 $0x0  }
0x41: {  	[sflag:s13] =	ssyncadd.s32 @!p0 $0xFFFFFF00  }
0x42: {  	[bflag:$0x0] =	sbarrier.arrive $0xFFFF  }
0x43: {  	s13 =	rddreg [dreg:$0x8]  }
0x44: {  	[tilespmem:s20], [sflag:$0x1] =	stream.linear.gather [hbm4b:s13+s3], $0x1400, $0x38;
	[tilespmem:$0x19F00] =	vst v63  }
0x45: {  	s14 =	rddreg [dreg:$0x9]  }
0x46: {  	[tilespmem:s3], [sflag:$0x1] =	stream.linear.gather [hbm4b:s14+s3], $0x80, $0x38;
	[tilespmem:$0x19F00] =	vst v63  }
0x47: {  	s13 =	simm.s32 $0x280;
	s14 =	rddreg [dreg:$0xd]  }
.LBB2_2:
0x48: {  	_ =	swait.ge [sflag:s18], $0x1400  }
0x49: {  	[sflag:s18] =	ssyncset.done $0x0  }
0x4a: {  	[sflag:s18] =	ssyncadd.s32 $0xFFFFEC00  }
0x4b: {  	_ =	swait.ge [sflag:s18], $0x80  }
0x4c: {  	p1 =	seq.s32 s13, $0x280;
	[sflag:s18] =	ssyncset.done $0x0  }
0x4d: {  	s7 =	simm.s32 @!p1 $0x7;
	[sflag:s18] =	ssyncadd.s32 $0xFFFFFF80  }
0x4e: {  	[spmem:s1] =	stream.indirect.scatter.add.f32 [tilespmem:s20], [sflag:$0x6], $0x80, s3, s19, $0xb8;
	[tilespmem:$0x19F00] =	vst v63  }
0x4f: {  	_ =	swait.ge @!p1 [sflag:s7], $0x1400  }
0x50: {  	[sflag:s7] =	ssyncset.done @!p1 $0x0  }
0x51: {  	s8 =	sadd.s32 $0xFFFFF600, s14;
	[sflag:s7] =	ssyncadd.s32 @!p1 $0xFFFFEC00;
	s7 =	sadd.s32 $0xFFFFFE00, s13  }
0x52: {  	[tilespmem:s21], [sflag:$0x2] =	stream.linear.gather [hbm4b:s8+s3], $0x1400, $0x38;
	[tilespmem:$0x19F00] =	vst v63  }
0x53: {  	s8 =	sand.u32 $0x1FC00, s7  }
0x54: {  	s7 =	sand.u32 $0x380, s7;
	s8 =	sadd.s32 s9, s8  }
0x55: {  	s7 =	sor.u32 s7, s8  }
0x56: {  	s7 =	sshrl.u32 s7, $0x3  }
0x57: {  	s7 =	sadd.s32 s4, s7  }
0x58: {  	[tilespmem:s22], [sflag:$0x2] =	stream.linear.gather [hbm4b:s7+s3], $0x80, $0x38;
	[tilespmem:$0x19F00] =	vst v63  }
0x59: {  	_ =	swait.ge [sflag:s23], $0x1400  }
0x5a: {  	[sflag:s23] =	ssyncset.done $0x0  }
0x5b: {  	[sflag:s23] =	ssyncadd.s32 $0xFFFFEC00  }
0x5c: {  	_ =	swait.ge [sflag:s23], $0x80  }
0x5d: {  	[sflag:s23] =	ssyncset.done $0x0  }
0x5e: {  	s7 =	simm.s32 @!p1 $0x8;
	[sflag:s23] =	ssyncadd.s32 $0xFFFFFF80  }
0x5f: {  	[spmem:s1] =	stream.indirect.scatter.add.f32 [tilespmem:s21], [sflag:$0x7], $0x80, s22, s19, $0xb8;
	[tilespmem:$0x19F00] =	vst v63  }
0x60: {  	_ =	swait.ge @!p1 [sflag:s7], $0x1400  }
0x61: {  	[sflag:s7] =	ssyncset.done @!p1 $0x0  }
0x62: {  	s8 =	sadd.s32 $0xFFFFF880, s14;
	[sflag:s7] =	ssyncadd.s32 @!p1 $0xFFFFEC00;
	s7 =	sadd.s32 $0xFFFFFE80, s13  }
0x63: {  	[tilespmem:s24], [sflag:$0x3] =	stream.linear.gather [hbm4b:s8+s3], $0x1400, $0x38;
	[tilespmem:$0x19F00] =	vst v63  }
0x64: {  	s8 =	sand.u32 $0x1FC00, s7  }
0x65: {  	s7 =	sand.u32 $0x380, s7;
	s8 =	sadd.s32 s9, s8  }
0x66: {  	s7 =	sor.u32 s7, s8  }
0x67: {  	s7 =	sshrl.u32 s7, $0x3  }
0x68: {  	s7 =	sadd.s32 s4, s7  }
0x69: {  	[tilespmem:s25], [sflag:$0x3] =	stream.linear.gather [hbm4b:s7+s3], $0x80, $0x38;
	[tilespmem:$0x19F00] =	vst v63  }
0x6a: {  	_ =	swait.ge [sflag:s26], $0x1400  }
0x6b: {  	[sflag:s26] =	ssyncset.done $0x0  }
0x6c: {  	[sflag:s26] =	ssyncadd.s32 $0xFFFFEC00  }
0x6d: {  	_ =	swait.ge [sflag:s26], $0x80  }
0x6e: {  	[sflag:s26] =	ssyncset.done $0x0  }
0x6f: {  	s7 =	simm.s32 @!p1 $0x9;
	[sflag:s26] =	ssyncadd.s32 $0xFFFFFF80  }
0x70: {  	[spmem:s1] =	stream.indirect.scatter.add.f32 [tilespmem:s24], [sflag:$0x8], $0x80, s25, s19, $0xb8;
	[tilespmem:$0x19F00] =	vst v63  }
0x71: {  	_ =	swait.ge @!p1 [sflag:s7], $0x1400  }
0x72: {  	[sflag:s7] =	ssyncset.done @!p1 $0x0  }
0x73: {  	s8 =	sadd.s32 $0xFFFFFB00, s14;
	[sflag:s7] =	ssyncadd.s32 @!p1 $0xFFFFEC00;
	s7 =	sadd.s32 $0xFFFFFF00, s13  }
0x74: {  	[tilespmem:s28], [sflag:$0x4] =	stream.linear.gather [hbm4b:s8+s3], $0x1400, $0x38;
	[tilespmem:$0x19F00] =	vst v63  }
0x75: {  	s8 =	sand.u32 $0x1FC00, s7  }
0x76: {  	s7 =	sand.u32 $0x380, s7;
	s8 =	sadd.s32 s9, s8  }
0x77: {  	s7 =	sor.u32 s7, s8  }
0x78: {  	s7 =	sshrl.u32 s7, $0x3  }
0x79: {  	s7 =	sadd.s32 s4, s7  }
0x7a: {  	[tilespmem:s29], [sflag:$0x4] =	stream.linear.gather [hbm4b:s7+s3], $0x80, $0x38;
	[tilespmem:$0x19F00] =	vst v63  }
0x7b: {  	_ =	swait.ge [sflag:s30], $0x1400  }
0x7c: {  	[sflag:s30] =	ssyncset.done $0x0  }
0x7d: {  	[sflag:s30] =	ssyncadd.s32 $0xFFFFEC00  }
0x7e: {  	_ =	swait.ge [sflag:s30], $0x80  }
0x7f: {  	[sflag:s30] =	ssyncset.done $0x0  }
0x80: {  	s7 =	simm.s32 @!p1 $0xA;
	[sflag:s30] =	ssyncadd.s32 $0xFFFFFF80  }
0x81: {  	[spmem:s1] =	stream.indirect.scatter.add.f32 [tilespmem:s28], [sflag:$0x9], $0x80, s29, s19, $0xb8;
	[tilespmem:$0x19F00] =	vst v63  }
0x82: {  	_ =	swait.ge @!p1 [sflag:s7], $0x1400  }
0x83: {  	[sflag:s7] =	ssyncset.done @!p1 $0x0  }
0x84: {  	s8 =	sadd.s32 $0xFFFFFD80, s14;
	[sflag:s7] =	ssyncadd.s32 @!p1 $0xFFFFEC00;
	s7 =	sadd.s32 $0xFFFFFF80, s13  }
0x85: {  	[tilespmem:s31], [sflag:$0x5] =	stream.linear.gather [hbm4b:s8+s3], $0x1400, $0x38;
	[tilespmem:$0x19F00] =	vst v63  }
0x86: {  	s8 =	sand.u32 $0x1FC00, s7  }
0x87: {  	s7 =	sand.u32 $0x380, s7;
	s8 =	sadd.s32 s9, s8  }
0x88: {  	s7 =	sor.u32 s7, s8  }
0x89: {  	s7 =	sshrl.u32 s7, $0x3  }
0x8a: {  	s7 =	sadd.s32 s4, s7  }
0x8b: {  	[tilespmem:s0], [sflag:$0x5] =	stream.linear.gather [hbm4b:s7+s3], $0x80, $0x38;
	[tilespmem:$0x19F00] =	vst v63  }
0x8c: {  	_ =	swait.ge [sflag:s2], $0x1400  }
0x8d: {  	[sflag:s2] =	ssyncset.done $0x0  }
0x8e: {  	[sflag:s2] =	ssyncadd.s32 $0xFFFFEC00  }
0x8f: {  	_ =	swait.ge [sflag:s2], $0x80  }
0x90: {  	p1 =	seq.s32 s13, $0x7D00;
	[sflag:s2] =	ssyncset.done $0x0  }
.Ltmp2:
0x91: {  	[sflag:s2] =	ssyncadd.s32 $0xFFFFFF80;
	(pc) =	sbr.rel @p1 .LBB2_4-.Ltmp2, $4  }
0x92: {  	[spmem:s1] =	stream.indirect.scatter.add.f32 [tilespmem:s31], [sflag:$0xA], $0x80, s0, s19, $0xb8;
	[tilespmem:$0x19F00] =	vst v63  }
0x93: {  	_ =	swait.ge [sflag:s5], $0x1400  }
0x94: {  	[sflag:s5] =	ssyncset.done $0x0  }
0x95: {  	[sflag:s5] =	ssyncadd.s32 $0xFFFFEC00  }
0x96: {  	[tilespmem:s20], [sflag:$0x1] =	stream.linear.gather [hbm4b:s14+s3], $0x1400, $0x38;
	[tilespmem:$0x19F00] =	vst v63  }
0x97: {  	s7 =	sand.u32 $0x1FC00, s13  }
.Ltmp3:
0x98: {  	s8 =	sand.u32 $0x380, s13;
	s7 =	sadd.s32 s9, s7;
	(pc) =	sbr.rel .LBB2_2-.Ltmp3, $4  }
0x99: {  	s7 =	sor.u32 s8, s7  }
0x9a: {  	s7 =	sshrl.u32 s7, $0x3  }
0x9b: {  	s13 =	sadd.s32 $0x280, s13;
	s14 =	sadd.s32 $0xC80, s14;
	s7 =	sadd.s32 s4, s7  }
0x9c: {  	[tilespmem:s3], [sflag:$0x1] =	stream.linear.gather [hbm4b:s7+s3], $0x80, $0x38;
	[tilespmem:$0x19F00] =	vst v63  }
.LBB2_5:
0x9d: {  	_ =	sfence.sel $0x180000  }
0x9e: {  	[bflag:$0x0] =	sbarrier.arrive $0xFFFF  }
0x9f: {  	_ =	strace $0x90000047  }
0xa0: {  	s0 =	stileid.u32;
	[bflag:$0x2] =	sbarrier.arrive $0xFFFF  }
0xa1: {  	p0 =	sne.s32 s0, $0x0;
	s0 =	rddreg [dreg:$0x5]  }
0xa2: {  	s0 =	sadd.s32 @!p0 $0x100000, s0  }
0xa3: {  	[sflag:s0] =	ssyncadd.tile.s32 @!p0 $0x1;
	_ =	shalt  }
.Lfunc_end2:
_tile_overlayer_lowered:
.L_overlay_start_2:
0xa4: {  	(tag) =	ssettag $0x2  }
0xa5: {  	s0 =	rddreg [dreg:$0x0];
	s2 =	stileid.u32  }
0xa6: {  	s1 =	rddreg [dreg:$0x1];
	p0 =	sne.s32 s2, $0x0  }
0xa7: {  	s3 =	rddreg [dreg:$0x2];
	[bflag:$0x3] =	sbarrier.arrive $0xFFFF;
	s2 =	simm.s32 @!p0 $0x1C0B  }
0xa8: {  	[timem:s3], [sflag:s2] =	dma.local @!p0 [hbm:s0], s1  }
0xa9: {  	s0 =	simm.s32 @!p0 $0xB  }
0xaa: {  	_ =	swait.ge @!p0 [sflag:s0], s1  }
0xab: {  	s1 =	ssub.s32 @!p0 $0x0, s1;
	[sflag:s0] =	ssyncset.done @!p0 $0x0  }
0xac: {  	[sflag:s0] =	ssyncadd.s32 @!p0 s1  }
0xad: {  	[bflag:$0x3] =	sbarrier.arrive $0xFFFF  }
0xae: {  	_ =	shalt  }

// kernel: kernel.9.cloned.1.call-start
scs
__scs_entry_jumppad:
0x0: {  	(pc) =	sbr.rel $0x88, $3  }
0x1: {  	(tag) =	ssettag $0x0;
	lr =	simm.s32 $0x1  }
0x2: {  	[smem:$0x3F92] =	sst lr;
	_ =	strace $0xD0000000  }
0x3: {  	_ = 	snop  }
0x4: {  	_ = 	snop  }
0x5: {  	_ = 	snop  }
0x6: {  	_ = 	snop  }
0x7: {  	_ = 	snop  }
__scs_overlays_trampoline_lowered:
0x8: {  	[smem:$0x3FA1] =	sst s0  }
0x9: {  	[smem:$0x3FA2] =	sst s1  }
0xa: {  	[smem:$0x3FA3] =	sst s2  }
0xb: {  	[smem:$0x3FA4] =	sst s3  }
0xc: {  	[smem:$0x3FA5] =	sst s4  }
0xd: {  	[smem:$0x3FA6] =	sst s5  }
0xe: {  	[smem:$0x3FA7] =	sst s6  }
0xf: {  	[smem:$0x3FA8] =	sst s7  }
0x10: {  	[smem:$0x3FA9] =	sst s8  }
0x11: {  	[smem:$0x3FAA] =	sst s9;
	s0 =	simm.s32 @!p0 $0x0  }
0x12: {  	s1 =	sld [smem:$0x3F90];
	s0 =	simm.s32 @p0 $0x1  }
0x13: {  	[smem:$0x3FAB] =	sst s0;
	s0 =	simm.s32 @!p1 $0x0  }
0x14: {  	s2 =	sld [smem:$0x3F8F];
	s0 =	simm.s32 @p1 $0x1  }
0x15: {  	[smem:$0x3FAC] =	sst s0;
	s0 =	simm.s32 @!p2 $0x0  }
0x16: {  	s3 =	sld [smem:$0x3FDB];
	s0 =	simm.s32 @p2 $0x1  }
0x17: {  	s4 =	simm.s32 $0x1BF5;
	[smem:$0x3FAE] =	sst s0  }
0x18: {  	s0 =	sld [smem:$0x3F91];
	_ =	swait.ge [sflag:s4], $0x0  }
0x19: {  	s7 =	sld [smem:$0x3F92]  }
0x1a: {  	s8 =	sadd.s32 $0xFFFFE003, lr  }
0x1b: {  	s9 =	sadd.s32 $0xFFFFFEF7, lr;
	s5 =	simm.s32 $0xFFFFFFFF;
	p2 =	slt.u32 s8, $0xFFFFF086  }
0x1c: {  	p1 =	slt.u32 s9, $0xF7A;
	s5 =	simm.s32 @!p2 $0x0  }
0x1d: {  	s5 =	simm.s32 @p1 $0x1;
	p0 =	seq.s32 s7, s2  }
0x1e: {  	s7 =	smul.u32 @!p0 $0xF7A, s2;
	p2 =	seq.s32 @!p0 s5, $0x0  }
0x1f: {  	s9 =	smul.u32 $0xF7A, s1;
	s8 =	simm.s32 @!p0 $0x1BF5;
	p2 =	por !p2, p0  }
0x20: {  	[sflag:s8] =	ssyncset.s32 @!p0 $0xFFFFF086;
	s6 =	sadd.s32 @!p0 s3, s7;
	s7 =	simm.s32 @!p0 $0x108  }
0x21: {  	s3 =	sadd.s32 s3, s9;
	s6 =	sadd.s32 @!p0 $0x88, s6;
	s7 =	simm.s32 @p2 $0x1082  }
0x22: {  	[simem:s7], [sflag:s8] =	dma.local @!p0 [hbm:s6], $0xF7A  }
0x23: {  	s9 =	sor.u32 $0xD0000000, s2;
	s6 =	simm.s32 $0x108;
	_ =	swait.ge @!p0 [sflag:s8], $0x0  }
0x24: {  	s3 =	sadd.s32 $0x88, s3;
	s6 =	simm.s32 @!p1 $0x1082;
	[sflag:s4] =	ssyncset.s32 $0xFFFFF086  }
0x25: {  	[simem:s6], [sflag:s4] =	dma.local [hbm:s3], $0xF7A  }
0x26: {  	[smem:$0x3F92] =	sst s1;
	(tag) =	ssettag s2;
	_ =	strace s9  }
0x27: {  	s1 =	sld [smem:$0x3FA2]  }
0x28: {  	s2 =	sld [smem:$0x3FA3]  }
0x29: {  	s4 =	sld [smem:$0x3FA5]  }
0x2a: {  	p0 =	seq.s32 s5, $0x0;
	s5 =	sld [smem:$0x3FA6]  }
0x2b: {  	s6 =	sld [smem:$0x3FA7]  }
0x2c: {  	s7 =	sld [smem:$0x3FA8]  }
0x2d: {  	s3 =	simm.s32 $0x108;
	s8 =	sld [smem:$0x3FA9]  }
0x2e: {  	s3 =	simm.s32 @!p0 $0x1082;
	s9 =	sld [smem:$0x3FAA]  }
0x2f: {  	lr =	sadd.s32 s0, s3;
	s0 =	sld [smem:$0x3FA1]  }
0x30: {  	s3 =	sld [smem:$0x3FA4]  }
0x31: {  	[smem:$0x3FAD] =	sst s10  }
0x32: {  	s10 =	sld [smem:$0x3FAB];
	_ =	sdelay $0x3  }
0x33: {  	p0 =	seq.s32 s10, $0x1;
	s10 =	sld [smem:$0x3FAD];
	_ =	sdelay $0x3  }
0x34: {  	[smem:$0x3FAD] =	sst s10  }
0x35: {  	s10 =	sld [smem:$0x3FAC];
	_ =	sdelay $0x3  }
0x36: {  	p1 =	seq.s32 s10, $0x1;
	s10 =	sld [smem:$0x3FAD];
	_ =	sdelay $0x3  }
0x37: {  	[smem:$0x3FAD] =	sst s10  }
0x38: {  	s10 =	sld [smem:$0x3FAE]  }
0x39: {  	_ = 	snop;
	(pc) =	sbr.ind lr, $3  }
0x3a: {  	_ = 	snop  }
0x3b: {  	_ = 	snop  }
0x3c: {  	p2 =	seq.s32 s10, $0x1;
	s10 =	sld [smem:$0x3FAD]  }
0x3d: {  	_ =	shalt  }
0x3e: {  	_ =	shalt  }
0x3f: {  	_ =	shalt  }
0x40: {  	_ =	shalt  }
0x41: {  	_ =	shalt  }
0x42: {  	_ =	shalt  }
0x43: {  	_ =	shalt  }
0x44: {  	_ =	shalt  }
0x45: {  	_ =	shalt  }
0x46: {  	_ =	shalt  }
0x47: {  	_ =	shalt  }
0x48: {  	_ =	shalt  }
0x49: {  	_ =	shalt  }
0x4a: {  	_ =	shalt  }
0x4b: {  	_ =	shalt  }
0x4c: {  	_ =	shalt  }
0x4d: {  	_ =	shalt  }
0x4e: {  	_ =	shalt  }
0x4f: {  	_ =	shalt  }
0x50: {  	_ =	shalt  }
0x51: {  	_ =	shalt  }
0x52: {  	_ =	shalt  }
0x53: {  	_ =	shalt  }
0x54: {  	_ =	shalt  }
0x55: {  	_ =	shalt  }
0x56: {  	_ =	shalt  }
0x57: {  	_ =	shalt  }
0x58: {  	_ =	shalt  }
0x59: {  	_ =	shalt  }
0x5a: {  	_ =	shalt  }
0x5b: {  	_ =	shalt  }
0x5c: {  	_ =	shalt  }
0x5d: {  	_ =	shalt  }
0x5e: {  	_ =	shalt  }
0x5f: {  	_ =	shalt  }
0x60: {  	_ =	shalt  }
0x61: {  	_ =	shalt  }
0x62: {  	_ =	shalt  }
0x63: {  	_ =	shalt  }
0x64: {  	_ =	shalt  }
0x65: {  	_ =	shalt  }
0x66: {  	_ =	shalt  }
0x67: {  	_ =	shalt  }
0x68: {  	_ =	shalt  }
0x69: {  	_ =	shalt  }
0x6a: {  	_ =	shalt  }
0x6b: {  	_ =	shalt  }
0x6c: {  	_ =	shalt  }
0x6d: {  	_ =	shalt  }
0x6e: {  	_ =	shalt  }
0x6f: {  	_ =	shalt  }
0x70: {  	_ =	shalt  }
0x71: {  	_ =	shalt  }
0x72: {  	_ =	shalt  }
0x73: {  	_ =	shalt  }
0x74: {  	_ =	shalt  }
0x75: {  	_ =	shalt  }
0x76: {  	_ =	shalt  }
0x77: {  	_ =	shalt  }
0x78: {  	_ =	shalt  }
0x79: {  	_ =	shalt  }
0x7a: {  	_ =	shalt  }
0x7b: {  	_ =	shalt  }
0x7c: {  	_ =	shalt  }
0x7d: {  	_ =	shalt  }
0x7e: {  	_ =	shalt  }
0x7f: {  	_ =	shalt  }
0x80: {  	_ =	shalt  }
0x81: {  	_ =	shalt  }
0x82: {  	_ =	shalt  }
0x83: {  	_ =	shalt  }
0x84: {  	_ =	shalt  }
0x85: {  	_ =	shalt  }
0x86: {  	_ =	shalt  }
0x87: {  	_ =	shalt  }
.Lfunc_end0:
.L_simem_size_0:
called_computation.1_lowered:
.L_overlay_start_0:
0x88: {  	s2 =	sld [smem:$0x3FD9]  }
0x89: {  	s3 =	sld [smem:$0x3FFE];
	_ =	sdelay $0x1  }
0x8a: {  	s1 =	srdreg.scid  }
0x8b: {  	s0 =	sand.u32 $0x1, s1  }
0x8c: {  	s14 =	sshll.u32 s0, $0xA;
	s2 =	sadd.s32 s3, s2  }
0x8d: {  	s2 =	sadd.s32 s2, s14  }
0x8e: {  	[smem:$0x3FB9] =	sst s2  }
0x8f: {  	_ = 	snop  }
0x90: {  	s2 =	sld [smem:$0x3FD0];
	_ =	sdelay $0x2  }
0x91: {  	s15 =	simm.s32 $0xA;
	s4 =	simm.s32 $0x10  }
0x92: {  	[smem:s4], [sflag:s15] =	dma.local [hbm:s2], $0x1  }
0x93: {  	_ =	swait.eq [sflag:s15], $0x1  }
0x94: {  	[sflag:s15] =	ssyncset.done $0x0  }
0x95: {  	[sflag:s15] =	ssyncadd.s32 $0xFFFFFFFF  }
0x96: {  	s16 =	sld [smem:$0x11];
	(tm) =	ssettm $0x1  }
0x97: {  	s17 =	sld [smem:$0x3FFB];
	_ =	sdelay $0x3  }
0x98: {  	_ =	strace s17  }
0x99: {  	s3 =	sld [smem:$0x3FFC];
	_ =	sdelay $0x3  }
0x9a: {  	_ =	strace s3  }
0x9b: {  	s3 =	sld [smem:$0x3FFD];
	_ =	sdelay $0x3  }
0x9c: {  	_ =	strace s3  }
0x9d: {  	_ =	strace $0x8FFFFFFF  }
0x9e: {  	s18 =	sld [smem:$0x3FDB];
	_ =	sdelay $0x1  }
0x9f: {  	s19 =	simm.s32 $_scs_section_size  }
0xa0: {  	s5 =	simm.s32 $_size__tile_overlayer_lowered;
	s6 =	simm.s32 $_tile_overlayer_lowered  }
0xa1: {  	s22 =	simm.s32 $0x1BFF;
	s21 =	sshll.u32 s6, $0x1;
	s3 =	sadd.s32 s19, s18  }
0xa2: {  	s7 =	simm.s32 $0x0;
	s20 =	sshll.u32 s5, $0x1;
	s5 =	sadd.s32 s21, s3  }
0xa3: {  	[timem:s7], [sflag:s22] =	dma.local [hbm:s5], s20  }
0xa4: {  	_ =	swait.ge [sflag:s22], s20  }
0xa5: {  	s4 =	ssub.s32 $0x0, s20;
	[sflag:s22] =	ssyncset.done $0x0  }
0xa6: {  	[sflag:s22] =	ssyncadd.s32 s4;
	_ =	sdelay $0x1  }
0xa7: {  	s23 =	simm.s32 $0x1B8B  }
0xa8: {  	_ =	swait.ge [sflag:s23], $0x1  }
0xa9: {  	[sflag:s23] =	ssyncset.done $0x0  }
0xaa: {  	s25 =	simm.s32 $0x1B8E;
	s24 =	sld [smem:$0x3FFE];
	[sflag:s23] =	ssyncadd.s32 $0xFFFFFFFF  }
0xab: {  	s26 =	simm.s32 $execute0_lowered;
	[smem:$0x3FD2] =	sst s25  }
0xac: {  	s5 =	sshll.u32 s26, $0x1;
	_ =	strace $0x80000049;
	[dreg:$0x1] =	wrdreg $0xFFFFFFFF  }
0xad: {  	s28 =	simm.s32 $_size_execute0_lowered;
	s3 =	sadd.s32 s3, s5;
	[dreg:$0x0] =	wrdreg $0x0  }
0xae: {  	s5 =	sshll.u32 s28, $0x1;
	[dreg:$0x2] =	wrdreg s3  }
0xaf: {  	[dreg:$0x3] =	wrdreg s5  }
0xb0: {  	[dreg:$0x4] =	wrdreg $0xC0  }
0xb1: {  	_ =	task [dreg:s7], $0x5FFFF  }
0xb2: {  	[dreg:$0x1] =	wrdreg $0xFFFFFFFF  }
0xb3: {  	[dreg:$0x0] =	wrdreg $0x60  }
0xb4: {  	[dreg:$0x2] =	wrdreg s16  }
0xb5: {  	[dreg:$0x3] =	wrdreg s24  }
0xb6: {  	[dreg:$0x4] =	wrdreg $0x9  }
0xb7: {  	_ =	task.clear_ibuf [dreg:s7], $0x5FFFF;
	_ =	strace $0x90000049  }
0xb8: {  	s29 =	simm.s32 $0x9;
	_ =	strace $0x8000004B  }
0xb9: {  	_ =	swait.ge [sflag:s29], $0x1  }
0xba: {  	[sflag:s29] =	ssyncadd.s32 $0xFFFFFFFF  }
0xbb: {  	_ =	strace $0x9000004B  }
0xbc: {  	_ =	sfence  }
0xbd: {  	s30 =	sld [smem:$0x0];
	_ =	sdelay $0x2  }
0xbe: {  	s31 =	sshll.u32 s1, $0xD;
	s1 =	sshrl.u32 s1, $0x2  }
0xbf: {  	s3 =	sand.u32 $0x4000, s31;
	s1 =	sadd.s32 s1, s30  }
0xc0: {  	s0 =	sor.u32 s3, s0;
	s1 =	sshll.u32 s1, $0x11  }
0xc1: {  	s0 =	sor.u32 s1, s0  }
0xc2: {  	s0 =	sadd.s32 $0x8F2B, s0  }
0xc3: {  	[sflag:s0] =	ssyncadd.remote.s32 $0x1  }
0xc4: {  	_ =	sfence.sel $0xFFFF  }
0xc5: {  	[dreg:$0x0] =	wrdreg $0xFFFFFFFF;
	(pc) =	sbr.abs _section_cstart, $3  }
0xc6: {  	[dreg:$0x1] =	wrdreg $0xFFFFFFFF  }
0xc7: {  	_ =	task.clear_ibuf [dreg:s7], $0x2FFFF;
	_ =	strace $0x9FFFFFFF  }
0xc8: {  	(tm) =	ssettm $0x7FFFFFFF  }
0xc9: {  	_ =	shalt  }
tec
execute0_lowered:
.L_overlay_start_1:
0x0: {  	(tag) =	ssettag $0x1  }
0x1: {  	s1 =	rddreg [dreg:$0x0]  }
0x2: {  	s0 =	rddreg [dreg:$0x1]  }
0x3: {  	s3 =	simm.s32 $0x0;
	s2 =	srdreg.scid;
	s4 =	stileid.u32  }
0x4: {  	s29 =	simm.s32 $0x200;
	s30 =	simm.s32 $0x8;
	s31 =	simm.s32 $0xA500  }
0x5: {  	s15 =	simm.s32 $0x1;
	s16 =	simm.s32 $0x9;
	s28 =	simm.s32 $0x2  }
0x6: {  	s11 =	simm.s32 $0xC;
	s17 =	simm.s32 $0xD;
	s13 =	simm.s32 $0x0  }
0x7: {  	[smem:$0x7FF] =	sst s3;
	s2 =	sand.u32 $0x1, s2;
	s4 =	sshll.u32 s4, $0x1  }
0x8: {  	s5 =	sadd.s32 $0x36E00, s0;
	s7 =	sadd.s32 $0x56200, s0;
	s9 =	sor.u32 s2, s4  }
0x9: {  	_ =	strace $0x8000004A;
	s18 =	ssub.s32 $0x2, s2;
	s8 =	smul.u32 $0x2710, s9  }
0xa: {  	s4 =	sadd.s32 $0x3A00, s0;
	s6 =	smul.u32 $0x7D00, s9;
	s2 =	sshrl.u32 s18, $0x1  }
0xb: {  	s9 =	smul.u32 $0x138800, s9;
	s0 =	ssub.s32 s18, s2;
	s20 =	sadd.s32 $0xFFFFFF60, s8  }
0xc: {  	s18 =	simm.s32 $0x6;
	s21 =	sadd.s32 $0xFFFFFFB0, s8;
	[dreg:$0x4] =	wrdreg s20  }
0xd: {  	s10 =	sshrl.u32 s6, $0x3;
	s22 =	sadd.s32 $0x300, s6;
	[dreg:$0x5] =	wrdreg s21  }
0xe: {  	s23 =	sshrl.u32 s9, $0x3;
	s24 =	sadd.s32 $0x400, s6;
	[dreg:$0x6] =	wrdreg s22  }
0xf: {  	s25 =	sadd.s32 $0x500, s6;
	s0 =	smax.u32 s0, $0x1;
	[dreg:$0x7] =	wrdreg s24  }
0x10: {  	s9 =	simm.s32 $0x300;
	s19 =	sadd.s32 s5, s10;
	[dreg:$0x8] =	wrdreg s25  }
0x11: {  	s2 =	sadd.s32 s7, s23;
	[dreg:$0xb] =	wrdreg s0;
	s25 =	simm.s32 $0x100  }
0x12: {  	s24 =	simm.s32 $0x7;
	s0 =	simm.s32 $0xA;
	s21 =	simm.s32 $0x3  }
0x13: {  	s22 =	simm.s32 $0x4;
	[dreg:$0x3] =	wrdreg s19;
	s26 =	sadd.s32 $0x26700, s2  }
0x14: {  	s10 =	simm.s32 $0x5;
	s2 =	sadd.s32 $0x26C00, s2;
	[dreg:$0x9] =	wrdreg s26  }
0x15: {  	s19 =	simm.s32 $0x50;
	[dreg:$0xa] =	wrdreg s2;
	s26 =	simm.s32 $0x400  }
.LBB2_1:
0x16: {  	s2 =	rddreg [dreg:$0x3]  }
0x17: {  	[tilespmem:s3], [sflag:$0x6] =	stream.linear.gather [hbm4b:s2+s3], $0x100, $0x38;
	[tilespmem:$0x19500] =	vst v63  }
0x18: {  	[dreg:$0xc] =	wrdreg s13;
	s2 =	simm.s32 $0x0  }
.LBB2_2:
0x19: {  	p0 =	seq.s32 s2, $0x0  }
0x1a: {  	s12 =	simm.s32 @!p0 $0xB  }
0x1b: {  	_ =	swait.ge @!p0 [sflag:s12], $0x2800  }
0x1c: {  	[sflag:s12] =	ssyncset.done @!p0 $0x0  }
0x1d: {  	[sflag:s12] =	ssyncadd.s32 @!p0 $0xFFFFD800  }
0x1e: {  	_ =	swait.ge [sflag:s18], $0x100  }
0x1f: {  	[sflag:s18] =	ssyncset.done $0x0  }
0x20: {  	s14 =	simm.s32 $0x500;
	s13 =	smul.u32 $0x5, s2;
	[sflag:s18] =	ssyncadd.s32 $0xFFFFFF00  }
0x21: {  	[tilespmem:s14], [sflag:$0x1] =	stream.indirect.gather [hbm4b:s1+s19], $0x80, s3, s19, $0xb8;
	[tilespmem:$0x19500] =	vst v63  }
0x22: {  	s20 =	simm.s32 $0x80;
	s12 =	sadd.s32 $0x1, s13;
	s14 =	simm.s32 $0x2D00  }
0x23: {  	[tilespmem:s14], [sflag:$0x1] =	stream.indirect.gather [hbm4b:s4+s19], $0x80, s20, s19, $0xb8;
	[tilespmem:$0x19500] =	vst v63  }
.Ltmp0:
0x24: {  	s23 =	sshll.u32 s12, $0x8;
	(pc) =	sbr.rel @p0 .LBB2_6-.Ltmp0, $4  }
0x25: {  	s14 =	sadd.s32 s6, s23  }
0x26: {  	s14 =	sshrl.u32 s14, $0x3  }
0x27: {  	s14 =	sadd.s32 s5, s14  }
0x28: {  	[tilespmem:s25], [sflag:$0x7] =	stream.linear.gather [hbm4b:s14+s3], $0x100, $0x38;
	[tilespmem:$0x19500] =	vst v63  }
0x29: {  	_ =	swait.ge [sflag:s22], $0x2800  }
0x2a: {  	[sflag:s22] =	ssyncset.done $0x0  }
0x2b: {  	[sflag:s22] =	ssyncadd.s32 $0xFFFFD800  }
0x2c: {  	_ =	swait.ge [sflag:s22], $0x2800  }
0x2d: {  	[sflag:s22] =	ssyncset.done $0x0  }
0x2e: {  	s14 =	simm.s32 $0x0;
	[sflag:s22] =	ssyncadd.s32 $0xFFFFD800  }
0x2f: {  	v6 =	vld [tilespmem:s14+$0x11D00]  }
0x30: {  	v11 =	vld [tilespmem:s14+$0x11D10]  }
0x31: {  	v5 =	vld [tilespmem:s14+$0x11D20]  }
0x32: {  	v4 =	vld [tilespmem:s14+$0x11D30]  }
0x33: {  	v3 =	vld [tilespmem:s14+$0x11D40]  }
0x34: {  	v2 =	vld [tilespmem:s14+$0x11D50]  }
0x35: {  	v1 =	vld [tilespmem:s14+$0x11D60]  }
0x36: {  	v0 =	vld [tilespmem:s14+$0x11D70]  }
0x37: {  	v12 =	vld [tilespmem:s14+$0xF500]  }
0x38: {  	v13 =	vld [tilespmem:s14+$0xF510]  }
0x39: {  	v10 =	vld [tilespmem:s14+$0xF520]  }
0x3a: {  	v9 =	vld [tilespmem:s14+$0xF530]  }
0x3b: {  	v8 =	vld [tilespmem:s14+$0xF540]  }
0x3c: {  	v7 =	vld [tilespmem:s14+$0xF550];
	v12 =	vadd.f32 v6, v12  }
0x3d: {  	s20 =	simm.s32 $0x200;
	v11 =	vadd.f32 v11, v13;
	v6 =	vld [tilespmem:s14+$0xF560]  }
.LBB2_4:
0x3e: {  	s23 =	sshra.s32 s20, $0x2;
	p1 =	sne.s32 s20, $0x9E00;
	[tilespmem:s14+$0xF500] =	vst v12;
	v5 =	vadd.f32 v5, v10;
	v10 =	vld [tilespmem:s14+$0xF570]  }
0x3f: {  	v12 =	vld [tilespmem:s23+$0x11D00];
	[tilespmem:s14+$0xF510] =	vst v11;
	v4 =	vadd.f32 v4, v9  }
0x40: {  	v11 =	vld [tilespmem:s23+$0x11D10];
	[tilespmem:s14+$0xF520] =	vst v5;
	v3 =	vadd.f32 v3, v8  }
0x41: {  	v5 =	vld [tilespmem:s23+$0x11D20];
	[tilespmem:s14+$0xF530] =	vst v4;
	v2 =	vadd.f32 v2, v7  }
0x42: {  	v4 =	vld [tilespmem:s23+$0x11D30];
	[tilespmem:s14+$0xF540] =	vst v3;
	v1 =	vadd.f32 v1, v6  }
0x43: {  	v3 =	vld [tilespmem:s23+$0x11D40];
	[tilespmem:s14+$0xF550] =	vst v2;
	v0 =	vadd.f32 v0, v10  }
0x44: {  	v2 =	vld [tilespmem:s23+$0x11D50];
	[tilespmem:s14+$0xF560] =	vst v1  }
0x45: {  	v1 =	vld [tilespmem:s23+$0x11D60];
	[tilespmem:s14+$0xF570] =	vst v0;
	s14 =	smov.u32 s23  }
0x46: {  	v0 =	vld [tilespmem:s14+$0x11D70]  }
0x47: {  	v6 =	vld [tilespmem:s14+$0xF500]  }
0x48: {  	v13 =	vld [tilespmem:s14+$0xF510]  }
.Ltmp1:
0x49: {  	v10 =	vld [tilespmem:s14+$0xF520];
	(pc) =	sbr.rel @p1 .LBB2_4-.Ltmp1, $4  }
0x4a: {  	v9 =	vld [tilespmem:s14+$0xF530]  }
0x4b: {  	v8 =	vld [tilespmem:s14+$0xF540]  }
0x4c: {  	v12 =	vadd.f32 v12, v6;
	v7 =	vld [tilespmem:s14+$0xF550]  }
0x4d: {  	s20 =	sadd.s32 $0x200, s20;
	v11 =	vadd.f32 v11, v13;
	v6 =	vld [tilespmem:s14+$0xF560]  }
0x4e: {  	[tilespmem:s14+$0xF500] =	vst v12;
	v5 =	vadd.f32 v5, v10;
	v63 =	vld [tilespmem:s14+$0xF570]  }
0x4f: {  	[tilespmem:s14+$0xF510] =	vst v11;
	v4 =	vadd.f32 v4, v9  }
0x50: {  	[tilespmem:s14+$0xF520] =	vst v5;
	v3 =	vadd.f32 v3, v8  }
0x51: {  	s20 =	smul.u32 $0x190, s2;
	[tilespmem:s14+$0xF530] =	vst v4;
	v2 =	vadd.f32 v2, v7  }
0x52: {  	s23 =	rddreg [dreg:$0x4];
	[tilespmem:s14+$0xF540] =	vst v3;
	v1 =	vadd.f32 v1, v6  }
0x53: {  	s20 =	sadd.s32 s20, s23;
	[tilespmem:s14+$0xF550] =	vst v2;
	v0 =	vadd.f32 v0, v63  }
0x54: {  	s20 =	sshll.u32 s20, $0x4;
	[tilespmem:s14+$0xF560] =	vst v1  }
0x55: {  	s23 =	simm.s32 $0xF500;
	s20 =	sadd.s32 s7, s20;
	[tilespmem:s14+$0xF570] =	vst v0  }
0x56: {  	[hbm4b:s20+s3] =	stream.linear.scatter [tilespmem:s23], [sflag:$0xE], $0x2800, $0x38;
	[tilespmem:$0x19500] =	vst v63  }
0x57: {  	_ =	swait.ge [sflag:s11], $0x2800  }
0x58: {  	[sflag:s11] =	ssyncset.done $0x0  }
0x59: {  	[sflag:s11] =	ssyncadd.s32 $0xFFFFD800  }
.LBB2_6:
0x5a: {  	_ =	swait.ge [sflag:s24], $0x100  }
0x5b: {  	[sflag:s24] =	ssyncset.done $0x0  }
0x5c: {  	s14 =	simm.s32 $0x5500;
	s13 =	sadd.s32 $0x2, s13;
	[sflag:s24] =	ssyncadd.s32 $0xFFFFFF00  }
0x5d: {  	[tilespmem:s14], [sflag:$0x2] =	stream.indirect.gather [hbm4b:s1+s19], $0x80, s25, s19, $0xb8;
	[tilespmem:$0x19500] =	vst v63  }
0x5e: {  	s23 =	simm.s32 $0x180;
	s25 =	sshll.u32 s13, $0x8  }
.Ltmp2:
0x5f: {  	s20 =	simm.s32 $0x7D00;
	s14 =	sadd.s32 s6, s25;
	(pc) =	sbr.rel @p0 .LBB2_10-.Ltmp2, $4  }
0x60: {  	[tilespmem:s20], [sflag:$0x2] =	stream.indirect.gather [hbm4b:s4+s19], $0x80, s23, s19, $0xb8;
	[tilespmem:$0x19500] =	vst v63  }
0x61: {  	s14 =	sshrl.u32 s14, $0x3  }
0x62: {  	s14 =	sadd.s32 s5, s14  }
0x63: {  	[tilespmem:s29], [sflag:$0x8] =	stream.linear.gather [hbm4b:s14+s3], $0x100, $0x38;
	[tilespmem:$0x19500] =	vst v63  }
0x64: {  	_ =	swait.ge [sflag:s10], $0x2800  }
0x65: {  	[sflag:s10] =	ssyncset.done $0x0  }
0x66: {  	[sflag:s10] =	ssyncadd.s32 $0xFFFFD800  }
0x67: {  	_ =	swait.ge [sflag:s10], $0x2800  }
0x68: {  	[sflag:s10] =	ssyncset.done $0x0  }
0x69: {  	s14 =	simm.s32 $0x0;
	[sflag:s10] =	ssyncadd.s32 $0xFFFFD800  }
0x6a: {  	v6 =	vld [tilespmem:s14+$0x16D00]  }
0x6b: {  	v11 =	vld [tilespmem:s14+$0x16D10]  }
0x6c: {  	v5 =	vld [tilespmem:s14+$0x16D20]  }
0x6d: {  	v4 =	vld [tilespmem:s14+$0x16D30]  }
0x6e: {  	v3 =	vld [tilespmem:s14+$0x16D40]  }
0x6f: {  	v2 =	vld [tilespmem:s14+$0x16D50]  }
0x70: {  	v1 =	vld [tilespmem:s14+$0x16D60]  }
0x71: {  	v0 =	vld [tilespmem:s14+$0x16D70]  }
0x72: {  	v12 =	vld [tilespmem:s14+$0x14500]  }
0x73: {  	v13 =	vld [tilespmem:s14+$0x14510]  }
0x74: {  	v10 =	vld [tilespmem:s14+$0x14520]  }
0x75: {  	v9 =	vld [tilespmem:s14+$0x14530]  }
0x76: {  	v8 =	vld [tilespmem:s14+$0x14540]  }
0x77: {  	v7 =	vld [tilespmem:s14+$0x14550];
	v12 =	vadd.f32 v6, v12  }
0x78: {  	s20 =	simm.s32 $0x200;
	v11 =	vadd.f32 v11, v13;
	v6 =	vld [tilespmem:s14+$0x14560]  }
.LBB2_8:
0x79: {  	s23 =	sshra.s32 s20, $0x2;
	p1 =	sne.s32 s20, $0x9E00;
	[tilespmem:s14+$0x14500] =	vst v12;
	v5 =	vadd.f32 v5, v10;
	v10 =	vld [tilespmem:s14+$0x14570]  }
0x7a: {  	v12 =	vld [tilespmem:s23+$0x16D00];
	[tilespmem:s14+$0x14510] =	vst v11;
	v4 =	vadd.f32 v4, v9  }
0x7b: {  	v11 =	vld [tilespmem:s23+$0x16D10];
	[tilespmem:s14+$0x14520] =	vst v5;
	v3 =	vadd.f32 v3, v8  }
0x7c: {  	v5 =	vld [tilespmem:s23+$0x16D20];
	[tilespmem:s14+$0x14530] =	vst v4;
	v2 =	vadd.f32 v2, v7  }
0x7d: {  	v4 =	vld [tilespmem:s23+$0x16D30];
	[tilespmem:s14+$0x14540] =	vst v3;
	v1 =	vadd.f32 v1, v6  }
0x7e: {  	v3 =	vld [tilespmem:s23+$0x16D40];
	[tilespmem:s14+$0x14550] =	vst v2;
	v0 =	vadd.f32 v0, v10  }
0x7f: {  	v2 =	vld [tilespmem:s23+$0x16D50];
	[tilespmem:s14+$0x14560] =	vst v1  }
0x80: {  	v1 =	vld [tilespmem:s23+$0x16D60];
	[tilespmem:s14+$0x14570] =	vst v0;
	s14 =	smov.u32 s23  }
0x81: {  	v0 =	vld [tilespmem:s14+$0x16D70]  }
0x82: {  	v6 =	vld [tilespmem:s14+$0x14500]  }
0x83: {  	v13 =	vld [tilespmem:s14+$0x14510]  }
.Ltmp3:
0x84: {  	v10 =	vld [tilespmem:s14+$0x14520];
	(pc) =	sbr.rel @p1 .LBB2_8-.Ltmp3, $4  }
0x85: {  	v9 =	vld [tilespmem:s14+$0x14530]  }
0x86: {  	v8 =	vld [tilespmem:s14+$0x14540]  }
0x87: {  	v12 =	vadd.f32 v12, v6;
	v7 =	vld [tilespmem:s14+$0x14550]  }
0x88: {  	s20 =	sadd.s32 $0x200, s20;
	v11 =	vadd.f32 v11, v13;
	v6 =	vld [tilespmem:s14+$0x14560]  }
0x89: {  	[tilespmem:s14+$0x14500] =	vst v12;
	v5 =	vadd.f32 v5, v10;
	v63 =	vld [tilespmem:s14+$0x14570]  }
0x8a: {  	[tilespmem:s14+$0x14510] =	vst v11;
	v4 =	vadd.f32 v4, v9  }
0x8b: {  	[tilespmem:s14+$0x14520] =	vst v5;
	v3 =	vadd.f32 v3, v8  }
0x8c: {  	s20 =	smul.u32 $0x190, s2;
	[tilespmem:s14+$0x14530] =	vst v4;
	v2 =	vadd.f32 v2, v7  }
0x8d: {  	s23 =	rddreg [dreg:$0x5];
	[tilespmem:s14+$0x14540] =	vst v3;
	v1 =	vadd.f32 v1, v6  }
0x8e: {  	s20 =	sadd.s32 s20, s23;
	[tilespmem:s14+$0x14550] =	vst v2;
	v0 =	vadd.f32 v0, v63  }
0x8f: {  	s20 =	sshll.u32 s20, $0x4;
	[tilespmem:s14+$0x14560] =	vst v1  }
0x90: {  	s25 =	simm.s32 $0x14500;
	s23 =	sadd.s32 s7, s20;
	[tilespmem:s14+$0x14570] =	vst v0  }
0x91: {  	[hbm4b:s23+s3] =	stream.linear.scatter [tilespmem:s25], [sflag:$0xF], $0x2800, $0x38;
	[tilespmem:$0x19500] =	vst v63  }
0x92: {  	_ =	swait.ge [sflag:s17], $0x2800  }
0x93: {  	[sflag:s17] =	ssyncset.done $0x0  }
0x94: {  	[sflag:s17] =	ssyncadd.s32 $0xFFFFD800  }
.LBB2_10:
0x95: {  	_ =	swait.ge [sflag:s30], $0x100  }
0x96: {  	[sflag:s30] =	ssyncset.done $0x0  }
0x97: {  	s14 =	smul.u32 $0x500, s2;
	[sflag:s30] =	ssyncadd.s32 $0xFFFFFF00  }
0x98: {  	[tilespmem:s31], [sflag:$0x3] =	stream.indirect.gather [hbm4b:s1+s19], $0x80, s29, s19, $0xb8;
	[tilespmem:$0x19500] =	vst v63  }
0x99: {  	s20 =	simm.s32 $0x280;
	s23 =	simm.s32 $0xCD00;
	s25 =	rddreg [dreg:$0x6]  }
0x9a: {  	[tilespmem:s23], [sflag:$0x3] =	stream.indirect.gather [hbm4b:s4+s19], $0x80, s20, s19, $0xb8;
	[tilespmem:$0x19500] =	vst v63  }
0x9b: {  	s20 =	sadd.s32 s14, s25  }
0x9c: {  	s20 =	sshrl.u32 s20, $0x3  }
0x9d: {  	s20 =	sadd.s32 s5, s20  }
0x9e: {  	[tilespmem:s9], [sflag:$0x9] =	stream.linear.gather [hbm4b:s20+s3], $0x100, $0x38;
	[tilespmem:$0x19500] =	vst v63  }
0x9f: {  	_ =	swait.ge [sflag:s15], $0x2800  }
0xa0: {  	[sflag:s15] =	ssyncset.done $0x0  }
0xa1: {  	[sflag:s15] =	ssyncadd.s32 $0xFFFFD800  }
0xa2: {  	_ =	swait.ge [sflag:s15], $0x2800  }
0xa3: {  	[sflag:s15] =	ssyncset.done $0x0  }
0xa4: {  	s20 =	simm.s32 $0x40;
	[sflag:s15] =	ssyncadd.s32 $0xFFFFD800  }
0xa5: {  	v6 =	vld [tilespmem:s20+$0x2CC0]  }
0xa6: {  	v11 =	vld [tilespmem:s20+$0x2CD0]  }
0xa7: {  	v5 =	vld [tilespmem:s20+$0x2CE0]  }
0xa8: {  	v4 =	vld [tilespmem:s20+$0x2CF0]  }
0xa9: {  	v3 =	vld [tilespmem:s20+$0x2D00]  }
0xaa: {  	v2 =	vld [tilespmem:s20+$0x2D10]  }
0xab: {  	v1 =	vld [tilespmem:s20+$0x2D20]  }
0xac: {  	v0 =	vld [tilespmem:s20+$0x2D30]  }
0xad: {  	v12 =	vld [tilespmem:s20+$0x4C0]  }
0xae: {  	v13 =	vld [tilespmem:s20+$0x4D0]  }
0xaf: {  	v10 =	vld [tilespmem:s20+$0x4E0]  }
0xb0: {  	v9 =	vld [tilespmem:s20+$0x4F0]  }
0xb1: {  	v8 =	vld [tilespmem:s20+$0x500]  }
0xb2: {  	v7 =	vld [tilespmem:s20+$0x510];
	v12 =	vadd.f32 v6, v12  }
0xb3: {  	s23 =	simm.s32 $0x300;
	v11 =	vadd.f32 v11, v13;
	v6 =	vld [tilespmem:s20+$0x520]  }
.LBB2_11:
0xb4: {  	s25 =	sshra.s32 s23, $0x2;
	p1 =	sne.s32 s23, $0x9F00;
	[tilespmem:s20+$0x4C0] =	vst v12;
	v5 =	vadd.f32 v5, v10;
	v10 =	vld [tilespmem:s20+$0x530]  }
0xb5: {  	v12 =	vld [tilespmem:s25+$0x2CC0];
	[tilespmem:s20+$0x4D0] =	vst v11;
	v4 =	vadd.f32 v4, v9  }
0xb6: {  	v11 =	vld [tilespmem:s25+$0x2CD0];
	[tilespmem:s20+$0x4E0] =	vst v5;
	v3 =	vadd.f32 v3, v8  }
0xb7: {  	v5 =	vld [tilespmem:s25+$0x2CE0];
	[tilespmem:s20+$0x4F0] =	vst v4;
	v2 =	vadd.f32 v2, v7  }
0xb8: {  	v4 =	vld [tilespmem:s25+$0x2CF0];
	[tilespmem:s20+$0x500] =	vst v3;
	v1 =	vadd.f32 v1, v6  }
0xb9: {  	v3 =	vld [tilespmem:s25+$0x2D00];
	[tilespmem:s20+$0x510] =	vst v2;
	v0 =	vadd.f32 v0, v10  }
0xba: {  	v2 =	vld [tilespmem:s25+$0x2D10];
	[tilespmem:s20+$0x520] =	vst v1  }
0xbb: {  	v1 =	vld [tilespmem:s25+$0x2D20];
	[tilespmem:s20+$0x530] =	vst v0;
	s20 =	smov.u32 s25  }
0xbc: {  	v0 =	vld [tilespmem:s20+$0x2D30]  }
0xbd: {  	v6 =	vld [tilespmem:s20+$0x4C0]  }
0xbe: {  	v13 =	vld [tilespmem:s20+$0x4D0]  }
.Ltmp4:
0xbf: {  	v10 =	vld [tilespmem:s20+$0x4E0];
	(pc) =	sbr.rel @p1 .LBB2_11-.Ltmp4, $4  }
0xc0: {  	v9 =	vld [tilespmem:s20+$0x4F0]  }
0xc1: {  	v8 =	vld [tilespmem:s20+$0x500]  }
0xc2: {  	v12 =	vadd.f32 v12, v6;
	v7 =	vld [tilespmem:s20+$0x510]  }
0xc3: {  	s23 =	sadd.s32 $0x200, s23;
	v11 =	vadd.f32 v11, v13;
	v6 =	vld [tilespmem:s20+$0x520]  }
0xc4: {  	[tilespmem:s20+$0x4C0] =	vst v12;
	v5 =	vadd.f32 v5, v10;
	v10 =	vld [tilespmem:s20+$0x530]  }
0xc5: {  	[tilespmem:s20+$0x4D0] =	vst v11;
	v4 =	vadd.f32 v4, v9  }
0xc6: {  	[tilespmem:s20+$0x4E0] =	vst v5;
	v3 =	vadd.f32 v3, v8  }
0xc7: {  	s23 =	smul.u32 $0x190, s2;
	[tilespmem:s20+$0x4F0] =	vst v4;
	v2 =	vadd.f32 v2, v7  }
0xc8: {  	[tilespmem:s20+$0x500] =	vst v3;
	v1 =	vadd.f32 v1, v6  }
0xc9: {  	s23 =	sadd.s32 s8, s23;
	[tilespmem:s20+$0x510] =	vst v2;
	v0 =	vadd.f32 v0, v10  }
0xca: {  	s23 =	sshll.u32 s23, $0x4;
	[tilespmem:s20+$0x520] =	vst v1  }
0xcb: {  	s25 =	simm.s32 $0x500;
	s23 =	sadd.s32 s7, s23;
	[tilespmem:s20+$0x530] =	vst v0;
	s20 =	simm.s32 @!p0 $0xE  }
0xcc: {  	[hbm4b:s23+s3] =	stream.linear.scatter [tilespmem:s25], [sflag:$0xB], $0x2800, $0x38;
	[tilespmem:$0x19500] =	vst v63  }
0xcd: {  	_ =	swait.ge @!p0 [sflag:s20], $0x2800  }
0xce: {  	[sflag:s20] =	ssyncset.done @!p0 $0x0  }
0xcf: {  	[sflag:s20] =	ssyncadd.s32 @!p0 $0xFFFFD800  }
0xd0: {  	_ =	swait.ge [sflag:s16], $0x100  }
0xd1: {  	[sflag:s16] =	ssyncset.done $0x0  }
0xd2: {  	s25 =	simm.s32 $0xF500;
	[sflag:s16] =	ssyncadd.s32 $0xFFFFFF00  }
0xd3: {  	[tilespmem:s25], [sflag:$0x4] =	stream.indirect.gather [hbm4b:s1+s19], $0x80, s9, s19, $0xb8;
	[tilespmem:$0x19500] =	vst v63  }
0xd4: {  	s23 =	simm.s32 $0x380;
	s25 =	simm.s32 $0x11D00  }
0xd5: {  	[tilespmem:s25], [sflag:$0x4] =	stream.indirect.gather [hbm4b:s4+s19], $0x80, s23, s19, $0xb8;
	[tilespmem:$0x19500] =	vst v63  }
0xd6: {  	s23 =	rddreg [dreg:$0x7]  }
0xd7: {  	s20 =	sadd.s32 s14, s23  }
0xd8: {  	s20 =	sshrl.u32 s20, $0x3  }
0xd9: {  	s25 =	simm.s32 $0x0;
	s20 =	sadd.s32 s5, s20  }
0xda: {  	[tilespmem:s26], [sflag:$0xA] =	stream.linear.gather [hbm4b:s20+s25], $0x100, $0x38;
	[tilespmem:$0x19500] =	vst v63  }
0xdb: {  	_ =	swait.ge [sflag:s28], $0x2800  }
0xdc: {  	[sflag:s28] =	ssyncset.done $0x0  }
0xdd: {  	[sflag:s28] =	ssyncadd.s32 $0xFFFFD800  }
0xde: {  	_ =	swait.ge [sflag:s28], $0x2800  }
0xdf: {  	[sflag:s28] =	ssyncset.done $0x0  }
0xe0: {  	s20 =	simm.s32 $0x0;
	[sflag:s28] =	ssyncadd.s32 $0xFFFFD800  }
0xe1: {  	v6 =	vld [tilespmem:s20+$0x7D00]  }
0xe2: {  	v11 =	vld [tilespmem:s20+$0x7D10]  }
0xe3: {  	v5 =	vld [tilespmem:s20+$0x7D20]  }
0xe4: {  	v4 =	vld [tilespmem:s20+$0x7D30]  }
0xe5: {  	v3 =	vld [tilespmem:s20+$0x7D40]  }
0xe6: {  	v2 =	vld [tilespmem:s20+$0x7D50]  }
0xe7: {  	v1 =	vld [tilespmem:s20+$0x7D60]  }
0xe8: {  	v0 =	vld [tilespmem:s20+$0x7D70]  }
0xe9: {  	v12 =	vld [tilespmem:s20+$0x5500]  }
0xea: {  	v13 =	vld [tilespmem:s20+$0x5510]  }
0xeb: {  	v10 =	vld [tilespmem:s20+$0x5520]  }
0xec: {  	v9 =	vld [tilespmem:s20+$0x5530]  }
0xed: {  	v8 =	vld [tilespmem:s20+$0x5540]  }
0xee: {  	v7 =	vld [tilespmem:s20+$0x5550];
	v12 =	vadd.f32 v6, v12  }
0xef: {  	s23 =	simm.s32 $0x200;
	v11 =	vadd.f32 v11, v13;
	v6 =	vld [tilespmem:s20+$0x5560]  }
.LBB2_13:
0xf0: {  	s25 =	sshra.s32 s23, $0x2;
	p1 =	sne.s32 s23, $0x9E00;
	[tilespmem:s20+$0x5500] =	vst v12;
	v5 =	vadd.f32 v5, v10;
	v10 =	vld [tilespmem:s20+$0x5570]  }
0xf1: {  	v12 =	vld [tilespmem:s25+$0x7D00];
	[tilespmem:s20+$0x5510] =	vst v11;
	v4 =	vadd.f32 v4, v9  }
0xf2: {  	v11 =	vld [tilespmem:s25+$0x7D10];
	[tilespmem:s20+$0x5520] =	vst v5;
	v3 =	vadd.f32 v3, v8  }
0xf3: {  	v5 =	vld [tilespmem:s25+$0x7D20];
	[tilespmem:s20+$0x5530] =	vst v4;
	v2 =	vadd.f32 v2, v7  }
0xf4: {  	v4 =	vld [tilespmem:s25+$0x7D30];
	[tilespmem:s20+$0x5540] =	vst v3;
	v1 =	vadd.f32 v1, v6  }
0xf5: {  	v3 =	vld [tilespmem:s25+$0x7D40];
	[tilespmem:s20+$0x5550] =	vst v2;
	v0 =	vadd.f32 v0, v10  }
0xf6: {  	v2 =	vld [tilespmem:s25+$0x7D50];
	[tilespmem:s20+$0x5560] =	vst v1  }
0xf7: {  	v1 =	vld [tilespmem:s25+$0x7D60];
	[tilespmem:s20+$0x5570] =	vst v0;
	s20 =	smov.u32 s25  }
0xf8: {  	v0 =	vld [tilespmem:s20+$0x7D70]  }
0xf9: {  	v6 =	vld [tilespmem:s20+$0x5500]  }
0xfa: {  	v13 =	vld [tilespmem:s20+$0x5510]  }
.Ltmp5:
0xfb: {  	v10 =	vld [tilespmem:s20+$0x5520];
	(pc) =	sbr.rel @p1 .LBB2_13-.Ltmp5, $4  }
0xfc: {  	v9 =	vld [tilespmem:s20+$0x5530]  }
0xfd: {  	v8 =	vld [tilespmem:s20+$0x5540]  }
0xfe: {  	v12 =	vadd.f32 v12, v6;
	v7 =	vld [tilespmem:s20+$0x5550]  }
0xff: {  	s23 =	sadd.s32 $0x200, s23;
	v11 =	vadd.f32 v11, v13;
	v6 =	vld [tilespmem:s20+$0x5560]  }
0x100: {  	[tilespmem:s20+$0x5500] =	vst v12;
	v5 =	vadd.f32 v5, v10;
	v10 =	vld [tilespmem:s20+$0x5570]  }
0x101: {  	[tilespmem:s20+$0x5510] =	vst v11;
	v4 =	vadd.f32 v4, v9  }
0x102: {  	[tilespmem:s20+$0x5520] =	vst v5;
	v3 =	vadd.f32 v3, v8  }
0x103: {  	s12 =	smul.u32 $0x50, s12;
	[tilespmem:s20+$0x5530] =	vst v4;
	v2 =	vadd.f32 v2, v7  }
0x104: {  	[tilespmem:s20+$0x5540] =	vst v3;
	v1 =	vadd.f32 v1, v6  }
0x105: {  	s12 =	sadd.s32 s8, s12;
	[tilespmem:s20+$0x5550] =	vst v2;
	v0 =	vadd.f32 v0, v10  }
0x106: {  	s12 =	sshll.u32 s12, $0x4;
	[tilespmem:s20+$0x5560] =	vst v1  }
0x107: {  	s25 =	simm.s32 $0x5500;
	s12 =	sadd.s32 s7, s12;
	[tilespmem:s20+$0x5570] =	vst v0  }
0x108: {  	[hbm4b:s12+s3] =	stream.linear.scatter [tilespmem:s25], [sflag:$0xC], $0x2800, $0x38;
	[tilespmem:$0x19500] =	vst v63  }
0x109: {  	s12 =	simm.s32 @!p0 $0xF  }
0x10a: {  	_ =	swait.ge @!p0 [sflag:s12], $0x2800  }
0x10b: {  	[sflag:s12] =	ssyncset.done @!p0 $0x0  }
0x10c: {  	[sflag:s12] =	ssyncadd.s32 @!p0 $0xFFFFD800  }
0x10d: {  	_ =	swait.ge [sflag:s0], $0x100  }
0x10e: {  	p0 =	seq.s32 s2, $0x18;
	[sflag:s0] =	ssyncset.done $0x0;
	s12 =	rddreg [dreg:$0x8]  }
0x10f: {  	s20 =	simm.s32 $0x14500;
	[sflag:s0] =	ssyncadd.s32 $0xFFFFFF00;
	s12 =	sadd.s32 @!p0 s14, s12  }
0x110: {  	[tilespmem:s20], [sflag:$0x5] =	stream.indirect.gather [hbm4b:s1+s19], $0x80, s26, s19, $0xb8;
	[tilespmem:$0x19500] =	vst v63  }
0x111: {  	s23 =	simm.s32 $0x480;
	s25 =	simm.s32 $0x16D00;
	s12 =	sshrl.u32 @!p0 s12, $0x3  }
0x112: {  	[tilespmem:s25], [sflag:$0x5] =	stream.indirect.gather [hbm4b:s4+s19], $0x80, s23, s19, $0xb8;
	[tilespmem:$0x19500] =	vst v63  }
0x113: {  	s14 =	simm.s32 @!p0 $0x0;
	s12 =	sadd.s32 @!p0 s5, s12  }
0x114: {  	[tilespmem:s14], [sflag:$0x6] =	stream.linear.gather @!p0 [hbm4b:s12+s14], $0x100, $0x38;
	[tilespmem:$0x19500] =	vst v63  }
0x115: {  	_ =	swait.ge [sflag:s21], $0x2800  }
0x116: {  	[sflag:s21] =	ssyncset.done $0x0  }
0x117: {  	[sflag:s21] =	ssyncadd.s32 $0xFFFFD800  }
0x118: {  	_ =	swait.ge [sflag:s21], $0x2800  }
0x119: {  	[sflag:s21] =	ssyncset.done $0x0  }
0x11a: {  	s12 =	simm.s32 $0x0;
	[sflag:s21] =	ssyncadd.s32 $0xFFFFD800  }
0x11b: {  	v6 =	vld [tilespmem:s12+$0xCD00]  }
0x11c: {  	v11 =	vld [tilespmem:s12+$0xCD10]  }
0x11d: {  	v5 =	vld [tilespmem:s12+$0xCD20]  }
0x11e: {  	v4 =	vld [tilespmem:s12+$0xCD30]  }
0x11f: {  	v3 =	vld [tilespmem:s12+$0xCD40]  }
0x120: {  	v2 =	vld [tilespmem:s12+$0xCD50]  }
0x121: {  	v1 =	vld [tilespmem:s12+$0xCD60]  }
0x122: {  	v0 =	vld [tilespmem:s12+$0xCD70]  }
0x123: {  	v12 =	vld [tilespmem:s12+$0xA500]  }
0x124: {  	v13 =	vld [tilespmem:s12+$0xA510]  }
0x125: {  	v10 =	vld [tilespmem:s12+$0xA520]  }
0x126: {  	v9 =	vld [tilespmem:s12+$0xA530]  }
0x127: {  	v8 =	vld [tilespmem:s12+$0xA540]  }
0x128: {  	v7 =	vld [tilespmem:s12+$0xA550];
	v12 =	vadd.f32 v6, v12  }
0x129: {  	s25 =	simm.s32 $0x100;
	s14 =	simm.s32 $0x200;
	v11 =	vadd.f32 v11, v13;
	v6 =	vld [tilespmem:s12+$0xA560]  }
.LBB2_15:
0x12a: {  	s20 =	sshra.s32 s14, $0x2;
	p0 =	sne.s32 s14, $0x9E00;
	[tilespmem:s12+$0xA500] =	vst v12;
	v5 =	vadd.f32 v5, v10;
	v10 =	vld [tilespmem:s12+$0xA570]  }
0x12b: {  	v12 =	vld [tilespmem:s20+$0xCD00];
	[tilespmem:s12+$0xA510] =	vst v11;
	v4 =	vadd.f32 v4, v9  }
0x12c: {  	v11 =	vld [tilespmem:s20+$0xCD10];
	[tilespmem:s12+$0xA520] =	vst v5;
	v3 =	vadd.f32 v3, v8  }
0x12d: {  	v5 =	vld [tilespmem:s20+$0xCD20];
	[tilespmem:s12+$0xA530] =	vst v4;
	v2 =	vadd.f32 v2, v7  }
0x12e: {  	v4 =	vld [tilespmem:s20+$0xCD30];
	[tilespmem:s12+$0xA540] =	vst v3;
	v1 =	vadd.f32 v1, v6  }
0x12f: {  	v3 =	vld [tilespmem:s20+$0xCD40];
	[tilespmem:s12+$0xA550] =	vst v2;
	v0 =	vadd.f32 v0, v10  }
0x130: {  	v2 =	vld [tilespmem:s20+$0xCD50];
	[tilespmem:s12+$0xA560] =	vst v1  }
0x131: {  	v1 =	vld [tilespmem:s20+$0xCD60];
	[tilespmem:s12+$0xA570] =	vst v0;
	s12 =	smov.u32 s20  }
0x132: {  	v0 =	vld [tilespmem:s12+$0xCD70]  }
0x133: {  	v6 =	vld [tilespmem:s12+$0xA500]  }
0x134: {  	v13 =	vld [tilespmem:s12+$0xA510]  }
.Ltmp6:
0x135: {  	v10 =	vld [tilespmem:s12+$0xA520];
	(pc) =	sbr.rel @p0 .LBB2_15-.Ltmp6, $4  }
0x136: {  	v9 =	vld [tilespmem:s12+$0xA530]  }
0x137: {  	v8 =	vld [tilespmem:s12+$0xA540]  }
0x138: {  	v12 =	vadd.f32 v12, v6;
	v7 =	vld [tilespmem:s12+$0xA550]  }
0x139: {  	s14 =	sadd.s32 $0x200, s14;
	v11 =	vadd.f32 v11, v13;
	v6 =	vld [tilespmem:s12+$0xA560]  }
0x13a: {  	[tilespmem:s12+$0xA500] =	vst v12;
	v5 =	vadd.f32 v5, v10;
	v63 =	vld [tilespmem:s12+$0xA570]  }
0x13b: {  	[tilespmem:s12+$0xA510] =	vst v11;
	v4 =	vadd.f32 v4, v9  }
0x13c: {  	s2 =	sadd.s32 $0x1, s2;
	[tilespmem:s12+$0xA520] =	vst v5;
	v3 =	vadd.f32 v3, v8  }
0x13d: {  	s13 =	smul.u32 $0x50, s13;
	p0 =	sne.s32 s2, $0x19;
	[tilespmem:s12+$0xA530] =	vst v4;
	v2 =	vadd.f32 v2, v7  }
.Ltmp7:
0x13e: {  	[tilespmem:s12+$0xA540] =	vst v3;
	v1 =	vadd.f32 v1, v6;
	(pc) =	sbr.rel @p0 .LBB2_2-.Ltmp7, $4  }
0x13f: {  	s13 =	sadd.s32 s8, s13;
	[tilespmem:s12+$0xA550] =	vst v2;
	v0 =	vadd.f32 v0, v63  }
0x140: {  	s13 =	sshll.u32 s13, $0x4;
	[tilespmem:s12+$0xA560] =	vst v1  }
0x141: {  	s23 =	sadd.s32 s7, s13;
	[tilespmem:s12+$0xA570] =	vst v0  }
0x142: {  	[hbm4b:s23+s3] =	stream.linear.scatter [tilespmem:s31], [sflag:$0xD], $0x2800, $0x38;
	[tilespmem:$0x19500] =	vst v63  }
0x143: {  	_ =	swait.ge [sflag:s22], $0x2800  }
0x144: {  	[sflag:s22] =	ssyncset.done $0x0  }
0x145: {  	[sflag:s22] =	ssyncadd.s32 $0xFFFFD800  }
0x146: {  	_ =	swait.ge [sflag:s22], $0x2800  }
0x147: {  	[sflag:s22] =	ssyncset.done $0x0  }
0x148: {  	s2 =	simm.s32 $0x0;
	[sflag:s22] =	ssyncadd.s32 $0xFFFFD800  }
0x149: {  	v7 =	vld [tilespmem:s2+$0x11D00]  }
0x14a: {  	v11 =	vld [tilespmem:s2+$0x11D10]  }
0x14b: {  	v5 =	vld [tilespmem:s2+$0x11D20]  }
0x14c: {  	v4 =	vld [tilespmem:s2+$0x11D30]  }
0x14d: {  	v3 =	vld [tilespmem:s2+$0x11D40]  }
0x14e: {  	v2 =	vld [tilespmem:s2+$0x11D50]  }
0x14f: {  	v1 =	vld [tilespmem:s2+$0x11D60]  }
0x150: {  	v0 =	vld [tilespmem:s2+$0x11D70]  }
0x151: {  	v12 =	vld [tilespmem:s2+$0xF500]  }
0x152: {  	v13 =	vld [tilespmem:s2+$0xF510]  }
0x153: {  	v10 =	vld [tilespmem:s2+$0xF520]  }
0x154: {  	v9 =	vld [tilespmem:s2+$0xF530]  }
0x155: {  	v8 =	vld [tilespmem:s2+$0xF540]  }
0x156: {  	v6 =	vld [tilespmem:s2+$0xF550];
	v12 =	vadd.f32 v7, v12  }
0x157: {  	s12 =	simm.s32 $0x200;
	v11 =	vadd.f32 v11, v13;
	v7 =	vld [tilespmem:s2+$0xF560]  }
.LBB2_18:
0x158: {  	s13 =	sshra.s32 s12, $0x2;
	p0 =	sne.s32 s12, $0x9E00;
	[tilespmem:s2+$0xF500] =	vst v12;
	v5 =	vadd.f32 v5, v10;
	v10 =	vld [tilespmem:s2+$0xF570]  }
0x159: {  	v12 =	vld [tilespmem:s13+$0x11D00];
	[tilespmem:s2+$0xF510] =	vst v11;
	v4 =	vadd.f32 v4, v9  }
0x15a: {  	v11 =	vld [tilespmem:s13+$0x11D10];
	[tilespmem:s2+$0xF520] =	vst v5;
	v3 =	vadd.f32 v3, v8  }
0x15b: {  	v5 =	vld [tilespmem:s13+$0x11D20];
	[tilespmem:s2+$0xF530] =	vst v4;
	v2 =	vadd.f32 v2, v6  }
0x15c: {  	v4 =	vld [tilespmem:s13+$0x11D30];
	[tilespmem:s2+$0xF540] =	vst v3;
	v1 =	vadd.f32 v1, v7  }
0x15d: {  	v3 =	vld [tilespmem:s13+$0x11D40];
	[tilespmem:s2+$0xF550] =	vst v2;
	v0 =	vadd.f32 v0, v10  }
0x15e: {  	v2 =	vld [tilespmem:s13+$0x11D50];
	[tilespmem:s2+$0xF560] =	vst v1  }
0x15f: {  	v1 =	vld [tilespmem:s13+$0x11D60];
	[tilespmem:s2+$0xF570] =	vst v0;
	s2 =	smov.u32 s13  }
0x160: {  	v0 =	vld [tilespmem:s2+$0x11D70]  }
0x161: {  	v6 =	vld [tilespmem:s2+$0xF500]  }
0x162: {  	v7 =	vld [tilespmem:s2+$0xF510]  }
.Ltmp8:
0x163: {  	v10 =	vld [tilespmem:s2+$0xF520];
	(pc) =	sbr.rel @p0 .LBB2_18-.Ltmp8, $4  }
0x164: {  	v9 =	vld [tilespmem:s2+$0xF530]  }
0x165: {  	v8 =	vld [tilespmem:s2+$0xF540]  }
0x166: {  	v12 =	vadd.f32 v12, v6;
	v6 =	vld [tilespmem:s2+$0xF550]  }
0x167: {  	s12 =	sadd.s32 $0x200, s12;
	v11 =	vadd.f32 v11, v7;
	v7 =	vld [tilespmem:s2+$0xF560]  }
0x168: {  	[tilespmem:s2+$0xF500] =	vst v12;
	v5 =	vadd.f32 v5, v10;
	v10 =	vld [tilespmem:s2+$0xF570]  }
0x169: {  	[tilespmem:s2+$0xF510] =	vst v11;
	v4 =	vadd.f32 v4, v9  }
0x16a: {  	[tilespmem:s2+$0xF520] =	vst v5;
	v3 =	vadd.f32 v3, v8  }
0x16b: {  	[tilespmem:s2+$0xF530] =	vst v4;
	v2 =	vadd.f32 v2, v6  }
0x16c: {  	[tilespmem:s2+$0xF540] =	vst v3;
	v1 =	vadd.f32 v1, v7  }
0x16d: {  	[tilespmem:s2+$0xF550] =	vst v2;
	v0 =	vadd.f32 v0, v10  }
0x16e: {  	[tilespmem:s2+$0xF560] =	vst v1  }
0x16f: {  	s23 =	simm.s32 $0x0;
	s12 =	rddreg [dreg:$0x9];
	s13 =	simm.s32 $0xF500;
	[tilespmem:s2+$0xF570] =	vst v0  }
0x170: {  	[hbm4b:s12+s23] =	stream.linear.scatter [tilespmem:s13], [sflag:$0xE], $0x2800, $0x38;
	[tilespmem:$0x19500] =	vst v63  }
0x171: {  	_ =	swait.ge [sflag:s10], $0x2800  }
0x172: {  	[sflag:s10] =	ssyncset.done $0x0  }
0x173: {  	[sflag:s10] =	ssyncadd.s32 $0xFFFFD800  }
0x174: {  	_ =	swait.ge [sflag:s10], $0x2800  }
0x175: {  	[sflag:s10] =	ssyncset.done $0x0  }
0x176: {  	s2 =	simm.s32 $0x0;
	[sflag:s10] =	ssyncadd.s32 $0xFFFFD800  }
0x177: {  	v7 =	vld [tilespmem:s2+$0x16D00]  }
0x178: {  	v11 =	vld [tilespmem:s2+$0x16D10]  }
0x179: {  	v5 =	vld [tilespmem:s2+$0x16D20]  }
0x17a: {  	v4 =	vld [tilespmem:s2+$0x16D30]  }
0x17b: {  	v3 =	vld [tilespmem:s2+$0x16D40]  }
0x17c: {  	v2 =	vld [tilespmem:s2+$0x16D50]  }
0x17d: {  	v1 =	vld [tilespmem:s2+$0x16D60]  }
0x17e: {  	v0 =	vld [tilespmem:s2+$0x16D70]  }
0x17f: {  	v12 =	vld [tilespmem:s2+$0x14500]  }
0x180: {  	v13 =	vld [tilespmem:s2+$0x14510]  }
0x181: {  	v10 =	vld [tilespmem:s2+$0x14520]  }
0x182: {  	v9 =	vld [tilespmem:s2+$0x14530]  }
0x183: {  	v8 =	vld [tilespmem:s2+$0x14540]  }
0x184: {  	v6 =	vld [tilespmem:s2+$0x14550];
	v12 =	vadd.f32 v7, v12  }
0x185: {  	s12 =	simm.s32 $0x200;
	v11 =	vadd.f32 v11, v13;
	v7 =	vld [tilespmem:s2+$0x14560]  }
.LBB2_20:
0x186: {  	s13 =	sshra.s32 s12, $0x2;
	p0 =	sne.s32 s12, $0x9E00;
	[tilespmem:s2+$0x14500] =	vst v12;
	v5 =	vadd.f32 v5, v10;
	v10 =	vld [tilespmem:s2+$0x14570]  }
0x187: {  	v12 =	vld [tilespmem:s13+$0x16D00];
	[tilespmem:s2+$0x14510] =	vst v11;
	v4 =	vadd.f32 v4, v9  }
0x188: {  	v11 =	vld [tilespmem:s13+$0x16D10];
	[tilespmem:s2+$0x14520] =	vst v5;
	v3 =	vadd.f32 v3, v8  }
0x189: {  	v5 =	vld [tilespmem:s13+$0x16D20];
	[tilespmem:s2+$0x14530] =	vst v4;
	v2 =	vadd.f32 v2, v6  }
0x18a: {  	v4 =	vld [tilespmem:s13+$0x16D30];
	[tilespmem:s2+$0x14540] =	vst v3;
	v1 =	vadd.f32 v1, v7  }
0x18b: {  	v3 =	vld [tilespmem:s13+$0x16D40];
	[tilespmem:s2+$0x14550] =	vst v2;
	v0 =	vadd.f32 v0, v10  }
0x18c: {  	v2 =	vld [tilespmem:s13+$0x16D50];
	[tilespmem:s2+$0x14560] =	vst v1  }
0x18d: {  	v1 =	vld [tilespmem:s13+$0x16D60];
	[tilespmem:s2+$0x14570] =	vst v0;
	s2 =	smov.u32 s13  }
0x18e: {  	v0 =	vld [tilespmem:s2+$0x16D70]  }
0x18f: {  	v6 =	vld [tilespmem:s2+$0x14500]  }
0x190: {  	v7 =	vld [tilespmem:s2+$0x14510]  }
.Ltmp9:
0x191: {  	v10 =	vld [tilespmem:s2+$0x14520];
	(pc) =	sbr.rel @p0 .LBB2_20-.Ltmp9, $4  }
0x192: {  	v9 =	vld [tilespmem:s2+$0x14530]  }
0x193: {  	v8 =	vld [tilespmem:s2+$0x14540]  }
0x194: {  	v12 =	vadd.f32 v12, v6;
	v6 =	vld [tilespmem:s2+$0x14550]  }
0x195: {  	s12 =	sadd.s32 $0x200, s12;
	v11 =	vadd.f32 v11, v7;
	v7 =	vld [tilespmem:s2+$0x14560]  }
0x196: {  	[tilespmem:s2+$0x14500] =	vst v12;
	v5 =	vadd.f32 v5, v10;
	v63 =	vld [tilespmem:s2+$0x14570]  }
0x197: {  	[tilespmem:s2+$0x14510] =	vst v11;
	v4 =	vadd.f32 v4, v9  }
0x198: {  	[tilespmem:s2+$0x14520] =	vst v5;
	v3 =	vadd.f32 v3, v8  }
0x199: {  	[tilespmem:s2+$0x14530] =	vst v4;
	v2 =	vadd.f32 v2, v6  }
0x19a: {  	[tilespmem:s2+$0x14540] =	vst v3;
	v1 =	vadd.f32 v1, v7  }
0x19b: {  	[tilespmem:s2+$0x14550] =	vst v2;
	v0 =	vadd.f32 v0, v63  }
0x19c: {  	[tilespmem:s2+$0x14560] =	vst v1  }
0x19d: {  	s23 =	rddreg [dreg:$0xa];
	s12 =	simm.s32 $0x14500;
	s13 =	simm.s32 $0xB;
	[tilespmem:s2+$0x14570] =	vst v0  }
0x19e: {  	[hbm4b:s23+s3] =	stream.linear.scatter [tilespmem:s12], [sflag:$0xF], $0x2800, $0x38;
	[tilespmem:$0x19500] =	vst v63  }
0x19f: {  	_ =	swait.ge [sflag:s13], $0x2800  }
0x1a0: {  	[sflag:s13] =	ssyncset.done $0x0  }
0x1a1: {  	[sflag:s13] =	ssyncadd.s32 $0xFFFFD800  }
0x1a2: {  	_ =	swait.ge [sflag:s11], $0x2800  }
0x1a3: {  	[sflag:s11] =	ssyncset.done $0x0  }
0x1a4: {  	[sflag:s11] =	ssyncadd.s32 $0xFFFFD800  }
0x1a5: {  	_ =	swait.ge [sflag:s17], $0x2800  }
0x1a6: {  	[sflag:s17] =	ssyncset.done $0x0  }
0x1a7: {  	s14 =	simm.s32 $0xE;
	[sflag:s17] =	ssyncadd.s32 $0xFFFFD800  }
0x1a8: {  	_ =	swait.ge [sflag:s14], $0x2800  }
0x1a9: {  	[sflag:s14] =	ssyncset.done $0x0  }
0x1aa: {  	s20 =	simm.s32 $0xF;
	[sflag:s14] =	ssyncadd.s32 $0xFFFFD800  }
0x1ab: {  	_ =	swait.ge [sflag:s20], $0x2800  }
0x1ac: {  	s13 =	rddreg [dreg:$0xc]  }
0x1ad: {  	s23 =	rddreg [dreg:$0xb];
	s13 =	sadd.s32 $0x1, s13  }
0x1ae: {  	p0 =	sne.s32 s13, s23  }
.Ltmp10:
0x1af: {  	_ = 	snop;
	(pc) =	sbr.rel @p0 .LBB2_1-.Ltmp10, $3  }
0x1b0: {  	_ =	sdelay $0x1  }
0x1b1: {  	[sflag:s20] =	ssyncset.done $0x0  }
0x1b2: {  	[sflag:s20] =	ssyncadd.s32 $0xFFFFD800  }
0x1b3: {  	_ =	sfence.sel $0x180000  }
0x1b4: {  	[bflag:$0x0] =	sbarrier.arrive $0xFFFF  }
0x1b5: {  	_ =	strace $0x9000004A  }
0x1b6: {  	s0 =	stileid.u32;
	[bflag:$0x2] =	sbarrier.arrive $0xFFFF  }
0x1b7: {  	p0 =	sne.s32 s0, $0x0;
	s0 =	rddreg [dreg:$0x2]  }
0x1b8: {  	s0 =	sadd.s32 @!p0 $0x100000, s0  }
0x1b9: {  	[sflag:s0] =	ssyncadd.tile.s32 @!p0 $0x1;
	_ =	shalt  }
.Lfunc_end2:
_tile_overlayer_lowered:
.L_overlay_start_2:
0x1ba: {  	(tag) =	ssettag $0x2  }
0x1bb: {  	s0 =	rddreg [dreg:$0x0];
	s2 =	stileid.u32  }
0x1bc: {  	s1 =	rddreg [dreg:$0x1];
	p0 =	sne.s32 s2, $0x0  }
0x1bd: {  	s3 =	rddreg [dreg:$0x2];
	[bflag:$0x3] =	sbarrier.arrive $0xFFFF;
	s2 =	simm.s32 @!p0 $0x1C10  }
0x1be: {  	[timem:s3], [sflag:s2] =	dma.local @!p0 [hbm:s0], s1  }
0x1bf: {  	s0 =	simm.s32 @!p0 $0x10  }
0x1c0: {  	_ =	swait.ge @!p0 [sflag:s0], s1  }
0x1c1: {  	s1 =	ssub.s32 @!p0 $0x0, s1;
	[sflag:s0] =	ssyncset.done @!p0 $0x0  }
0x1c2: {  	[sflag:s0] =	ssyncadd.s32 @!p0 s1  }
0x1c3: {  	[bflag:$0x3] =	sbarrier.arrive $0xFFFF  }
0x1c4: {  	_ =	shalt  }

</sc_bundles>
